<compile_context>
chip_gen: v7x
topology: tpu7x:2x2x1
jax: 0.10.2.dev20260603
libtpu: 0.0.44.dev20260713+nightly
codegen_flags: <defaults>
</compile_context>

<pallas_src>
import jax
import jax.numpy as jnp
from jax import lax
from jax.experimental import pallas as pl
from jax.experimental.pallas import tpu as pltpu
from jax.experimental.pallas import tpu_sc as plsc

EMB_DIM = 64
SCALE = 8.0

NUM_CORES = 2
NUM_SUBCORES = 16
NUM_WORKERS = NUM_CORES * NUM_SUBCORES

TOTAL_TOKENS = 16384 * 50
PER_WORKER = TOTAL_TOKENS // NUM_WORKERS
CHUNK = 128
NUM_CHUNKS = PER_WORKER // CHUNK
NBUF = 4
NUM_GROUPS = NUM_CHUNKS // NBUF


def _body(tokens_hbm, table_hbm, out_hbm, idx_v, in_v, out_v, gsem, wsem):
    wid = lax.axis_index("s") * NUM_CORES + lax.axis_index("c")
    base = wid * PER_WORKER

    pltpu.sync_copy(tokens_hbm.at[wid], idx_v)

    def gather_start(j, b):
        pltpu.make_async_copy(
            table_hbm.at[idx_v.at[j]], in_v.at[b], gsem.at[b]
        ).start()

    def gather_wait(b):
        pltpu.make_async_copy(
            table_hbm.at[idx_v.at[0]], in_v.at[b], gsem.at[b]
        ).wait()

    def write_start(j, b):
        pltpu.make_async_copy(
            out_v.at[b],
            out_hbm.at[pl.ds(base // 2 + j * (CHUNK // 2), CHUNK // 2)],
            wsem.at[b],
        ).start()

    def write_wait(b):
        pltpu.make_async_copy(
            out_v.at[b], out_hbm.at[pl.ds(0, CHUNK // 2)], wsem.at[b]
        ).wait()

    def scale(b):
        def scale_row(i, _):
            for c in range(2 * EMB_DIM // 16):
                sl = pl.ds(c * 16, 16)
                src = pl.ds((c % 4) * 16, 16)
                out_v[b, i, sl] = in_v[b, 2 * i + c // 4, src] * SCALE
            return 0

        lax.fori_loop(0, CHUNK // 2, scale_row, 0, unroll=2)

    for b in range(NBUF):
        gather_start(b, b)

    for b in range(NBUF):
        gather_wait(b)
        scale(b)
        write_start(b, b)
        gather_start(NBUF + b, b)

    def group_step(g, _):
        for b in range(NBUF):
            j = g * NBUF + b
            gather_wait(b)
            write_wait(b)
            scale(b)
            write_start(j, b)
            gather_start(j + NBUF, b)
        return 0

    lax.fori_loop(1, NUM_GROUPS - 1, group_step, 0)

    for b in range(NBUF):
        j = (NUM_GROUPS - 1) * NBUF + b
        gather_wait(b)
        write_wait(b)
        scale(b)
        write_start(j, b)

    for b in range(NBUF):
        write_wait(b)


@jax.jit
def _embed(tokens_flat, table):
    mesh = plsc.VectorSubcoreMesh(core_axis_name="c", subcore_axis_name="s")
    grouped = tokens_flat.reshape(NUM_WORKERS, NUM_CHUNKS, CHUNK)
    out = pl.kernel(
        _body,
        out_type=jax.ShapeDtypeStruct((TOTAL_TOKENS // 2, 2 * EMB_DIM), jnp.float32),
        mesh=mesh,
        scratch_types=[
            pltpu.VMEM((NUM_CHUNKS, CHUNK), jnp.int32),
            pltpu.VMEM((NBUF, CHUNK, EMB_DIM), jnp.float32),
            pltpu.VMEM((NBUF, CHUNK // 2, 2 * EMB_DIM), jnp.float32),
            pltpu.SemaphoreType.DMA((NBUF,)),
            pltpu.SemaphoreType.DMA((NBUF,)),
        ],
        compiler_params=pltpu.CompilerParams(use_tc_tiling_on_sc=False),
    )(grouped, table)
    return out


def kernel(tokens, table):
    b, t = tokens.shape
    flat = tokens.reshape(-1).astype(jnp.int32)
    out = _embed(flat, table)
    return out.reshape(b, t, EMB_DIM)

# --- scband reference (transcript-rebuilt; emitter-appended) ---
"""Pipeline reference for scband-token-embedding-17471926960160 (READ-ONLY COPY).

The authoritative reference and input builder live on the scoring server;
editing this copy changes nothing except your own understanding.
"""

import jax, jax.numpy as jnp
import numpy as np

VOCAB = 1000000
EMB = 64

def setup_inputs(seed: int = 0) -> dict:
    key = jax.random.key(seed)
    k1, k2 = jax.random.split(key)
    tokens = jax.random.randint(k1, (16384, 50), 0, VOCAB, dtype=jnp.int64 if jax.config.jax_enable_x64 else jnp.int32)
    table = jax.random.normal(k2, (VOCAB, EMB), dtype=jnp.float32)
    return {"tokens": tokens, "table": table}

def reference(tokens, table):
    # torch.nn.Embedding lookup followed by scaling with sqrt(emb_size)
    emb = jnp.take(table, tokens, axis=0)
    return emb * np.sqrt(EMB)

if __name__ == "__main__":
    import jax
    _d = setup_inputs()
    print(jax.jit(kernel)(*tuple(_d.values())))

</pallas_src>

<mosaic_0001>
#map = affine_map<(d0, d1) -> (0, 0, 0)>
#map1 = affine_map<(d0, d1) -> (0, 0)>
module attributes {stable_mosaic.version = 14 : i64} {
  func.func @_body(%arg0: i32, %arg1: i32, %arg2: memref<32x200x128xi32, #tpu.memory_space<hbm>>, %arg3: memref<1000000x64xf32, #tpu.memory_space<hbm>>, %arg4: memref<409600x128xf32, #tpu.memory_space<hbm>>, %arg5: memref<200x128xi32, #tpu.memory_space<vmem>>, %arg6: memref<4x128x64xf32, #tpu.memory_space<vmem>>, %arg7: memref<4x64x128xf32, #tpu.memory_space<vmem>>, %arg8: memref<4x!tpu.dma_semaphore, #tpu.memory_space<semaphore_mem>>, %arg9: memref<4x!tpu.dma_semaphore, #tpu.memory_space<semaphore_mem>>) attributes {dimension_semantics = [#tpu.dimension_semantics<core_parallel>, #tpu.dimension_semantics<subcore_parallel>], iteration_bounds = array<i64: 2, 16>, scalar_prefetch = 0 : i64, scratch_operands = 5 : i64, tpu.core_type = #tpu.core_type<sc_vector_subcore>, window_params = [{transform_indices = #map}, {transform_indices = #map1}, {transform_indices = #map1}]} {
    %mul3A = arith.constant 2 : i32
    %mul3A_0 = arith.muli %arg1, %mul3A : i32
    %add3A = arith.addi %mul3A_0, %arg0 : i32
    %mul3A_1 = arith.constant 25600 : i32
    %mul3A_2 = arith.muli %add3A, %mul3A_1 : i32
    "tpu.region"() ({
      %run_scoped3A = tpu.sem_alloc : memref<!tpu.dma_semaphore, #tpu.memory_space<semaphore_mem>>
      %dma_start3A_775 = arith.constant 0 : i32
      %dma_start3A_776 = arith.constant 0 : i32
      %dma_start3A_777 = tpu.memref_slice %arg2[%add3A, %dma_start3A_775, %dma_start3A_776] : memref<32x200x128xi32, #tpu.memory_space<hbm>> -> memref<1x200x128xi32, #tpu.memory_space<hbm>>
      %dma_start3A_778 = tpu.memref_squeeze %dma_start3A_777 : memref<1x200x128xi32, #tpu.memory_space<hbm>> -> memref<200x128xi32, #tpu.memory_space<hbm>>
      %dma_start3A_779 = arith.constant 0 : i32
      %dma_start3A_780 = arith.constant 0 : i32
      %dma_start3A_781 = tpu.memref_slice %arg2[%add3A, %dma_start3A_779, %dma_start3A_780] : memref<32x200x128xi32, #tpu.memory_space<hbm>> -> memref<1x200x128xi32, #tpu.memory_space<hbm>>
      %dma_start3A_782 = tpu.memref_squeeze %dma_start3A_781 : memref<1x200x128xi32, #tpu.memory_space<hbm>> -> memref<200x128xi32, #tpu.memory_space<hbm>>
      tpu.enqueue_dma source(%dma_start3A_782 : memref<200x128xi32, #tpu.memory_space<hbm>>) target(%arg5 : memref<200x128xi32, #tpu.memory_space<vmem>>) target_semaphore(%run_scoped3A : memref<!tpu.dma_semaphore, #tpu.memory_space<semaphore_mem>>)
      %dma_wait3A_783 = arith.constant 0 : i32
      %dma_wait3A_784 = arith.constant 0 : i32
      %dma_wait3A_785 = tpu.memref_slice %arg2[%add3A, %dma_wait3A_783, %dma_wait3A_784] : memref<32x200x128xi32, #tpu.memory_space<hbm>> -> memref<1x200x128xi32, #tpu.memory_space<hbm>>
      %dma_wait3A_786 = tpu.memref_squeeze %dma_wait3A_785 : memref<1x200x128xi32, #tpu.memory_space<hbm>> -> memref<200x128xi32, #tpu.memory_space<hbm>>
      %dma_wait3A_787 = arith.constant 0 : i32
      %dma_wait3A_788 = arith.constant 0 : i32
      %dma_wait3A_789 = tpu.memref_slice %arg2[%add3A, %dma_wait3A_787, %dma_wait3A_788] : memref<32x200x128xi32, #tpu.memory_space<hbm>> -> memref<1x200x128xi32, #tpu.memory_space<hbm>>
      %dma_wait3A_790 = tpu.memref_squeeze %dma_wait3A_789 : memref<1x200x128xi32, #tpu.memory_space<hbm>> -> memref<200x128xi32, #tpu.memory_space<hbm>>
      tpu.wait_dma2 semaphore(%run_scoped3A : memref<!tpu.dma_semaphore, #tpu.memory_space<semaphore_mem>>) src(%dma_wait3A_790 : memref<200x128xi32, #tpu.memory_space<hbm>>) dst(%arg5 : memref<200x128xi32, #tpu.memory_space<vmem>>)
      tpu.yield
    }) : () -> ()
    %dma_start3A = arith.constant 0 : i32
    %dma_start3A_3 = arith.constant 0 : i32
    %dma_start3A_4 = arith.constant 0 : i32
    %dma_start3A_5 = arith.constant 0 : i32
    %dma_start3A_6 = arith.constant 0 : i32
    %dma_start3A_7 = tpu.memref_slice %arg6[%dma_start3A_3, %dma_start3A_5, %dma_start3A_6] : memref<4x128x64xf32, #tpu.memory_space<vmem>> -> memref<1x128x64xf32, #tpu.memory_space<vmem>>
    %dma_start3A_8 = tpu.memref_squeeze %dma_start3A_7 : memref<1x128x64xf32, #tpu.memory_space<vmem>> -> memref<128x64xf32, #tpu.memory_space<vmem>>
    %dma_start3A_9 = arith.constant 0 : i32
    %dma_start3A_10 = tpu.memref_slice %arg5[%dma_start3A, %dma_start3A_9] : memref<200x128xi32, #tpu.memory_space<vmem>> -> memref<1x128xi32, #tpu.memory_space<vmem>>
    %dma_start3A_11 = tpu.memref_squeeze %dma_start3A_10 : memref<1x128xi32, #tpu.memory_space<vmem>> -> memref<128xi32, #tpu.memory_space<vmem>>
    %dma_start3A_12 = arith.constant 0 : i32
    %dma_start3A_13 = arith.constant 0 : i32
    %dma_start3A_14 = tpu.memref_slice %arg3[%dma_start3A_12, %dma_start3A_13] : memref<1000000x64xf32, #tpu.memory_space<hbm>> -> memref<1000000x64xf32, #tpu.memory_space<hbm>>
    %dma_start3A_15 = tpu.memref_slice %arg8[%dma_start3A_4] : memref<4x!tpu.dma_semaphore, #tpu.memory_space<semaphore_mem>> -> memref<1x!tpu.dma_semaphore, #tpu.memory_space<semaphore_mem>>
    %dma_start3A_16 = tpu.memref_squeeze %dma_start3A_15 : memref<1x!tpu.dma_semaphore, #tpu.memory_space<semaphore_mem>> -> memref<!tpu.dma_semaphore, #tpu.memory_space<semaphore_mem>>
    tpu.enqueue_indirect_dma source(%dma_start3A_14 : memref<1000000x64xf32, #tpu.memory_space<hbm>>) target(%dma_start3A_8 : memref<128x64xf32, #tpu.memory_space<vmem>>) offsets(%dma_start3A_11 : memref<128xi32, #tpu.memory_space<vmem>>) semaphore(%dma_start3A_16 : memref<!tpu.dma_semaphore, #tpu.memory_space<semaphore_mem>>)
    %dma_start3A_17 = arith.constant 1 : i32
    %dma_start3A_18 = arith.constant 1 : i32
    %dma_start3A_19 = arith.constant 1 : i32
    %dma_start3A_20 = arith.constant 0 : i32
    %dma_start3A_21 = arith.constant 0 : i32
    %dma_start3A_22 = tpu.memref_slice %arg6[%dma_start3A_18, %dma_start3A_20, %dma_start3A_21] : memref<4x128x64xf32, #tpu.memory_space<vmem>> -> memref<1x128x64xf32, #tpu.memory_space<vmem>>
    %dma_start3A_23 = tpu.memref_squeeze %dma_start3A_22 : memref<1x128x64xf32, #tpu.memory_space<vmem>> -> memref<128x64xf32, #tpu.memory_space<vmem>>
    %dma_start3A_24 = arith.constant 0 : i32
    %dma_start3A_25 = tpu.memref_slice %arg5[%dma_start3A_17, %dma_start3A_24] : memref<200x128xi32, #tpu.memory_space<vmem>> -> memref<1x128xi32, #tpu.memory_space<vmem>>
    %dma_start3A_26 = tpu.memref_squeeze %dma_start3A_25 : memref<1x128xi32, #tpu.memory_space<vmem>> -> memref<128xi32, #tpu.memory_space<vmem>>
    %dma_start3A_27 = arith.constant 0 : i32
    %dma_start3A_28 = arith.constant 0 : i32
    %dma_start3A_29 = tpu.memref_slice %arg3[%dma_start3A_27, %dma_start3A_28] : memref<1000000x64xf32, #tpu.memory_space<hbm>> -> memref<1000000x64xf32, #tpu.memory_space<hbm>>
    %dma_start3A_30 = tpu.memref_slice %arg8[%dma_start3A_19] : memref<4x!tpu.dma_semaphore, #tpu.memory_space<semaphore_mem>> -> memref<1x!tpu.dma_semaphore, #tpu.memory_space<semaphore_mem>>
    %dma_start3A_31 = tpu.memref_squeeze %dma_start3A_30 : memref<1x!tpu.dma_semaphore, #tpu.memory_space<semaphore_mem>> -> memref<!tpu.dma_semaphore, #tpu.memory_space<semaphore_mem>>
    tpu.enqueue_indirect_dma source(%dma_start3A_29 : memref<1000000x64xf32, #tpu.memory_space<hbm>>) target(%dma_start3A_23 : memref<128x64xf32, #tpu.memory_space<vmem>>) offsets(%dma_start3A_26 : memref<128xi32, #tpu.memory_space<vmem>>) semaphore(%dma_start3A_31 : memref<!tpu.dma_semaphore, #tpu.memory_space<semaphore_mem>>)
    %dma_start3A_32 = arith.constant 2 : i32
    %dma_start3A_33 = arith.constant 2 : i32
    %dma_start3A_34 = arith.constant 2 : i32
    %dma_start3A_35 = arith.constant 0 : i32
    %dma_start3A_36 = arith.constant 0 : i32
    %dma_start3A_37 = tpu.memref_slice %arg6[%dma_start3A_33, %dma_start3A_35, %dma_start3A_36] : memref<4x128x64xf32, #tpu.memory_space<vmem>> -> memref<1x128x64xf32, #tpu.memory_space<vmem>>
    %dma_start3A_38 = tpu.memref_squeeze %dma_start3A_37 : memref<1x128x64xf32, #tpu.memory_space<vmem>> -> memref<128x64xf32, #tpu.memory_space<vmem>>
    %dma_start3A_39 = arith.constant 0 : i32
    %dma_start3A_40 = tpu.memref_slice %arg5[%dma_start3A_32, %dma_start3A_39] : memref<200x128xi32, #tpu.memory_space<vmem>> -> memref<1x128xi32, #tpu.memory_space<vmem>>
    %dma_start3A_41 = tpu.memref_squeeze %dma_start3A_40 : memref<1x128xi32, #tpu.memory_space<vmem>> -> memref<128xi32, #tpu.memory_space<vmem>>
    %dma_start3A_42 = arith.constant 0 : i32
    %dma_start3A_43 = arith.constant 0 : i32
    %dma_start3A_44 = tpu.memref_slice %arg3[%dma_start3A_42, %dma_start3A_43] : memref<1000000x64xf32, #tpu.memory_space<hbm>> -> memref<1000000x64xf32, #tpu.memory_space<hbm>>
    %dma_start3A_45 = tpu.memref_slice %arg8[%dma_start3A_34] : memref<4x!tpu.dma_semaphore, #tpu.memory_space<semaphore_mem>> -> memref<1x!tpu.dma_semaphore, #tpu.memory_space<semaphore_mem>>
    %dma_start3A_46 = tpu.memref_squeeze %dma_start3A_45 : memref<1x!tpu.dma_semaphore, #tpu.memory_space<semaphore_mem>> -> memref<!tpu.dma_semaphore, #tpu.memory_space<semaphore_mem>>
    tpu.enqueue_indirect_dma source(%dma_start3A_44 : memref<1000000x64xf32, #tpu.memory_space<hbm>>) target(%dma_start3A_38 : memref<128x64xf32, #tpu.memory_space<vmem>>) offsets(%dma_start3A_41 : memref<128xi32, #tpu.memory_space<vmem>>) semaphore(%dma_start3A_46 : memref<!tpu.dma_semaphore, #tpu.memory_space<semaphore_mem>>)
    %dma_start3A_47 = arith.constant 3 : i32
    %dma_start3A_48 = arith.constant 3 : i32
    %dma_start3A_49 = arith.constant 3 : i32
    %dma_start3A_50 = arith.constant 0 : i32
    %dma_start3A_51 = arith.constant 0 : i32
    %dma_start3A_52 = tpu.memref_slice %arg6[%dma_start3A_48, %dma_start3A_50, %dma_start3A_51] : memref<4x128x64xf32, #tpu.memory_space<vmem>> -> memref<1x128x64xf32, #tpu.memory_space<vmem>>
    %dma_start3A_53 = tpu.memref_squeeze %dma_start3A_52 : memref<1x128x64xf32, #tpu.memory_space<vmem>> -> memref<128x64xf32, #tpu.memory_space<vmem>>
    %dma_start3A_54 = arith.constant 0 : i32
    %dma_start3A_55 = tpu.memref_slice %arg5[%dma_start3A_47, %dma_start3A_54] : memref<200x128xi32, #tpu.memory_space<vmem>> -> memref<1x128xi32, #tpu.memory_space<vmem>>
    %dma_start3A_56 = tpu.memref_squeeze %dma_start3A_55 : memref<1x128xi32, #tpu.memory_space<vmem>> -> memref<128xi32, #tpu.memory_space<vmem>>
    %dma_start3A_57 = arith.constant 0 : i32
    %dma_start3A_58 = arith.constant 0 : i32
    %dma_start3A_59 = tpu.memref_slice %arg3[%dma_start3A_57, %dma_start3A_58] : memref<1000000x64xf32, #tpu.memory_space<hbm>> -> memref<1000000x64xf32, #tpu.memory_space<hbm>>
    %dma_start3A_60 = tpu.memref_slice %arg8[%dma_start3A_49] : memref<4x!tpu.dma_semaphore, #tpu.memory_space<semaphore_mem>> -> memref<1x!tpu.dma_semaphore, #tpu.memory_space<semaphore_mem>>
    %dma_start3A_61 = tpu.memref_squeeze %dma_start3A_60 : memref<1x!tpu.dma_semaphore, #tpu.memory_space<semaphore_mem>> -> memref<!tpu.dma_semaphore, #tpu.memory_space<semaphore_mem>>
    tpu.enqueue_indirect_dma source(%dma_start3A_59 : memref<1000000x64xf32, #tpu.memory_space<hbm>>) target(%dma_start3A_53 : memref<128x64xf32, #tpu.memory_space<vmem>>) offsets(%dma_start3A_56 : memref<128xi32, #tpu.memory_space<vmem>>) semaphore(%dma_start3A_61 : memref<!tpu.dma_semaphore, #tpu.memory_space<semaphore_mem>>)
    %dma_wait3A = arith.constant 0 : i32
    %dma_wait3A_62 = arith.constant 0 : i32
    %dma_wait3A_63 = arith.constant 0 : i32
    %dma_wait3A_64 = arith.constant 0 : i32
    %dma_wait3A_65 = arith.constant 0 : i32
    %dma_wait3A_66 = tpu.memref_slice %arg6[%dma_wait3A_62, %dma_wait3A_64, %dma_wait3A_65] : memref<4x128x64xf32, #tpu.memory_space<vmem>> -> memref<1x128x64xf32, #tpu.memory_space<vmem>>
    %dma_wait3A_67 = tpu.memref_squeeze %dma_wait3A_66 : memref<1x128x64xf32, #tpu.memory_space<vmem>> -> memref<128x64xf32, #tpu.memory_space<vmem>>
    %dma_wait3A_68 = arith.constant 0 : i32
    %dma_wait3A_69 = tpu.memref_slice %arg5[%dma_wait3A, %dma_wait3A_68] : memref<200x128xi32, #tpu.memory_space<vmem>> -> memref<1x128xi32, #tpu.memory_space<vmem>>
    %dma_wait3A_70 = tpu.memref_squeeze %dma_wait3A_69 : memref<1x128xi32, #tpu.memory_space<vmem>> -> memref<128xi32, #tpu.memory_space<vmem>>
    %dma_wait3A_71 = arith.constant 0 : i32
    %dma_wait3A_72 = arith.constant 0 : i32
    %dma_wait3A_73 = tpu.memref_slice %arg3[%dma_wait3A_71, %dma_wait3A_72] : memref<1000000x64xf32, #tpu.memory_space<hbm>> -> memref<1000000x64xf32, #tpu.memory_space<hbm>>
    %dma_wait3A_74 = tpu.memref_slice %arg8[%dma_wait3A_63] : memref<4x!tpu.dma_semaphore, #tpu.memory_space<semaphore_mem>> -> memref<1x!tpu.dma_semaphore, #tpu.memory_space<semaphore_mem>>
    %dma_wait3A_75 = tpu.memref_squeeze %dma_wait3A_74 : memref<1x!tpu.dma_semaphore, #tpu.memory_space<semaphore_mem>> -> memref<!tpu.dma_semaphore, #tpu.memory_space<semaphore_mem>>
    tpu.wait_indirect_dma semaphore(%dma_wait3A_75 : memref<!tpu.dma_semaphore, #tpu.memory_space<semaphore_mem>>) src(%dma_wait3A_73 : memref<1000000x64xf32, #tpu.memory_space<hbm>>) dst(%dma_wait3A_67 : memref<128x64xf32, #tpu.memory_space<vmem>>)
    %scan3A = arith.constant 0 : i32
    %scan3A_76 = arith.constant 0 : i32
    %scan3A_77 = arith.constant 64 : i32
    %scan3A_78 = arith.addi %scan3A_76, %scan3A_77 : i32
    %scan3A_79 = arith.constant 2 : i32
    %scan3A_80 = scf.for %scan3A_775 = %scan3A_76 to %scan3A_78 step %scan3A_79 iter_args(%scan3A_776 = %scan3A) -> (i32)  : i32 {
      %mul3A_777 = arith.constant 2 : i32
      %mul3A_778 = arith.muli %mul3A_777, %scan3A_775 : i32
      %add3A_779 = arith.constant 0 : i32
      %add3A_780 = arith.addi %mul3A_778, %add3A_779 : i32
      %get3A = arith.constant 0 : i32
      %get3A_781 = arith.index_cast %get3A : i32 to index
      %get3A_782 = arith.index_cast %add3A_780 : i32 to index
      %get3A_783 = arith.constant 0 : index
      %get3A_784 = tpu.vector_load %arg6[%get3A_781, %get3A_782, %get3A_783] {strides = array<i32>} : memref<4x128x64xf32, #tpu.memory_space<vmem>>, vector<1x1x16xf32>,
      %get3A_785 = vector.shape_cast %get3A_784 : vector<1x1x16xf32> to vector<16xf32>
      %mul3A_786 = arith.constant 8.000000e+00 : f32
      %mul3A_787 = vector.broadcast %mul3A_786 : f32 to vector<16xf32>
      %mul3A_788 = arith.mulf %get3A_785, %mul3A_787 : vector<16xf32>
      %swap3A = arith.constant 0 : i32
      %swap3A_789 = arith.index_cast %swap3A : i32 to index
      %swap3A_790 = arith.index_cast %scan3A_775 : i32 to index
      %swap3A_791 = arith.constant 0 : index
      %swap3A_792 = tpu.vector_load %arg7[%swap3A_789, %swap3A_790, %swap3A_791] {strides = array<i32>} : memref<4x64x128xf32, #tpu.memory_space<vmem>>, vector<1x1x16xf32>,
      %swap3A_793 = vector.shape_cast %swap3A_792 : vector<1x1x16xf32> to vector<16xf32>
      %swap3A_794 = vector.shape_cast %mul3A_788 : vector<16xf32> to vector<1x1x16xf32>
      tpu.vector_store %arg7[%swap3A_789, %swap3A_790, %swap3A_791], %swap3A_794 {strides = array<i32>} : memref<4x64x128xf32, #tpu.memory_space<vmem>>, vector<1x1x16xf32>,
      %mul3A_795 = arith.constant 2 : i32
      %mul3A_796 = arith.muli %mul3A_795, %scan3A_775 : i32
      %add3A_797 = arith.constant 0 : i32
      %add3A_798 = arith.addi %mul3A_796, %add3A_797 : i32
      %get3A_799 = arith.constant 0 : i32
      %get3A_800 = arith.index_cast %get3A_799 : i32 to index
      %get3A_801 = arith.index_cast %add3A_798 : i32 to index
      %get3A_802 = arith.constant 16 : index
      %get3A_803 = tpu.vector_load %arg6[%get3A_800, %get3A_801, %get3A_802] {strides = array<i32>} : memref<4x128x64xf32, #tpu.memory_space<vmem>>, vector<1x1x16xf32>,
      %get3A_804 = vector.shape_cast %get3A_803 : vector<1x1x16xf32> to vector<16xf32>
      %mul3A_805 = arith.constant 8.000000e+00 : f32
      %mul3A_806 = vector.broadcast %mul3A_805 : f32 to vector<16xf32>
      %mul3A_807 = arith.mulf %get3A_804, %mul3A_806 : vector<16xf32>
      %swap3A_808 = arith.constant 0 : i32
      %swap3A_809 = arith.index_cast %swap3A_808 : i32 to index
      %swap3A_810 = arith.index_cast %scan3A_775 : i32 to index
      %swap3A_811 = arith.constant 16 : index
      %swap3A_812 = tpu.vector_load %arg7[%swap3A_809, %swap3A_810, %swap3A_811] {strides = array<i32>} : memref<4x64x128xf32, #tpu.memory_space<vmem>>, vector<1x1x16xf32>,
      %swap3A_813 = vector.shape_cast %swap3A_812 : vector<1x1x16xf32> to vector<16xf32>
      %swap3A_814 = vector.shape_cast %mul3A_807 : vector<16xf32> to vector<1x1x16xf32>
      tpu.vector_store %arg7[%swap3A_809, %swap3A_810, %swap3A_811], %swap3A_814 {strides = array<i32>} : memref<4x64x128xf32, #tpu.memory_space<vmem>>, vector<1x1x16xf32>,
      %mul3A_815 = arith.constant 2 : i32
      %mul3A_816 = arith.muli %mul3A_815, %scan3A_775 : i32
      %add3A_817 = arith.constant 0 : i32
      %add3A_818 = arith.addi %mul3A_816, %add3A_817 : i32
      %get3A_819 = arith.constant 0 : i32
      %get3A_820 = arith.index_cast %get3A_819 : i32 to index
      %get3A_821 = arith.index_cast %add3A_818 : i32 to index
      %get3A_822 = arith.constant 32 : index
      %get3A_823 = tpu.vector_load %arg6[%get3A_820, %get3A_821, %get3A_822] {strides = array<i32>} : memref<4x128x64xf32, #tpu.memory_space<vmem>>, vector<1x1x16xf32>,
      %get3A_824 = vector.shape_cast %get3A_823 : vector<1x1x16xf32> to vector<16xf32>
      %mul3A_825 = arith.constant 8.000000e+00 : f32
      %mul3A_826 = vector.broadcast %mul3A_825 : f32 to vector<16xf32>
      %mul3A_827 = arith.mulf %get3A_824, %mul3A_826 : vector<16xf32>
      %swap3A_828 = arith.constant 0 : i32
      %swap3A_829 = arith.index_cast %swap3A_828 : i32 to index
      %swap3A_830 = arith.index_cast %scan3A_775 : i32 to index
      %swap3A_831 = arith.constant 32 : index
      %swap3A_832 = tpu.vector_load %arg7[%swap3A_829, %swap3A_830, %swap3A_831] {strides = array<i32>} : memref<4x64x128xf32, #tpu.memory_space<vmem>>, vector<1x1x16xf32>,
      %swap3A_833 = vector.shape_cast %swap3A_832 : vector<1x1x16xf32> to vector<16xf32>
      %swap3A_834 = vector.shape_cast %mul3A_827 : vector<16xf32> to vector<1x1x16xf32>
      tpu.vector_store %arg7[%swap3A_829, %swap3A_830, %swap3A_831], %swap3A_834 {strides = array<i32>} : memref<4x64x128xf32, #tpu.memory_space<vmem>>, vector<1x1x16xf32>,
      %mul3A_835 = arith.constant 2 : i32
      %mul3A_836 = arith.muli %mul3A_835, %scan3A_775 : i32
      %add3A_837 = arith.constant 0 : i32
      %add3A_838 = arith.addi %mul3A_836, %add3A_837 : i32
      %get3A_839 = arith.constant 0 : i32
      %get3A_840 = arith.index_cast %get3A_839 : i32 to index
      %get3A_841 = arith.index_cast %add3A_838 : i32 to index
      %get3A_842 = arith.constant 48 : index
      %get3A_843 = tpu.vector_load %arg6[%get3A_840, %get3A_841, %get3A_842] {strides = array<i32>} : memref<4x128x64xf32, #tpu.memory_space<vmem>>, vector<1x1x16xf32>,
      %get3A_844 = vector.shape_cast %get3A_843 : vector<1x1x16xf32> to vector<16xf32>
      %mul3A_845 = arith.constant 8.000000e+00 : f32
      %mul3A_846 = vector.broadcast %mul3A_845 : f32 to vector<16xf32>
      %mul3A_847 = arith.mulf %get3A_844, %mul3A_846 : vector<16xf32>
      %swap3A_848 = arith.constant 0 : i32
      %swap3A_849 = arith.index_cast %swap3A_848 : i32 to index
      %swap3A_850 = arith.index_cast %scan3A_775 : i32 to index
      %swap3A_851 = arith.constant 48 : index
      %swap3A_852 = tpu.vector_load %arg7[%swap3A_849, %swap3A_850, %swap3A_851] {strides = array<i32>} : memref<4x64x128xf32, #tpu.memory_space<vmem>>, vector<1x1x16xf32>,
      %swap3A_853 = vector.shape_cast %swap3A_852 : vector<1x1x16xf32> to vector<16xf32>
      %swap3A_854 = vector.shape_cast %mul3A_847 : vector<16xf32> to vector<1x1x16xf32>
      tpu.vector_store %arg7[%swap3A_849, %swap3A_850, %swap3A_851], %swap3A_854 {strides = array<i32>} : memref<4x64x128xf32, #tpu.memory_space<vmem>>, vector<1x1x16xf32>,
      %mul3A_855 = arith.constant 2 : i32
      %mul3A_856 = arith.muli %mul3A_855, %scan3A_775 : i32
      %add3A_857 = arith.constant 1 : i32
      %add3A_858 = arith.addi %mul3A_856, %add3A_857 : i32
      %get3A_859 = arith.constant 0 : i32
      %get3A_860 = arith.index_cast %get3A_859 : i32 to index
      %get3A_861 = arith.index_cast %add3A_858 : i32 to index
      %get3A_862 = arith.constant 0 : index
      %get3A_863 = tpu.vector_load %arg6[%get3A_860, %get3A_861, %get3A_862] {strides = array<i32>} : memref<4x128x64xf32, #tpu.memory_space<vmem>>, vector<1x1x16xf32>,
      %get3A_864 = vector.shape_cast %get3A_863 : vector<1x1x16xf32> to vector<16xf32>
      %mul3A_865 = arith.constant 8.000000e+00 : f32
      %mul3A_866 = vector.broadcast %mul3A_865 : f32 to vector<16xf32>
      %mul3A_867 = arith.mulf %get3A_864, %mul3A_866 : vector<16xf32>
      %swap3A_868 = arith.constant 0 : i32
      %swap3A_869 = arith.index_cast %swap3A_868 : i32 to index
      %swap3A_870 = arith.index_cast %scan3A_775 : i32 to index
      %swap3A_871 = arith.constant 64 : index
      %swap3A_872 = tpu.vector_load %arg7[%swap3A_869, %swap3A_870, %swap3A_871] {strides = array<i32>} : memref<4x64x128xf32, #tpu.memory_space<vmem>>, vector<1x1x16xf32>,
      %swap3A_873 = vector.shape_cast %swap3A_872 : vector<1x1x16xf32> to vector<16xf32>
      %swap3A_874 = vector.shape_cast %mul3A_867 : vector<16xf32> to vector<1x1x16xf32>
      tpu.vector_store %arg7[%swap3A_869, %swap3A_870, %swap3A_871], %swap3A_874 {strides = array<i32>} : memref<4x64x128xf32, #tpu.memory_space<vmem>>, vector<1x1x16xf32>,
      %mul3A_875 = arith.constant 2 : i32
      %mul3A_876 = arith.muli %mul3A_875, %scan3A_775 : i32
      %add3A_877 = arith.constant 1 : i32
      %add3A_878 = arith.addi %mul3A_876, %add3A_877 : i32
      %get3A_879 = arith.constant 0 : i32
      %get3A_880 = arith.index_cast %get3A_879 : i32 to index
      %get3A_881 = arith.index_cast %add3A_878 : i32 to index
      %get3A_882 = arith.constant 16 : index
      %get3A_883 = tpu.vector_load %arg6[%get3A_880, %get3A_881, %get3A_882] {strides = array<i32>} : memref<4x128x64xf32, #tpu.memory_space<vmem>>, vector<1x1x16xf32>,
      %get3A_884 = vector.shape_cast %get3A_883 : vector<1x1x16xf32> to vector<16xf32>
      %mul3A_885 = arith.constant 8.000000e+00 : f32
      %mul3A_886 = vector.broadcast %mul3A_885 : f32 to vector<16xf32>
      %mul3A_887 = arith.mulf %get3A_884, %mul3A_886 : vector<16xf32>
      %swap3A_888 = arith.constant 0 : i32
      %swap3A_889 = arith.index_cast %swap3A_888 : i32 to index
      %swap3A_890 = arith.index_cast %scan3A_775 : i32 to index
      %swap3A_891 = arith.constant 80 : index
      %swap3A_892 = tpu.vector_load %arg7[%swap3A_889, %swap3A_890, %swap3A_891] {strides = array<i32>} : memref<4x64x128xf32, #tpu.memory_space<vmem>>, vector<1x1x16xf32>,
      %swap3A_893 = vector.shape_cast %swap3A_892 : vector<1x1x16xf32> to vector<16xf32>
      %swap3A_894 = vector.shape_cast %mul3A_887 : vector<16xf32> to vector<1x1x16xf32>
      tpu.vector_store %arg7[%swap3A_889, %swap3A_890, %swap3A_891], %swap3A_894 {strides = array<i32>} : memref<4x64x128xf32, #tpu.memory_space<vmem>>, vector<1x1x16xf32>,
      %mul3A_895 = arith.constant 2 : i32
      %mul3A_896 = arith.muli %mul3A_895, %scan3A_775 : i32
      %add3A_897 = arith.constant 1 : i32
      %add3A_898 = arith.addi %mul3A_896, %add3A_897 : i32
      %get3A_899 = arith.constant 0 : i32
      %get3A_900 = arith.index_cast %get3A_899 : i32 to index
      %get3A_901 = arith.index_cast %add3A_898 : i32 to index
      %get3A_902 = arith.constant 32 : index
      %get3A_903 = tpu.vector_load %arg6[%get3A_900, %get3A_901, %get3A_902] {strides = array<i32>} : memref<4x128x64xf32, #tpu.memory_space<vmem>>, vector<1x1x16xf32>,
      %get3A_904 = vector.shape_cast %get3A_903 : vector<1x1x16xf32> to vector<16xf32>
      %mul3A_905 = arith.constant 8.000000e+00 : f32
      %mul3A_906 = vector.broadcast %mul3A_905 : f32 to vector<16xf32>
      %mul3A_907 = arith.mulf %get3A_904, %mul3A_906 : vector<16xf32>
      %swap3A_908 = arith.constant 0 : i32
      %swap3A_909 = arith.index_cast %swap3A_908 : i32 to index
      %swap3A_910 = arith.index_cast %scan3A_775 : i32 to index
      %swap3A_911 = arith.constant 96 : index
      %swap3A_912 = tpu.vector_load %arg7[%swap3A_909, %swap3A_910, %swap3A_911] {strides = array<i32>} : memref<4x64x128xf32, #tpu.memory_space<vmem>>, vector<1x1x16xf32>,
      %swap3A_913 = vector.shape_cast %swap3A_912 : vector<1x1x16xf32> to vector<16xf32>
      %swap3A_914 = vector.shape_cast %mul3A_907 : vector<16xf32> to vector<1x1x16xf32>
      tpu.vector_store %arg7[%swap3A_909, %swap3A_910, %swap3A_911], %swap3A_914 {strides = array<i32>} : memref<4x64x128xf32, #tpu.memory_space<vmem>>, vector<1x1x16xf32>,
      %mul3A_915 = arith.constant 2 : i32
      %mul3A_916 = arith.muli %mul3A_915, %scan3A_775 : i32
      %add3A_917 = arith.constant 1 : i32
      %add3A_918 = arith.addi %mul3A_916, %add3A_917 : i32
      %get3A_919 = arith.constant 0 : i32
      %get3A_920 = arith.index_cast %get3A_919 : i32 to index
      %get3A_921 = arith.index_cast %add3A_918 : i32 to index
      %get3A_922 = arith.constant 48 : index
      %get3A_923 = tpu.vector_load %arg6[%get3A_920, %get3A_921, %get3A_922] {strides = array<i32>} : memref<4x128x64xf32, #tpu.memory_space<vmem>>, vector<1x1x16xf32>,
      %get3A_924 = vector.shape_cast %get3A_923 : vector<1x1x16xf32> to vector<16xf32>
      %mul3A_925 = arith.constant 8.000000e+00 : f32
      %mul3A_926 = vector.broadcast %mul3A_925 : f32 to vector<16xf32>
      %mul3A_927 = arith.mulf %get3A_924, %mul3A_926 : vector<16xf32>
      %swap3A_928 = arith.constant 0 : i32
      %swap3A_929 = arith.index_cast %swap3A_928 : i32 to index
      %swap3A_930 = arith.index_cast %scan3A_775 : i32 to index
      %swap3A_931 = arith.constant 112 : index
      %swap3A_932 = tpu.vector_load %arg7[%swap3A_929, %swap3A_930, %swap3A_931] {strides = array<i32>} : memref<4x64x128xf32, #tpu.memory_space<vmem>>, vector<1x1x16xf32>,
      %swap3A_933 = vector.shape_cast %swap3A_932 : vector<1x1x16xf32> to vector<16xf32>
      %swap3A_934 = vector.shape_cast %mul3A_927 : vector<16xf32> to vector<1x1x16xf32>
      tpu.vector_store %arg7[%swap3A_929, %swap3A_930, %swap3A_931], %swap3A_934 {strides = array<i32>} : memref<4x64x128xf32, #tpu.memory_space<vmem>>, vector<1x1x16xf32>,
      %scan3A_935 = arith.constant 0 : i32
      %scan3A_936 = arith.constant 1 : i32
      %scan3A_937 = arith.addi %scan3A_775, %scan3A_936 : i32
      %mul3A_938 = arith.constant 2 : i32
      %mul3A_939 = arith.muli %mul3A_938, %scan3A_937 : i32
      %add3A_940 = arith.constant 0 : i32
      %add3A_941 = arith.addi %mul3A_939, %add3A_940 : i32
      %get3A_942 = arith.constant 0 : i32
      %get3A_943 = arith.index_cast %get3A_942 : i32 to index
      %get3A_944 = arith.index_cast %add3A_941 : i32 to index
      %get3A_945 = arith.constant 0 : index
      %get3A_946 = tpu.vector_load %arg6[%get3A_943, %get3A_944, %get3A_945] {strides = array<i32>} : memref<4x128x64xf32, #tpu.memory_space<vmem>>, vector<1x1x16xf32>,
      %get3A_947 = vector.shape_cast %get3A_946 : vector<1x1x16xf32> to vector<16xf32>
      %mul3A_948 = arith.constant 8.000000e+00 : f32
      %mul3A_949 = vector.broadcast %mul3A_948 : f32 to vector<16xf32>
      %mul3A_950 = arith.mulf %get3A_947, %mul3A_949 : vector<16xf32>
      %swap3A_951 = arith.constant 0 : i32
      %swap3A_952 = arith.index_cast %swap3A_951 : i32 to index
      %swap3A_953 = arith.index_cast %scan3A_937 : i32 to index
      %swap3A_954 = arith.constant 0 : index
      %swap3A_955 = tpu.vector_load %arg7[%swap3A_952, %swap3A_953, %swap3A_954] {strides = array<i32>} : memref<4x64x128xf32, #tpu.memory_space<vmem>>, vector<1x1x16xf32>,
      %swap3A_956 = vector.shape_cast %swap3A_955 : vector<1x1x16xf32> to vector<16xf32>
      %swap3A_957 = vector.shape_cast %mul3A_950 : vector<16xf32> to vector<1x1x16xf32>
      tpu.vector_store %arg7[%swap3A_952, %swap3A_953, %swap3A_954], %swap3A_957 {strides = array<i32>} : memref<4x64x128xf32, #tpu.memory_space<vmem>>, vector<1x1x16xf32>,
      %mul3A_958 = arith.constant 2 : i32
      %mul3A_959 = arith.muli %mul3A_958, %scan3A_937 : i32
      %add3A_960 = arith.constant 0 : i32
      %add3A_961 = arith.addi %mul3A_959, %add3A_960 : i32
      %get3A_962 = arith.constant 0 : i32
      %get3A_963 = arith.index_cast %get3A_962 : i32 to index
      %get3A_964 = arith.index_cast %add3A_961 : i32 to index
      %get3A_965 = arith.constant 16 : index
      %get3A_966 = tpu.vector_load %arg6[%get3A_963, %get3A_964, %get3A_965] {strides = array<i32>} : memref<4x128x64xf32, #tpu.memory_space<vmem>>, vector<1x1x16xf32>,
      %get3A_967 = vector.shape_cast %get3A_966 : vector<1x1x16xf32> to vector<16xf32>
      %mul3A_968 = arith.constant 8.000000e+00 : f32
      %mul3A_969 = vector.broadcast %mul3A_968 : f32 to vector<16xf32>
      %mul3A_970 = arith.mulf %get3A_967, %mul3A_969 : vector<16xf32>
      %swap3A_971 = arith.constant 0 : i32
      %swap3A_972 = arith.index_cast %swap3A_971 : i32 to index
      %swap3A_973 = arith.index_cast %scan3A_937 : i32 to index
      %swap3A_974 = arith.constant 16 : index
      %swap3A_975 = tpu.vector_load %arg7[%swap3A_972, %swap3A_973, %swap3A_974] {strides = array<i32>} : memref<4x64x128xf32, #tpu.memory_space<vmem>>, vector<1x1x16xf32>,
      %swap3A_976 = vector.shape_cast %swap3A_975 : vector<1x1x16xf32> to vector<16xf32>
      %swap3A_977 = vector.shape_cast %mul3A_970 : vector<16xf32> to vector<1x1x16xf32>
      tpu.vector_store %arg7[%swap3A_972, %swap3A_973, %swap3A_974], %swap3A_977 {strides = array<i32>} : memref<4x64x128xf32, #tpu.memory_space<vmem>>, vector<1x1x16xf32>,
      %mul3A_978 = arith.constant 2 : i32
      %mul3A_979 = arith.muli %mul3A_978, %scan3A_937 : i32
      %add3A_980 = arith.constant 0 : i32
      %add3A_981 = arith.addi %mul3A_979, %add3A_980 : i32
      %get3A_982 = arith.constant 0 : i32
      %get3A_983 = arith.index_cast %get3A_982 : i32 to index
      %get3A_984 = arith.index_cast %add3A_981 : i32 to index
      %get3A_985 = arith.constant 32 : index
      %get3A_986 = tpu.vector_load %arg6[%get3A_983, %get3A_984, %get3A_985] {strides = array<i32>} : memref<4x128x64xf32, #tpu.memory_space<vmem>>, vector<1x1x16xf32>,
      %get3A_987 = vector.shape_cast %get3A_986 : vector<1x1x16xf32> to vector<16xf32>
      %mul3A_988 = arith.constant 8.000000e+00 : f32
      %mul3A_989 = vector.broadcast %mul3A_988 : f32 to vector<16xf32>
      %mul3A_990 = arith.mulf %get3A_987, %mul3A_989 : vector<16xf32>
      %swap3A_991 = arith.constant 0 : i32
      %swap3A_992 = arith.index_cast %swap3A_991 : i32 to index
      %swap3A_993 = arith.index_cast %scan3A_937 : i32 to index
      %swap3A_994 = arith.constant 32 : index
      %swap3A_995 = tpu.vector_load %arg7[%swap3A_992, %swap3A_993, %swap3A_994] {strides = array<i32>} : memref<4x64x128xf32, #tpu.memory_space<vmem>>, vector<1x1x16xf32>,
      %swap3A_996 = vector.shape_cast %swap3A_995 : vector<1x1x16xf32> to vector<16xf32>
      %swap3A_997 = vector.shape_cast %mul3A_990 : vector<16xf32> to vector<1x1x16xf32>
      tpu.vector_store %arg7[%swap3A_992, %swap3A_993, %swap3A_994], %swap3A_997 {strides = array<i32>} : memref<4x64x128xf32, #tpu.memory_space<vmem>>, vector<1x1x16xf32>,
      %mul3A_998 = arith.constant 2 : i32
      %mul3A_999 = arith.muli %mul3A_998, %scan3A_937 : i32
      %add3A_1000 = arith.constant 0 : i32
      %add3A_1001 = arith.addi %mul3A_999, %add3A_1000 : i32
      %get3A_1002 = arith.constant 0 : i32
      %get3A_1003 = arith.index_cast %get3A_1002 : i32 to index
      %get3A_1004 = arith.index_cast %add3A_1001 : i32 to index
      %get3A_1005 = arith.constant 48 : index
      %get3A_1006 = tpu.vector_load %arg6[%get3A_1003, %get3A_1004, %get3A_1005] {strides = array<i32>} : memref<4x128x64xf32, #tpu.memory_space<vmem>>, vector<1x1x16xf32>,
      %get3A_1007 = vector.shape_cast %get3A_1006 : vector<1x1x16xf32> to vector<16xf32>
      %mul3A_1008 = arith.constant 8.000000e+00 : f32
      %mul3A_1009 = vector.broadcast %mul3A_1008 : f32 to vector<16xf32>
      %mul3A_1010 = arith.mulf %get3A_1007, %mul3A_1009 : vector<16xf32>
      %swap3A_1011 = arith.constant 0 : i32
      %swap3A_1012 = arith.index_cast %swap3A_1011 : i32 to index
      %swap3A_1013 = arith.index_cast %scan3A_937 : i32 to index
      %swap3A_1014 = arith.constant 48 : index
      %swap3A_1015 = tpu.vector_load %arg7[%swap3A_1012, %swap3A_1013, %swap3A_1014] {strides = array<i32>} : memref<4x64x128xf32, #tpu.memory_space<vmem>>, vector<1x1x16xf32>,
      %swap3A_1016 = vector.shape_cast %swap3A_1015 : vector<1x1x16xf32> to vector<16xf32>
      %swap3A_1017 = vector.shape_cast %mul3A_1010 : vector<16xf32> to vector<1x1x16xf32>
      tpu.vector_store %arg7[%swap3A_1012, %swap3A_1013, %swap3A_1014], %swap3A_1017 {strides = array<i32>} : memref<4x64x128xf32, #tpu.memory_space<vmem>>, vector<1x1x16xf32>,
      %mul3A_1018 = arith.constant 2 : i32
      %mul3A_1019 = arith.muli %mul3A_1018, %scan3A_937 : i32
      %add3A_1020 = arith.constant 1 : i32
      %add3A_1021 = arith.addi %mul3A_1019, %add3A_1020 : i32
      %get3A_1022 = arith.constant 0 : i32
      %get3A_1023 = arith.index_cast %get3A_1022 : i32 to index
      %get3A_1024 = arith.index_cast %add3A_1021 : i32 to index
      %get3A_1025 = arith.constant 0 : index
      %get3A_1026 = tpu.vector_load %arg6[%get3A_1023, %get3A_1024, %get3A_1025] {strides = array<i32>} : memref<4x128x64xf32, #tpu.memory_space<vmem>>, vector<1x1x16xf32>,
      %get3A_1027 = vector.shape_cast %get3A_1026 : vector<1x1x16xf32> to vector<16xf32>
      %mul3A_1028 = arith.constant 8.000000e+00 : f32
      %mul3A_1029 = vector.broadcast %mul3A_1028 : f32 to vector<16xf32>
      %mul3A_1030 = arith.mulf %get3A_1027, %mul3A_1029 : vector<16xf32>
      %swap3A_1031 = arith.constant 0 : i32
      %swap3A_1032 = arith.index_cast %swap3A_1031 : i32 to index
      %swap3A_1033 = arith.index_cast %scan3A_937 : i32 to index
      %swap3A_1034 = arith.constant 64 : index
      %swap3A_1035 = tpu.vector_load %arg7[%swap3A_1032, %swap3A_1033, %swap3A_1034] {strides = array<i32>} : memref<4x64x128xf32, #tpu.memory_space<vmem>>, vector<1x1x16xf32>,
      %swap3A_1036 = vector.shape_cast %swap3A_1035 : vector<1x1x16xf32> to vector<16xf32>
      %swap3A_1037 = vector.shape_cast %mul3A_1030 : vector<16xf32> to vector<1x1x16xf32>
      tpu.vector_store %arg7[%swap3A_1032, %swap3A_1033, %swap3A_1034], %swap3A_1037 {strides = array<i32>} : memref<4x64x128xf32, #tpu.memory_space<vmem>>, vector<1x1x16xf32>,
      %mul3A_1038 = arith.constant 2 : i32
      %mul3A_1039 = arith.muli %mul3A_1038, %scan3A_937 : i32
      %add3A_1040 = arith.constant 1 : i32
      %add3A_1041 = arith.addi %mul3A_1039, %add3A_1040 : i32
      %get3A_1042 = arith.constant 0 : i32
      %get3A_1043 = arith.index_cast %get3A_1042 : i32 to index
      %get3A_1044 = arith.index_cast %add3A_1041 : i32 to index
      %get3A_1045 = arith.constant 16 : index
      %get3A_1046 = tpu.vector_load %arg6[%get3A_1043, %get3A_1044, %get3A_1045] {strides = array<i32>} : memref<4x128x64xf32, #tpu.memory_space<vmem>>, vector<1x1x16xf32>,
      %get3A_1047 = vector.shape_cast %get3A_1046 : vector<1x1x16xf32> to vector<16xf32>
      %mul3A_1048 = arith.constant 8.000000e+00 : f32
      %mul3A_1049 = vector.broadcast %mul3A_1048 : f32 to vector<16xf32>
      %mul3A_1050 = arith.mulf %get3A_1047, %mul3A_1049 : vector<16xf32>
      %swap3A_1051 = arith.constant 0 : i32
      %swap3A_1052 = arith.index_cast %swap3A_1051 : i32 to index
      %swap3A_1053 = arith.index_cast %scan3A_937 : i32 to index
      %swap3A_1054 = arith.constant 80 : index
      %swap3A_1055 = tpu.vector_load %arg7[%swap3A_1052, %swap3A_1053, %swap3A_1054] {strides = array<i32>} : memref<4x64x128xf32, #tpu.memory_space<vmem>>, vector<1x1x16xf32>,
      %swap3A_1056 = vector.shape_cast %swap3A_1055 : vector<1x1x16xf32> to vector<16xf32>
      %swap3A_1057 = vector.shape_cast %mul3A_1050 : vector<16xf32> to vector<1x1x16xf32>
      tpu.vector_store %arg7[%swap3A_1052, %swap3A_1053, %swap3A_1054], %swap3A_1057 {strides = array<i32>} : memref<4x64x128xf32, #tpu.memory_space<vmem>>, vector<1x1x16xf32>,
      %mul3A_1058 = arith.constant 2 : i32
      %mul3A_1059 = arith.muli %mul3A_1058, %scan3A_937 : i32
      %add3A_1060 = arith.constant 1 : i32
      %add3A_1061 = arith.addi %mul3A_1059, %add3A_1060 : i32
      %get3A_1062 = arith.constant 0 : i32
      %get3A_1063 = arith.index_cast %get3A_1062 : i32 to index
      %get3A_1064 = arith.index_cast %add3A_1061 : i32 to index
      %get3A_1065 = arith.constant 32 : index
      %get3A_1066 = tpu.vector_load %arg6[%get3A_1063, %get3A_1064, %get3A_1065] {strides = array<i32>} : memref<4x128x64xf32, #tpu.memory_space<vmem>>, vector<1x1x16xf32>,
      %get3A_1067 = vector.shape_cast %get3A_1066 : vector<1x1x16xf32> to vector<16xf32>
      %mul3A_1068 = arith.constant 8.000000e+00 : f32
      %mul3A_1069 = vector.broadcast %mul3A_1068 : f32 to vector<16xf32>
      %mul3A_1070 = arith.mulf %get3A_1067, %mul3A_1069 : vector<16xf32>
      %swap3A_1071 = arith.constant 0 : i32
      %swap3A_1072 = arith.index_cast %swap3A_1071 : i32 to index
      %swap3A_1073 = arith.index_cast %scan3A_937 : i32 to index
      %swap3A_1074 = arith.constant 96 : index
      %swap3A_1075 = tpu.vector_load %arg7[%swap3A_1072, %swap3A_1073, %swap3A_1074] {strides = array<i32>} : memref<4x64x128xf32, #tpu.memory_space<vmem>>, vector<1x1x16xf32>,
      %swap3A_1076 = vector.shape_cast %swap3A_1075 : vector<1x1x16xf32> to vector<16xf32>
      %swap3A_1077 = vector.shape_cast %mul3A_1070 : vector<16xf32> to vector<1x1x16xf32>
      tpu.vector_store %arg7[%swap3A_1072, %swap3A_1073, %swap3A_1074], %swap3A_1077 {strides = array<i32>} : memref<4x64x128xf32, #tpu.memory_space<vmem>>, vector<1x1x16xf32>,
      %mul3A_1078 = arith.constant 2 : i32
      %mul3A_1079 = arith.muli %mul3A_1078, %scan3A_937 : i32
      %add3A_1080 = arith.constant 1 : i32
      %add3A_1081 = arith.addi %mul3A_1079, %add3A_1080 : i32
      %get3A_1082 = arith.constant 0 : i32
      %get3A_1083 = arith.index_cast %get3A_1082 : i32 to index
      %get3A_1084 = arith.index_cast %add3A_1081 : i32 to index
      %get3A_1085 = arith.constant 48 : index
      %get3A_1086 = tpu.vector_load %arg6[%get3A_1083, %get3A_1084, %get3A_1085] {strides = array<i32>} : memref<4x128x64xf32, #tpu.memory_space<vmem>>, vector<1x1x16xf32>,
      %get3A_1087 = vector.shape_cast %get3A_1086 : vector<1x1x16xf32> to vector<16xf32>
      %mul3A_1088 = arith.constant 8.000000e+00 : f32
      %mul3A_1089 = vector.broadcast %mul3A_1088 : f32 to vector<16xf32>
      %mul3A_1090 = arith.mulf %get3A_1087, %mul3A_1089 : vector<16xf32>
      %swap3A_1091 = arith.constant 0 : i32
      %swap3A_1092 = arith.index_cast %swap3A_1091 : i32 to index
      %swap3A_1093 = arith.index_cast %scan3A_937 : i32 to index
      %swap3A_1094 = arith.constant 112 : index
      %swap3A_1095 = tpu.vector_load %arg7[%swap3A_1092, %swap3A_1093, %swap3A_1094] {strides = array<i32>} : memref<4x64x128xf32, #tpu.memory_space<vmem>>, vector<1x1x16xf32>,
      %swap3A_1096 = vector.shape_cast %swap3A_1095 : vector<1x1x16xf32> to vector<16xf32>
      %swap3A_1097 = vector.shape_cast %mul3A_1090 : vector<16xf32> to vector<1x1x16xf32>
      tpu.vector_store %arg7[%swap3A_1092, %swap3A_1093, %swap3A_1094], %swap3A_1097 {strides = array<i32>} : memref<4x64x128xf32, #tpu.memory_space<vmem>>, vector<1x1x16xf32>,
      %scan3A_1098 = arith.constant 0 : i32
      scf.yield %scan3A_1098 : i32
    }
    %scan3A_81 = arith.constant 64 : i32
    %jit3A = arith.constant 2 : i32
    %div3A = arith.divsi %mul3A_2, %jit3A : i32
    %sign3A = arith.constant 0 : i32
    %sign3A_82 = arith.cmpi sgt, %mul3A_2, %sign3A : i32
    %sign3A_83 = arith.extui %sign3A_82 : i1 to i32
    %sign3A_84 = arith.constant 0 : i32
    %sign3A_85 = arith.cmpi slt, %mul3A_2, %sign3A_84 : i32
    %sign3A_86 = arith.extui %sign3A_85 : i1 to i32
    %sign3A_87 = arith.subi %sign3A_83, %sign3A_86 : i32
    %sign3A_88 = arith.constant 0 : i32
    %sign3A_89 = arith.cmpi sgt, %jit3A, %sign3A_88 : i32
    %sign3A_90 = arith.extui %sign3A_89 : i1 to i32
    %sign3A_91 = arith.constant 0 : i32
    %sign3A_92 = arith.cmpi slt, %jit3A, %sign3A_91 : i32
    %sign3A_93 = arith.extui %sign3A_92 : i1 to i32
    %sign3A_94 = arith.subi %sign3A_90, %sign3A_93 : i32
    %ne3A = arith.cmpi ne, %sign3A_87, %sign3A_94 : i32
    %rem3A = arith.remsi %mul3A_2, %jit3A : i32
    %ne3A_95 = arith.constant 0 : i32
    %ne3A_96 = arith.cmpi ne, %rem3A, %ne3A_95 : i32
    %and3A = arith.andi %ne3A, %ne3A_96 : i1
    %sub3A = arith.constant 1 : i32
    %sub3A_97 = arith.subi %div3A, %sub3A : i32
    %select_n3A = arith.select %and3A, %sub3A_97, %div3A : i32
    %add3A_98 = arith.constant 0 : i32
    %add3A_99 = arith.addi %select_n3A, %add3A_98 : i32
    %dma_start3A_100 = arith.constant 0 : i32
    %dma_start3A_101 = arith.constant 0 : i32
    %dma_start3A_102 = arith.constant 0 : i32
    %dma_start3A_103 = arith.constant 0 : i32
    %dma_start3A_104 = tpu.memref_slice %arg7[%dma_start3A_100, %dma_start3A_102, %dma_start3A_103] : memref<4x64x128xf32, #tpu.memory_space<vmem>> -> memref<1x64x128xf32, #tpu.memory_space<vmem>>
    %dma_start3A_105 = tpu.memref_squeeze %dma_start3A_104 : memref<1x64x128xf32, #tpu.memory_space<vmem>> -> memref<64x128xf32, #tpu.memory_space<vmem>>
    %dma_start3A_106 = arith.constant 0 : i32
    %dma_start3A_107 = tpu.memref_slice %arg4[%add3A_99, %dma_start3A_106] : memref<409600x128xf32, #tpu.memory_space<hbm>> -> memref<64x128xf32, #tpu.memory_space<hbm>>
    %dma_start3A_108 = tpu.memref_slice %arg9[%dma_start3A_101] : memref<4x!tpu.dma_semaphore, #tpu.memory_space<semaphore_mem>> -> memref<1x!tpu.dma_semaphore, #tpu.memory_space<semaphore_mem>>
    %dma_start3A_109 = tpu.memref_squeeze %dma_start3A_108 : memref<1x!tpu.dma_semaphore, #tpu.memory_space<semaphore_mem>> -> memref<!tpu.dma_semaphore, #tpu.memory_space<semaphore_mem>>
    %dma_start3A_110 = arith.constant 0 : i32
    %dma_start3A_111 = tpu.memref_slice %arg4[%add3A_99, %dma_start3A_110] : memref<409600x128xf32, #tpu.memory_space<hbm>> -> memref<64x128xf32, #tpu.memory_space<hbm>>
    %dma_start3A_112 = arith.constant 0 : i32
    %dma_start3A_113 = arith.constant 0 : i32
    %dma_start3A_114 = tpu.memref_slice %arg7[%dma_start3A_100, %dma_start3A_112, %dma_start3A_113] : memref<4x64x128xf32, #tpu.memory_space<vmem>> -> memref<1x64x128xf32, #tpu.memory_space<vmem>>
    %dma_start3A_115 = tpu.memref_squeeze %dma_start3A_114 : memref<1x64x128xf32, #tpu.memory_space<vmem>> -> memref<64x128xf32, #tpu.memory_space<vmem>>
    tpu.enqueue_dma source(%dma_start3A_115 : memref<64x128xf32, #tpu.memory_space<vmem>>) target(%dma_start3A_111 : memref<64x128xf32, #tpu.memory_space<hbm>>) target_semaphore(%dma_start3A_109 : memref<!tpu.dma_semaphore, #tpu.memory_space<semaphore_mem>>)
    %dma_start3A_116 = arith.constant 4 : i32
    %dma_start3A_117 = arith.constant 0 : i32
    %dma_start3A_118 = arith.constant 0 : i32
    %dma_start3A_119 = arith.constant 0 : i32
    %dma_start3A_120 = arith.constant 0 : i32
    %dma_start3A_121 = tpu.memref_slice %arg6[%dma_start3A_117, %dma_start3A_119, %dma_start3A_120] : memref<4x128x64xf32, #tpu.memory_space<vmem>> -> memref<1x128x64xf32, #tpu.memory_space<vmem>>
    %dma_start3A_122 = tpu.memref_squeeze %dma_start3A_121 : memref<1x128x64xf32, #tpu.memory_space<vmem>> -> memref<128x64xf32, #tpu.memory_space<vmem>>
    %dma_start3A_123 = arith.constant 0 : i32
    %dma_start3A_124 = tpu.memref_slice %arg5[%dma_start3A_116, %dma_start3A_123] : memref<200x128xi32, #tpu.memory_space<vmem>> -> memref<1x128xi32, #tpu.memory_space<vmem>>
    %dma_start3A_125 = tpu.memref_squeeze %dma_start3A_124 : memref<1x128xi32, #tpu.memory_space<vmem>> -> memref<128xi32, #tpu.memory_space<vmem>>
    %dma_start3A_126 = arith.constant 0 : i32
    %dma_start3A_127 = arith.constant 0 : i32
    %dma_start3A_128 = tpu.memref_slice %arg3[%dma_start3A_126, %dma_start3A_127] : memref<1000000x64xf32, #tpu.memory_space<hbm>> -> memref<1000000x64xf32, #tpu.memory_space<hbm>>
    %dma_start3A_129 = tpu.memref_slice %arg8[%dma_start3A_118] : memref<4x!tpu.dma_semaphore, #tpu.memory_space<semaphore_mem>> -> memref<1x!tpu.dma_semaphore, #tpu.memory_space<semaphore_mem>>
    %dma_start3A_130 = tpu.memref_squeeze %dma_start3A_129 : memref<1x!tpu.dma_semaphore, #tpu.memory_space<semaphore_mem>> -> memref<!tpu.dma_semaphore, #tpu.memory_space<semaphore_mem>>
    tpu.enqueue_indirect_dma source(%dma_start3A_128 : memref<1000000x64xf32, #tpu.memory_space<hbm>>) target(%dma_start3A_122 : memref<128x64xf32, #tpu.memory_space<vmem>>) offsets(%dma_start3A_125 : memref<128xi32, #tpu.memory_space<vmem>>) semaphore(%dma_start3A_130 : memref<!tpu.dma_semaphore, #tpu.memory_space<semaphore_mem>>)
    %dma_wait3A_131 = arith.constant 0 : i32
    %dma_wait3A_132 = arith.constant 1 : i32
    %dma_wait3A_133 = arith.constant 1 : i32
    %dma_wait3A_134 = arith.constant 0 : i32
    %dma_wait3A_135 = arith.constant 0 : i32
    %dma_wait3A_136 = tpu.memref_slice %arg6[%dma_wait3A_132, %dma_wait3A_134, %dma_wait3A_135] : memref<4x128x64xf32, #tpu.memory_space<vmem>> -> memref<1x128x64xf32, #tpu.memory_space<vmem>>
    %dma_wait3A_137 = tpu.memref_squeeze %dma_wait3A_136 : memref<1x128x64xf32, #tpu.memory_space<vmem>> -> memref<128x64xf32, #tpu.memory_space<vmem>>
    %dma_wait3A_138 = arith.constant 0 : i32
    %dma_wait3A_139 = tpu.memref_slice %arg5[%dma_wait3A_131, %dma_wait3A_138] : memref<200x128xi32, #tpu.memory_space<vmem>> -> memref<1x128xi32, #tpu.memory_space<vmem>>
    %dma_wait3A_140 = tpu.memref_squeeze %dma_wait3A_139 : memref<1x128xi32, #tpu.memory_space<vmem>> -> memref<128xi32, #tpu.memory_space<vmem>>
    %dma_wait3A_141 = arith.constant 0 : i32
    %dma_wait3A_142 = arith.constant 0 : i32
    %dma_wait3A_143 = tpu.memref_slice %arg3[%dma_wait3A_141, %dma_wait3A_142] : memref<1000000x64xf32, #tpu.memory_space<hbm>> -> memref<1000000x64xf32, #tpu.memory_space<hbm>>
    %dma_wait3A_144 = tpu.memref_slice %arg8[%dma_wait3A_133] : memref<4x!tpu.dma_semaphore, #tpu.memory_space<semaphore_mem>> -> memref<1x!tpu.dma_semaphore, #tpu.memory_space<semaphore_mem>>
    %dma_wait3A_145 = tpu.memref_squeeze %dma_wait3A_144 : memref<1x!tpu.dma_semaphore, #tpu.memory_space<semaphore_mem>> -> memref<!tpu.dma_semaphore, #tpu.memory_space<semaphore_mem>>
    tpu.wait_indirect_dma semaphore(%dma_wait3A_145 : memref<!tpu.dma_semaphore, #tpu.memory_space<semaphore_mem>>) src(%dma_wait3A_143 : memref<1000000x64xf32, #tpu.memory_space<hbm>>) dst(%dma_wait3A_137 : memref<128x64xf32, #tpu.memory_space<vmem>>)
    %scan3A_146 = arith.constant 0 : i32
    %scan3A_147 = arith.constant 0 : i32
    %scan3A_148 = arith.constant 64 : i32
    %scan3A_149 = arith.addi %scan3A_147, %scan3A_148 : i32
    %scan3A_150 = arith.constant 2 : i32
    %scan3A_151 = scf.for %scan3A_775 = %scan3A_147 to %scan3A_149 step %scan3A_150 iter_args(%scan3A_776 = %scan3A_146) -> (i32)  : i32 {
      %mul3A_777 = arith.constant 2 : i32
      %mul3A_778 = arith.muli %mul3A_777, %scan3A_775 : i32
      %add3A_779 = arith.constant 0 : i32
      %add3A_780 = arith.addi %mul3A_778, %add3A_779 : i32
      %get3A = arith.constant 1 : i32
      %get3A_781 = arith.index_cast %get3A : i32 to index
      %get3A_782 = arith.index_cast %add3A_780 : i32 to index
      %get3A_783 = arith.constant 0 : index
      %get3A_784 = tpu.vector_load %arg6[%get3A_781, %get3A_782, %get3A_783] {strides = array<i32>} : memref<4x128x64xf32, #tpu.memory_space<vmem>>, vector<1x1x16xf32>,
      %get3A_785 = vector.shape_cast %get3A_784 : vector<1x1x16xf32> to vector<16xf32>
      %mul3A_786 = arith.constant 8.000000e+00 : f32
      %mul3A_787 = vector.broadcast %mul3A_786 : f32 to vector<16xf32>
      %mul3A_788 = arith.mulf %get3A_785, %mul3A_787 : vector<16xf32>
      %swap3A = arith.constant 1 : i32
      %swap3A_789 = arith.index_cast %swap3A : i32 to index
      %swap3A_790 = arith.index_cast %scan3A_775 : i32 to index
      %swap3A_791 = arith.constant 0 : index
      %swap3A_792 = tpu.vector_load %arg7[%swap3A_789, %swap3A_790, %swap3A_791] {strides = array<i32>} : memref<4x64x128xf32, #tpu.memory_space<vmem>>, vector<1x1x16xf32>,
      %swap3A_793 = vector.shape_cast %swap3A_792 : vector<1x1x16xf32> to vector<16xf32>
      %swap3A_794 = vector.shape_cast %mul3A_788 : vector<16xf32> to vector<1x1x16xf32>
      tpu.vector_store %arg7[%swap3A_789, %swap3A_790, %swap3A_791], %swap3A_794 {strides = array<i32>} : memref<4x64x128xf32, #tpu.memory_space<vmem>>, vector<1x1x16xf32>,
      %mul3A_795 = arith.constant 2 : i32
      %mul3A_796 = arith.muli %mul3A_795, %scan3A_775 : i32
      %add3A_797 = arith.constant 0 : i32
      %add3A_798 = arith.addi %mul3A_796, %add3A_797 : i32
      %get3A_799 = arith.constant 1 : i32
      %get3A_800 = arith.index_cast %get3A_799 : i32 to index
      %get3A_801 = arith.index_cast %add3A_798 : i32 to index
      %get3A_802 = arith.constant 16 : index
      %get3A_803 = tpu.vector_load %arg6[%get3A_800, %get3A_801, %get3A_802] {strides = array<i32>} : memref<4x128x64xf32, #tpu.memory_space<vmem>>, vector<1x1x16xf32>,
      %get3A_804 = vector.shape_cast %get3A_803 : vector<1x1x16xf32> to vector<16xf32>
      %mul3A_805 = arith.constant 8.000000e+00 : f32
      %mul3A_806 = vector.broadcast %mul3A_805 : f32 to vector<16xf32>
      %mul3A_807 = arith.mulf %get3A_804, %mul3A_806 : vector<16xf32>
      %swap3A_808 = arith.constant 1 : i32
      %swap3A_809 = arith.index_cast %swap3A_808 : i32 to index
      %swap3A_810 = arith.index_cast %scan3A_775 : i32 to index
      %swap3A_811 = arith.constant 16 : index
      %swap3A_812 = tpu.vector_load %arg7[%swap3A_809, %swap3A_810, %swap3A_811] {strides = array<i32>} : memref<4x64x128xf32, #tpu.memory_space<vmem>>, vector<1x1x16xf32>,
      %swap3A_813 = vector.shape_cast %swap3A_812 : vector<1x1x16xf32> to vector<16xf32>
      %swap3A_814 = vector.shape_cast %mul3A_807 : vector<16xf32> to vector<1x1x16xf32>
      tpu.vector_store %arg7[%swap3A_809, %swap3A_810, %swap3A_811], %swap3A_814 {strides = array<i32>} : memref<4x64x128xf32, #tpu.memory_space<vmem>>, vector<1x1x16xf32>,
      %mul3A_815 = arith.constant 2 : i32
      %mul3A_816 = arith.muli %mul3A_815, %scan3A_775 : i32
      %add3A_817 = arith.constant 0 : i32
      %add3A_818 = arith.addi %mul3A_816, %add3A_817 : i32
      %get3A_819 = arith.constant 1 : i32
      %get3A_820 = arith.index_cast %get3A_819 : i32 to index
      %get3A_821 = arith.index_cast %add3A_818 : i32 to index
      %get3A_822 = arith.constant 32 : index
      %get3A_823 = tpu.vector_load %arg6[%get3A_820, %get3A_821, %get3A_822] {strides = array<i32>} : memref<4x128x64xf32, #tpu.memory_space<vmem>>, vector<1x1x16xf32>,
      %get3A_824 = vector.shape_cast %get3A_823 : vector<1x1x16xf32> to vector<16xf32>
      %mul3A_825 = arith.constant 8.000000e+00 : f32
      %mul3A_826 = vector.broadcast %mul3A_825 : f32 to vector<16xf32>
      %mul3A_827 = arith.mulf %get3A_824, %mul3A_826 : vector<16xf32>
      %swap3A_828 = arith.constant 1 : i32
      %swap3A_829 = arith.index_cast %swap3A_828 : i32 to index
      %swap3A_830 = arith.index_cast %scan3A_775 : i32 to index
      %swap3A_831 = arith.constant 32 : index
      %swap3A_832 = tpu.vector_load %arg7[%swap3A_829, %swap3A_830, %swap3A_831] {strides = array<i32>} : memref<4x64x128xf32, #tpu.memory_space<vmem>>, vector<1x1x16xf32>,
      %swap3A_833 = vector.shape_cast %swap3A_832 : vector<1x1x16xf32> to vector<16xf32>
      %swap3A_834 = vector.shape_cast %mul3A_827 : vector<16xf32> to vector<1x1x16xf32>
      tpu.vector_store %arg7[%swap3A_829, %swap3A_830, %swap3A_831], %swap3A_834 {strides = array<i32>} : memref<4x64x128xf32, #tpu.memory_space<vmem>>, vector<1x1x16xf32>,
      %mul3A_835 = arith.constant 2 : i32
      %mul3A_836 = arith.muli %mul3A_835, %scan3A_775 : i32
      %add3A_837 = arith.constant 0 : i32
      %add3A_838 = arith.addi %mul3A_836, %add3A_837 : i32
      %get3A_839 = arith.constant 1 : i32
      %get3A_840 = arith.index_cast %get3A_839 : i32 to index
      %get3A_841 = arith.index_cast %add3A_838 : i32 to index
      %get3A_842 = arith.constant 48 : index
      %get3A_843 = tpu.vector_load %arg6[%get3A_840, %get3A_841, %get3A_842] {strides = array<i32>} : memref<4x128x64xf32, #tpu.memory_space<vmem>>, vector<1x1x16xf32>,
      %get3A_844 = vector.shape_cast %get3A_843 : vector<1x1x16xf32> to vector<16xf32>
      %mul3A_845 = arith.constant 8.000000e+00 : f32
      %mul3A_846 = vector.broadcast %mul3A_845 : f32 to vector<16xf32>
      %mul3A_847 = arith.mulf %get3A_844, %mul3A_846 : vector<16xf32>
      %swap3A_848 = arith.constant 1 : i32
      %swap3A_849 = arith.index_cast %swap3A_848 : i32 to index
      %swap3A_850 = arith.index_cast %scan3A_775 : i32 to index
      %swap3A_851 = arith.constant 48 : index
      %swap3A_852 = tpu.vector_load %arg7[%swap3A_849, %swap3A_850, %swap3A_851] {strides = array<i32>} : memref<4x64x128xf32, #tpu.memory_space<vmem>>, vector<1x1x16xf32>,
      %swap3A_853 = vector.shape_cast %swap3A_852 : vector<1x1x16xf32> to vector<16xf32>
      %swap3A_854 = vector.shape_cast %mul3A_847 : vector<16xf32> to vector<1x1x16xf32>
      tpu.vector_store %arg7[%swap3A_849, %swap3A_850, %swap3A_851], %swap3A_854 {strides = array<i32>} : memref<4x64x128xf32, #tpu.memory_space<vmem>>, vector<1x1x16xf32>,
      %mul3A_855 = arith.constant 2 : i32
      %mul3A_856 = arith.muli %mul3A_855, %scan3A_775 : i32
      %add3A_857 = arith.constant 1 : i32
      %add3A_858 = arith.addi %mul3A_856, %add3A_857 : i32
      %get3A_859 = arith.constant 1 : i32
      %get3A_860 = arith.index_cast %get3A_859 : i32 to index
      %get3A_861 = arith.index_cast %add3A_858 : i32 to index
      %get3A_862 = arith.constant 0 : index
      %get3A_863 = tpu.vector_load %arg6[%get3A_860, %get3A_861, %get3A_862] {strides = array<i32>} : memref<4x128x64xf32, #tpu.memory_space<vmem>>, vector<1x1x16xf32>,
      %get3A_864 = vector.shape_cast %get3A_863 : vector<1x1x16xf32> to vector<16xf32>
      %mul3A_865 = arith.constant 8.000000e+00 : f32
      %mul3A_866 = vector.broadcast %mul3A_865 : f32 to vector<16xf32>
      %mul3A_867 = arith.mulf %get3A_864, %mul3A_866 : vector<16xf32>
      %swap3A_868 = arith.constant 1 : i32
      %swap3A_869 = arith.index_cast %swap3A_868 : i32 to index
      %swap3A_870 = arith.index_cast %scan3A_775 : i32 to index
      %swap3A_871 = arith.constant 64 : index
      %swap3A_872 = tpu.vector_load %arg7[%swap3A_869, %swap3A_870, %swap3A_871] {strides = array<i32>} : memref<4x64x128xf32, #tpu.memory_space<vmem>>, vector<1x1x16xf32>,
      %swap3A_873 = vector.shape_cast %swap3A_872 : vector<1x1x16xf32> to vector<16xf32>
      %swap3A_874 = vector.shape_cast %mul3A_867 : vector<16xf32> to vector<1x1x16xf32>
      tpu.vector_store %arg7[%swap3A_869, %swap3A_870, %swap3A_871], %swap3A_874 {strides = array<i32>} : memref<4x64x128xf32, #tpu.memory_space<vmem>>, vector<1x1x16xf32>,
      %mul3A_875 = arith.constant 2 : i32
      %mul3A_876 = arith.muli %mul3A_875, %scan3A_775 : i32
      %add3A_877 = arith.constant 1 : i32
      %add3A_878 = arith.addi %mul3A_876, %add3A_877 : i32
      %get3A_879 = arith.constant 1 : i32
      %get3A_880 = arith.index_cast %get3A_879 : i32 to index
      %get3A_881 = arith.index_cast %add3A_878 : i32 to index
      %get3A_882 = arith.constant 16 : index
      %get3A_883 = tpu.vector_load %arg6[%get3A_880, %get3A_881, %get3A_882] {strides = array<i32>} : memref<4x128x64xf32, #tpu.memory_space<vmem>>, vector<1x1x16xf32>,
      %get3A_884 = vector.shape_cast %get3A_883 : vector<1x1x16xf32> to vector<16xf32>
      %mul3A_885 = arith.constant 8.000000e+00 : f32
      %mul3A_886 = vector.broadcast %mul3A_885 : f32 to vector<16xf32>
      %mul3A_887 = arith.mulf %get3A_884, %mul3A_886 : vector<16xf32>
      %swap3A_888 = arith.constant 1 : i32
      %swap3A_889 = arith.index_cast %swap3A_888 : i32 to index
      %swap3A_890 = arith.index_cast %scan3A_775 : i32 to index
      %swap3A_891 = arith.constant 80 : index
      %swap3A_892 = tpu.vector_load %arg7[%swap3A_889, %swap3A_890, %swap3A_891] {strides = array<i32>} : memref<4x64x128xf32, #tpu.memory_space<vmem>>, vector<1x1x16xf32>,
      %swap3A_893 = vector.shape_cast %swap3A_892 : vector<1x1x16xf32> to vector<16xf32>
      %swap3A_894 = vector.shape_cast %mul3A_887 : vector<16xf32> to vector<1x1x16xf32>
      tpu.vector_store %arg7[%swap3A_889, %swap3A_890, %swap3A_891], %swap3A_894 {strides = array<i32>} : memref<4x64x128xf32, #tpu.memory_space<vmem>>, vector<1x1x16xf32>,
      %mul3A_895 = arith.constant 2 : i32
      %mul3A_896 = arith.muli %mul3A_895, %scan3A_775 : i32
      %add3A_897 = arith.constant 1 : i32
      %add3A_898 = arith.addi %mul3A_896, %add3A_897 : i32
      %get3A_899 = arith.constant 1 : i32
      %get3A_900 = arith.index_cast %get3A_899 : i32 to index
      %get3A_901 = arith.index_cast %add3A_898 : i32 to index
      %get3A_902 = arith.constant 32 : index
      %get3A_903 = tpu.vector_load %arg6[%get3A_900, %get3A_901, %get3A_902] {strides = array<i32>} : memref<4x128x64xf32, #tpu.memory_space<vmem>>, vector<1x1x16xf32>,
      %get3A_904 = vector.shape_cast %get3A_903 : vector<1x1x16xf32> to vector<16xf32>
      %mul3A_905 = arith.constant 8.000000e+00 : f32
      %mul3A_906 = vector.broadcast %mul3A_905 : f32 to vector<16xf32>
      %mul3A_907 = arith.mulf %get3A_904, %mul3A_906 : vector<16xf32>
      %swap3A_908 = arith.constant 1 : i32
      %swap3A_909 = arith.index_cast %swap3A_908 : i32 to index
      %swap3A_910 = arith.index_cast %scan3A_775 : i32 to index
      %swap3A_911 = arith.constant 96 : index
      %swap3A_912 = tpu.vector_load %arg7[%swap3A_909, %swap3A_910, %swap3A_911] {strides = array<i32>} : memref<4x64x128xf32, #tpu.memory_space<vmem>>, vector<1x1x16xf32>,
      %swap3A_913 = vector.shape_cast %swap3A_912 : vector<1x1x16xf32> to vector<16xf32>
      %swap3A_914 = vector.shape_cast %mul3A_907 : vector<16xf32> to vector<1x1x16xf32>
      tpu.vector_store %arg7[%swap3A_909, %swap3A_910, %swap3A_911], %swap3A_914 {strides = array<i32>} : memref<4x64x128xf32, #tpu.memory_space<vmem>>, vector<1x1x16xf32>,
      %mul3A_915 = arith.constant 2 : i32
      %mul3A_916 = arith.muli %mul3A_915, %scan3A_775 : i32
      %add3A_917 = arith.constant 1 : i32
      %add3A_918 = arith.addi %mul3A_916, %add3A_917 : i32
      %get3A_919 = arith.constant 1 : i32
      %get3A_920 = arith.index_cast %get3A_919 : i32 to index
      %get3A_921 = arith.index_cast %add3A_918 : i32 to index
      %get3A_922 = arith.constant 48 : index
      %get3A_923 = tpu.vector_load %arg6[%get3A_920, %get3A_921, %get3A_922] {strides = array<i32>} : memref<4x128x64xf32, #tpu.memory_space<vmem>>, vector<1x1x16xf32>,
      %get3A_924 = vector.shape_cast %get3A_923 : vector<1x1x16xf32> to vector<16xf32>
      %mul3A_925 = arith.constant 8.000000e+00 : f32
      %mul3A_926 = vector.broadcast %mul3A_925 : f32 to vector<16xf32>
      %mul3A_927 = arith.mulf %get3A_924, %mul3A_926 : vector<16xf32>
      %swap3A_928 = arith.constant 1 : i32
      %swap3A_929 = arith.index_cast %swap3A_928 : i32 to index
      %swap3A_930 = arith.index_cast %scan3A_775 : i32 to index
      %swap3A_931 = arith.constant 112 : index
      %swap3A_932 = tpu.vector_load %arg7[%swap3A_929, %swap3A_930, %swap3A_931] {strides = array<i32>} : memref<4x64x128xf32, #tpu.memory_space<vmem>>, vector<1x1x16xf32>,
      %swap3A_933 = vector.shape_cast %swap3A_932 : vector<1x1x16xf32> to vector<16xf32>
      %swap3A_934 = vector.shape_cast %mul3A_927 : vector<16xf32> to vector<1x1x16xf32>
      tpu.vector_store %arg7[%swap3A_929, %swap3A_930, %swap3A_931], %swap3A_934 {strides = array<i32>} : memref<4x64x128xf32, #tpu.memory_space<vmem>>, vector<1x1x16xf32>,
      %scan3A_935 = arith.constant 0 : i32
      %scan3A_936 = arith.constant 1 : i32
      %scan3A_937 = arith.addi %scan3A_775, %scan3A_936 : i32
      %mul3A_938 = arith.constant 2 : i32
      %mul3A_939 = arith.muli %mul3A_938, %scan3A_937 : i32
      %add3A_940 = arith.constant 0 : i32
      %add3A_941 = arith.addi %mul3A_939, %add3A_940 : i32
      %get3A_942 = arith.constant 1 : i32
      %get3A_943 = arith.index_cast %get3A_942 : i32 to index
      %get3A_944 = arith.index_cast %add3A_941 : i32 to index
      %get3A_945 = arith.constant 0 : index
      %get3A_946 = tpu.vector_load %arg6[%get3A_943, %get3A_944, %get3A_945] {strides = array<i32>} : memref<4x128x64xf32, #tpu.memory_space<vmem>>, vector<1x1x16xf32>,
      %get3A_947 = vector.shape_cast %get3A_946 : vector<1x1x16xf32> to vector<16xf32>
      %mul3A_948 = arith.constant 8.000000e+00 : f32
      %mul3A_949 = vector.broadcast %mul3A_948 : f32 to vector<16xf32>
      %mul3A_950 = arith.mulf %get3A_947, %mul3A_949 : vector<16xf32>
      %swap3A_951 = arith.constant 1 : i32
      %swap3A_952 = arith.index_cast %swap3A_951 : i32 to index
      %swap3A_953 = arith.index_cast %scan3A_937 : i32 to index
      %swap3A_954 = arith.constant 0 : index
      %swap3A_955 = tpu.vector_load %arg7[%swap3A_952, %swap3A_953, %swap3A_954] {strides = array<i32>} : memref<4x64x128xf32, #tpu.memory_space<vmem>>, vector<1x1x16xf32>,
      %swap3A_956 = vector.shape_cast %swap3A_955 : vector<1x1x16xf32> to vector<16xf32>
      %swap3A_957 = vector.shape_cast %mul3A_950 : vector<16xf32> to vector<1x1x16xf32>
      tpu.vector_store %arg7[%swap3A_952, %swap3A_953, %swap3A_954], %swap3A_957 {strides = array<i32>} : memref<4x64x128xf32, #tpu.memory_space<vmem>>, vector<1x1x16xf32>,
      %mul3A_958 = arith.constant 2 : i32
      %mul3A_959 = arith.muli %mul3A_958, %scan3A_937 : i32
      %add3A_960 = arith.constant 0 : i32
      %add3A_961 = arith.addi %mul3A_959, %add3A_960 : i32
      %get3A_962 = arith.constant 1 : i32
      %get3A_963 = arith.index_cast %get3A_962 : i32 to index
      %get3A_964 = arith.index_cast %add3A_961 : i32 to index
      %get3A_965 = arith.constant 16 : index
      %get3A_966 = tpu.vector_load %arg6[%get3A_963, %get3A_964, %get3A_965] {strides = array<i32>} : memref<4x128x64xf32, #tpu.memory_space<vmem>>, vector<1x1x16xf32>,
      %get3A_967 = vector.shape_cast %get3A_966 : vector<1x1x16xf32> to vector<16xf32>
      %mul3A_968 = arith.constant 8.000000e+00 : f32
      %mul3A_969 = vector.broadcast %mul3A_968 : f32 to vector<16xf32>
      %mul3A_970 = arith.mulf %get3A_967, %mul3A_969 : vector<16xf32>
      %swap3A_971 = arith.constant 1 : i32
      %swap3A_972 = arith.index_cast %swap3A_971 : i32 to index
      %swap3A_973 = arith.index_cast %scan3A_937 : i32 to index
      %swap3A_974 = arith.constant 16 : index
      %swap3A_975 = tpu.vector_load %arg7[%swap3A_972, %swap3A_973, %swap3A_974] {strides = array<i32>} : memref<4x64x128xf32, #tpu.memory_space<vmem>>, vector<1x1x16xf32>,
      %swap3A_976 = vector.shape_cast %swap3A_975 : vector<1x1x16xf32> to vector<16xf32>
      %swap3A_977 = vector.shape_cast %mul3A_970 : vector<16xf32> to vector<1x1x16xf32>
      tpu.vector_store %arg7[%swap3A_972, %swap3A_973, %swap3A_974], %swap3A_977 {strides = array<i32>} : memref<4x64x128xf32, #tpu.memory_space<vmem>>, vector<1x1x16xf32>,
      %mul3A_978 = arith.constant 2 : i32
      %mul3A_979 = arith.muli %mul3A_978, %scan3A_937 : i32
      %add3A_980 = arith.constant 0 : i32
      %add3A_981 = arith.addi %mul3A_979, %add3A_980 : i32
      %get3A_982 = arith.constant 1 : i32
      %get3A_983 = arith.index_cast %get3A_982 : i32 to index
      %get3A_984 = arith.index_cast %add3A_981 : i32 to index
      %get3A_985 = arith.constant 32 : index
      %get3A_986 = tpu.vector_load %arg6[%get3A_983, %get3A_984, %get3A_985] {strides = array<i32>} : memref<4x128x64xf32, #tpu.memory_space<vmem>>, vector<1x1x16xf32>,
      %get3A_987 = vector.shape_cast %get3A_986 : vector<1x1x16xf32> to vector<16xf32>
      %mul3A_988 = arith.constant 8.000000e+00 : f32
      %mul3A_989 = vector.broadcast %mul3A_988 : f32 to vector<16xf32>
      %mul3A_990 = arith.mulf %get3A_987, %mul3A_989 : vector<16xf32>
      %swap3A_991 = arith.constant 1 : i32
      %swap3A_992 = arith.index_cast %swap3A_991 : i32 to index
      %swap3A_993 = arith.index_cast %scan3A_937 : i32 to index
      %swap3A_994 = arith.constant 32 : index
      %swap3A_995 = tpu.vector_load %arg7[%swap3A_992, %swap3A_993, %swap3A_994] {strides = array<i32>} : memref<4x64x128xf32, #tpu.memory_space<vmem>>, vector<1x1x16xf32>,
      %swap3A_996 = vector.shape_cast %swap3A_995 : vector<1x1x16xf32> to vector<16xf32>
      %swap3A_997 = vector.shape_cast %mul3A_990 : vector<16xf32> to vector<1x1x16xf32>
      tpu.vector_store %arg7[%swap3A_992, %swap3A_993, %swap3A_994], %swap3A_997 {strides = array<i32>} : memref<4x64x128xf32, #tpu.memory_space<vmem>>, vector<1x1x16xf32>,
      %mul3A_998 = arith.constant 2 : i32
      %mul3A_999 = arith.muli %mul3A_998, %scan3A_937 : i32
      %add3A_1000 = arith.constant 0 : i32
      %add3A_1001 = arith.addi %mul3A_999, %add3A_1000 : i32
      %get3A_1002 = arith.constant 1 : i32
      %get3A_1003 = arith.index_cast %get3A_1002 : i32 to index
      %get3A_1004 = arith.index_cast %add3A_1001 : i32 to index
      %get3A_1005 = arith.constant 48 : index
      %get3A_1006 = tpu.vector_load %arg6[%get3A_1003, %get3A_1004, %get3A_1005] {strides = array<i32>} : memref<4x128x64xf32, #tpu.memory_space<vmem>>, vector<1x1x16xf32>,
      %get3A_1007 = vector.shape_cast %get3A_1006 : vector<1x1x16xf32> to vector<16xf32>
      %mul3A_1008 = arith.constant 8.000000e+00 : f32
      %mul3A_1009 = vector.broadcast %mul3A_1008 : f32 to vector<16xf32>
      %mul3A_1010 = arith.mulf %get3A_1007, %mul3A_1009 : vector<16xf32>
      %swap3A_1011 = arith.constant 1 : i32
      %swap3A_1012 = arith.index_cast %swap3A_1011 : i32 to index
      %swap3A_1013 = arith.index_cast %scan3A_937 : i32 to index
      %swap3A_1014 = arith.constant 48 : index
      %swap3A_1015 = tpu.vector_load %arg7[%swap3A_1012, %swap3A_1013, %swap3A_1014] {strides = array<i32>} : memref<4x64x128xf32, #tpu.memory_space<vmem>>, vector<1x1x16xf32>,
      %swap3A_1016 = vector.shape_cast %swap3A_1015 : vector<1x1x16xf32> to vector<16xf32>
      %swap3A_1017 = vector.shape_cast %mul3A_1010 : vector<16xf32> to vector<1x1x16xf32>
      tpu.vector_store %arg7[%swap3A_1012, %swap3A_1013, %swap3A_1014], %swap3A_1017 {strides = array<i32>} : memref<4x64x128xf32, #tpu.memory_space<vmem>>, vector<1x1x16xf32>,
      %mul3A_1018 = arith.constant 2 : i32
      %mul3A_1019 = arith.muli %mul3A_1018, %scan3A_937 : i32
      %add3A_1020 = arith.constant 1 : i32
      %add3A_1021 = arith.addi %mul3A_1019, %add3A_1020 : i32
      %get3A_1022 = arith.constant 1 : i32
      %get3A_1023 = arith.index_cast %get3A_1022 : i32 to index
      %get3A_1024 = arith.index_cast %add3A_1021 : i32 to index
      %get3A_1025 = arith.constant 0 : index
      %get3A_1026 = tpu.vector_load %arg6[%get3A_1023, %get3A_1024, %get3A_1025] {strides = array<i32>} : memref<4x128x64xf32, #tpu.memory_space<vmem>>, vector<1x1x16xf32>,
      %get3A_1027 = vector.shape_cast %get3A_1026 : vector<1x1x16xf32> to vector<16xf32>
      %mul3A_1028 = arith.constant 8.000000e+00 : f32
      %mul3A_1029 = vector.broadcast %mul3A_1028 : f32 to vector<16xf32>
      %mul3A_1030 = arith.mulf %get3A_1027, %mul3A_1029 : vector<16xf32>
      %swap3A_1031 = arith.constant 1 : i32
      %swap3A_1032 = arith.index_cast %swap3A_1031 : i32 to index
      %swap3A_1033 = arith.index_cast %scan3A_937 : i32 to index
      %swap3A_1034 = arith.constant 64 : index
      %swap3A_1035 = tpu.vector_load %arg7[%swap3A_1032, %swap3A_1033, %swap3A_1034] {strides = array<i32>} : memref<4x64x128xf32, #tpu.memory_space<vmem>>, vector<1x1x16xf32>,
      %swap3A_1036 = vector.shape_cast %swap3A_1035 : vector<1x1x16xf32> to vector<16xf32>
      %swap3A_1037 = vector.shape_cast %mul3A_1030 : vector<16xf32> to vector<1x1x16xf32>
      tpu.vector_store %arg7[%swap3A_1032, %swap3A_1033, %swap3A_1034], %swap3A_1037 {strides = array<i32>} : memref<4x64x128xf32, #tpu.memory_space<vmem>>, vector<1x1x16xf32>,
      %mul3A_1038 = arith.constant 2 : i32
      %mul3A_1039 = arith.muli %mul3A_1038, %scan3A_937 : i32
      %add3A_1040 = arith.constant 1 : i32
      %add3A_1041 = arith.addi %mul3A_1039, %add3A_1040 : i32
      %get3A_1042 = arith.constant 1 : i32
      %get3A_1043 = arith.index_cast %get3A_1042 : i32 to index
      %get3A_1044 = arith.index_cast %add3A_1041 : i32 to index
      %get3A_1045 = arith.constant 16 : index
      %get3A_1046 = tpu.vector_load %arg6[%get3A_1043, %get3A_1044, %get3A_1045] {strides = array<i32>} : memref<4x128x64xf32, #tpu.memory_space<vmem>>, vector<1x1x16xf32>,
      %get3A_1047 = vector.shape_cast %get3A_1046 : vector<1x1x16xf32> to vector<16xf32>
      %mul3A_1048 = arith.constant 8.000000e+00 : f32
      %mul3A_1049 = vector.broadcast %mul3A_1048 : f32 to vector<16xf32>
      %mul3A_1050 = arith.mulf %get3A_1047, %mul3A_1049 : vector<16xf32>
      %swap3A_1051 = arith.constant 1 : i32
      %swap3A_1052 = arith.index_cast %swap3A_1051 : i32 to index
      %swap3A_1053 = arith.index_cast %scan3A_937 : i32 to index
      %swap3A_1054 = arith.constant 80 : index
      %swap3A_1055 = tpu.vector_load %arg7[%swap3A_1052, %swap3A_1053, %swap3A_1054] {strides = array<i32>} : memref<4x64x128xf32, #tpu.memory_space<vmem>>, vector<1x1x16xf32>,
      %swap3A_1056 = vector.shape_cast %swap3A_1055 : vector<1x1x16xf32> to vector<16xf32>
      %swap3A_1057 = vector.shape_cast %mul3A_1050 : vector<16xf32> to vector<1x1x16xf32>
      tpu.vector_store %arg7[%swap3A_1052, %swap3A_1053, %swap3A_1054], %swap3A_1057 {strides = array<i32>} : memref<4x64x128xf32, #tpu.memory_space<vmem>>, vector<1x1x16xf32>,
      %mul3A_1058 = arith.constant 2 : i32
      %mul3A_1059 = arith.muli %mul3A_1058, %scan3A_937 : i32
      %add3A_1060 = arith.constant 1 : i32
      %add3A_1061 = arith.addi %mul3A_1059, %add3A_1060 : i32
      %get3A_1062 = arith.constant 1 : i32
      %get3A_1063 = arith.index_cast %get3A_1062 : i32 to index
      %get3A_1064 = arith.index_cast %add3A_1061 : i32 to index
      %get3A_1065 = arith.constant 32 : index
      %get3A_1066 = tpu.vector_load %arg6[%get3A_1063, %get3A_1064, %get3A_1065] {strides = array<i32>} : memref<4x128x64xf32, #tpu.memory_space<vmem>>, vector<1x1x16xf32>,
      %get3A_1067 = vector.shape_cast %get3A_1066 : vector<1x1x16xf32> to vector<16xf32>
      %mul3A_1068 = arith.constant 8.000000e+00 : f32
      %mul3A_1069 = vector.broadcast %mul3A_1068 : f32 to vector<16xf32>
      %mul3A_1070 = arith.mulf %get3A_1067, %mul3A_1069 : vector<16xf32>
      %swap3A_1071 = arith.constant 1 : i32
      %swap3A_1072 = arith.index_cast %swap3A_1071 : i32 to index
      %swap3A_1073 = arith.index_cast %scan3A_937 : i32 to index
      %swap3A_1074 = arith.constant 96 : index
      %swap3A_1075 = tpu.vector_load %arg7[%swap3A_1072, %swap3A_1073, %swap3A_1074] {strides = array<i32>} : memref<4x64x128xf32, #tpu.memory_space<vmem>>, vector<1x1x16xf32>,
      %swap3A_1076 = vector.shape_cast %swap3A_1075 : vector<1x1x16xf32> to vector<16xf32>
      %swap3A_1077 = vector.shape_cast %mul3A_1070 : vector<16xf32> to vector<1x1x16xf32>
      tpu.vector_store %arg7[%swap3A_1072, %swap3A_1073, %swap3A_1074], %swap3A_1077 {strides = array<i32>} : memref<4x64x128xf32, #tpu.memory_space<vmem>>, vector<1x1x16xf32>,
      %mul3A_1078 = arith.constant 2 : i32
      %mul3A_1079 = arith.muli %mul3A_1078, %scan3A_937 : i32
      %add3A_1080 = arith.constant 1 : i32
      %add3A_1081 = arith.addi %mul3A_1079, %add3A_1080 : i32
      %get3A_1082 = arith.constant 1 : i32
      %get3A_1083 = arith.index_cast %get3A_1082 : i32 to index
      %get3A_1084 = arith.index_cast %add3A_1081 : i32 to index
      %get3A_1085 = arith.constant 48 : index
      %get3A_1086 = tpu.vector_load %arg6[%get3A_1083, %get3A_1084, %get3A_1085] {strides = array<i32>} : memref<4x128x64xf32, #tpu.memory_space<vmem>>, vector<1x1x16xf32>,
      %get3A_1087 = vector.shape_cast %get3A_1086 : vector<1x1x16xf32> to vector<16xf32>
      %mul3A_1088 = arith.constant 8.000000e+00 : f32
      %mul3A_1089 = vector.broadcast %mul3A_1088 : f32 to vector<16xf32>
      %mul3A_1090 = arith.mulf %get3A_1087, %mul3A_1089 : vector<16xf32>
      %swap3A_1091 = arith.constant 1 : i32
      %swap3A_1092 = arith.index_cast %swap3A_1091 : i32 to index
      %swap3A_1093 = arith.index_cast %scan3A_937 : i32 to index
      %swap3A_1094 = arith.constant 112 : index
      %swap3A_1095 = tpu.vector_load %arg7[%swap3A_1092, %swap3A_1093, %swap3A_1094] {strides = array<i32>} : memref<4x64x128xf32, #tpu.memory_space<vmem>>, vector<1x1x16xf32>,
      %swap3A_1096 = vector.shape_cast %swap3A_1095 : vector<1x1x16xf32> to vector<16xf32>
      %swap3A_1097 = vector.shape_cast %mul3A_1090 : vector<16xf32> to vector<1x1x16xf32>
      tpu.vector_store %arg7[%swap3A_1092, %swap3A_1093, %swap3A_1094], %swap3A_1097 {strides = array<i32>} : memref<4x64x128xf32, #tpu.memory_space<vmem>>, vector<1x1x16xf32>,
      %scan3A_1098 = arith.constant 0 : i32
      scf.yield %scan3A_1098 : i32
    }
    %scan3A_152 = arith.constant 64 : i32
    %jit3A_153 = arith.constant 2 : i32
    %div3A_154 = arith.divsi %mul3A_2, %jit3A_153 : i32
    %sign3A_155 = arith.constant 0 : i32
    %sign3A_156 = arith.cmpi sgt, %mul3A_2, %sign3A_155 : i32
    %sign3A_157 = arith.extui %sign3A_156 : i1 to i32
    %sign3A_158 = arith.constant 0 : i32
    %sign3A_159 = arith.cmpi slt, %mul3A_2, %sign3A_158 : i32
    %sign3A_160 = arith.extui %sign3A_159 : i1 to i32
    %sign3A_161 = arith.subi %sign3A_157, %sign3A_160 : i32
    %sign3A_162 = arith.constant 0 : i32
    %sign3A_163 = arith.cmpi sgt, %jit3A_153, %sign3A_162 : i32
    %sign3A_164 = arith.extui %sign3A_163 : i1 to i32
    %sign3A_165 = arith.constant 0 : i32
    %sign3A_166 = arith.cmpi slt, %jit3A_153, %sign3A_165 : i32
    %sign3A_167 = arith.extui %sign3A_166 : i1 to i32
    %sign3A_168 = arith.subi %sign3A_164, %sign3A_167 : i32
    %ne3A_169 = arith.cmpi ne, %sign3A_161, %sign3A_168 : i32
    %rem3A_170 = arith.remsi %mul3A_2, %jit3A_153 : i32
    %ne3A_171 = arith.constant 0 : i32
    %ne3A_172 = arith.cmpi ne, %rem3A_170, %ne3A_171 : i32
    %and3A_173 = arith.andi %ne3A_169, %ne3A_172 : i1
    %sub3A_174 = arith.constant 1 : i32
    %sub3A_175 = arith.subi %div3A_154, %sub3A_174 : i32
    %select_n3A_176 = arith.select %and3A_173, %sub3A_175, %div3A_154 : i32
    %add3A_177 = arith.constant 64 : i32
    %add3A_178 = arith.addi %select_n3A_176, %add3A_177 : i32
    %dma_start3A_179 = arith.constant 1 : i32
    %dma_start3A_180 = arith.constant 1 : i32
    %dma_start3A_181 = arith.constant 0 : i32
    %dma_start3A_182 = arith.constant 0 : i32
    %dma_start3A_183 = tpu.memref_slice %arg7[%dma_start3A_179, %dma_start3A_181, %dma_start3A_182] : memref<4x64x128xf32, #tpu.memory_space<vmem>> -> memref<1x64x128xf32, #tpu.memory_space<vmem>>
    %dma_start3A_184 = tpu.memref_squeeze %dma_start3A_183 : memref<1x64x128xf32, #tpu.memory_space<vmem>> -> memref<64x128xf32, #tpu.memory_space<vmem>>
    %dma_start3A_185 = arith.constant 0 : i32
    %dma_start3A_186 = tpu.memref_slice %arg4[%add3A_178, %dma_start3A_185] : memref<409600x128xf32, #tpu.memory_space<hbm>> -> memref<64x128xf32, #tpu.memory_space<hbm>>
    %dma_start3A_187 = tpu.memref_slice %arg9[%dma_start3A_180] : memref<4x!tpu.dma_semaphore, #tpu.memory_space<semaphore_mem>> -> memref<1x!tpu.dma_semaphore, #tpu.memory_space<semaphore_mem>>
    %dma_start3A_188 = tpu.memref_squeeze %dma_start3A_187 : memref<1x!tpu.dma_semaphore, #tpu.memory_space<semaphore_mem>> -> memref<!tpu.dma_semaphore, #tpu.memory_space<semaphore_mem>>
    %dma_start3A_189 = arith.constant 0 : i32
    %dma_start3A_190 = tpu.memref_slice %arg4[%add3A_178, %dma_start3A_189] : memref<409600x128xf32, #tpu.memory_space<hbm>> -> memref<64x128xf32, #tpu.memory_space<hbm>>
    %dma_start3A_191 = arith.constant 0 : i32
    %dma_start3A_192 = arith.constant 0 : i32
    %dma_start3A_193 = tpu.memref_slice %arg7[%dma_start3A_179, %dma_start3A_191, %dma_start3A_192] : memref<4x64x128xf32, #tpu.memory_space<vmem>> -> memref<1x64x128xf32, #tpu.memory_space<vmem>>
    %dma_start3A_194 = tpu.memref_squeeze %dma_start3A_193 : memref<1x64x128xf32, #tpu.memory_space<vmem>> -> memref<64x128xf32, #tpu.memory_space<vmem>>
    tpu.enqueue_dma source(%dma_start3A_194 : memref<64x128xf32, #tpu.memory_space<vmem>>) target(%dma_start3A_190 : memref<64x128xf32, #tpu.memory_space<hbm>>) target_semaphore(%dma_start3A_188 : memref<!tpu.dma_semaphore, #tpu.memory_space<semaphore_mem>>)
    %dma_start3A_195 = arith.constant 5 : i32
    %dma_start3A_196 = arith.constant 1 : i32
    %dma_start3A_197 = arith.constant 1 : i32
    %dma_start3A_198 = arith.constant 0 : i32
    %dma_start3A_199 = arith.constant 0 : i32
    %dma_start3A_200 = tpu.memref_slice %arg6[%dma_start3A_196, %dma_start3A_198, %dma_start3A_199] : memref<4x128x64xf32, #tpu.memory_space<vmem>> -> memref<1x128x64xf32, #tpu.memory_space<vmem>>
    %dma_start3A_201 = tpu.memref_squeeze %dma_start3A_200 : memref<1x128x64xf32, #tpu.memory_space<vmem>> -> memref<128x64xf32, #tpu.memory_space<vmem>>
    %dma_start3A_202 = arith.constant 0 : i32
    %dma_start3A_203 = tpu.memref_slice %arg5[%dma_start3A_195, %dma_start3A_202] : memref<200x128xi32, #tpu.memory_space<vmem>> -> memref<1x128xi32, #tpu.memory_space<vmem>>
    %dma_start3A_204 = tpu.memref_squeeze %dma_start3A_203 : memref<1x128xi32, #tpu.memory_space<vmem>> -> memref<128xi32, #tpu.memory_space<vmem>>
    %dma_start3A_205 = arith.constant 0 : i32
    %dma_start3A_206 = arith.constant 0 : i32
    %dma_start3A_207 = tpu.memref_slice %arg3[%dma_start3A_205, %dma_start3A_206] : memref<1000000x64xf32, #tpu.memory_space<hbm>> -> memref<1000000x64xf32, #tpu.memory_space<hbm>>
    %dma_start3A_208 = tpu.memref_slice %arg8[%dma_start3A_197] : memref<4x!tpu.dma_semaphore, #tpu.memory_space<semaphore_mem>> -> memref<1x!tpu.dma_semaphore, #tpu.memory_space<semaphore_mem>>
    %dma_start3A_209 = tpu.memref_squeeze %dma_start3A_208 : memref<1x!tpu.dma_semaphore, #tpu.memory_space<semaphore_mem>> -> memref<!tpu.dma_semaphore, #tpu.memory_space<semaphore_mem>>
    tpu.enqueue_indirect_dma source(%dma_start3A_207 : memref<1000000x64xf32, #tpu.memory_space<hbm>>) target(%dma_start3A_201 : memref<128x64xf32, #tpu.memory_space<vmem>>) offsets(%dma_start3A_204 : memref<128xi32, #tpu.memory_space<vmem>>) semaphore(%dma_start3A_209 : memref<!tpu.dma_semaphore, #tpu.memory_space<semaphore_mem>>)
    %dma_wait3A_210 = arith.constant 0 : i32
    %dma_wait3A_211 = arith.constant 2 : i32
    %dma_wait3A_212 = arith.constant 2 : i32
    %dma_wait3A_213 = arith.constant 0 : i32
    %dma_wait3A_214 = arith.constant 0 : i32
    %dma_wait3A_215 = tpu.memref_slice %arg6[%dma_wait3A_211, %dma_wait3A_213, %dma_wait3A_214] : memref<4x128x64xf32, #tpu.memory_space<vmem>> -> memref<1x128x64xf32, #tpu.memory_space<vmem>>
    %dma_wait3A_216 = tpu.memref_squeeze %dma_wait3A_215 : memref<1x128x64xf32, #tpu.memory_space<vmem>> -> memref<128x64xf32, #tpu.memory_space<vmem>>
    %dma_wait3A_217 = arith.constant 0 : i32
    %dma_wait3A_218 = tpu.memref_slice %arg5[%dma_wait3A_210, %dma_wait3A_217] : memref<200x128xi32, #tpu.memory_space<vmem>> -> memref<1x128xi32, #tpu.memory_space<vmem>>
    %dma_wait3A_219 = tpu.memref_squeeze %dma_wait3A_218 : memref<1x128xi32, #tpu.memory_space<vmem>> -> memref<128xi32, #tpu.memory_space<vmem>>
    %dma_wait3A_220 = arith.constant 0 : i32
    %dma_wait3A_221 = arith.constant 0 : i32
    %dma_wait3A_222 = tpu.memref_slice %arg3[%dma_wait3A_220, %dma_wait3A_221] : memref<1000000x64xf32, #tpu.memory_space<hbm>> -> memref<1000000x64xf32, #tpu.memory_space<hbm>>
    %dma_wait3A_223 = tpu.memref_slice %arg8[%dma_wait3A_212] : memref<4x!tpu.dma_semaphore, #tpu.memory_space<semaphore_mem>> -> memref<1x!tpu.dma_semaphore, #tpu.memory_space<semaphore_mem>>
    %dma_wait3A_224 = tpu.memref_squeeze %dma_wait3A_223 : memref<1x!tpu.dma_semaphore, #tpu.memory_space<semaphore_mem>> -> memref<!tpu.dma_semaphore, #tpu.memory_space<semaphore_mem>>
    tpu.wait_indirect_dma semaphore(%dma_wait3A_224 : memref<!tpu.dma_semaphore, #tpu.memory_space<semaphore_mem>>) src(%dma_wait3A_222 : memref<1000000x64xf32, #tpu.memory_space<hbm>>) dst(%dma_wait3A_216 : memref<128x64xf32, #tpu.memory_space<vmem>>)
    %scan3A_225 = arith.constant 0 : i32
    %scan3A_226 = arith.constant 0 : i32
    %scan3A_227 = arith.constant 64 : i32
    %scan3A_228 = arith.addi %scan3A_226, %scan3A_227 : i32
    %scan3A_229 = arith.constant 2 : i32
    %scan3A_230 = scf.for %scan3A_775 = %scan3A_226 to %scan3A_228 step %scan3A_229 iter_args(%scan3A_776 = %scan3A_225) -> (i32)  : i32 {
      %mul3A_777 = arith.constant 2 : i32
      %mul3A_778 = arith.muli %mul3A_777, %scan3A_775 : i32
      %add3A_779 = arith.constant 0 : i32
      %add3A_780 = arith.addi %mul3A_778, %add3A_779 : i32
      %get3A = arith.constant 2 : i32
      %get3A_781 = arith.index_cast %get3A : i32 to index
      %get3A_782 = arith.index_cast %add3A_780 : i32 to index
      %get3A_783 = arith.constant 0 : index
      %get3A_784 = tpu.vector_load %arg6[%get3A_781, %get3A_782, %get3A_783] {strides = array<i32>} : memref<4x128x64xf32, #tpu.memory_space<vmem>>, vector<1x1x16xf32>,
      %get3A_785 = vector.shape_cast %get3A_784 : vector<1x1x16xf32> to vector<16xf32>
      %mul3A_786 = arith.constant 8.000000e+00 : f32
      %mul3A_787 = vector.broadcast %mul3A_786 : f32 to vector<16xf32>
      %mul3A_788 = arith.mulf %get3A_785, %mul3A_787 : vector<16xf32>
      %swap3A = arith.constant 2 : i32
      %swap3A_789 = arith.index_cast %swap3A : i32 to index
      %swap3A_790 = arith.index_cast %scan3A_775 : i32 to index
      %swap3A_791 = arith.constant 0 : index
      %swap3A_792 = tpu.vector_load %arg7[%swap3A_789, %swap3A_790, %swap3A_791] {strides = array<i32>} : memref<4x64x128xf32, #tpu.memory_space<vmem>>, vector<1x1x16xf32>,
      %swap3A_793 = vector.shape_cast %swap3A_792 : vector<1x1x16xf32> to vector<16xf32>
      %swap3A_794 = vector.shape_cast %mul3A_788 : vector<16xf32> to vector<1x1x16xf32>
      tpu.vector_store %arg7[%swap3A_789, %swap3A_790, %swap3A_791], %swap3A_794 {strides = array<i32>} : memref<4x64x128xf32, #tpu.memory_space<vmem>>, vector<1x1x16xf32>,
      %mul3A_795 = arith.constant 2 : i32
      %mul3A_796 = arith.muli %mul3A_795, %scan3A_775 : i32
      %add3A_797 = arith.constant 0 : i32
      %add3A_798 = arith.addi %mul3A_796, %add3A_797 : i32
      %get3A_799 = arith.constant 2 : i32
      %get3A_800 = arith.index_cast %get3A_799 : i32 to index
      %get3A_801 = arith.index_cast %add3A_798 : i32 to index
      %get3A_802 = arith.constant 16 : index
      %get3A_803 = tpu.vector_load %arg6[%get3A_800, %get3A_801, %get3A_802] {strides = array<i32>} : memref<4x128x64xf32, #tpu.memory_space<vmem>>, vector<1x1x16xf32>,
      %get3A_804 = vector.shape_cast %get3A_803 : vector<1x1x16xf32> to vector<16xf32>
      %mul3A_805 = arith.constant 8.000000e+00 : f32
      %mul3A_806 = vector.broadcast %mul3A_805 : f32 to vector<16xf32>
      %mul3A_807 = arith.mulf %get3A_804, %mul3A_806 : vector<16xf32>
      %swap3A_808 = arith.constant 2 : i32
      %swap3A_809 = arith.index_cast %swap3A_808 : i32 to index
      %swap3A_810 = arith.index_cast %scan3A_775 : i32 to index
      %swap3A_811 = arith.constant 16 : index
      %swap3A_812 = tpu.vector_load %arg7[%swap3A_809, %swap3A_810, %swap3A_811] {strides = array<i32>} : memref<4x64x128xf32, #tpu.memory_space<vmem>>, vector<1x1x16xf32>,
      %swap3A_813 = vector.shape_cast %swap3A_812 : vector<1x1x16xf32> to vector<16xf32>
      %swap3A_814 = vector.shape_cast %mul3A_807 : vector<16xf32> to vector<1x1x16xf32>
      tpu.vector_store %arg7[%swap3A_809, %swap3A_810, %swap3A_811], %swap3A_814 {strides = array<i32>} : memref<4x64x128xf32, #tpu.memory_space<vmem>>, vector<1x1x16xf32>,
      %mul3A_815 = arith.constant 2 : i32
      %mul3A_816 = arith.muli %mul3A_815, %scan3A_775 : i32
      %add3A_817 = arith.constant 0 : i32
      %add3A_818 = arith.addi %mul3A_816, %add3A_817 : i32
      %get3A_819 = arith.constant 2 : i32
      %get3A_820 = arith.index_cast %get3A_819 : i32 to index
      %get3A_821 = arith.index_cast %add3A_818 : i32 to index
      %get3A_822 = arith.constant 32 : index
      %get3A_823 = tpu.vector_load %arg6[%get3A_820, %get3A_821, %get3A_822] {strides = array<i32>} : memref<4x128x64xf32, #tpu.memory_space<vmem>>, vector<1x1x16xf32>,
      %get3A_824 = vector.shape_cast %get3A_823 : vector<1x1x16xf32> to vector<16xf32>
      %mul3A_825 = arith.constant 8.000000e+00 : f32
      %mul3A_826 = vector.broadcast %mul3A_825 : f32 to vector<16xf32>
      %mul3A_827 = arith.mulf %get3A_824, %mul3A_826 : vector<16xf32>
      %swap3A_828 = arith.constant 2 : i32
      %swap3A_829 = arith.index_cast %swap3A_828 : i32 to index
      %swap3A_830 = arith.index_cast %scan3A_775 : i32 to index
      %swap3A_831 = arith.constant 32 : index
      %swap3A_832 = tpu.vector_load %arg7[%swap3A_829, %swap3A_830, %swap3A_831] {strides = array<i32>} : memref<4x64x128xf32, #tpu.memory_space<vmem>>, vector<1x1x16xf32>,
      %swap3A_833 = vector.shape_cast %swap3A_832 : vector<1x1x16xf32> to vector<16xf32>
      %swap3A_834 = vector.shape_cast %mul3A_827 : vector<16xf32> to vector<1x1x16xf32>
      tpu.vector_store %arg7[%swap3A_829, %swap3A_830, %swap3A_831], %swap3A_834 {strides = array<i32>} : memref<4x64x128xf32, #tpu.memory_space<vmem>>, vector<1x1x16xf32>,
      %mul3A_835 = arith.constant 2 : i32
      %mul3A_836 = arith.muli %mul3A_835, %scan3A_775 : i32
      %add3A_837 = arith.constant 0 : i32
      %add3A_838 = arith.addi %mul3A_836, %add3A_837 : i32
      %get3A_839 = arith.constant 2 : i32
      %get3A_840 = arith.index_cast %get3A_839 : i32 to index
      %get3A_841 = arith.index_cast %add3A_838 : i32 to index
      %get3A_842 = arith.constant 48 : index
      %get3A_843 = tpu.vector_load %arg6[%get3A_840, %get3A_841, %get3A_842] {strides = array<i32>} : memref<4x128x64xf32, #tpu.memory_space<vmem>>, vector<1x1x16xf32>,
      %get3A_844 = vector.shape_cast %get3A_843 : vector<1x1x16xf32> to vector<16xf32>
      %mul3A_845 = arith.constant 8.000000e+00 : f32
      %mul3A_846 = vector.broadcast %mul3A_845 : f32 to vector<16xf32>
      %mul3A_847 = arith.mulf %get3A_844, %mul3A_846 : vector<16xf32>
      %swap3A_848 = arith.constant 2 : i32
      %swap3A_849 = arith.index_cast %swap3A_848 : i32 to index
      %swap3A_850 = arith.index_cast %scan3A_775 : i32 to index
      %swap3A_851 = arith.constant 48 : index
      %swap3A_852 = tpu.vector_load %arg7[%swap3A_849, %swap3A_850, %swap3A_851] {strides = array<i32>} : memref<4x64x128xf32, #tpu.memory_space<vmem>>, vector<1x1x16xf32>,
      %swap3A_853 = vector.shape_cast %swap3A_852 : vector<1x1x16xf32> to vector<16xf32>
      %swap3A_854 = vector.shape_cast %mul3A_847 : vector<16xf32> to vector<1x1x16xf32>
      tpu.vector_store %arg7[%swap3A_849, %swap3A_850, %swap3A_851], %swap3A_854 {strides = array<i32>} : memref<4x64x128xf32, #tpu.memory_space<vmem>>, vector<1x1x16xf32>,
      %mul3A_855 = arith.constant 2 : i32
      %mul3A_856 = arith.muli %mul3A_855, %scan3A_775 : i32
      %add3A_857 = arith.constant 1 : i32
      %add3A_858 = arith.addi %mul3A_856, %add3A_857 : i32
      %get3A_859 = arith.constant 2 : i32
      %get3A_860 = arith.index_cast %get3A_859 : i32 to index
      %get3A_861 = arith.index_cast %add3A_858 : i32 to index
      %get3A_862 = arith.constant 0 : index
      %get3A_863 = tpu.vector_load %arg6[%get3A_860, %get3A_861, %get3A_862] {strides = array<i32>} : memref<4x128x64xf32, #tpu.memory_space<vmem>>, vector<1x1x16xf32>,
      %get3A_864 = vector.shape_cast %get3A_863 : vector<1x1x16xf32> to vector<16xf32>
      %mul3A_865 = arith.constant 8.000000e+00 : f32
      %mul3A_866 = vector.broadcast %mul3A_865 : f32 to vector<16xf32>
      %mul3A_867 = arith.mulf %get3A_864, %mul3A_866 : vector<16xf32>
      %swap3A_868 = arith.constant 2 : i32
      %swap3A_869 = arith.index_cast %swap3A_868 : i32 to index
      %swap3A_870 = arith.index_cast %scan3A_775 : i32 to index
      %swap3A_871 = arith.constant 64 : index
      %swap3A_872 = tpu.vector_load %arg7[%swap3A_869, %swap3A_870, %swap3A_871] {strides = array<i32>} : memref<4x64x128xf32, #tpu.memory_space<vmem>>, vector<1x1x16xf32>,
      %swap3A_873 = vector.shape_cast %swap3A_872 : vector<1x1x16xf32> to vector<16xf32>
      %swap3A_874 = vector.shape_cast %mul3A_867 : vector<16xf32> to vector<1x1x16xf32>
      tpu.vector_store %arg7[%swap3A_869, %swap3A_870, %swap3A_871], %swap3A_874 {strides = array<i32>} : memref<4x64x128xf32, #tpu.memory_space<vmem>>, vector<1x1x16xf32>,
      %mul3A_875 = arith.constant 2 : i32
      %mul3A_876 = arith.muli %mul3A_875, %scan3A_775 : i32
      %add3A_877 = arith.constant 1 : i32
      %add3A_878 = arith.addi %mul3A_876, %add3A_877 : i32
      %get3A_879 = arith.constant 2 : i32
      %get3A_880 = arith.index_cast %get3A_879 : i32 to index
      %get3A_881 = arith.index_cast %add3A_878 : i32 to index
      %get3A_882 = arith.constant 16 : index
      %get3A_883 = tpu.vector_load %arg6[%get3A_880, %get3A_881, %get3A_882] {strides = array<i32>} : memref<4x128x64xf32, #tpu.memory_space<vmem>>, vector<1x1x16xf32>,
      %get3A_884 = vector.shape_cast %get3A_883 : vector<1x1x16xf32> to vector<16xf32>
      %mul3A_885 = arith.constant 8.000000e+00 : f32
      %mul3A_886 = vector.broadcast %mul3A_885 : f32 to vector<16xf32>
      %mul3A_887 = arith.mulf %get3A_884, %mul3A_886 : vector<16xf32>
      %swap3A_888 = arith.constant 2 : i32
      %swap3A_889 = arith.index_cast %swap3A_888 : i32 to index
      %swap3A_890 = arith.index_cast %scan3A_775 : i32 to index
      %swap3A_891 = arith.constant 80 : index
      %swap3A_892 = tpu.vector_load %arg7[%swap3A_889, %swap3A_890, %swap3A_891] {strides = array<i32>} : memref<4x64x128xf32, #tpu.memory_space<vmem>>, vector<1x1x16xf32>,
      %swap3A_893 = vector.shape_cast %swap3A_892 : vector<1x1x16xf32> to vector<16xf32>
      %swap3A_894 = vector.shape_cast %mul3A_887 : vector<16xf32> to vector<1x1x16xf32>
      tpu.vector_store %arg7[%swap3A_889, %swap3A_890, %swap3A_891], %swap3A_894 {strides = array<i32>} : memref<4x64x128xf32, #tpu.memory_space<vmem>>, vector<1x1x16xf32>,
      %mul3A_895 = arith.constant 2 : i32
      %mul3A_896 = arith.muli %mul3A_895, %scan3A_775 : i32
      %add3A_897 = arith.constant 1 : i32
      %add3A_898 = arith.addi %mul3A_896, %add3A_897 : i32
      %get3A_899 = arith.constant 2 : i32
      %get3A_900 = arith.index_cast %get3A_899 : i32 to index
      %get3A_901 = arith.index_cast %add3A_898 : i32 to index
      %get3A_902 = arith.constant 32 : index
      %get3A_903 = tpu.vector_load %arg6[%get3A_900, %get3A_901, %get3A_902] {strides = array<i32>} : memref<4x128x64xf32, #tpu.memory_space<vmem>>, vector<1x1x16xf32>,
      %get3A_904 = vector.shape_cast %get3A_903 : vector<1x1x16xf32> to vector<16xf32>
      %mul3A_905 = arith.constant 8.000000e+00 : f32
      %mul3A_906 = vector.broadcast %mul3A_905 : f32 to vector<16xf32>
      %mul3A_907 = arith.mulf %get3A_904, %mul3A_906 : vector<16xf32>
      %swap3A_908 = arith.constant 2 : i32
      %swap3A_909 = arith.index_cast %swap3A_908 : i32 to index
      %swap3A_910 = arith.index_cast %scan3A_775 : i32 to index
      %swap3A_911 = arith.constant 96 : index
      %swap3A_912 = tpu.vector_load %arg7[%swap3A_909, %swap3A_910, %swap3A_911] {strides = array<i32>} : memref<4x64x128xf32, #tpu.memory_space<vmem>>, vector<1x1x16xf32>,
      %swap3A_913 = vector.shape_cast %swap3A_912 : vector<1x1x16xf32> to vector<16xf32>
      %swap3A_914 = vector.shape_cast %mul3A_907 : vector<16xf32> to vector<1x1x16xf32>
      tpu.vector_store %arg7[%swap3A_909, %swap3A_910, %swap3A_911], %swap3A_914 {strides = array<i32>} : memref<4x64x128xf32, #tpu.memory_space<vmem>>, vector<1x1x16xf32>,
      %mul3A_915 = arith.constant 2 : i32
      %mul3A_916 = arith.muli %mul3A_915, %scan3A_775 : i32
      %add3A_917 = arith.constant 1 : i32
      %add3A_918 = arith.addi %mul3A_916, %add3A_917 : i32
      %get3A_919 = arith.constant 2 : i32
      %get3A_920 = arith.index_cast %get3A_919 : i32 to index
      %get3A_921 = arith.index_cast %add3A_918 : i32 to index
      %get3A_922 = arith.constant 48 : index
      %get3A_923 = tpu.vector_load %arg6[%get3A_920, %get3A_921, %get3A_922] {strides = array<i32>} : memref<4x128x64xf32, #tpu.memory_space<vmem>>, vector<1x1x16xf32>,
      %get3A_924 = vector.shape_cast %get3A_923 : vector<1x1x16xf32> to vector<16xf32>
      %mul3A_925 = arith.constant 8.000000e+00 : f32
      %mul3A_926 = vector.broadcast %mul3A_925 : f32 to vector<16xf32>
      %mul3A_927 = arith.mulf %get3A_924, %mul3A_926 : vector<16xf32>
      %swap3A_928 = arith.constant 2 : i32
      %swap3A_929 = arith.index_cast %swap3A_928 : i32 to index
      %swap3A_930 = arith.index_cast %scan3A_775 : i32 to index
      %swap3A_931 = arith.constant 112 : index
      %swap3A_932 = tpu.vector_load %arg7[%swap3A_929, %swap3A_930, %swap3A_931] {strides = array<i32>} : memref<4x64x128xf32, #tpu.memory_space<vmem>>, vector<1x1x16xf32>,
      %swap3A_933 = vector.shape_cast %swap3A_932 : vector<1x1x16xf32> to vector<16xf32>
      %swap3A_934 = vector.shape_cast %mul3A_927 : vector<16xf32> to vector<1x1x16xf32>
      tpu.vector_store %arg7[%swap3A_929, %swap3A_930, %swap3A_931], %swap3A_934 {strides = array<i32>} : memref<4x64x128xf32, #tpu.memory_space<vmem>>, vector<1x1x16xf32>,
      %scan3A_935 = arith.constant 0 : i32
      %scan3A_936 = arith.constant 1 : i32
      %scan3A_937 = arith.addi %scan3A_775, %scan3A_936 : i32
      %mul3A_938 = arith.constant 2 : i32
      %mul3A_939 = arith.muli %mul3A_938, %scan3A_937 : i32
      %add3A_940 = arith.constant 0 : i32
      %add3A_941 = arith.addi %mul3A_939, %add3A_940 : i32
      %get3A_942 = arith.constant 2 : i32
      %get3A_943 = arith.index_cast %get3A_942 : i32 to index
      %get3A_944 = arith.index_cast %add3A_941 : i32 to index
      %get3A_945 = arith.constant 0 : index
      %get3A_946 = tpu.vector_load %arg6[%get3A_943, %get3A_944, %get3A_945] {strides = array<i32>} : memref<4x128x64xf32, #tpu.memory_space<vmem>>, vector<1x1x16xf32>,
      %get3A_947 = vector.shape_cast %get3A_946 : vector<1x1x16xf32> to vector<16xf32>
      %mul3A_948 = arith.constant 8.000000e+00 : f32
      %mul3A_949 = vector.broadcast %mul3A_948 : f32 to vector<16xf32>
      %mul3A_950 = arith.mulf %get3A_947, %mul3A_949 : vector<16xf32>
      %swap3A_951 = arith.constant 2 : i32
      %swap3A_952 = arith.index_cast %swap3A_951 : i32 to index
      %swap3A_953 = arith.index_cast %scan3A_937 : i32 to index
      %swap3A_954 = arith.constant 0 : index
      %swap3A_955 = tpu.vector_load %arg7[%swap3A_952, %swap3A_953, %swap3A_954] {strides = array<i32>} : memref<4x64x128xf32, #tpu.memory_space<vmem>>, vector<1x1x16xf32>,
      %swap3A_956 = vector.shape_cast %swap3A_955 : vector<1x1x16xf32> to vector<16xf32>
      %swap3A_957 = vector.shape_cast %mul3A_950 : vector<16xf32> to vector<1x1x16xf32>
      tpu.vector_store %arg7[%swap3A_952, %swap3A_953, %swap3A_954], %swap3A_957 {strides = array<i32>} : memref<4x64x128xf32, #tpu.memory_space<vmem>>, vector<1x1x16xf32>,
      %mul3A_958 = arith.constant 2 : i32
      %mul3A_959 = arith.muli %mul3A_958, %scan3A_937 : i32
      %add3A_960 = arith.constant 0 : i32
      %add3A_961 = arith.addi %mul3A_959, %add3A_960 : i32
      %get3A_962 = arith.constant 2 : i32
      %get3A_963 = arith.index_cast %get3A_962 : i32 to index
      %get3A_964 = arith.index_cast %add3A_961 : i32 to index
      %get3A_965 = arith.constant 16 : index
      %get3A_966 = tpu.vector_load %arg6[%get3A_963, %get3A_964, %get3A_965] {strides = array<i32>} : memref<4x128x64xf32, #tpu.memory_space<vmem>>, vector<1x1x16xf32>,
      %get3A_967 = vector.shape_cast %get3A_966 : vector<1x1x16xf32> to vector<16xf32>
      %mul3A_968 = arith.constant 8.000000e+00 : f32
      %mul3A_969 = vector.broadcast %mul3A_968 : f32 to vector<16xf32>
      %mul3A_970 = arith.mulf %get3A_967, %mul3A_969 : vector<16xf32>
      %swap3A_971 = arith.constant 2 : i32
      %swap3A_972 = arith.index_cast %swap3A_971 : i32 to index
      %swap3A_973 = arith.index_cast %scan3A_937 : i32 to index
      %swap3A_974 = arith.constant 16 : index
      %swap3A_975 = tpu.vector_load %arg7[%swap3A_972, %swap3A_973, %swap3A_974] {strides = array<i32>} : memref<4x64x128xf32, #tpu.memory_space<vmem>>, vector<1x1x16xf32>,
      %swap3A_976 = vector.shape_cast %swap3A_975 : vector<1x1x16xf32> to vector<16xf32>
      %swap3A_977 = vector.shape_cast %mul3A_970 : vector<16xf32> to vector<1x1x16xf32>
      tpu.vector_store %arg7[%swap3A_972, %swap3A_973, %swap3A_974], %swap3A_977 {strides = array<i32>} : memref<4x64x128xf32, #tpu.memory_space<vmem>>, vector<1x1x16xf32>,
      %mul3A_978 = arith.constant 2 : i32
      %mul3A_979 = arith.muli %mul3A_978, %scan3A_937 : i32
      %add3A_980 = arith.constant 0 : i32
      %add3A_981 = arith.addi %mul3A_979, %add3A_980 : i32
      %get3A_982 = arith.constant 2 : i32
      %get3A_983 = arith.index_cast %get3A_982 : i32 to index
      %get3A_984 = arith.index_cast %add3A_981 : i32 to index
      %get3A_985 = arith.constant 32 : index
      %get3A_986 = tpu.vector_load %arg6[%get3A_983, %get3A_984, %get3A_985] {strides = array<i32>} : memref<4x128x64xf32, #tpu.memory_space<vmem>>, vector<1x1x16xf32>,
      %get3A_987 = vector.shape_cast %get3A_986 : vector<1x1x16xf32> to vector<16xf32>
      %mul3A_988 = arith.constant 8.000000e+00 : f32
      %mul3A_989 = vector.broadcast %mul3A_988 : f32 to vector<16xf32>
      %mul3A_990 = arith.mulf %get3A_987, %mul3A_989 : vector<16xf32>
      %swap3A_991 = arith.constant 2 : i32
      %swap3A_992 = arith.index_cast %swap3A_991 : i32 to index
      %swap3A_993 = arith.index_cast %scan3A_937 : i32 to index
      %swap3A_994 = arith.constant 32 : index
      %swap3A_995 = tpu.vector_load %arg7[%swap3A_992, %swap3A_993, %swap3A_994] {strides = array<i32>} : memref<4x64x128xf32, #tpu.memory_space<vmem>>, vector<1x1x16xf32>,
      %swap3A_996 = vector.shape_cast %swap3A_995 : vector<1x1x16xf32> to vector<16xf32>
      %swap3A_997 = vector.shape_cast %mul3A_990 : vector<16xf32> to vector<1x1x16xf32>
      tpu.vector_store %arg7[%swap3A_992, %swap3A_993, %swap3A_994], %swap3A_997 {strides = array<i32>} : memref<4x64x128xf32, #tpu.memory_space<vmem>>, vector<1x1x16xf32>,
      %mul3A_998 = arith.constant 2 : i32
      %mul3A_999 = arith.muli %mul3A_998, %scan3A_937 : i32
      %add3A_1000 = arith.constant 0 : i32
      %add3A_1001 = arith.addi %mul3A_999, %add3A_1000 : i32
      %get3A_1002 = arith.constant 2 : i32
      %get3A_1003 = arith.index_cast %get3A_1002 : i32 to index
      %get3A_1004 = arith.index_cast %add3A_1001 : i32 to index
      %get3A_1005 = arith.constant 48 : index
      %get3A_1006 = tpu.vector_load %arg6[%get3A_1003, %get3A_1004, %get3A_1005] {strides = array<i32>} : memref<4x128x64xf32, #tpu.memory_space<vmem>>, vector<1x1x16xf32>,
      %get3A_1007 = vector.shape_cast %get3A_1006 : vector<1x1x16xf32> to vector<16xf32>
      %mul3A_1008 = arith.constant 8.000000e+00 : f32
      %mul3A_1009 = vector.broadcast %mul3A_1008 : f32 to vector<16xf32>
      %mul3A_1010 = arith.mulf %get3A_1007, %mul3A_1009 : vector<16xf32>
      %swap3A_1011 = arith.constant 2 : i32
      %swap3A_1012 = arith.index_cast %swap3A_1011 : i32 to index
      %swap3A_1013 = arith.index_cast %scan3A_937 : i32 to index
      %swap3A_1014 = arith.constant 48 : index
      %swap3A_1015 = tpu.vector_load %arg7[%swap3A_1012, %swap3A_1013, %swap3A_1014] {strides = array<i32>} : memref<4x64x128xf32, #tpu.memory_space<vmem>>, vector<1x1x16xf32>,
      %swap3A_1016 = vector.shape_cast %swap3A_1015 : vector<1x1x16xf32> to vector<16xf32>
      %swap3A_1017 = vector.shape_cast %mul3A_1010 : vector<16xf32> to vector<1x1x16xf32>
      tpu.vector_store %arg7[%swap3A_1012, %swap3A_1013, %swap3A_1014], %swap3A_1017 {strides = array<i32>} : memref<4x64x128xf32, #tpu.memory_space<vmem>>, vector<1x1x16xf32>,
      %mul3A_1018 = arith.constant 2 : i32
      %mul3A_1019 = arith.muli %mul3A_1018, %scan3A_937 : i32
      %add3A_1020 = arith.constant 1 : i32
      %add3A_1021 = arith.addi %mul3A_1019, %add3A_1020 : i32
      %get3A_1022 = arith.constant 2 : i32
      %get3A_1023 = arith.index_cast %get3A_1022 : i32 to index
      %get3A_1024 = arith.index_cast %add3A_1021 : i32 to index
      %get3A_1025 = arith.constant 0 : index
      %get3A_1026 = tpu.vector_load %arg6[%get3A_1023, %get3A_1024, %get3A_1025] {strides = array<i32>} : memref<4x128x64xf32, #tpu.memory_space<vmem>>, vector<1x1x16xf32>,
      %get3A_1027 = vector.shape_cast %get3A_1026 : vector<1x1x16xf32> to vector<16xf32>
      %mul3A_1028 = arith.constant 8.000000e+00 : f32
      %mul3A_1029 = vector.broadcast %mul3A_1028 : f32 to vector<16xf32>
      %mul3A_1030 = arith.mulf %get3A_1027, %mul3A_1029 : vector<16xf32>
      %swap3A_1031 = arith.constant 2 : i32
      %swap3A_1032 = arith.index_cast %swap3A_1031 : i32 to index
      %swap3A_1033 = arith.index_cast %scan3A_937 : i32 to index
      %swap3A_1034 = arith.constant 64 : index
      %swap3A_1035 = tpu.vector_load %arg7[%swap3A_1032, %swap3A_1033, %swap3A_1034] {strides = array<i32>} : memref<4x64x128xf32, #tpu.memory_space<vmem>>, vector<1x1x16xf32>,
      %swap3A_1036 = vector.shape_cast %swap3A_1035 : vector<1x1x16xf32> to vector<16xf32>
      %swap3A_1037 = vector.shape_cast %mul3A_1030 : vector<16xf32> to vector<1x1x16xf32>
      tpu.vector_store %arg7[%swap3A_1032, %swap3A_1033, %swap3A_1034], %swap3A_1037 {strides = array<i32>} : memref<4x64x128xf32, #tpu.memory_space<vmem>>, vector<1x1x16xf32>,
      %mul3A_1038 = arith.constant 2 : i32
      %mul3A_1039 = arith.muli %mul3A_1038, %scan3A_937 : i32
      %add3A_1040 = arith.constant 1 : i32
      %add3A_1041 = arith.addi %mul3A_1039, %add3A_1040 : i32
      %get3A_1042 = arith.constant 2 : i32
      %get3A_1043 = arith.index_cast %get3A_1042 : i32 to index
      %get3A_1044 = arith.index_cast %add3A_1041 : i32 to index
      %get3A_1045 = arith.constant 16 : index
      %get3A_1046 = tpu.vector_load %arg6[%get3A_1043, %get3A_1044, %get3A_1045] {strides = array<i32>} : memref<4x128x64xf32, #tpu.memory_space<vmem>>, vector<1x1x16xf32>,
      %get3A_1047 = vector.shape_cast %get3A_1046 : vector<1x1x16xf32> to vector<16xf32>
      %mul3A_1048 = arith.constant 8.000000e+00 : f32
      %mul3A_1049 = vector.broadcast %mul3A_1048 : f32 to vector<16xf32>
      %mul3A_1050 = arith.mulf %get3A_1047, %mul3A_1049 : vector<16xf32>
      %swap3A_1051 = arith.constant 2 : i32
      %swap3A_1052 = arith.index_cast %swap3A_1051 : i32 to index
      %swap3A_1053 = arith.index_cast %scan3A_937 : i32 to index
      %swap3A_1054 = arith.constant 80 : index
      %swap3A_1055 = tpu.vector_load %arg7[%swap3A_1052, %swap3A_1053, %swap3A_1054] {strides = array<i32>} : memref<4x64x128xf32, #tpu.memory_space<vmem>>, vector<1x1x16xf32>,
      %swap3A_1056 = vector.shape_cast %swap3A_1055 : vector<1x1x16xf32> to vector<16xf32>
      %swap3A_1057 = vector.shape_cast %mul3A_1050 : vector<16xf32> to vector<1x1x16xf32>
      tpu.vector_store %arg7[%swap3A_1052, %swap3A_1053, %swap3A_1054], %swap3A_1057 {strides = array<i32>} : memref<4x64x128xf32, #tpu.memory_space<vmem>>, vector<1x1x16xf32>,
      %mul3A_1058 = arith.constant 2 : i32
      %mul3A_1059 = arith.muli %mul3A_1058, %scan3A_937 : i32
      %add3A_1060 = arith.constant 1 : i32
      %add3A_1061 = arith.addi %mul3A_1059, %add3A_1060 : i32
      %get3A_1062 = arith.constant 2 : i32
      %get3A_1063 = arith.index_cast %get3A_1062 : i32 to index
      %get3A_1064 = arith.index_cast %add3A_1061 : i32 to index
      %get3A_1065 = arith.constant 32 : index
      %get3A_1066 = tpu.vector_load %arg6[%get3A_1063, %get3A_1064, %get3A_1065] {strides = array<i32>} : memref<4x128x64xf32, #tpu.memory_space<vmem>>, vector<1x1x16xf32>,
      %get3A_1067 = vector.shape_cast %get3A_1066 : vector<1x1x16xf32> to vector<16xf32>
      %mul3A_1068 = arith.constant 8.000000e+00 : f32
      %mul3A_1069 = vector.broadcast %mul3A_1068 : f32 to vector<16xf32>
      %mul3A_1070 = arith.mulf %get3A_1067, %mul3A_1069 : vector<16xf32>
      %swap3A_1071 = arith.constant 2 : i32
      %swap3A_1072 = arith.index_cast %swap3A_1071 : i32 to index
      %swap3A_1073 = arith.index_cast %scan3A_937 : i32 to index
      %swap3A_1074 = arith.constant 96 : index
      %swap3A_1075 = tpu.vector_load %arg7[%swap3A_1072, %swap3A_1073, %swap3A_1074] {strides = array<i32>} : memref<4x64x128xf32, #tpu.memory_space<vmem>>, vector<1x1x16xf32>,
      %swap3A_1076 = vector.shape_cast %swap3A_1075 : vector<1x1x16xf32> to vector<16xf32>
      %swap3A_1077 = vector.shape_cast %mul3A_1070 : vector<16xf32> to vector<1x1x16xf32>
      tpu.vector_store %arg7[%swap3A_1072, %swap3A_1073, %swap3A_1074], %swap3A_1077 {strides = array<i32>} : memref<4x64x128xf32, #tpu.memory_space<vmem>>, vector<1x1x16xf32>,
      %mul3A_1078 = arith.constant 2 : i32
      %mul3A_1079 = arith.muli %mul3A_1078, %scan3A_937 : i32
      %add3A_1080 = arith.constant 1 : i32
      %add3A_1081 = arith.addi %mul3A_1079, %add3A_1080 : i32
      %get3A_1082 = arith.constant 2 : i32
      %get3A_1083 = arith.index_cast %get3A_1082 : i32 to index
      %get3A_1084 = arith.index_cast %add3A_1081 : i32 to index
      %get3A_1085 = arith.constant 48 : index
      %get3A_1086 = tpu.vector_load %arg6[%get3A_1083, %get3A_1084, %get3A_1085] {strides = array<i32>} : memref<4x128x64xf32, #tpu.memory_space<vmem>>, vector<1x1x16xf32>,
      %get3A_1087 = vector.shape_cast %get3A_1086 : vector<1x1x16xf32> to vector<16xf32>
      %mul3A_1088 = arith.constant 8.000000e+00 : f32
      %mul3A_1089 = vector.broadcast %mul3A_1088 : f32 to vector<16xf32>
      %mul3A_1090 = arith.mulf %get3A_1087, %mul3A_1089 : vector<16xf32>
      %swap3A_1091 = arith.constant 2 : i32
      %swap3A_1092 = arith.index_cast %swap3A_1091 : i32 to index
      %swap3A_1093 = arith.index_cast %scan3A_937 : i32 to index
      %swap3A_1094 = arith.constant 112 : index
      %swap3A_1095 = tpu.vector_load %arg7[%swap3A_1092, %swap3A_1093, %swap3A_1094] {strides = array<i32>} : memref<4x64x128xf32, #tpu.memory_space<vmem>>, vector<1x1x16xf32>,
      %swap3A_1096 = vector.shape_cast %swap3A_1095 : vector<1x1x16xf32> to vector<16xf32>
      %swap3A_1097 = vector.shape_cast %mul3A_1090 : vector<16xf32> to vector<1x1x16xf32>
      tpu.vector_store %arg7[%swap3A_1092, %swap3A_1093, %swap3A_1094], %swap3A_1097 {strides = array<i32>} : memref<4x64x128xf32, #tpu.memory_space<vmem>>, vector<1x1x16xf32>,
      %scan3A_1098 = arith.constant 0 : i32
      scf.yield %scan3A_1098 : i32
    }
    %scan3A_231 = arith.constant 64 : i32
    %jit3A_232 = arith.constant 2 : i32
    %div3A_233 = arith.divsi %mul3A_2, %jit3A_232 : i32
    %sign3A_234 = arith.constant 0 : i32
    %sign3A_235 = arith.cmpi sgt, %mul3A_2, %sign3A_234 : i32
    %sign3A_236 = arith.extui %sign3A_235 : i1 to i32
    %sign3A_237 = arith.constant 0 : i32
    %sign3A_238 = arith.cmpi slt, %mul3A_2, %sign3A_237 : i32
    %sign3A_239 = arith.extui %sign3A_238 : i1 to i32
    %sign3A_240 = arith.subi %sign3A_236, %sign3A_239 : i32
    %sign3A_241 = arith.constant 0 : i32
    %sign3A_242 = arith.cmpi sgt, %jit3A_232, %sign3A_241 : i32
    %sign3A_243 = arith.extui %sign3A_242 : i1 to i32
    %sign3A_244 = arith.constant 0 : i32
    %sign3A_245 = arith.cmpi slt, %jit3A_232, %sign3A_244 : i32
    %sign3A_246 = arith.extui %sign3A_245 : i1 to i32
    %sign3A_247 = arith.subi %sign3A_243, %sign3A_246 : i32
    %ne3A_248 = arith.cmpi ne, %sign3A_240, %sign3A_247 : i32
    %rem3A_249 = arith.remsi %mul3A_2, %jit3A_232 : i32
    %ne3A_250 = arith.constant 0 : i32
    %ne3A_251 = arith.cmpi ne, %rem3A_249, %ne3A_250 : i32
    %and3A_252 = arith.andi %ne3A_248, %ne3A_251 : i1
    %sub3A_253 = arith.constant 1 : i32
    %sub3A_254 = arith.subi %div3A_233, %sub3A_253 : i32
    %select_n3A_255 = arith.select %and3A_252, %sub3A_254, %div3A_233 : i32
    %add3A_256 = arith.constant 128 : i32
    %add3A_257 = arith.addi %select_n3A_255, %add3A_256 : i32
    %dma_start3A_258 = arith.constant 2 : i32
    %dma_start3A_259 = arith.constant 2 : i32
    %dma_start3A_260 = arith.constant 0 : i32
    %dma_start3A_261 = arith.constant 0 : i32
    %dma_start3A_262 = tpu.memref_slice %arg7[%dma_start3A_258, %dma_start3A_260, %dma_start3A_261] : memref<4x64x128xf32, #tpu.memory_space<vmem>> -> memref<1x64x128xf32, #tpu.memory_space<vmem>>
    %dma_start3A_263 = tpu.memref_squeeze %dma_start3A_262 : memref<1x64x128xf32, #tpu.memory_space<vmem>> -> memref<64x128xf32, #tpu.memory_space<vmem>>
    %dma_start3A_264 = arith.constant 0 : i32
    %dma_start3A_265 = tpu.memref_slice %arg4[%add3A_257, %dma_start3A_264] : memref<409600x128xf32, #tpu.memory_space<hbm>> -> memref<64x128xf32, #tpu.memory_space<hbm>>
    %dma_start3A_266 = tpu.memref_slice %arg9[%dma_start3A_259] : memref<4x!tpu.dma_semaphore, #tpu.memory_space<semaphore_mem>> -> memref<1x!tpu.dma_semaphore, #tpu.memory_space<semaphore_mem>>
    %dma_start3A_267 = tpu.memref_squeeze %dma_start3A_266 : memref<1x!tpu.dma_semaphore, #tpu.memory_space<semaphore_mem>> -> memref<!tpu.dma_semaphore, #tpu.memory_space<semaphore_mem>>
    %dma_start3A_268 = arith.constant 0 : i32
    %dma_start3A_269 = tpu.memref_slice %arg4[%add3A_257, %dma_start3A_268] : memref<409600x128xf32, #tpu.memory_space<hbm>> -> memref<64x128xf32, #tpu.memory_space<hbm>>
    %dma_start3A_270 = arith.constant 0 : i32
    %dma_start3A_271 = arith.constant 0 : i32
    %dma_start3A_272 = tpu.memref_slice %arg7[%dma_start3A_258, %dma_start3A_270, %dma_start3A_271] : memref<4x64x128xf32, #tpu.memory_space<vmem>> -> memref<1x64x128xf32, #tpu.memory_space<vmem>>
    %dma_start3A_273 = tpu.memref_squeeze %dma_start3A_272 : memref<1x64x128xf32, #tpu.memory_space<vmem>> -> memref<64x128xf32, #tpu.memory_space<vmem>>
    tpu.enqueue_dma source(%dma_start3A_273 : memref<64x128xf32, #tpu.memory_space<vmem>>) target(%dma_start3A_269 : memref<64x128xf32, #tpu.memory_space<hbm>>) target_semaphore(%dma_start3A_267 : memref<!tpu.dma_semaphore, #tpu.memory_space<semaphore_mem>>)
    %dma_start3A_274 = arith.constant 6 : i32
    %dma_start3A_275 = arith.constant 2 : i32
    %dma_start3A_276 = arith.constant 2 : i32
    %dma_start3A_277 = arith.constant 0 : i32
    %dma_start3A_278 = arith.constant 0 : i32
    %dma_start3A_279 = tpu.memref_slice %arg6[%dma_start3A_275, %dma_start3A_277, %dma_start3A_278] : memref<4x128x64xf32, #tpu.memory_space<vmem>> -> memref<1x128x64xf32, #tpu.memory_space<vmem>>
    %dma_start3A_280 = tpu.memref_squeeze %dma_start3A_279 : memref<1x128x64xf32, #tpu.memory_space<vmem>> -> memref<128x64xf32, #tpu.memory_space<vmem>>
    %dma_start3A_281 = arith.constant 0 : i32
    %dma_start3A_282 = tpu.memref_slice %arg5[%dma_start3A_274, %dma_start3A_281] : memref<200x128xi32, #tpu.memory_space<vmem>> -> memref<1x128xi32, #tpu.memory_space<vmem>>
    %dma_start3A_283 = tpu.memref_squeeze %dma_start3A_282 : memref<1x128xi32, #tpu.memory_space<vmem>> -> memref<128xi32, #tpu.memory_space<vmem>>
    %dma_start3A_284 = arith.constant 0 : i32
    %dma_start3A_285 = arith.constant 0 : i32
    %dma_start3A_286 = tpu.memref_slice %arg3[%dma_start3A_284, %dma_start3A_285] : memref<1000000x64xf32, #tpu.memory_space<hbm>> -> memref<1000000x64xf32, #tpu.memory_space<hbm>>
    %dma_start3A_287 = tpu.memref_slice %arg8[%dma_start3A_276] : memref<4x!tpu.dma_semaphore, #tpu.memory_space<semaphore_mem>> -> memref<1x!tpu.dma_semaphore, #tpu.memory_space<semaphore_mem>>
    %dma_start3A_288 = tpu.memref_squeeze %dma_start3A_287 : memref<1x!tpu.dma_semaphore, #tpu.memory_space<semaphore_mem>> -> memref<!tpu.dma_semaphore, #tpu.memory_space<semaphore_mem>>
    tpu.enqueue_indirect_dma source(%dma_start3A_286 : memref<1000000x64xf32, #tpu.memory_space<hbm>>) target(%dma_start3A_280 : memref<128x64xf32, #tpu.memory_space<vmem>>) offsets(%dma_start3A_283 : memref<128xi32, #tpu.memory_space<vmem>>) semaphore(%dma_start3A_288 : memref<!tpu.dma_semaphore, #tpu.memory_space<semaphore_mem>>)
    %dma_wait3A_289 = arith.constant 0 : i32
    %dma_wait3A_290 = arith.constant 3 : i32
    %dma_wait3A_291 = arith.constant 3 : i32
    %dma_wait3A_292 = arith.constant 0 : i32
    %dma_wait3A_293 = arith.constant 0 : i32
    %dma_wait3A_294 = tpu.memref_slice %arg6[%dma_wait3A_290, %dma_wait3A_292, %dma_wait3A_293] : memref<4x128x64xf32, #tpu.memory_space<vmem>> -> memref<1x128x64xf32, #tpu.memory_space<vmem>>
    %dma_wait3A_295 = tpu.memref_squeeze %dma_wait3A_294 : memref<1x128x64xf32, #tpu.memory_space<vmem>> -> memref<128x64xf32, #tpu.memory_space<vmem>>
    %dma_wait3A_296 = arith.constant 0 : i32
    %dma_wait3A_297 = tpu.memref_slice %arg5[%dma_wait3A_289, %dma_wait3A_296] : memref<200x128xi32, #tpu.memory_space<vmem>> -> memref<1x128xi32, #tpu.memory_space<vmem>>
    %dma_wait3A_298 = tpu.memref_squeeze %dma_wait3A_297 : memref<1x128xi32, #tpu.memory_space<vmem>> -> memref<128xi32, #tpu.memory_space<vmem>>
    %dma_wait3A_299 = arith.constant 0 : i32
    %dma_wait3A_300 = arith.constant 0 : i32
    %dma_wait3A_301 = tpu.memref_slice %arg3[%dma_wait3A_299, %dma_wait3A_300] : memref<1000000x64xf32, #tpu.memory_space<hbm>> -> memref<1000000x64xf32, #tpu.memory_space<hbm>>
    %dma_wait3A_302 = tpu.memref_slice %arg8[%dma_wait3A_291] : memref<4x!tpu.dma_semaphore, #tpu.memory_space<semaphore_mem>> -> memref<1x!tpu.dma_semaphore, #tpu.memory_space<semaphore_mem>>
    %dma_wait3A_303 = tpu.memref_squeeze %dma_wait3A_302 : memref<1x!tpu.dma_semaphore, #tpu.memory_space<semaphore_mem>> -> memref<!tpu.dma_semaphore, #tpu.memory_space<semaphore_mem>>
    tpu.wait_indirect_dma semaphore(%dma_wait3A_303 : memref<!tpu.dma_semaphore, #tpu.memory_space<semaphore_mem>>) src(%dma_wait3A_301 : memref<1000000x64xf32, #tpu.memory_space<hbm>>) dst(%dma_wait3A_295 : memref<128x64xf32, #tpu.memory_space<vmem>>)
    %scan3A_304 = arith.constant 0 : i32
    %scan3A_305 = arith.constant 0 : i32
    %scan3A_306 = arith.constant 64 : i32
    %scan3A_307 = arith.addi %scan3A_305, %scan3A_306 : i32
    %scan3A_308 = arith.constant 2 : i32
    %scan3A_309 = scf.for %scan3A_775 = %scan3A_305 to %scan3A_307 step %scan3A_308 iter_args(%scan3A_776 = %scan3A_304) -> (i32)  : i32 {
      %mul3A_777 = arith.constant 2 : i32
      %mul3A_778 = arith.muli %mul3A_777, %scan3A_775 : i32
      %add3A_779 = arith.constant 0 : i32
      %add3A_780 = arith.addi %mul3A_778, %add3A_779 : i32
      %get3A = arith.constant 3 : i32
      %get3A_781 = arith.index_cast %get3A : i32 to index
      %get3A_782 = arith.index_cast %add3A_780 : i32 to index
      %get3A_783 = arith.constant 0 : index
      %get3A_784 = tpu.vector_load %arg6[%get3A_781, %get3A_782, %get3A_783] {strides = array<i32>} : memref<4x128x64xf32, #tpu.memory_space<vmem>>, vector<1x1x16xf32>,
      %get3A_785 = vector.shape_cast %get3A_784 : vector<1x1x16xf32> to vector<16xf32>
      %mul3A_786 = arith.constant 8.000000e+00 : f32
      %mul3A_787 = vector.broadcast %mul3A_786 : f32 to vector<16xf32>
      %mul3A_788 = arith.mulf %get3A_785, %mul3A_787 : vector<16xf32>
      %swap3A = arith.constant 3 : i32
      %swap3A_789 = arith.index_cast %swap3A : i32 to index
      %swap3A_790 = arith.index_cast %scan3A_775 : i32 to index
      %swap3A_791 = arith.constant 0 : index
      %swap3A_792 = tpu.vector_load %arg7[%swap3A_789, %swap3A_790, %swap3A_791] {strides = array<i32>} : memref<4x64x128xf32, #tpu.memory_space<vmem>>, vector<1x1x16xf32>,
      %swap3A_793 = vector.shape_cast %swap3A_792 : vector<1x1x16xf32> to vector<16xf32>
      %swap3A_794 = vector.shape_cast %mul3A_788 : vector<16xf32> to vector<1x1x16xf32>
      tpu.vector_store %arg7[%swap3A_789, %swap3A_790, %swap3A_791], %swap3A_794 {strides = array<i32>} : memref<4x64x128xf32, #tpu.memory_space<vmem>>, vector<1x1x16xf32>,
      %mul3A_795 = arith.constant 2 : i32
      %mul3A_796 = arith.muli %mul3A_795, %scan3A_775 : i32
      %add3A_797 = arith.constant 0 : i32
      %add3A_798 = arith.addi %mul3A_796, %add3A_797 : i32
      %get3A_799 = arith.constant 3 : i32
      %get3A_800 = arith.index_cast %get3A_799 : i32 to index
      %get3A_801 = arith.index_cast %add3A_798 : i32 to index
      %get3A_802 = arith.constant 16 : index
      %get3A_803 = tpu.vector_load %arg6[%get3A_800, %get3A_801, %get3A_802] {strides = array<i32>} : memref<4x128x64xf32, #tpu.memory_space<vmem>>, vector<1x1x16xf32>,
      %get3A_804 = vector.shape_cast %get3A_803 : vector<1x1x16xf32> to vector<16xf32>
      %mul3A_805 = arith.constant 8.000000e+00 : f32
      %mul3A_806 = vector.broadcast %mul3A_805 : f32 to vector<16xf32>
      %mul3A_807 = arith.mulf %get3A_804, %mul3A_806 : vector<16xf32>
      %swap3A_808 = arith.constant 3 : i32
      %swap3A_809 = arith.index_cast %swap3A_808 : i32 to index
      %swap3A_810 = arith.index_cast %scan3A_775 : i32 to index
      %swap3A_811 = arith.constant 16 : index
      %swap3A_812 = tpu.vector_load %arg7[%swap3A_809, %swap3A_810, %swap3A_811] {strides = array<i32>} : memref<4x64x128xf32, #tpu.memory_space<vmem>>, vector<1x1x16xf32>,
      %swap3A_813 = vector.shape_cast %swap3A_812 : vector<1x1x16xf32> to vector<16xf32>
      %swap3A_814 = vector.shape_cast %mul3A_807 : vector<16xf32> to vector<1x1x16xf32>
      tpu.vector_store %arg7[%swap3A_809, %swap3A_810, %swap3A_811], %swap3A_814 {strides = array<i32>} : memref<4x64x128xf32, #tpu.memory_space<vmem>>, vector<1x1x16xf32>,
      %mul3A_815 = arith.constant 2 : i32
      %mul3A_816 = arith.muli %mul3A_815, %scan3A_775 : i32
      %add3A_817 = arith.constant 0 : i32
      %add3A_818 = arith.addi %mul3A_816, %add3A_817 : i32
      %get3A_819 = arith.constant 3 : i32
      %get3A_820 = arith.index_cast %get3A_819 : i32 to index
      %get3A_821 = arith.index_cast %add3A_818 : i32 to index
      %get3A_822 = arith.constant 32 : index
      %get3A_823 = tpu.vector_load %arg6[%get3A_820, %get3A_821, %get3A_822] {strides = array<i32>} : memref<4x128x64xf32, #tpu.memory_space<vmem>>, vector<1x1x16xf32>,
      %get3A_824 = vector.shape_cast %get3A_823 : vector<1x1x16xf32> to vector<16xf32>
      %mul3A_825 = arith.constant 8.000000e+00 : f32
      %mul3A_826 = vector.broadcast %mul3A_825 : f32 to vector<16xf32>
      %mul3A_827 = arith.mulf %get3A_824, %mul3A_826 : vector<16xf32>
      %swap3A_828 = arith.constant 3 : i32
      %swap3A_829 = arith.index_cast %swap3A_828 : i32 to index
      %swap3A_830 = arith.index_cast %scan3A_775 : i32 to index
      %swap3A_831 = arith.constant 32 : index
      %swap3A_832 = tpu.vector_load %arg7[%swap3A_829, %swap3A_830, %swap3A_831] {strides = array<i32>} : memref<4x64x128xf32, #tpu.memory_space<vmem>>, vector<1x1x16xf32>,
      %swap3A_833 = vector.shape_cast %swap3A_832 : vector<1x1x16xf32> to vector<16xf32>
      %swap3A_834 = vector.shape_cast %mul3A_827 : vector<16xf32> to vector<1x1x16xf32>
      tpu.vector_store %arg7[%swap3A_829, %swap3A_830, %swap3A_831], %swap3A_834 {strides = array<i32>} : memref<4x64x128xf32, #tpu.memory_space<vmem>>, vector<1x1x16xf32>,
      %mul3A_835 = arith.constant 2 : i32
      %mul3A_836 = arith.muli %mul3A_835, %scan3A_775 : i32
      %add3A_837 = arith.constant 0 : i32
      %add3A_838 = arith.addi %mul3A_836, %add3A_837 : i32
      %get3A_839 = arith.constant 3 : i32
      %get3A_840 = arith.index_cast %get3A_839 : i32 to index
      %get3A_841 = arith.index_cast %add3A_838 : i32 to index
      %get3A_842 = arith.constant 48 : index
      %get3A_843 = tpu.vector_load %arg6[%get3A_840, %get3A_841, %get3A_842] {strides = array<i32>} : memref<4x128x64xf32, #tpu.memory_space<vmem>>, vector<1x1x16xf32>,
      %get3A_844 = vector.shape_cast %get3A_843 : vector<1x1x16xf32> to vector<16xf32>
      %mul3A_845 = arith.constant 8.000000e+00 : f32
      %mul3A_846 = vector.broadcast %mul3A_845 : f32 to vector<16xf32>
      %mul3A_847 = arith.mulf %get3A_844, %mul3A_846 : vector<16xf32>
      %swap3A_848 = arith.constant 3 : i32
      %swap3A_849 = arith.index_cast %swap3A_848 : i32 to index
      %swap3A_850 = arith.index_cast %scan3A_775 : i32 to index
      %swap3A_851 = arith.constant 48 : index
      %swap3A_852 = tpu.vector_load %arg7[%swap3A_849, %swap3A_850, %swap3A_851] {strides = array<i32>} : memref<4x64x128xf32, #tpu.memory_space<vmem>>, vector<1x1x16xf32>,
      %swap3A_853 = vector.shape_cast %swap3A_852 : vector<1x1x16xf32> to vector<16xf32>
      %swap3A_854 = vector.shape_cast %mul3A_847 : vector<16xf32> to vector<1x1x16xf32>
      tpu.vector_store %arg7[%swap3A_849, %swap3A_850, %swap3A_851], %swap3A_854 {strides = array<i32>} : memref<4x64x128xf32, #tpu.memory_space<vmem>>, vector<1x1x16xf32>,
      %mul3A_855 = arith.constant 2 : i32
      %mul3A_856 = arith.muli %mul3A_855, %scan3A_775 : i32
      %add3A_857 = arith.constant 1 : i32
      %add3A_858 = arith.addi %mul3A_856, %add3A_857 : i32
      %get3A_859 = arith.constant 3 : i32
      %get3A_860 = arith.index_cast %get3A_859 : i32 to index
      %get3A_861 = arith.index_cast %add3A_858 : i32 to index
      %get3A_862 = arith.constant 0 : index
      %get3A_863 = tpu.vector_load %arg6[%get3A_860, %get3A_861, %get3A_862] {strides = array<i32>} : memref<4x128x64xf32, #tpu.memory_space<vmem>>, vector<1x1x16xf32>,
      %get3A_864 = vector.shape_cast %get3A_863 : vector<1x1x16xf32> to vector<16xf32>
      %mul3A_865 = arith.constant 8.000000e+00 : f32
      %mul3A_866 = vector.broadcast %mul3A_865 : f32 to vector<16xf32>
      %mul3A_867 = arith.mulf %get3A_864, %mul3A_866 : vector<16xf32>
      %swap3A_868 = arith.constant 3 : i32
      %swap3A_869 = arith.index_cast %swap3A_868 : i32 to index
      %swap3A_870 = arith.index_cast %scan3A_775 : i32 to index
      %swap3A_871 = arith.constant 64 : index
      %swap3A_872 = tpu.vector_load %arg7[%swap3A_869, %swap3A_870, %swap3A_871] {strides = array<i32>} : memref<4x64x128xf32, #tpu.memory_space<vmem>>, vector<1x1x16xf32>,
      %swap3A_873 = vector.shape_cast %swap3A_872 : vector<1x1x16xf32> to vector<16xf32>
      %swap3A_874 = vector.shape_cast %mul3A_867 : vector<16xf32> to vector<1x1x16xf32>
      tpu.vector_store %arg7[%swap3A_869, %swap3A_870, %swap3A_871], %swap3A_874 {strides = array<i32>} : memref<4x64x128xf32, #tpu.memory_space<vmem>>, vector<1x1x16xf32>,
      %mul3A_875 = arith.constant 2 : i32
      %mul3A_876 = arith.muli %mul3A_875, %scan3A_775 : i32
      %add3A_877 = arith.constant 1 : i32
      %add3A_878 = arith.addi %mul3A_876, %add3A_877 : i32
      %get3A_879 = arith.constant 3 : i32
      %get3A_880 = arith.index_cast %get3A_879 : i32 to index
      %get3A_881 = arith.index_cast %add3A_878 : i32 to index
      %get3A_882 = arith.constant 16 : index
      %get3A_883 = tpu.vector_load %arg6[%get3A_880, %get3A_881, %get3A_882] {strides = array<i32>} : memref<4x128x64xf32, #tpu.memory_space<vmem>>, vector<1x1x16xf32>,
      %get3A_884 = vector.shape_cast %get3A_883 : vector<1x1x16xf32> to vector<16xf32>
      %mul3A_885 = arith.constant 8.000000e+00 : f32
      %mul3A_886 = vector.broadcast %mul3A_885 : f32 to vector<16xf32>
      %mul3A_887 = arith.mulf %get3A_884, %mul3A_886 : vector<16xf32>
      %swap3A_888 = arith.constant 3 : i32
      %swap3A_889 = arith.index_cast %swap3A_888 : i32 to index
      %swap3A_890 = arith.index_cast %scan3A_775 : i32 to index
      %swap3A_891 = arith.constant 80 : index
      %swap3A_892 = tpu.vector_load %arg7[%swap3A_889, %swap3A_890, %swap3A_891] {strides = array<i32>} : memref<4x64x128xf32, #tpu.memory_space<vmem>>, vector<1x1x16xf32>,
      %swap3A_893 = vector.shape_cast %swap3A_892 : vector<1x1x16xf32> to vector<16xf32>
      %swap3A_894 = vector.shape_cast %mul3A_887 : vector<16xf32> to vector<1x1x16xf32>
      tpu.vector_store %arg7[%swap3A_889, %swap3A_890, %swap3A_891], %swap3A_894 {strides = array<i32>} : memref<4x64x128xf32, #tpu.memory_space<vmem>>, vector<1x1x16xf32>,
      %mul3A_895 = arith.constant 2 : i32
      %mul3A_896 = arith.muli %mul3A_895, %scan3A_775 : i32
      %add3A_897 = arith.constant 1 : i32
      %add3A_898 = arith.addi %mul3A_896, %add3A_897 : i32
      %get3A_899 = arith.constant 3 : i32
      %get3A_900 = arith.index_cast %get3A_899 : i32 to index
      %get3A_901 = arith.index_cast %add3A_898 : i32 to index
      %get3A_902 = arith.constant 32 : index
      %get3A_903 = tpu.vector_load %arg6[%get3A_900, %get3A_901, %get3A_902] {strides = array<i32>} : memref<4x128x64xf32, #tpu.memory_space<vmem>>, vector<1x1x16xf32>,
      %get3A_904 = vector.shape_cast %get3A_903 : vector<1x1x16xf32> to vector<16xf32>
      %mul3A_905 = arith.constant 8.000000e+00 : f32
      %mul3A_906 = vector.broadcast %mul3A_905 : f32 to vector<16xf32>
      %mul3A_907 = arith.mulf %get3A_904, %mul3A_906 : vector<16xf32>
      %swap3A_908 = arith.constant 3 : i32
      %swap3A_909 = arith.index_cast %swap3A_908 : i32 to index
      %swap3A_910 = arith.index_cast %scan3A_775 : i32 to index
      %swap3A_911 = arith.constant 96 : index
      %swap3A_912 = tpu.vector_load %arg7[%swap3A_909, %swap3A_910, %swap3A_911] {strides = array<i32>} : memref<4x64x128xf32, #tpu.memory_space<vmem>>, vector<1x1x16xf32>,
      %swap3A_913 = vector.shape_cast %swap3A_912 : vector<1x1x16xf32> to vector<16xf32>
      %swap3A_914 = vector.shape_cast %mul3A_907 : vector<16xf32> to vector<1x1x16xf32>
      tpu.vector_store %arg7[%swap3A_909, %swap3A_910, %swap3A_911], %swap3A_914 {strides = array<i32>} : memref<4x64x128xf32, #tpu.memory_space<vmem>>, vector<1x1x16xf32>,
      %mul3A_915 = arith.constant 2 : i32
      %mul3A_916 = arith.muli %mul3A_915, %scan3A_775 : i32
      %add3A_917 = arith.constant 1 : i32
      %add3A_918 = arith.addi %mul3A_916, %add3A_917 : i32
      %get3A_919 = arith.constant 3 : i32
      %get3A_920 = arith.index_cast %get3A_919 : i32 to index
      %get3A_921 = arith.index_cast %add3A_918 : i32 to index
      %get3A_922 = arith.constant 48 : index
      %get3A_923 = tpu.vector_load %arg6[%get3A_920, %get3A_921, %get3A_922] {strides = array<i32>} : memref<4x128x64xf32, #tpu.memory_space<vmem>>, vector<1x1x16xf32>,
      %get3A_924 = vector.shape_cast %get3A_923 : vector<1x1x16xf32> to vector<16xf32>
      %mul3A_925 = arith.constant 8.000000e+00 : f32
      %mul3A_926 = vector.broadcast %mul3A_925 : f32 to vector<16xf32>
      %mul3A_927 = arith.mulf %get3A_924, %mul3A_926 : vector<16xf32>
      %swap3A_928 = arith.constant 3 : i32
      %swap3A_929 = arith.index_cast %swap3A_928 : i32 to index
      %swap3A_930 = arith.index_cast %scan3A_775 : i32 to index
      %swap3A_931 = arith.constant 112 : index
      %swap3A_932 = tpu.vector_load %arg7[%swap3A_929, %swap3A_930, %swap3A_931] {strides = array<i32>} : memref<4x64x128xf32, #tpu.memory_space<vmem>>, vector<1x1x16xf32>,
      %swap3A_933 = vector.shape_cast %swap3A_932 : vector<1x1x16xf32> to vector<16xf32>
      %swap3A_934 = vector.shape_cast %mul3A_927 : vector<16xf32> to vector<1x1x16xf32>
      tpu.vector_store %arg7[%swap3A_929, %swap3A_930, %swap3A_931], %swap3A_934 {strides = array<i32>} : memref<4x64x128xf32, #tpu.memory_space<vmem>>, vector<1x1x16xf32>,
      %scan3A_935 = arith.constant 0 : i32
      %scan3A_936 = arith.constant 1 : i32
      %scan3A_937 = arith.addi %scan3A_775, %scan3A_936 : i32
      %mul3A_938 = arith.constant 2 : i32
      %mul3A_939 = arith.muli %mul3A_938, %scan3A_937 : i32
      %add3A_940 = arith.constant 0 : i32
      %add3A_941 = arith.addi %mul3A_939, %add3A_940 : i32
      %get3A_942 = arith.constant 3 : i32
      %get3A_943 = arith.index_cast %get3A_942 : i32 to index
      %get3A_944 = arith.index_cast %add3A_941 : i32 to index
      %get3A_945 = arith.constant 0 : index
      %get3A_946 = tpu.vector_load %arg6[%get3A_943, %get3A_944, %get3A_945] {strides = array<i32>} : memref<4x128x64xf32, #tpu.memory_space<vmem>>, vector<1x1x16xf32>,
      %get3A_947 = vector.shape_cast %get3A_946 : vector<1x1x16xf32> to vector<16xf32>
      %mul3A_948 = arith.constant 8.000000e+00 : f32
      %mul3A_949 = vector.broadcast %mul3A_948 : f32 to vector<16xf32>
      %mul3A_950 = arith.mulf %get3A_947, %mul3A_949 : vector<16xf32>
      %swap3A_951 = arith.constant 3 : i32
      %swap3A_952 = arith.index_cast %swap3A_951 : i32 to index
      %swap3A_953 = arith.index_cast %scan3A_937 : i32 to index
      %swap3A_954 = arith.constant 0 : index
      %swap3A_955 = tpu.vector_load %arg7[%swap3A_952, %swap3A_953, %swap3A_954] {strides = array<i32>} : memref<4x64x128xf32, #tpu.memory_space<vmem>>, vector<1x1x16xf32>,
      %swap3A_956 = vector.shape_cast %swap3A_955 : vector<1x1x16xf32> to vector<16xf32>
      %swap3A_957 = vector.shape_cast %mul3A_950 : vector<16xf32> to vector<1x1x16xf32>
      tpu.vector_store %arg7[%swap3A_952, %swap3A_953, %swap3A_954], %swap3A_957 {strides = array<i32>} : memref<4x64x128xf32, #tpu.memory_space<vmem>>, vector<1x1x16xf32>,
      %mul3A_958 = arith.constant 2 : i32
      %mul3A_959 = arith.muli %mul3A_958, %scan3A_937 : i32
      %add3A_960 = arith.constant 0 : i32
      %add3A_961 = arith.addi %mul3A_959, %add3A_960 : i32
      %get3A_962 = arith.constant 3 : i32
      %get3A_963 = arith.index_cast %get3A_962 : i32 to index
      %get3A_964 = arith.index_cast %add3A_961 : i32 to index
      %get3A_965 = arith.constant 16 : index
      %get3A_966 = tpu.vector_load %arg6[%get3A_963, %get3A_964, %get3A_965] {strides = array<i32>} : memref<4x128x64xf32, #tpu.memory_space<vmem>>, vector<1x1x16xf32>,
      %get3A_967 = vector.shape_cast %get3A_966 : vector<1x1x16xf32> to vector<16xf32>
      %mul3A_968 = arith.constant 8.000000e+00 : f32
      %mul3A_969 = vector.broadcast %mul3A_968 : f32 to vector<16xf32>
      %mul3A_970 = arith.mulf %get3A_967, %mul3A_969 : vector<16xf32>
      %swap3A_971 = arith.constant 3 : i32
      %swap3A_972 = arith.index_cast %swap3A_971 : i32 to index
      %swap3A_973 = arith.index_cast %scan3A_937 : i32 to index
      %swap3A_974 = arith.constant 16 : index
      %swap3A_975 = tpu.vector_load %arg7[%swap3A_972, %swap3A_973, %swap3A_974] {strides = array<i32>} : memref<4x64x128xf32, #tpu.memory_space<vmem>>, vector<1x1x16xf32>,
      %swap3A_976 = vector.shape_cast %swap3A_975 : vector<1x1x16xf32> to vector<16xf32>
      %swap3A_977 = vector.shape_cast %mul3A_970 : vector<16xf32> to vector<1x1x16xf32>
      tpu.vector_store %arg7[%swap3A_972, %swap3A_973, %swap3A_974], %swap3A_977 {strides = array<i32>} : memref<4x64x128xf32, #tpu.memory_space<vmem>>, vector<1x1x16xf32>,
      %mul3A_978 = arith.constant 2 : i32
      %mul3A_979 = arith.muli %mul3A_978, %scan3A_937 : i32
      %add3A_980 = arith.constant 0 : i32
      %add3A_981 = arith.addi %mul3A_979, %add3A_980 : i32
      %get3A_982 = arith.constant 3 : i32
      %get3A_983 = arith.index_cast %get3A_982 : i32 to index
      %get3A_984 = arith.index_cast %add3A_981 : i32 to index
      %get3A_985 = arith.constant 32 : index
      %get3A_986 = tpu.vector_load %arg6[%get3A_983, %get3A_984, %get3A_985] {strides = array<i32>} : memref<4x128x64xf32, #tpu.memory_space<vmem>>, vector<1x1x16xf32>,
      %get3A_987 = vector.shape_cast %get3A_986 : vector<1x1x16xf32> to vector<16xf32>
      %mul3A_988 = arith.constant 8.000000e+00 : f32
      %mul3A_989 = vector.broadcast %mul3A_988 : f32 to vector<16xf32>
      %mul3A_990 = arith.mulf %get3A_987, %mul3A_989 : vector<16xf32>
      %swap3A_991 = arith.constant 3 : i32
      %swap3A_992 = arith.index_cast %swap3A_991 : i32 to index
      %swap3A_993 = arith.index_cast %scan3A_937 : i32 to index
      %swap3A_994 = arith.constant 32 : index
      %swap3A_995 = tpu.vector_load %arg7[%swap3A_992, %swap3A_993, %swap3A_994] {strides = array<i32>} : memref<4x64x128xf32, #tpu.memory_space<vmem>>, vector<1x1x16xf32>,
      %swap3A_996 = vector.shape_cast %swap3A_995 : vector<1x1x16xf32> to vector<16xf32>
      %swap3A_997 = vector.shape_cast %mul3A_990 : vector<16xf32> to vector<1x1x16xf32>
      tpu.vector_store %arg7[%swap3A_992, %swap3A_993, %swap3A_994], %swap3A_997 {strides = array<i32>} : memref<4x64x128xf32, #tpu.memory_space<vmem>>, vector<1x1x16xf32>,
      %mul3A_998 = arith.constant 2 : i32
      %mul3A_999 = arith.muli %mul3A_998, %scan3A_937 : i32
      %add3A_1000 = arith.constant 0 : i32
      %add3A_1001 = arith.addi %mul3A_999, %add3A_1000 : i32
      %get3A_1002 = arith.constant 3 : i32
      %get3A_1003 = arith.index_cast %get3A_1002 : i32 to index
      %get3A_1004 = arith.index_cast %add3A_1001 : i32 to index
      %get3A_1005 = arith.constant 48 : index
      %get3A_1006 = tpu.vector_load %arg6[%get3A_1003, %get3A_1004, %get3A_1005] {strides = array<i32>} : memref<4x128x64xf32, #tpu.memory_space<vmem>>, vector<1x1x16xf32>,
      %get3A_1007 = vector.shape_cast %get3A_1006 : vector<1x1x16xf32> to vector<16xf32>
      %mul3A_1008 = arith.constant 8.000000e+00 : f32
      %mul3A_1009 = vector.broadcast %mul3A_1008 : f32 to vector<16xf32>
      %mul3A_1010 = arith.mulf %get3A_1007, %mul3A_1009 : vector<16xf32>
      %swap3A_1011 = arith.constant 3 : i32
      %swap3A_1012 = arith.index_cast %swap3A_1011 : i32 to index
      %swap3A_1013 = arith.index_cast %scan3A_937 : i32 to index
      %swap3A_1014 = arith.constant 48 : index
      %swap3A_1015 = tpu.vector_load %arg7[%swap3A_1012, %swap3A_1013, %swap3A_1014] {strides = array<i32>} : memref<4x64x128xf32, #tpu.memory_space<vmem>>, vector<1x1x16xf32>,
      %swap3A_1016 = vector.shape_cast %swap3A_1015 : vector<1x1x16xf32> to vector<16xf32>
      %swap3A_1017 = vector.shape_cast %mul3A_1010 : vector<16xf32> to vector<1x1x16xf32>
      tpu.vector_store %arg7[%swap3A_1012, %swap3A_1013, %swap3A_1014], %swap3A_1017 {strides = array<i32>} : memref<4x64x128xf32, #tpu.memory_space<vmem>>, vector<1x1x16xf32>,
      %mul3A_1018 = arith.constant 2 : i32
      %mul3A_1019 = arith.muli %mul3A_1018, %scan3A_937 : i32
      %add3A_1020 = arith.constant 1 : i32
      %add3A_1021 = arith.addi %mul3A_1019, %add3A_1020 : i32
      %get3A_1022 = arith.constant 3 : i32
      %get3A_1023 = arith.index_cast %get3A_1022 : i32 to index
      %get3A_1024 = arith.index_cast %add3A_1021 : i32 to index
      %get3A_1025 = arith.constant 0 : index
      %get3A_1026 = tpu.vector_load %arg6[%get3A_1023, %get3A_1024, %get3A_1025] {strides = array<i32>} : memref<4x128x64xf32, #tpu.memory_space<vmem>>, vector<1x1x16xf32>,
      %get3A_1027 = vector.shape_cast %get3A_1026 : vector<1x1x16xf32> to vector<16xf32>
      %mul3A_1028 = arith.constant 8.000000e+00 : f32
      %mul3A_1029 = vector.broadcast %mul3A_1028 : f32 to vector<16xf32>
      %mul3A_1030 = arith.mulf %get3A_1027, %mul3A_1029 : vector<16xf32>
      %swap3A_1031 = arith.constant 3 : i32
      %swap3A_1032 = arith.index_cast %swap3A_1031 : i32 to index
      %swap3A_1033 = arith.index_cast %scan3A_937 : i32 to index
      %swap3A_1034 = arith.constant 64 : index
      %swap3A_1035 = tpu.vector_load %arg7[%swap3A_1032, %swap3A_1033, %swap3A_1034] {strides = array<i32>} : memref<4x64x128xf32, #tpu.memory_space<vmem>>, vector<1x1x16xf32>,
      %swap3A_1036 = vector.shape_cast %swap3A_1035 : vector<1x1x16xf32> to vector<16xf32>
      %swap3A_1037 = vector.shape_cast %mul3A_1030 : vector<16xf32> to vector<1x1x16xf32>
      tpu.vector_store %arg7[%swap3A_1032, %swap3A_1033, %swap3A_1034], %swap3A_1037 {strides = array<i32>} : memref<4x64x128xf32, #tpu.memory_space<vmem>>, vector<1x1x16xf32>,
      %mul3A_1038 = arith.constant 2 : i32
      %mul3A_1039 = arith.muli %mul3A_1038, %scan3A_937 : i32
      %add3A_1040 = arith.constant 1 : i32
      %add3A_1041 = arith.addi %mul3A_1039, %add3A_1040 : i32
      %get3A_1042 = arith.constant 3 : i32
      %get3A_1043 = arith.index_cast %get3A_1042 : i32 to index
      %get3A_1044 = arith.index_cast %add3A_1041 : i32 to index
      %get3A_1045 = arith.constant 16 : index
      %get3A_1046 = tpu.vector_load %arg6[%get3A_1043, %get3A_1044, %get3A_1045] {strides = array<i32>} : memref<4x128x64xf32, #tpu.memory_space<vmem>>, vector<1x1x16xf32>,
      %get3A_1047 = vector.shape_cast %get3A_1046 : vector<1x1x16xf32> to vector<16xf32>
      %mul3A_1048 = arith.constant 8.000000e+00 : f32
      %mul3A_1049 = vector.broadcast %mul3A_1048 : f32 to vector<16xf32>
      %mul3A_1050 = arith.mulf %get3A_1047, %mul3A_1049 : vector<16xf32>
      %swap3A_1051 = arith.constant 3 : i32
      %swap3A_1052 = arith.index_cast %swap3A_1051 : i32 to index
      %swap3A_1053 = arith.index_cast %scan3A_937 : i32 to index
      %swap3A_1054 = arith.constant 80 : index
      %swap3A_1055 = tpu.vector_load %arg7[%swap3A_1052, %swap3A_1053, %swap3A_1054] {strides = array<i32>} : memref<4x64x128xf32, #tpu.memory_space<vmem>>, vector<1x1x16xf32>,
      %swap3A_1056 = vector.shape_cast %swap3A_1055 : vector<1x1x16xf32> to vector<16xf32>
      %swap3A_1057 = vector.shape_cast %mul3A_1050 : vector<16xf32> to vector<1x1x16xf32>
      tpu.vector_store %arg7[%swap3A_1052, %swap3A_1053, %swap3A_1054], %swap3A_1057 {strides = array<i32>} : memref<4x64x128xf32, #tpu.memory_space<vmem>>, vector<1x1x16xf32>,
      %mul3A_1058 = arith.constant 2 : i32
      %mul3A_1059 = arith.muli %mul3A_1058, %scan3A_937 : i32
      %add3A_1060 = arith.constant 1 : i32
      %add3A_1061 = arith.addi %mul3A_1059, %add3A_1060 : i32
      %get3A_1062 = arith.constant 3 : i32
      %get3A_1063 = arith.index_cast %get3A_1062 : i32 to index
      %get3A_1064 = arith.index_cast %add3A_1061 : i32 to index
      %get3A_1065 = arith.constant 32 : index
      %get3A_1066 = tpu.vector_load %arg6[%get3A_1063, %get3A_1064, %get3A_1065] {strides = array<i32>} : memref<4x128x64xf32, #tpu.memory_space<vmem>>, vector<1x1x16xf32>,
      %get3A_1067 = vector.shape_cast %get3A_1066 : vector<1x1x16xf32> to vector<16xf32>
      %mul3A_1068 = arith.constant 8.000000e+00 : f32
      %mul3A_1069 = vector.broadcast %mul3A_1068 : f32 to vector<16xf32>
      %mul3A_1070 = arith.mulf %get3A_1067, %mul3A_1069 : vector<16xf32>
      %swap3A_1071 = arith.constant 3 : i32
      %swap3A_1072 = arith.index_cast %swap3A_1071 : i32 to index
      %swap3A_1073 = arith.index_cast %scan3A_937 : i32 to index
      %swap3A_1074 = arith.constant 96 : index
      %swap3A_1075 = tpu.vector_load %arg7[%swap3A_1072, %swap3A_1073, %swap3A_1074] {strides = array<i32>} : memref<4x64x128xf32, #tpu.memory_space<vmem>>, vector<1x1x16xf32>,
      %swap3A_1076 = vector.shape_cast %swap3A_1075 : vector<1x1x16xf32> to vector<16xf32>
      %swap3A_1077 = vector.shape_cast %mul3A_1070 : vector<16xf32> to vector<1x1x16xf32>
      tpu.vector_store %arg7[%swap3A_1072, %swap3A_1073, %swap3A_1074], %swap3A_1077 {strides = array<i32>} : memref<4x64x128xf32, #tpu.memory_space<vmem>>, vector<1x1x16xf32>,
      %mul3A_1078 = arith.constant 2 : i32
      %mul3A_1079 = arith.muli %mul3A_1078, %scan3A_937 : i32
      %add3A_1080 = arith.constant 1 : i32
      %add3A_1081 = arith.addi %mul3A_1079, %add3A_1080 : i32
      %get3A_1082 = arith.constant 3 : i32
      %get3A_1083 = arith.index_cast %get3A_1082 : i32 to index
      %get3A_1084 = arith.index_cast %add3A_1081 : i32 to index
      %get3A_1085 = arith.constant 48 : index
      %get3A_1086 = tpu.vector_load %arg6[%get3A_1083, %get3A_1084, %get3A_1085] {strides = array<i32>} : memref<4x128x64xf32, #tpu.memory_space<vmem>>, vector<1x1x16xf32>,
      %get3A_1087 = vector.shape_cast %get3A_1086 : vector<1x1x16xf32> to vector<16xf32>
      %mul3A_1088 = arith.constant 8.000000e+00 : f32
      %mul3A_1089 = vector.broadcast %mul3A_1088 : f32 to vector<16xf32>
      %mul3A_1090 = arith.mulf %get3A_1087, %mul3A_1089 : vector<16xf32>
      %swap3A_1091 = arith.constant 3 : i32
      %swap3A_1092 = arith.index_cast %swap3A_1091 : i32 to index
      %swap3A_1093 = arith.index_cast %scan3A_937 : i32 to index
      %swap3A_1094 = arith.constant 112 : index
      %swap3A_1095 = tpu.vector_load %arg7[%swap3A_1092, %swap3A_1093, %swap3A_1094] {strides = array<i32>} : memref<4x64x128xf32, #tpu.memory_space<vmem>>, vector<1x1x16xf32>,
      %swap3A_1096 = vector.shape_cast %swap3A_1095 : vector<1x1x16xf32> to vector<16xf32>
      %swap3A_1097 = vector.shape_cast %mul3A_1090 : vector<16xf32> to vector<1x1x16xf32>
      tpu.vector_store %arg7[%swap3A_1092, %swap3A_1093, %swap3A_1094], %swap3A_1097 {strides = array<i32>} : memref<4x64x128xf32, #tpu.memory_space<vmem>>, vector<1x1x16xf32>,
      %scan3A_1098 = arith.constant 0 : i32
      scf.yield %scan3A_1098 : i32
    }
    %scan3A_310 = arith.constant 64 : i32
    %jit3A_311 = arith.constant 2 : i32
    %div3A_312 = arith.divsi %mul3A_2, %jit3A_311 : i32
    %sign3A_313 = arith.constant 0 : i32
    %sign3A_314 = arith.cmpi sgt, %mul3A_2, %sign3A_313 : i32
    %sign3A_315 = arith.extui %sign3A_314 : i1 to i32
    %sign3A_316 = arith.constant 0 : i32
    %sign3A_317 = arith.cmpi slt, %mul3A_2, %sign3A_316 : i32
    %sign3A_318 = arith.extui %sign3A_317 : i1 to i32
    %sign3A_319 = arith.subi %sign3A_315, %sign3A_318 : i32
    %sign3A_320 = arith.constant 0 : i32
    %sign3A_321 = arith.cmpi sgt, %jit3A_311, %sign3A_320 : i32
    %sign3A_322 = arith.extui %sign3A_321 : i1 to i32
    %sign3A_323 = arith.constant 0 : i32
    %sign3A_324 = arith.cmpi slt, %jit3A_311, %sign3A_323 : i32
    %sign3A_325 = arith.extui %sign3A_324 : i1 to i32
    %sign3A_326 = arith.subi %sign3A_322, %sign3A_325 : i32
    %ne3A_327 = arith.cmpi ne, %sign3A_319, %sign3A_326 : i32
    %rem3A_328 = arith.remsi %mul3A_2, %jit3A_311 : i32
    %ne3A_329 = arith.constant 0 : i32
    %ne3A_330 = arith.cmpi ne, %rem3A_328, %ne3A_329 : i32
    %and3A_331 = arith.andi %ne3A_327, %ne3A_330 : i1
    %sub3A_332 = arith.constant 1 : i32
    %sub3A_333 = arith.subi %div3A_312, %sub3A_332 : i32
    %select_n3A_334 = arith.select %and3A_331, %sub3A_333, %div3A_312 : i32
    %add3A_335 = arith.constant 192 : i32
    %add3A_336 = arith.addi %select_n3A_334, %add3A_335 : i32
    %dma_start3A_337 = arith.constant 3 : i32
    %dma_start3A_338 = arith.constant 3 : i32
    %dma_start3A_339 = arith.constant 0 : i32
    %dma_start3A_340 = arith.constant 0 : i32
    %dma_start3A_341 = tpu.memref_slice %arg7[%dma_start3A_337, %dma_start3A_339, %dma_start3A_340] : memref<4x64x128xf32, #tpu.memory_space<vmem>> -> memref<1x64x128xf32, #tpu.memory_space<vmem>>
    %dma_start3A_342 = tpu.memref_squeeze %dma_start3A_341 : memref<1x64x128xf32, #tpu.memory_space<vmem>> -> memref<64x128xf32, #tpu.memory_space<vmem>>
    %dma_start3A_343 = arith.constant 0 : i32
    %dma_start3A_344 = tpu.memref_slice %arg4[%add3A_336, %dma_start3A_343] : memref<409600x128xf32, #tpu.memory_space<hbm>> -> memref<64x128xf32, #tpu.memory_space<hbm>>
    %dma_start3A_345 = tpu.memref_slice %arg9[%dma_start3A_338] : memref<4x!tpu.dma_semaphore, #tpu.memory_space<semaphore_mem>> -> memref<1x!tpu.dma_semaphore, #tpu.memory_space<semaphore_mem>>
    %dma_start3A_346 = tpu.memref_squeeze %dma_start3A_345 : memref<1x!tpu.dma_semaphore, #tpu.memory_space<semaphore_mem>> -> memref<!tpu.dma_semaphore, #tpu.memory_space<semaphore_mem>>
    %dma_start3A_347 = arith.constant 0 : i32
    %dma_start3A_348 = tpu.memref_slice %arg4[%add3A_336, %dma_start3A_347] : memref<409600x128xf32, #tpu.memory_space<hbm>> -> memref<64x128xf32, #tpu.memory_space<hbm>>
    %dma_start3A_349 = arith.constant 0 : i32
    %dma_start3A_350 = arith.constant 0 : i32
    %dma_start3A_351 = tpu.memref_slice %arg7[%dma_start3A_337, %dma_start3A_349, %dma_start3A_350] : memref<4x64x128xf32, #tpu.memory_space<vmem>> -> memref<1x64x128xf32, #tpu.memory_space<vmem>>
    %dma_start3A_352 = tpu.memref_squeeze %dma_start3A_351 : memref<1x64x128xf32, #tpu.memory_space<vmem>> -> memref<64x128xf32, #tpu.memory_space<vmem>>
    tpu.enqueue_dma source(%dma_start3A_352 : memref<64x128xf32, #tpu.memory_space<vmem>>) target(%dma_start3A_348 : memref<64x128xf32, #tpu.memory_space<hbm>>) target_semaphore(%dma_start3A_346 : memref<!tpu.dma_semaphore, #tpu.memory_space<semaphore_mem>>)
    %dma_start3A_353 = arith.constant 7 : i32
    %dma_start3A_354 = arith.constant 3 : i32
    %dma_start3A_355 = arith.constant 3 : i32
    %dma_start3A_356 = arith.constant 0 : i32
    %dma_start3A_357 = arith.constant 0 : i32
    %dma_start3A_358 = tpu.memref_slice %arg6[%dma_start3A_354, %dma_start3A_356, %dma_start3A_357] : memref<4x128x64xf32, #tpu.memory_space<vmem>> -> memref<1x128x64xf32, #tpu.memory_space<vmem>>
    %dma_start3A_359 = tpu.memref_squeeze %dma_start3A_358 : memref<1x128x64xf32, #tpu.memory_space<vmem>> -> memref<128x64xf32, #tpu.memory_space<vmem>>
    %dma_start3A_360 = arith.constant 0 : i32
    %dma_start3A_361 = tpu.memref_slice %arg5[%dma_start3A_353, %dma_start3A_360] : memref<200x128xi32, #tpu.memory_space<vmem>> -> memref<1x128xi32, #tpu.memory_space<vmem>>
    %dma_start3A_362 = tpu.memref_squeeze %dma_start3A_361 : memref<1x128xi32, #tpu.memory_space<vmem>> -> memref<128xi32, #tpu.memory_space<vmem>>
    %dma_start3A_363 = arith.constant 0 : i32
    %dma_start3A_364 = arith.constant 0 : i32
    %dma_start3A_365 = tpu.memref_slice %arg3[%dma_start3A_363, %dma_start3A_364] : memref<1000000x64xf32, #tpu.memory_space<hbm>> -> memref<1000000x64xf32, #tpu.memory_space<hbm>>
    %dma_start3A_366 = tpu.memref_slice %arg8[%dma_start3A_355] : memref<4x!tpu.dma_semaphore, #tpu.memory_space<semaphore_mem>> -> memref<1x!tpu.dma_semaphore, #tpu.memory_space<semaphore_mem>>
    %dma_start3A_367 = tpu.memref_squeeze %dma_start3A_366 : memref<1x!tpu.dma_semaphore, #tpu.memory_space<semaphore_mem>> -> memref<!tpu.dma_semaphore, #tpu.memory_space<semaphore_mem>>
    tpu.enqueue_indirect_dma source(%dma_start3A_365 : memref<1000000x64xf32, #tpu.memory_space<hbm>>) target(%dma_start3A_359 : memref<128x64xf32, #tpu.memory_space<vmem>>) offsets(%dma_start3A_362 : memref<128xi32, #tpu.memory_space<vmem>>) semaphore(%dma_start3A_367 : memref<!tpu.dma_semaphore, #tpu.memory_space<semaphore_mem>>)
    %scan3A_368 = arith.constant 0 : i32
    %scan3A_369 = arith.constant 1 : i32
    %scan3A_370 = arith.constant 48 : i32
    %scan3A_371 = arith.addi %scan3A_369, %scan3A_370 : i32
    %scan3A_372 = arith.constant 1 : i32
    %scan3A_373 = scf.for %scan3A_775 = %scan3A_369 to %scan3A_371 step %scan3A_372 iter_args(%scan3A_776 = %scan3A_368) -> (i32)  : i32 {
      %mul3A_777 = arith.constant 4 : i32
      %mul3A_778 = arith.muli %scan3A_775, %mul3A_777 : i32
      %add3A_779 = arith.constant 0 : i32
      %add3A_780 = arith.addi %mul3A_778, %add3A_779 : i32
      %dma_wait3A_781 = arith.constant 0 : i32
      %dma_wait3A_782 = arith.constant 0 : i32
      %dma_wait3A_783 = arith.constant 0 : i32
      %dma_wait3A_784 = arith.constant 0 : i32
      %dma_wait3A_785 = arith.constant 0 : i32
      %dma_wait3A_786 = tpu.memref_slice %arg6[%dma_wait3A_782, %dma_wait3A_784, %dma_wait3A_785] : memref<4x128x64xf32, #tpu.memory_space<vmem>> -> memref<1x128x64xf32, #tpu.memory_space<vmem>>
      %dma_wait3A_787 = tpu.memref_squeeze %dma_wait3A_786 : memref<1x128x64xf32, #tpu.memory_space<vmem>> -> memref<128x64xf32, #tpu.memory_space<vmem>>
      %dma_wait3A_788 = arith.constant 0 : i32
      %dma_wait3A_789 = tpu.memref_slice %arg5[%dma_wait3A_781, %dma_wait3A_788] : memref<200x128xi32, #tpu.memory_space<vmem>> -> memref<1x128xi32, #tpu.memory_space<vmem>>
      %dma_wait3A_790 = tpu.memref_squeeze %dma_wait3A_789 : memref<1x128xi32, #tpu.memory_space<vmem>> -> memref<128xi32, #tpu.memory_space<vmem>>
      %dma_wait3A_791 = arith.constant 0 : i32
      %dma_wait3A_792 = arith.constant 0 : i32
      %dma_wait3A_793 = tpu.memref_slice %arg3[%dma_wait3A_791, %dma_wait3A_792] : memref<1000000x64xf32, #tpu.memory_space<hbm>> -> memref<1000000x64xf32, #tpu.memory_space<hbm>>
      %dma_wait3A_794 = tpu.memref_slice %arg8[%dma_wait3A_783] : memref<4x!tpu.dma_semaphore, #tpu.memory_space<semaphore_mem>> -> memref<1x!tpu.dma_semaphore, #tpu.memory_space<semaphore_mem>>
      %dma_wait3A_795 = tpu.memref_squeeze %dma_wait3A_794 : memref<1x!tpu.dma_semaphore, #tpu.memory_space<semaphore_mem>> -> memref<!tpu.dma_semaphore, #tpu.memory_space<semaphore_mem>>
      tpu.wait_indirect_dma semaphore(%dma_wait3A_795 : memref<!tpu.dma_semaphore, #tpu.memory_space<semaphore_mem>>) src(%dma_wait3A_793 : memref<1000000x64xf32, #tpu.memory_space<hbm>>) dst(%dma_wait3A_787 : memref<128x64xf32, #tpu.memory_space<vmem>>)
      %dma_wait3A_796 = arith.constant 0 : i32
      %dma_wait3A_797 = arith.constant 0 : i32
      %dma_wait3A_798 = arith.constant 0 : i32
      %dma_wait3A_799 = arith.constant 0 : i32
      %dma_wait3A_800 = tpu.memref_slice %arg7[%dma_wait3A_796, %dma_wait3A_798, %dma_wait3A_799] : memref<4x64x128xf32, #tpu.memory_space<vmem>> -> memref<1x64x128xf32, #tpu.memory_space<vmem>>
      %dma_wait3A_801 = tpu.memref_squeeze %dma_wait3A_800 : memref<1x64x128xf32, #tpu.memory_space<vmem>> -> memref<64x128xf32, #tpu.memory_space<vmem>>
      %dma_wait3A_802 = arith.constant 0 : i32
      %dma_wait3A_803 = arith.constant 0 : i32
      %dma_wait3A_804 = tpu.memref_slice %arg4[%dma_wait3A_802, %dma_wait3A_803] : memref<409600x128xf32, #tpu.memory_space<hbm>> -> memref<64x128xf32, #tpu.memory_space<hbm>>
      %dma_wait3A_805 = tpu.memref_slice %arg9[%dma_wait3A_797] : memref<4x!tpu.dma_semaphore, #tpu.memory_space<semaphore_mem>> -> memref<1x!tpu.dma_semaphore, #tpu.memory_space<semaphore_mem>>
      %dma_wait3A_806 = tpu.memref_squeeze %dma_wait3A_805 : memref<1x!tpu.dma_semaphore, #tpu.memory_space<semaphore_mem>> -> memref<!tpu.dma_semaphore, #tpu.memory_space<semaphore_mem>>
      %dma_wait3A_807 = arith.constant 0 : i32
      %dma_wait3A_808 = arith.constant 0 : i32
      %dma_wait3A_809 = tpu.memref_slice %arg4[%dma_wait3A_807, %dma_wait3A_808] : memref<409600x128xf32, #tpu.memory_space<hbm>> -> memref<64x128xf32, #tpu.memory_space<hbm>>
      %dma_wait3A_810 = arith.constant 0 : i32
      %dma_wait3A_811 = arith.constant 0 : i32
      %dma_wait3A_812 = tpu.memref_slice %arg7[%dma_wait3A_796, %dma_wait3A_810, %dma_wait3A_811] : memref<4x64x128xf32, #tpu.memory_space<vmem>> -> memref<1x64x128xf32, #tpu.memory_space<vmem>>
      %dma_wait3A_813 = tpu.memref_squeeze %dma_wait3A_812 : memref<1x64x128xf32, #tpu.memory_space<vmem>> -> memref<64x128xf32, #tpu.memory_space<vmem>>
      tpu.wait_dma2 semaphore(%dma_wait3A_806 : memref<!tpu.dma_semaphore, #tpu.memory_space<semaphore_mem>>) src(%dma_wait3A_813 : memref<64x128xf32, #tpu.memory_space<vmem>>) dst(%dma_wait3A_809 : memref<64x128xf32, #tpu.memory_space<hbm>>)
      %scan3A_814 = arith.constant 0 : i32
      %scan3A_815 = arith.constant 0 : i32
      %scan3A_816 = arith.constant 64 : i32
      %scan3A_817 = arith.addi %scan3A_815, %scan3A_816 : i32
      %scan3A_818 = arith.constant 2 : i32
      %scan3A_819 = scf.for %scan3A_1190 = %scan3A_815 to %scan3A_817 step %scan3A_818 iter_args(%scan3A_1191 = %scan3A_814) -> (i32)  : i32 {
        %mul3A_1192 = arith.constant 2 : i32
        %mul3A_1193 = arith.muli %mul3A_1192, %scan3A_1190 : i32
        %add3A_1194 = arith.constant 0 : i32
        %add3A_1195 = arith.addi %mul3A_1193, %add3A_1194 : i32
        %get3A = arith.constant 0 : i32
        %get3A_1196 = arith.index_cast %get3A : i32 to index
        %get3A_1197 = arith.index_cast %add3A_1195 : i32 to index
        %get3A_1198 = arith.constant 0 : index
        %get3A_1199 = tpu.vector_load %arg6[%get3A_1196, %get3A_1197, %get3A_1198] {strides = array<i32>} : memref<4x128x64xf32, #tpu.memory_space<vmem>>, vector<1x1x16xf32>,
        %get3A_1200 = vector.shape_cast %get3A_1199 : vector<1x1x16xf32> to vector<16xf32>
        %mul3A_1201 = arith.constant 8.000000e+00 : f32
        %mul3A_1202 = vector.broadcast %mul3A_1201 : f32 to vector<16xf32>
        %mul3A_1203 = arith.mulf %get3A_1200, %mul3A_1202 : vector<16xf32>
        %swap3A = arith.constant 0 : i32
        %swap3A_1204 = arith.index_cast %swap3A : i32 to index
        %swap3A_1205 = arith.index_cast %scan3A_1190 : i32 to index
        %swap3A_1206 = arith.constant 0 : index
        %swap3A_1207 = tpu.vector_load %arg7[%swap3A_1204, %swap3A_1205, %swap3A_1206] {strides = array<i32>} : memref<4x64x128xf32, #tpu.memory_space<vmem>>, vector<1x1x16xf32>,
        %swap3A_1208 = vector.shape_cast %swap3A_1207 : vector<1x1x16xf32> to vector<16xf32>
        %swap3A_1209 = vector.shape_cast %mul3A_1203 : vector<16xf32> to vector<1x1x16xf32>
        tpu.vector_store %arg7[%swap3A_1204, %swap3A_1205, %swap3A_1206], %swap3A_1209 {strides = array<i32>} : memref<4x64x128xf32, #tpu.memory_space<vmem>>, vector<1x1x16xf32>,
        %mul3A_1210 = arith.constant 2 : i32
        %mul3A_1211 = arith.muli %mul3A_1210, %scan3A_1190 : i32
        %add3A_1212 = arith.constant 0 : i32
        %add3A_1213 = arith.addi %mul3A_1211, %add3A_1212 : i32
        %get3A_1214 = arith.constant 0 : i32
        %get3A_1215 = arith.index_cast %get3A_1214 : i32 to index
        %get3A_1216 = arith.index_cast %add3A_1213 : i32 to index
        %get3A_1217 = arith.constant 16 : index
        %get3A_1218 = tpu.vector_load %arg6[%get3A_1215, %get3A_1216, %get3A_1217] {strides = array<i32>} : memref<4x128x64xf32, #tpu.memory_space<vmem>>, vector<1x1x16xf32>,
        %get3A_1219 = vector.shape_cast %get3A_1218 : vector<1x1x16xf32> to vector<16xf32>
        %mul3A_1220 = arith.constant 8.000000e+00 : f32
        %mul3A_1221 = vector.broadcast %mul3A_1220 : f32 to vector<16xf32>
        %mul3A_1222 = arith.mulf %get3A_1219, %mul3A_1221 : vector<16xf32>
        %swap3A_1223 = arith.constant 0 : i32
        %swap3A_1224 = arith.index_cast %swap3A_1223 : i32 to index
        %swap3A_1225 = arith.index_cast %scan3A_1190 : i32 to index
        %swap3A_1226 = arith.constant 16 : index
        %swap3A_1227 = tpu.vector_load %arg7[%swap3A_1224, %swap3A_1225, %swap3A_1226] {strides = array<i32>} : memref<4x64x128xf32, #tpu.memory_space<vmem>>, vector<1x1x16xf32>,
        %swap3A_1228 = vector.shape_cast %swap3A_1227 : vector<1x1x16xf32> to vector<16xf32>
        %swap3A_1229 = vector.shape_cast %mul3A_1222 : vector<16xf32> to vector<1x1x16xf32>
        tpu.vector_store %arg7[%swap3A_1224, %swap3A_1225, %swap3A_1226], %swap3A_1229 {strides = array<i32>} : memref<4x64x128xf32, #tpu.memory_space<vmem>>, vector<1x1x16xf32>,
        %mul3A_1230 = arith.constant 2 : i32
        %mul3A_1231 = arith.muli %mul3A_1230, %scan3A_1190 : i32
        %add3A_1232 = arith.constant 0 : i32
        %add3A_1233 = arith.addi %mul3A_1231, %add3A_1232 : i32
        %get3A_1234 = arith.constant 0 : i32
        %get3A_1235 = arith.index_cast %get3A_1234 : i32 to index
        %get3A_1236 = arith.index_cast %add3A_1233 : i32 to index
        %get3A_1237 = arith.constant 32 : index
        %get3A_1238 = tpu.vector_load %arg6[%get3A_1235, %get3A_1236, %get3A_1237] {strides = array<i32>} : memref<4x128x64xf32, #tpu.memory_space<vmem>>, vector<1x1x16xf32>,
        %get3A_1239 = vector.shape_cast %get3A_1238 : vector<1x1x16xf32> to vector<16xf32>
        %mul3A_1240 = arith.constant 8.000000e+00 : f32
        %mul3A_1241 = vector.broadcast %mul3A_1240 : f32 to vector<16xf32>
        %mul3A_1242 = arith.mulf %get3A_1239, %mul3A_1241 : vector<16xf32>
        %swap3A_1243 = arith.constant 0 : i32
        %swap3A_1244 = arith.index_cast %swap3A_1243 : i32 to index
        %swap3A_1245 = arith.index_cast %scan3A_1190 : i32 to index
        %swap3A_1246 = arith.constant 32 : index
        %swap3A_1247 = tpu.vector_load %arg7[%swap3A_1244, %swap3A_1245, %swap3A_1246] {strides = array<i32>} : memref<4x64x128xf32, #tpu.memory_space<vmem>>, vector<1x1x16xf32>,
        %swap3A_1248 = vector.shape_cast %swap3A_1247 : vector<1x1x16xf32> to vector<16xf32>
        %swap3A_1249 = vector.shape_cast %mul3A_1242 : vector<16xf32> to vector<1x1x16xf32>
        tpu.vector_store %arg7[%swap3A_1244, %swap3A_1245, %swap3A_1246], %swap3A_1249 {strides = array<i32>} : memref<4x64x128xf32, #tpu.memory_space<vmem>>, vector<1x1x16xf32>,
        %mul3A_1250 = arith.constant 2 : i32
        %mul3A_1251 = arith.muli %mul3A_1250, %scan3A_1190 : i32
        %add3A_1252 = arith.constant 0 : i32
        %add3A_1253 = arith.addi %mul3A_1251, %add3A_1252 : i32
        %get3A_1254 = arith.constant 0 : i32
        %get3A_1255 = arith.index_cast %get3A_1254 : i32 to index
        %get3A_1256 = arith.index_cast %add3A_1253 : i32 to index
        %get3A_1257 = arith.constant 48 : index
        %get3A_1258 = tpu.vector_load %arg6[%get3A_1255, %get3A_1256, %get3A_1257] {strides = array<i32>} : memref<4x128x64xf32, #tpu.memory_space<vmem>>, vector<1x1x16xf32>,
        %get3A_1259 = vector.shape_cast %get3A_1258 : vector<1x1x16xf32> to vector<16xf32>
        %mul3A_1260 = arith.constant 8.000000e+00 : f32
        %mul3A_1261 = vector.broadcast %mul3A_1260 : f32 to vector<16xf32>
        %mul3A_1262 = arith.mulf %get3A_1259, %mul3A_1261 : vector<16xf32>
        %swap3A_1263 = arith.constant 0 : i32
        %swap3A_1264 = arith.index_cast %swap3A_1263 : i32 to index
        %swap3A_1265 = arith.index_cast %scan3A_1190 : i32 to index
        %swap3A_1266 = arith.constant 48 : index
        %swap3A_1267 = tpu.vector_load %arg7[%swap3A_1264, %swap3A_1265, %swap3A_1266] {strides = array<i32>} : memref<4x64x128xf32, #tpu.memory_space<vmem>>, vector<1x1x16xf32>,
        %swap3A_1268 = vector.shape_cast %swap3A_1267 : vector<1x1x16xf32> to vector<16xf32>
        %swap3A_1269 = vector.shape_cast %mul3A_1262 : vector<16xf32> to vector<1x1x16xf32>
        tpu.vector_store %arg7[%swap3A_1264, %swap3A_1265, %swap3A_1266], %swap3A_1269 {strides = array<i32>} : memref<4x64x128xf32, #tpu.memory_space<vmem>>, vector<1x1x16xf32>,
        %mul3A_1270 = arith.constant 2 : i32
        %mul3A_1271 = arith.muli %mul3A_1270, %scan3A_1190 : i32
        %add3A_1272 = arith.constant 1 : i32
        %add3A_1273 = arith.addi %mul3A_1271, %add3A_1272 : i32
        %get3A_1274 = arith.constant 0 : i32
        %get3A_1275 = arith.index_cast %get3A_1274 : i32 to index
        %get3A_1276 = arith.index_cast %add3A_1273 : i32 to index
        %get3A_1277 = arith.constant 0 : index
        %get3A_1278 = tpu.vector_load %arg6[%get3A_1275, %get3A_1276, %get3A_1277] {strides = array<i32>} : memref<4x128x64xf32, #tpu.memory_space<vmem>>, vector<1x1x16xf32>,
        %get3A_1279 = vector.shape_cast %get3A_1278 : vector<1x1x16xf32> to vector<16xf32>
        %mul3A_1280 = arith.constant 8.000000e+00 : f32
        %mul3A_1281 = vector.broadcast %mul3A_1280 : f32 to vector<16xf32>
        %mul3A_1282 = arith.mulf %get3A_1279, %mul3A_1281 : vector<16xf32>
        %swap3A_1283 = arith.constant 0 : i32
        %swap3A_1284 = arith.index_cast %swap3A_1283 : i32 to index
        %swap3A_1285 = arith.index_cast %scan3A_1190 : i32 to index
        %swap3A_1286 = arith.constant 64 : index
        %swap3A_1287 = tpu.vector_load %arg7[%swap3A_1284, %swap3A_1285, %swap3A_1286] {strides = array<i32>} : memref<4x64x128xf32, #tpu.memory_space<vmem>>, vector<1x1x16xf32>,
        %swap3A_1288 = vector.shape_cast %swap3A_1287 : vector<1x1x16xf32> to vector<16xf32>
        %swap3A_1289 = vector.shape_cast %mul3A_1282 : vector<16xf32> to vector<1x1x16xf32>
        tpu.vector_store %arg7[%swap3A_1284, %swap3A_1285, %swap3A_1286], %swap3A_1289 {strides = array<i32>} : memref<4x64x128xf32, #tpu.memory_space<vmem>>, vector<1x1x16xf32>,
        %mul3A_1290 = arith.constant 2 : i32
        %mul3A_1291 = arith.muli %mul3A_1290, %scan3A_1190 : i32
        %add3A_1292 = arith.constant 1 : i32
        %add3A_1293 = arith.addi %mul3A_1291, %add3A_1292 : i32
        %get3A_1294 = arith.constant 0 : i32
        %get3A_1295 = arith.index_cast %get3A_1294 : i32 to index
        %get3A_1296 = arith.index_cast %add3A_1293 : i32 to index
        %get3A_1297 = arith.constant 16 : index
        %get3A_1298 = tpu.vector_load %arg6[%get3A_1295, %get3A_1296, %get3A_1297] {strides = array<i32>} : memref<4x128x64xf32, #tpu.memory_space<vmem>>, vector<1x1x16xf32>,
        %get3A_1299 = vector.shape_cast %get3A_1298 : vector<1x1x16xf32> to vector<16xf32>
        %mul3A_1300 = arith.constant 8.000000e+00 : f32
        %mul3A_1301 = vector.broadcast %mul3A_1300 : f32 to vector<16xf32>
        %mul3A_1302 = arith.mulf %get3A_1299, %mul3A_1301 : vector<16xf32>
        %swap3A_1303 = arith.constant 0 : i32
        %swap3A_1304 = arith.index_cast %swap3A_1303 : i32 to index
        %swap3A_1305 = arith.index_cast %scan3A_1190 : i32 to index
        %swap3A_1306 = arith.constant 80 : index
        %swap3A_1307 = tpu.vector_load %arg7[%swap3A_1304, %swap3A_1305, %swap3A_1306] {strides = array<i32>} : memref<4x64x128xf32, #tpu.memory_space<vmem>>, vector<1x1x16xf32>,
        %swap3A_1308 = vector.shape_cast %swap3A_1307 : vector<1x1x16xf32> to vector<16xf32>
        %swap3A_1309 = vector.shape_cast %mul3A_1302 : vector<16xf32> to vector<1x1x16xf32>
        tpu.vector_store %arg7[%swap3A_1304, %swap3A_1305, %swap3A_1306], %swap3A_1309 {strides = array<i32>} : memref<4x64x128xf32, #tpu.memory_space<vmem>>, vector<1x1x16xf32>,
        %mul3A_1310 = arith.constant 2 : i32
        %mul3A_1311 = arith.muli %mul3A_1310, %scan3A_1190 : i32
        %add3A_1312 = arith.constant 1 : i32
        %add3A_1313 = arith.addi %mul3A_1311, %add3A_1312 : i32
        %get3A_1314 = arith.constant 0 : i32
        %get3A_1315 = arith.index_cast %get3A_1314 : i32 to index
        %get3A_1316 = arith.index_cast %add3A_1313 : i32 to index
        %get3A_1317 = arith.constant 32 : index
        %get3A_1318 = tpu.vector_load %arg6[%get3A_1315, %get3A_1316, %get3A_1317] {strides = array<i32>} : memref<4x128x64xf32, #tpu.memory_space<vmem>>, vector<1x1x16xf32>,
        %get3A_1319 = vector.shape_cast %get3A_1318 : vector<1x1x16xf32> to vector<16xf32>
        %mul3A_1320 = arith.constant 8.000000e+00 : f32
        %mul3A_1321 = vector.broadcast %mul3A_1320 : f32 to vector<16xf32>
        %mul3A_1322 = arith.mulf %get3A_1319, %mul3A_1321 : vector<16xf32>
        %swap3A_1323 = arith.constant 0 : i32
        %swap3A_1324 = arith.index_cast %swap3A_1323 : i32 to index
        %swap3A_1325 = arith.index_cast %scan3A_1190 : i32 to index
        %swap3A_1326 = arith.constant 96 : index
        %swap3A_1327 = tpu.vector_load %arg7[%swap3A_1324, %swap3A_1325, %swap3A_1326] {strides = array<i32>} : memref<4x64x128xf32, #tpu.memory_space<vmem>>, vector<1x1x16xf32>,
        %swap3A_1328 = vector.shape_cast %swap3A_1327 : vector<1x1x16xf32> to vector<16xf32>
        %swap3A_1329 = vector.shape_cast %mul3A_1322 : vector<16xf32> to vector<1x1x16xf32>
        tpu.vector_store %arg7[%swap3A_1324, %swap3A_1325, %swap3A_1326], %swap3A_1329 {strides = array<i32>} : memref<4x64x128xf32, #tpu.memory_space<vmem>>, vector<1x1x16xf32>,
        %mul3A_1330 = arith.constant 2 : i32
        %mul3A_1331 = arith.muli %mul3A_1330, %scan3A_1190 : i32
        %add3A_1332 = arith.constant 1 : i32
        %add3A_1333 = arith.addi %mul3A_1331, %add3A_1332 : i32
        %get3A_1334 = arith.constant 0 : i32
        %get3A_1335 = arith.index_cast %get3A_1334 : i32 to index
        %get3A_1336 = arith.index_cast %add3A_1333 : i32 to index
        %get3A_1337 = arith.constant 48 : index
        %get3A_1338 = tpu.vector_load %arg6[%get3A_1335, %get3A_1336, %get3A_1337] {strides = array<i32>} : memref<4x128x64xf32, #tpu.memory_space<vmem>>, vector<1x1x16xf32>,
        %get3A_1339 = vector.shape_cast %get3A_1338 : vector<1x1x16xf32> to vector<16xf32>
        %mul3A_1340 = arith.constant 8.000000e+00 : f32
        %mul3A_1341 = vector.broadcast %mul3A_1340 : f32 to vector<16xf32>
        %mul3A_1342 = arith.mulf %get3A_1339, %mul3A_1341 : vector<16xf32>
        %swap3A_1343 = arith.constant 0 : i32
        %swap3A_1344 = arith.index_cast %swap3A_1343 : i32 to index
        %swap3A_1345 = arith.index_cast %scan3A_1190 : i32 to index
        %swap3A_1346 = arith.constant 112 : index
        %swap3A_1347 = tpu.vector_load %arg7[%swap3A_1344, %swap3A_1345, %swap3A_1346] {strides = array<i32>} : memref<4x64x128xf32, #tpu.memory_space<vmem>>, vector<1x1x16xf32>,
        %swap3A_1348 = vector.shape_cast %swap3A_1347 : vector<1x1x16xf32> to vector<16xf32>
        %swap3A_1349 = vector.shape_cast %mul3A_1342 : vector<16xf32> to vector<1x1x16xf32>
        tpu.vector_store %arg7[%swap3A_1344, %swap3A_1345, %swap3A_1346], %swap3A_1349 {strides = array<i32>} : memref<4x64x128xf32, #tpu.memory_space<vmem>>, vector<1x1x16xf32>,
        %scan3A_1350 = arith.constant 0 : i32
        %scan3A_1351 = arith.constant 1 : i32
        %scan3A_1352 = arith.addi %scan3A_1190, %scan3A_1351 : i32
        %mul3A_1353 = arith.constant 2 : i32
        %mul3A_1354 = arith.muli %mul3A_1353, %scan3A_1352 : i32
        %add3A_1355 = arith.constant 0 : i32
        %add3A_1356 = arith.addi %mul3A_1354, %add3A_1355 : i32
        %get3A_1357 = arith.constant 0 : i32
        %get3A_1358 = arith.index_cast %get3A_1357 : i32 to index
        %get3A_1359 = arith.index_cast %add3A_1356 : i32 to index
        %get3A_1360 = arith.constant 0 : index
        %get3A_1361 = tpu.vector_load %arg6[%get3A_1358, %get3A_1359, %get3A_1360] {strides = array<i32>} : memref<4x128x64xf32, #tpu.memory_space<vmem>>, vector<1x1x16xf32>,
        %get3A_1362 = vector.shape_cast %get3A_1361 : vector<1x1x16xf32> to vector<16xf32>
        %mul3A_1363 = arith.constant 8.000000e+00 : f32
        %mul3A_1364 = vector.broadcast %mul3A_1363 : f32 to vector<16xf32>
        %mul3A_1365 = arith.mulf %get3A_1362, %mul3A_1364 : vector<16xf32>
        %swap3A_1366 = arith.constant 0 : i32
        %swap3A_1367 = arith.index_cast %swap3A_1366 : i32 to index
        %swap3A_1368 = arith.index_cast %scan3A_1352 : i32 to index
        %swap3A_1369 = arith.constant 0 : index
        %swap3A_1370 = tpu.vector_load %arg7[%swap3A_1367, %swap3A_1368, %swap3A_1369] {strides = array<i32>} : memref<4x64x128xf32, #tpu.memory_space<vmem>>, vector<1x1x16xf32>,
        %swap3A_1371 = vector.shape_cast %swap3A_1370 : vector<1x1x16xf32> to vector<16xf32>
        %swap3A_1372 = vector.shape_cast %mul3A_1365 : vector<16xf32> to vector<1x1x16xf32>
        tpu.vector_store %arg7[%swap3A_1367, %swap3A_1368, %swap3A_1369], %swap3A_1372 {strides = array<i32>} : memref<4x64x128xf32, #tpu.memory_space<vmem>>, vector<1x1x16xf32>,
        %mul3A_1373 = arith.constant 2 : i32
        %mul3A_1374 = arith.muli %mul3A_1373, %scan3A_1352 : i32
        %add3A_1375 = arith.constant 0 : i32
        %add3A_1376 = arith.addi %mul3A_1374, %add3A_1375 : i32
        %get3A_1377 = arith.constant 0 : i32
        %get3A_1378 = arith.index_cast %get3A_1377 : i32 to index
        %get3A_1379 = arith.index_cast %add3A_1376 : i32 to index
        %get3A_1380 = arith.constant 16 : index
        %get3A_1381 = tpu.vector_load %arg6[%get3A_1378, %get3A_1379, %get3A_1380] {strides = array<i32>} : memref<4x128x64xf32, #tpu.memory_space<vmem>>, vector<1x1x16xf32>,
        %get3A_1382 = vector.shape_cast %get3A_1381 : vector<1x1x16xf32> to vector<16xf32>
        %mul3A_1383 = arith.constant 8.000000e+00 : f32
        %mul3A_1384 = vector.broadcast %mul3A_1383 : f32 to vector<16xf32>
        %mul3A_1385 = arith.mulf %get3A_1382, %mul3A_1384 : vector<16xf32>
        %swap3A_1386 = arith.constant 0 : i32
        %swap3A_1387 = arith.index_cast %swap3A_1386 : i32 to index
        %swap3A_1388 = arith.index_cast %scan3A_1352 : i32 to index
        %swap3A_1389 = arith.constant 16 : index
        %swap3A_1390 = tpu.vector_load %arg7[%swap3A_1387, %swap3A_1388, %swap3A_1389] {strides = array<i32>} : memref<4x64x128xf32, #tpu.memory_space<vmem>>, vector<1x1x16xf32>,
        %swap3A_1391 = vector.shape_cast %swap3A_1390 : vector<1x1x16xf32> to vector<16xf32>
        %swap3A_1392 = vector.shape_cast %mul3A_1385 : vector<16xf32> to vector<1x1x16xf32>
        tpu.vector_store %arg7[%swap3A_1387, %swap3A_1388, %swap3A_1389], %swap3A_1392 {strides = array<i32>} : memref<4x64x128xf32, #tpu.memory_space<vmem>>, vector<1x1x16xf32>,
        %mul3A_1393 = arith.constant 2 : i32
        %mul3A_1394 = arith.muli %mul3A_1393, %scan3A_1352 : i32
        %add3A_1395 = arith.constant 0 : i32
        %add3A_1396 = arith.addi %mul3A_1394, %add3A_1395 : i32
        %get3A_1397 = arith.constant 0 : i32
        %get3A_1398 = arith.index_cast %get3A_1397 : i32 to index
        %get3A_1399 = arith.index_cast %add3A_1396 : i32 to index
        %get3A_1400 = arith.constant 32 : index
        %get3A_1401 = tpu.vector_load %arg6[%get3A_1398, %get3A_1399, %get3A_1400] {strides = array<i32>} : memref<4x128x64xf32, #tpu.memory_space<vmem>>, vector<1x1x16xf32>,
        %get3A_1402 = vector.shape_cast %get3A_1401 : vector<1x1x16xf32> to vector<16xf32>
        %mul3A_1403 = arith.constant 8.000000e+00 : f32
        %mul3A_1404 = vector.broadcast %mul3A_1403 : f32 to vector<16xf32>
        %mul3A_1405 = arith.mulf %get3A_1402, %mul3A_1404 : vector<16xf32>
        %swap3A_1406 = arith.constant 0 : i32
        %swap3A_1407 = arith.index_cast %swap3A_1406 : i32 to index
        %swap3A_1408 = arith.index_cast %scan3A_1352 : i32 to index
        %swap3A_1409 = arith.constant 32 : index
        %swap3A_1410 = tpu.vector_load %arg7[%swap3A_1407, %swap3A_1408, %swap3A_1409] {strides = array<i32>} : memref<4x64x128xf32, #tpu.memory_space<vmem>>, vector<1x1x16xf32>,
        %swap3A_1411 = vector.shape_cast %swap3A_1410 : vector<1x1x16xf32> to vector<16xf32>
        %swap3A_1412 = vector.shape_cast %mul3A_1405 : vector<16xf32> to vector<1x1x16xf32>
        tpu.vector_store %arg7[%swap3A_1407, %swap3A_1408, %swap3A_1409], %swap3A_1412 {strides = array<i32>} : memref<4x64x128xf32, #tpu.memory_space<vmem>>, vector<1x1x16xf32>,
        %mul3A_1413 = arith.constant 2 : i32
        %mul3A_1414 = arith.muli %mul3A_1413, %scan3A_1352 : i32
        %add3A_1415 = arith.constant 0 : i32
        %add3A_1416 = arith.addi %mul3A_1414, %add3A_1415 : i32
        %get3A_1417 = arith.constant 0 : i32
        %get3A_1418 = arith.index_cast %get3A_1417 : i32 to index
        %get3A_1419 = arith.index_cast %add3A_1416 : i32 to index
        %get3A_1420 = arith.constant 48 : index
        %get3A_1421 = tpu.vector_load %arg6[%get3A_1418, %get3A_1419, %get3A_1420] {strides = array<i32>} : memref<4x128x64xf32, #tpu.memory_space<vmem>>, vector<1x1x16xf32>,
        %get3A_1422 = vector.shape_cast %get3A_1421 : vector<1x1x16xf32> to vector<16xf32>
        %mul3A_1423 = arith.constant 8.000000e+00 : f32
        %mul3A_1424 = vector.broadcast %mul3A_1423 : f32 to vector<16xf32>
        %mul3A_1425 = arith.mulf %get3A_1422, %mul3A_1424 : vector<16xf32>
        %swap3A_1426 = arith.constant 0 : i32
        %swap3A_1427 = arith.index_cast %swap3A_1426 : i32 to index
        %swap3A_1428 = arith.index_cast %scan3A_1352 : i32 to index
        %swap3A_1429 = arith.constant 48 : index
        %swap3A_1430 = tpu.vector_load %arg7[%swap3A_1427, %swap3A_1428, %swap3A_1429] {strides = array<i32>} : memref<4x64x128xf32, #tpu.memory_space<vmem>>, vector<1x1x16xf32>,
        %swap3A_1431 = vector.shape_cast %swap3A_1430 : vector<1x1x16xf32> to vector<16xf32>
        %swap3A_1432 = vector.shape_cast %mul3A_1425 : vector<16xf32> to vector<1x1x16xf32>
        tpu.vector_store %arg7[%swap3A_1427, %swap3A_1428, %swap3A_1429], %swap3A_1432 {strides = array<i32>} : memref<4x64x128xf32, #tpu.memory_space<vmem>>, vector<1x1x16xf32>,
        %mul3A_1433 = arith.constant 2 : i32
        %mul3A_1434 = arith.muli %mul3A_1433, %scan3A_1352 : i32
        %add3A_1435 = arith.constant 1 : i32
        %add3A_1436 = arith.addi %mul3A_1434, %add3A_1435 : i32
        %get3A_1437 = arith.constant 0 : i32
        %get3A_1438 = arith.index_cast %get3A_1437 : i32 to index
        %get3A_1439 = arith.index_cast %add3A_1436 : i32 to index
        %get3A_1440 = arith.constant 0 : index
        %get3A_1441 = tpu.vector_load %arg6[%get3A_1438, %get3A_1439, %get3A_1440] {strides = array<i32>} : memref<4x128x64xf32, #tpu.memory_space<vmem>>, vector<1x1x16xf32>,
        %get3A_1442 = vector.shape_cast %get3A_1441 : vector<1x1x16xf32> to vector<16xf32>
        %mul3A_1443 = arith.constant 8.000000e+00 : f32
        %mul3A_1444 = vector.broadcast %mul3A_1443 : f32 to vector<16xf32>
        %mul3A_1445 = arith.mulf %get3A_1442, %mul3A_1444 : vector<16xf32>
        %swap3A_1446 = arith.constant 0 : i32
        %swap3A_1447 = arith.index_cast %swap3A_1446 : i32 to index
        %swap3A_1448 = arith.index_cast %scan3A_1352 : i32 to index
        %swap3A_1449 = arith.constant 64 : index
        %swap3A_1450 = tpu.vector_load %arg7[%swap3A_1447, %swap3A_1448, %swap3A_1449] {strides = array<i32>} : memref<4x64x128xf32, #tpu.memory_space<vmem>>, vector<1x1x16xf32>,
        %swap3A_1451 = vector.shape_cast %swap3A_1450 : vector<1x1x16xf32> to vector<16xf32>
        %swap3A_1452 = vector.shape_cast %mul3A_1445 : vector<16xf32> to vector<1x1x16xf32>
        tpu.vector_store %arg7[%swap3A_1447, %swap3A_1448, %swap3A_1449], %swap3A_1452 {strides = array<i32>} : memref<4x64x128xf32, #tpu.memory_space<vmem>>, vector<1x1x16xf32>,
        %mul3A_1453 = arith.constant 2 : i32
        %mul3A_1454 = arith.muli %mul3A_1453, %scan3A_1352 : i32
        %add3A_1455 = arith.constant 1 : i32
        %add3A_1456 = arith.addi %mul3A_1454, %add3A_1455 : i32
        %get3A_1457 = arith.constant 0 : i32
        %get3A_1458 = arith.index_cast %get3A_1457 : i32 to index
        %get3A_1459 = arith.index_cast %add3A_1456 : i32 to index
        %get3A_1460 = arith.constant 16 : index
        %get3A_1461 = tpu.vector_load %arg6[%get3A_1458, %get3A_1459, %get3A_1460] {strides = array<i32>} : memref<4x128x64xf32, #tpu.memory_space<vmem>>, vector<1x1x16xf32>,
        %get3A_1462 = vector.shape_cast %get3A_1461 : vector<1x1x16xf32> to vector<16xf32>
        %mul3A_1463 = arith.constant 8.000000e+00 : f32
        %mul3A_1464 = vector.broadcast %mul3A_1463 : f32 to vector<16xf32>
        %mul3A_1465 = arith.mulf %get3A_1462, %mul3A_1464 : vector<16xf32>
        %swap3A_1466 = arith.constant 0 : i32
        %swap3A_1467 = arith.index_cast %swap3A_1466 : i32 to index
        %swap3A_1468 = arith.index_cast %scan3A_1352 : i32 to index
        %swap3A_1469 = arith.constant 80 : index
        %swap3A_1470 = tpu.vector_load %arg7[%swap3A_1467, %swap3A_1468, %swap3A_1469] {strides = array<i32>} : memref<4x64x128xf32, #tpu.memory_space<vmem>>, vector<1x1x16xf32>,
        %swap3A_1471 = vector.shape_cast %swap3A_1470 : vector<1x1x16xf32> to vector<16xf32>
        %swap3A_1472 = vector.shape_cast %mul3A_1465 : vector<16xf32> to vector<1x1x16xf32>
        tpu.vector_store %arg7[%swap3A_1467, %swap3A_1468, %swap3A_1469], %swap3A_1472 {strides = array<i32>} : memref<4x64x128xf32, #tpu.memory_space<vmem>>, vector<1x1x16xf32>,
        %mul3A_1473 = arith.constant 2 : i32
        %mul3A_1474 = arith.muli %mul3A_1473, %scan3A_1352 : i32
        %add3A_1475 = arith.constant 1 : i32
        %add3A_1476 = arith.addi %mul3A_1474, %add3A_1475 : i32
        %get3A_1477 = arith.constant 0 : i32
        %get3A_1478 = arith.index_cast %get3A_1477 : i32 to index
        %get3A_1479 = arith.index_cast %add3A_1476 : i32 to index
        %get3A_1480 = arith.constant 32 : index
        %get3A_1481 = tpu.vector_load %arg6[%get3A_1478, %get3A_1479, %get3A_1480] {strides = array<i32>} : memref<4x128x64xf32, #tpu.memory_space<vmem>>, vector<1x1x16xf32>,
        %get3A_1482 = vector.shape_cast %get3A_1481 : vector<1x1x16xf32> to vector<16xf32>
        %mul3A_1483 = arith.constant 8.000000e+00 : f32
        %mul3A_1484 = vector.broadcast %mul3A_1483 : f32 to vector<16xf32>
        %mul3A_1485 = arith.mulf %get3A_1482, %mul3A_1484 : vector<16xf32>
        %swap3A_1486 = arith.constant 0 : i32
        %swap3A_1487 = arith.index_cast %swap3A_1486 : i32 to index
        %swap3A_1488 = arith.index_cast %scan3A_1352 : i32 to index
        %swap3A_1489 = arith.constant 96 : index
        %swap3A_1490 = tpu.vector_load %arg7[%swap3A_1487, %swap3A_1488, %swap3A_1489] {strides = array<i32>} : memref<4x64x128xf32, #tpu.memory_space<vmem>>, vector<1x1x16xf32>,
        %swap3A_1491 = vector.shape_cast %swap3A_1490 : vector<1x1x16xf32> to vector<16xf32>
        %swap3A_1492 = vector.shape_cast %mul3A_1485 : vector<16xf32> to vector<1x1x16xf32>
        tpu.vector_store %arg7[%swap3A_1487, %swap3A_1488, %swap3A_1489], %swap3A_1492 {strides = array<i32>} : memref<4x64x128xf32, #tpu.memory_space<vmem>>, vector<1x1x16xf32>,
        %mul3A_1493 = arith.constant 2 : i32
        %mul3A_1494 = arith.muli %mul3A_1493, %scan3A_1352 : i32
        %add3A_1495 = arith.constant 1 : i32
        %add3A_1496 = arith.addi %mul3A_1494, %add3A_1495 : i32
        %get3A_1497 = arith.constant 0 : i32
        %get3A_1498 = arith.index_cast %get3A_1497 : i32 to index
        %get3A_1499 = arith.index_cast %add3A_1496 : i32 to index
        %get3A_1500 = arith.constant 48 : index
        %get3A_1501 = tpu.vector_load %arg6[%get3A_1498, %get3A_1499, %get3A_1500] {strides = array<i32>} : memref<4x128x64xf32, #tpu.memory_space<vmem>>, vector<1x1x16xf32>,
        %get3A_1502 = vector.shape_cast %get3A_1501 : vector<1x1x16xf32> to vector<16xf32>
        %mul3A_1503 = arith.constant 8.000000e+00 : f32
        %mul3A_1504 = vector.broadcast %mul3A_1503 : f32 to vector<16xf32>
        %mul3A_1505 = arith.mulf %get3A_1502, %mul3A_1504 : vector<16xf32>
        %swap3A_1506 = arith.constant 0 : i32
        %swap3A_1507 = arith.index_cast %swap3A_1506 : i32 to index
        %swap3A_1508 = arith.index_cast %scan3A_1352 : i32 to index
        %swap3A_1509 = arith.constant 112 : index
        %swap3A_1510 = tpu.vector_load %arg7[%swap3A_1507, %swap3A_1508, %swap3A_1509] {strides = array<i32>} : memref<4x64x128xf32, #tpu.memory_space<vmem>>, vector<1x1x16xf32>,
        %swap3A_1511 = vector.shape_cast %swap3A_1510 : vector<1x1x16xf32> to vector<16xf32>
        %swap3A_1512 = vector.shape_cast %mul3A_1505 : vector<16xf32> to vector<1x1x16xf32>
        tpu.vector_store %arg7[%swap3A_1507, %swap3A_1508, %swap3A_1509], %swap3A_1512 {strides = array<i32>} : memref<4x64x128xf32, #tpu.memory_space<vmem>>, vector<1x1x16xf32>,
        %scan3A_1513 = arith.constant 0 : i32
        scf.yield %scan3A_1513 : i32
      }
      %scan3A_820 = arith.constant 64 : i32
      %jit3A_821 = arith.constant 2 : i32
      %div3A_822 = arith.divsi %mul3A_2, %jit3A_821 : i32
      %sign3A_823 = arith.constant 0 : i32
      %sign3A_824 = arith.cmpi sgt, %mul3A_2, %sign3A_823 : i32
      %sign3A_825 = arith.extui %sign3A_824 : i1 to i32
      %sign3A_826 = arith.constant 0 : i32
      %sign3A_827 = arith.cmpi slt, %mul3A_2, %sign3A_826 : i32
      %sign3A_828 = arith.extui %sign3A_827 : i1 to i32
      %sign3A_829 = arith.subi %sign3A_825, %sign3A_828 : i32
      %sign3A_830 = arith.constant 0 : i32
      %sign3A_831 = arith.cmpi sgt, %jit3A_821, %sign3A_830 : i32
      %sign3A_832 = arith.extui %sign3A_831 : i1 to i32
      %sign3A_833 = arith.constant 0 : i32
      %sign3A_834 = arith.cmpi slt, %jit3A_821, %sign3A_833 : i32
      %sign3A_835 = arith.extui %sign3A_834 : i1 to i32
      %sign3A_836 = arith.subi %sign3A_832, %sign3A_835 : i32
      %ne3A_837 = arith.cmpi ne, %sign3A_829, %sign3A_836 : i32
      %rem3A_838 = arith.remsi %mul3A_2, %jit3A_821 : i32
      %ne3A_839 = arith.constant 0 : i32
      %ne3A_840 = arith.cmpi ne, %rem3A_838, %ne3A_839 : i32
      %and3A_841 = arith.andi %ne3A_837, %ne3A_840 : i1
      %sub3A_842 = arith.constant 1 : i32
      %sub3A_843 = arith.subi %div3A_822, %sub3A_842 : i32
      %select_n3A_844 = arith.select %and3A_841, %sub3A_843, %div3A_822 : i32
      %mul3A_845 = arith.constant 64 : i32
      %mul3A_846 = arith.muli %add3A_780, %mul3A_845 : i32
      %add3A_847 = arith.addi %select_n3A_844, %mul3A_846 : i32
      %dma_start3A_848 = arith.constant 0 : i32
      %dma_start3A_849 = arith.constant 0 : i32
      %dma_start3A_850 = arith.constant 0 : i32
      %dma_start3A_851 = arith.constant 0 : i32
      %dma_start3A_852 = tpu.memref_slice %arg7[%dma_start3A_848, %dma_start3A_850, %dma_start3A_851] : memref<4x64x128xf32, #tpu.memory_space<vmem>> -> memref<1x64x128xf32, #tpu.memory_space<vmem>>
      %dma_start3A_853 = tpu.memref_squeeze %dma_start3A_852 : memref<1x64x128xf32, #tpu.memory_space<vmem>> -> memref<64x128xf32, #tpu.memory_space<vmem>>
      %dma_start3A_854 = arith.constant 0 : i32
      %dma_start3A_855 = tpu.memref_slice %arg4[%add3A_847, %dma_start3A_854] : memref<409600x128xf32, #tpu.memory_space<hbm>> -> memref<64x128xf32, #tpu.memory_space<hbm>>
      %dma_start3A_856 = tpu.memref_slice %arg9[%dma_start3A_849] : memref<4x!tpu.dma_semaphore, #tpu.memory_space<semaphore_mem>> -> memref<1x!tpu.dma_semaphore, #tpu.memory_space<semaphore_mem>>
      %dma_start3A_857 = tpu.memref_squeeze %dma_start3A_856 : memref<1x!tpu.dma_semaphore, #tpu.memory_space<semaphore_mem>> -> memref<!tpu.dma_semaphore, #tpu.memory_space<semaphore_mem>>
      %dma_start3A_858 = arith.constant 0 : i32
      %dma_start3A_859 = tpu.memref_slice %arg4[%add3A_847, %dma_start3A_858] : memref<409600x128xf32, #tpu.memory_space<hbm>> -> memref<64x128xf32, #tpu.memory_space<hbm>>
      %dma_start3A_860 = arith.constant 0 : i32
      %dma_start3A_861 = arith.constant 0 : i32
      %dma_start3A_862 = tpu.memref_slice %arg7[%dma_start3A_848, %dma_start3A_860, %dma_start3A_861] : memref<4x64x128xf32, #tpu.memory_space<vmem>> -> memref<1x64x128xf32, #tpu.memory_space<vmem>>
      %dma_start3A_863 = tpu.memref_squeeze %dma_start3A_862 : memref<1x64x128xf32, #tpu.memory_space<vmem>> -> memref<64x128xf32, #tpu.memory_space<vmem>>
      tpu.enqueue_dma source(%dma_start3A_863 : memref<64x128xf32, #tpu.memory_space<vmem>>) target(%dma_start3A_859 : memref<64x128xf32, #tpu.memory_space<hbm>>) target_semaphore(%dma_start3A_857 : memref<!tpu.dma_semaphore, #tpu.memory_space<semaphore_mem>>)
      %add3A_864 = arith.constant 4 : i32
      %add3A_865 = arith.addi %add3A_780, %add3A_864 : i32
      %dma_start3A_866 = arith.constant 0 : i32
      %dma_start3A_867 = arith.constant 0 : i32
      %dma_start3A_868 = arith.constant 0 : i32
      %dma_start3A_869 = arith.constant 0 : i32
      %dma_start3A_870 = tpu.memref_slice %arg6[%dma_start3A_866, %dma_start3A_868, %dma_start3A_869] : memref<4x128x64xf32, #tpu.memory_space<vmem>> -> memref<1x128x64xf32, #tpu.memory_space<vmem>>
      %dma_start3A_871 = tpu.memref_squeeze %dma_start3A_870 : memref<1x128x64xf32, #tpu.memory_space<vmem>> -> memref<128x64xf32, #tpu.memory_space<vmem>>
      %dma_start3A_872 = arith.constant 0 : i32
      %dma_start3A_873 = tpu.memref_slice %arg5[%add3A_865, %dma_start3A_872] : memref<200x128xi32, #tpu.memory_space<vmem>> -> memref<1x128xi32, #tpu.memory_space<vmem>>
      %dma_start3A_874 = tpu.memref_squeeze %dma_start3A_873 : memref<1x128xi32, #tpu.memory_space<vmem>> -> memref<128xi32, #tpu.memory_space<vmem>>
      %dma_start3A_875 = arith.constant 0 : i32
      %dma_start3A_876 = arith.constant 0 : i32
      %dma_start3A_877 = tpu.memref_slice %arg3[%dma_start3A_875, %dma_start3A_876] : memref<1000000x64xf32, #tpu.memory_space<hbm>> -> memref<1000000x64xf32, #tpu.memory_space<hbm>>
      %dma_start3A_878 = tpu.memref_slice %arg8[%dma_start3A_867] : memref<4x!tpu.dma_semaphore, #tpu.memory_space<semaphore_mem>> -> memref<1x!tpu.dma_semaphore, #tpu.memory_space<semaphore_mem>>
      %dma_start3A_879 = tpu.memref_squeeze %dma_start3A_878 : memref<1x!tpu.dma_semaphore, #tpu.memory_space<semaphore_mem>> -> memref<!tpu.dma_semaphore, #tpu.memory_space<semaphore_mem>>
      tpu.enqueue_indirect_dma source(%dma_start3A_877 : memref<1000000x64xf32, #tpu.memory_space<hbm>>) target(%dma_start3A_871 : memref<128x64xf32, #tpu.memory_space<vmem>>) offsets(%dma_start3A_874 : memref<128xi32, #tpu.memory_space<vmem>>) semaphore(%dma_start3A_879 : memref<!tpu.dma_semaphore, #tpu.memory_space<semaphore_mem>>)
      %mul3A_880 = arith.constant 4 : i32
      %mul3A_881 = arith.muli %scan3A_775, %mul3A_880 : i32
      %add3A_882 = arith.constant 1 : i32
      %add3A_883 = arith.addi %mul3A_881, %add3A_882 : i32
      %dma_wait3A_884 = arith.constant 0 : i32
      %dma_wait3A_885 = arith.constant 1 : i32
      %dma_wait3A_886 = arith.constant 1 : i32
      %dma_wait3A_887 = arith.constant 0 : i32
      %dma_wait3A_888 = arith.constant 0 : i32
      %dma_wait3A_889 = tpu.memref_slice %arg6[%dma_wait3A_885, %dma_wait3A_887, %dma_wait3A_888] : memref<4x128x64xf32, #tpu.memory_space<vmem>> -> memref<1x128x64xf32, #tpu.memory_space<vmem>>
      %dma_wait3A_890 = tpu.memref_squeeze %dma_wait3A_889 : memref<1x128x64xf32, #tpu.memory_space<vmem>> -> memref<128x64xf32, #tpu.memory_space<vmem>>
      %dma_wait3A_891 = arith.constant 0 : i32
      %dma_wait3A_892 = tpu.memref_slice %arg5[%dma_wait3A_884, %dma_wait3A_891] : memref<200x128xi32, #tpu.memory_space<vmem>> -> memref<1x128xi32, #tpu.memory_space<vmem>>
      %dma_wait3A_893 = tpu.memref_squeeze %dma_wait3A_892 : memref<1x128xi32, #tpu.memory_space<vmem>> -> memref<128xi32, #tpu.memory_space<vmem>>
      %dma_wait3A_894 = arith.constant 0 : i32
      %dma_wait3A_895 = arith.constant 0 : i32
      %dma_wait3A_896 = tpu.memref_slice %arg3[%dma_wait3A_894, %dma_wait3A_895] : memref<1000000x64xf32, #tpu.memory_space<hbm>> -> memref<1000000x64xf32, #tpu.memory_space<hbm>>
      %dma_wait3A_897 = tpu.memref_slice %arg8[%dma_wait3A_886] : memref<4x!tpu.dma_semaphore, #tpu.memory_space<semaphore_mem>> -> memref<1x!tpu.dma_semaphore, #tpu.memory_space<semaphore_mem>>
      %dma_wait3A_898 = tpu.memref_squeeze %dma_wait3A_897 : memref<1x!tpu.dma_semaphore, #tpu.memory_space<semaphore_mem>> -> memref<!tpu.dma_semaphore, #tpu.memory_space<semaphore_mem>>
      tpu.wait_indirect_dma semaphore(%dma_wait3A_898 : memref<!tpu.dma_semaphore, #tpu.memory_space<semaphore_mem>>) src(%dma_wait3A_896 : memref<1000000x64xf32, #tpu.memory_space<hbm>>) dst(%dma_wait3A_890 : memref<128x64xf32, #tpu.memory_space<vmem>>)
      %dma_wait3A_899 = arith.constant 1 : i32
      %dma_wait3A_900 = arith.constant 1 : i32
      %dma_wait3A_901 = arith.constant 0 : i32
      %dma_wait3A_902 = arith.constant 0 : i32
      %dma_wait3A_903 = tpu.memref_slice %arg7[%dma_wait3A_899, %dma_wait3A_901, %dma_wait3A_902] : memref<4x64x128xf32, #tpu.memory_space<vmem>> -> memref<1x64x128xf32, #tpu.memory_space<vmem>>
      %dma_wait3A_904 = tpu.memref_squeeze %dma_wait3A_903 : memref<1x64x128xf32, #tpu.memory_space<vmem>> -> memref<64x128xf32, #tpu.memory_space<vmem>>
      %dma_wait3A_905 = arith.constant 0 : i32
      %dma_wait3A_906 = arith.constant 0 : i32
      %dma_wait3A_907 = tpu.memref_slice %arg4[%dma_wait3A_905, %dma_wait3A_906] : memref<409600x128xf32, #tpu.memory_space<hbm>> -> memref<64x128xf32, #tpu.memory_space<hbm>>
      %dma_wait3A_908 = tpu.memref_slice %arg9[%dma_wait3A_900] : memref<4x!tpu.dma_semaphore, #tpu.memory_space<semaphore_mem>> -> memref<1x!tpu.dma_semaphore, #tpu.memory_space<semaphore_mem>>
      %dma_wait3A_909 = tpu.memref_squeeze %dma_wait3A_908 : memref<1x!tpu.dma_semaphore, #tpu.memory_space<semaphore_mem>> -> memref<!tpu.dma_semaphore, #tpu.memory_space<semaphore_mem>>
      %dma_wait3A_910 = arith.constant 0 : i32
      %dma_wait3A_911 = arith.constant 0 : i32
      %dma_wait3A_912 = tpu.memref_slice %arg4[%dma_wait3A_910, %dma_wait3A_911] : memref<409600x128xf32, #tpu.memory_space<hbm>> -> memref<64x128xf32, #tpu.memory_space<hbm>>
      %dma_wait3A_913 = arith.constant 0 : i32
      %dma_wait3A_914 = arith.constant 0 : i32
      %dma_wait3A_915 = tpu.memref_slice %arg7[%dma_wait3A_899, %dma_wait3A_913, %dma_wait3A_914] : memref<4x64x128xf32, #tpu.memory_space<vmem>> -> memref<1x64x128xf32, #tpu.memory_space<vmem>>
      %dma_wait3A_916 = tpu.memref_squeeze %dma_wait3A_915 : memref<1x64x128xf32, #tpu.memory_space<vmem>> -> memref<64x128xf32, #tpu.memory_space<vmem>>
      tpu.wait_dma2 semaphore(%dma_wait3A_909 : memref<!tpu.dma_semaphore, #tpu.memory_space<semaphore_mem>>) src(%dma_wait3A_916 : memref<64x128xf32, #tpu.memory_space<vmem>>) dst(%dma_wait3A_912 : memref<64x128xf32, #tpu.memory_space<hbm>>)
      %scan3A_917 = arith.constant 0 : i32
      %scan3A_918 = arith.constant 0 : i32
      %scan3A_919 = arith.constant 64 : i32
      %scan3A_920 = arith.addi %scan3A_918, %scan3A_919 : i32
      %scan3A_921 = arith.constant 2 : i32
      %scan3A_922 = scf.for %scan3A_1190 = %scan3A_918 to %scan3A_920 step %scan3A_921 iter_args(%scan3A_1191 = %scan3A_917) -> (i32)  : i32 {
        %mul3A_1192 = arith.constant 2 : i32
        %mul3A_1193 = arith.muli %mul3A_1192, %scan3A_1190 : i32
        %add3A_1194 = arith.constant 0 : i32
        %add3A_1195 = arith.addi %mul3A_1193, %add3A_1194 : i32
        %get3A = arith.constant 1 : i32
        %get3A_1196 = arith.index_cast %get3A : i32 to index
        %get3A_1197 = arith.index_cast %add3A_1195 : i32 to index
        %get3A_1198 = arith.constant 0 : index
        %get3A_1199 = tpu.vector_load %arg6[%get3A_1196, %get3A_1197, %get3A_1198] {strides = array<i32>} : memref<4x128x64xf32, #tpu.memory_space<vmem>>, vector<1x1x16xf32>,
        %get3A_1200 = vector.shape_cast %get3A_1199 : vector<1x1x16xf32> to vector<16xf32>
        %mul3A_1201 = arith.constant 8.000000e+00 : f32
        %mul3A_1202 = vector.broadcast %mul3A_1201 : f32 to vector<16xf32>
        %mul3A_1203 = arith.mulf %get3A_1200, %mul3A_1202 : vector<16xf32>
        %swap3A = arith.constant 1 : i32
        %swap3A_1204 = arith.index_cast %swap3A : i32 to index
        %swap3A_1205 = arith.index_cast %scan3A_1190 : i32 to index
        %swap3A_1206 = arith.constant 0 : index
        %swap3A_1207 = tpu.vector_load %arg7[%swap3A_1204, %swap3A_1205, %swap3A_1206] {strides = array<i32>} : memref<4x64x128xf32, #tpu.memory_space<vmem>>, vector<1x1x16xf32>,
        %swap3A_1208 = vector.shape_cast %swap3A_1207 : vector<1x1x16xf32> to vector<16xf32>
        %swap3A_1209 = vector.shape_cast %mul3A_1203 : vector<16xf32> to vector<1x1x16xf32>
        tpu.vector_store %arg7[%swap3A_1204, %swap3A_1205, %swap3A_1206], %swap3A_1209 {strides = array<i32>} : memref<4x64x128xf32, #tpu.memory_space<vmem>>, vector<1x1x16xf32>,
        %mul3A_1210 = arith.constant 2 : i32
        %mul3A_1211 = arith.muli %mul3A_1210, %scan3A_1190 : i32
        %add3A_1212 = arith.constant 0 : i32
        %add3A_1213 = arith.addi %mul3A_1211, %add3A_1212 : i32
        %get3A_1214 = arith.constant 1 : i32
        %get3A_1215 = arith.index_cast %get3A_1214 : i32 to index
        %get3A_1216 = arith.index_cast %add3A_1213 : i32 to index
        %get3A_1217 = arith.constant 16 : index
        %get3A_1218 = tpu.vector_load %arg6[%get3A_1215, %get3A_1216, %get3A_1217] {strides = array<i32>} : memref<4x128x64xf32, #tpu.memory_space<vmem>>, vector<1x1x16xf32>,
        %get3A_1219 = vector.shape_cast %get3A_1218 : vector<1x1x16xf32> to vector<16xf32>
        %mul3A_1220 = arith.constant 8.000000e+00 : f32
        %mul3A_1221 = vector.broadcast %mul3A_1220 : f32 to vector<16xf32>
        %mul3A_1222 = arith.mulf %get3A_1219, %mul3A_1221 : vector<16xf32>
        %swap3A_1223 = arith.constant 1 : i32
        %swap3A_1224 = arith.index_cast %swap3A_1223 : i32 to index
        %swap3A_1225 = arith.index_cast %scan3A_1190 : i32 to index
        %swap3A_1226 = arith.constant 16 : index
        %swap3A_1227 = tpu.vector_load %arg7[%swap3A_1224, %swap3A_1225, %swap3A_1226] {strides = array<i32>} : memref<4x64x128xf32, #tpu.memory_space<vmem>>, vector<1x1x16xf32>,
        %swap3A_1228 = vector.shape_cast %swap3A_1227 : vector<1x1x16xf32> to vector<16xf32>
        %swap3A_1229 = vector.shape_cast %mul3A_1222 : vector<16xf32> to vector<1x1x16xf32>
        tpu.vector_store %arg7[%swap3A_1224, %swap3A_1225, %swap3A_1226], %swap3A_1229 {strides = array<i32>} : memref<4x64x128xf32, #tpu.memory_space<vmem>>, vector<1x1x16xf32>,
        %mul3A_1230 = arith.constant 2 : i32
        %mul3A_1231 = arith.muli %mul3A_1230, %scan3A_1190 : i32
        %add3A_1232 = arith.constant 0 : i32
        %add3A_1233 = arith.addi %mul3A_1231, %add3A_1232 : i32
        %get3A_1234 = arith.constant 1 : i32
        %get3A_1235 = arith.index_cast %get3A_1234 : i32 to index
        %get3A_1236 = arith.index_cast %add3A_1233 : i32 to index
        %get3A_1237 = arith.constant 32 : index
        %get3A_1238 = tpu.vector_load %arg6[%get3A_1235, %get3A_1236, %get3A_1237] {strides = array<i32>} : memref<4x128x64xf32, #tpu.memory_space<vmem>>, vector<1x1x16xf32>,
        %get3A_1239 = vector.shape_cast %get3A_1238 : vector<1x1x16xf32> to vector<16xf32>
        %mul3A_1240 = arith.constant 8.000000e+00 : f32
        %mul3A_1241 = vector.broadcast %mul3A_1240 : f32 to vector<16xf32>
        %mul3A_1242 = arith.mulf %get3A_1239, %mul3A_1241 : vector<16xf32>
        %swap3A_1243 = arith.constant 1 : i32
        %swap3A_1244 = arith.index_cast %swap3A_1243 : i32 to index
        %swap3A_1245 = arith.index_cast %scan3A_1190 : i32 to index
        %swap3A_1246 = arith.constant 32 : index
        %swap3A_1247 = tpu.vector_load %arg7[%swap3A_1244, %swap3A_1245, %swap3A_1246] {strides = array<i32>} : memref<4x64x128xf32, #tpu.memory_space<vmem>>, vector<1x1x16xf32>,
        %swap3A_1248 = vector.shape_cast %swap3A_1247 : vector<1x1x16xf32> to vector<16xf32>
        %swap3A_1249 = vector.shape_cast %mul3A_1242 : vector<16xf32> to vector<1x1x16xf32>
        tpu.vector_store %arg7[%swap3A_1244, %swap3A_1245, %swap3A_1246], %swap3A_1249 {strides = array<i32>} : memref<4x64x128xf32, #tpu.memory_space<vmem>>, vector<1x1x16xf32>,
        %mul3A_1250 = arith.constant 2 : i32
        %mul3A_1251 = arith.muli %mul3A_1250, %scan3A_1190 : i32
        %add3A_1252 = arith.constant 0 : i32
        %add3A_1253 = arith.addi %mul3A_1251, %add3A_1252 : i32
        %get3A_1254 = arith.constant 1 : i32
        %get3A_1255 = arith.index_cast %get3A_1254 : i32 to index
        %get3A_1256 = arith.index_cast %add3A_1253 : i32 to index
        %get3A_1257 = arith.constant 48 : index
        %get3A_1258 = tpu.vector_load %arg6[%get3A_1255, %get3A_1256, %get3A_1257] {strides = array<i32>} : memref<4x128x64xf32, #tpu.memory_space<vmem>>, vector<1x1x16xf32>,
        %get3A_1259 = vector.shape_cast %get3A_1258 : vector<1x1x16xf32> to vector<16xf32>
        %mul3A_1260 = arith.constant 8.000000e+00 : f32
        %mul3A_1261 = vector.broadcast %mul3A_1260 : f32 to vector<16xf32>
        %mul3A_1262 = arith.mulf %get3A_1259, %mul3A_1261 : vector<16xf32>
        %swap3A_1263 = arith.constant 1 : i32
        %swap3A_1264 = arith.index_cast %swap3A_1263 : i32 to index
        %swap3A_1265 = arith.index_cast %scan3A_1190 : i32 to index
        %swap3A_1266 = arith.constant 48 : index
        %swap3A_1267 = tpu.vector_load %arg7[%swap3A_1264, %swap3A_1265, %swap3A_1266] {strides = array<i32>} : memref<4x64x128xf32, #tpu.memory_space<vmem>>, vector<1x1x16xf32>,
        %swap3A_1268 = vector.shape_cast %swap3A_1267 : vector<1x1x16xf32> to vector<16xf32>
        %swap3A_1269 = vector.shape_cast %mul3A_1262 : vector<16xf32> to vector<1x1x16xf32>
        tpu.vector_store %arg7[%swap3A_1264, %swap3A_1265, %swap3A_1266], %swap3A_1269 {strides = array<i32>} : memref<4x64x128xf32, #tpu.memory_space<vmem>>, vector<1x1x16xf32>,
        %mul3A_1270 = arith.constant 2 : i32
        %mul3A_1271 = arith.muli %mul3A_1270, %scan3A_1190 : i32
        %add3A_1272 = arith.constant 1 : i32
        %add3A_1273 = arith.addi %mul3A_1271, %add3A_1272 : i32
        %get3A_1274 = arith.constant 1 : i32
        %get3A_1275 = arith.index_cast %get3A_1274 : i32 to index
        %get3A_1276 = arith.index_cast %add3A_1273 : i32 to index
        %get3A_1277 = arith.constant 0 : index
        %get3A_1278 = tpu.vector_load %arg6[%get3A_1275, %get3A_1276, %get3A_1277] {strides = array<i32>} : memref<4x128x64xf32, #tpu.memory_space<vmem>>, vector<1x1x16xf32>,
        %get3A_1279 = vector.shape_cast %get3A_1278 : vector<1x1x16xf32> to vector<16xf32>
        %mul3A_1280 = arith.constant 8.000000e+00 : f32
        %mul3A_1281 = vector.broadcast %mul3A_1280 : f32 to vector<16xf32>
        %mul3A_1282 = arith.mulf %get3A_1279, %mul3A_1281 : vector<16xf32>
        %swap3A_1283 = arith.constant 1 : i32
        %swap3A_1284 = arith.index_cast %swap3A_1283 : i32 to index
        %swap3A_1285 = arith.index_cast %scan3A_1190 : i32 to index
        %swap3A_1286 = arith.constant 64 : index
        %swap3A_1287 = tpu.vector_load %arg7[%swap3A_1284, %swap3A_1285, %swap3A_1286] {strides = array<i32>} : memref<4x64x128xf32, #tpu.memory_space<vmem>>, vector<1x1x16xf32>,
        %swap3A_1288 = vector.shape_cast %swap3A_1287 : vector<1x1x16xf32> to vector<16xf32>
        %swap3A_1289 = vector.shape_cast %mul3A_1282 : vector<16xf32> to vector<1x1x16xf32>
        tpu.vector_store %arg7[%swap3A_1284, %swap3A_1285, %swap3A_1286], %swap3A_1289 {strides = array<i32>} : memref<4x64x128xf32, #tpu.memory_space<vmem>>, vector<1x1x16xf32>,
        %mul3A_1290 = arith.constant 2 : i32
        %mul3A_1291 = arith.muli %mul3A_1290, %scan3A_1190 : i32
        %add3A_1292 = arith.constant 1 : i32
        %add3A_1293 = arith.addi %mul3A_1291, %add3A_1292 : i32
        %get3A_1294 = arith.constant 1 : i32
        %get3A_1295 = arith.index_cast %get3A_1294 : i32 to index
        %get3A_1296 = arith.index_cast %add3A_1293 : i32 to index
        %get3A_1297 = arith.constant 16 : index
        %get3A_1298 = tpu.vector_load %arg6[%get3A_1295, %get3A_1296, %get3A_1297] {strides = array<i32>} : memref<4x128x64xf32, #tpu.memory_space<vmem>>, vector<1x1x16xf32>,
        %get3A_1299 = vector.shape_cast %get3A_1298 : vector<1x1x16xf32> to vector<16xf32>
        %mul3A_1300 = arith.constant 8.000000e+00 : f32
        %mul3A_1301 = vector.broadcast %mul3A_1300 : f32 to vector<16xf32>
        %mul3A_1302 = arith.mulf %get3A_1299, %mul3A_1301 : vector<16xf32>
        %swap3A_1303 = arith.constant 1 : i32
        %swap3A_1304 = arith.index_cast %swap3A_1303 : i32 to index
        %swap3A_1305 = arith.index_cast %scan3A_1190 : i32 to index
        %swap3A_1306 = arith.constant 80 : index
        %swap3A_1307 = tpu.vector_load %arg7[%swap3A_1304, %swap3A_1305, %swap3A_1306] {strides = array<i32>} : memref<4x64x128xf32, #tpu.memory_space<vmem>>, vector<1x1x16xf32>,
        %swap3A_1308 = vector.shape_cast %swap3A_1307 : vector<1x1x16xf32> to vector<16xf32>
        %swap3A_1309 = vector.shape_cast %mul3A_1302 : vector<16xf32> to vector<1x1x16xf32>
        tpu.vector_store %arg7[%swap3A_1304, %swap3A_1305, %swap3A_1306], %swap3A_1309 {strides = array<i32>} : memref<4x64x128xf32, #tpu.memory_space<vmem>>, vector<1x1x16xf32>,
        %mul3A_1310 = arith.constant 2 : i32
        %mul3A_1311 = arith.muli %mul3A_1310, %scan3A_1190 : i32
        %add3A_1312 = arith.constant 1 : i32
        %add3A_1313 = arith.addi %mul3A_1311, %add3A_1312 : i32
        %get3A_1314 = arith.constant 1 : i32
        %get3A_1315 = arith.index_cast %get3A_1314 : i32 to index
        %get3A_1316 = arith.index_cast %add3A_1313 : i32 to index
        %get3A_1317 = arith.constant 32 : index
        %get3A_1318 = tpu.vector_load %arg6[%get3A_1315, %get3A_1316, %get3A_1317] {strides = array<i32>} : memref<4x128x64xf32, #tpu.memory_space<vmem>>, vector<1x1x16xf32>,
        %get3A_1319 = vector.shape_cast %get3A_1318 : vector<1x1x16xf32> to vector<16xf32>
        %mul3A_1320 = arith.constant 8.000000e+00 : f32
        %mul3A_1321 = vector.broadcast %mul3A_1320 : f32 to vector<16xf32>
        %mul3A_1322 = arith.mulf %get3A_1319, %mul3A_1321 : vector<16xf32>
        %swap3A_1323 = arith.constant 1 : i32
        %swap3A_1324 = arith.index_cast %swap3A_1323 : i32 to index
        %swap3A_1325 = arith.index_cast %scan3A_1190 : i32 to index
        %swap3A_1326 = arith.constant 96 : index
        %swap3A_1327 = tpu.vector_load %arg7[%swap3A_1324, %swap3A_1325, %swap3A_1326] {strides = array<i32>} : memref<4x64x128xf32, #tpu.memory_space<vmem>>, vector<1x1x16xf32>,
        %swap3A_1328 = vector.shape_cast %swap3A_1327 : vector<1x1x16xf32> to vector<16xf32>
        %swap3A_1329 = vector.shape_cast %mul3A_1322 : vector<16xf32> to vector<1x1x16xf32>
        tpu.vector_store %arg7[%swap3A_1324, %swap3A_1325, %swap3A_1326], %swap3A_1329 {strides = array<i32>} : memref<4x64x128xf32, #tpu.memory_space<vmem>>, vector<1x1x16xf32>,
        %mul3A_1330 = arith.constant 2 : i32
        %mul3A_1331 = arith.muli %mul3A_1330, %scan3A_1190 : i32
        %add3A_1332 = arith.constant 1 : i32
        %add3A_1333 = arith.addi %mul3A_1331, %add3A_1332 : i32
        %get3A_1334 = arith.constant 1 : i32
        %get3A_1335 = arith.index_cast %get3A_1334 : i32 to index
        %get3A_1336 = arith.index_cast %add3A_1333 : i32 to index
        %get3A_1337 = arith.constant 48 : index
        %get3A_1338 = tpu.vector_load %arg6[%get3A_1335, %get3A_1336, %get3A_1337] {strides = array<i32>} : memref<4x128x64xf32, #tpu.memory_space<vmem>>, vector<1x1x16xf32>,
        %get3A_1339 = vector.shape_cast %get3A_1338 : vector<1x1x16xf32> to vector<16xf32>
        %mul3A_1340 = arith.constant 8.000000e+00 : f32
        %mul3A_1341 = vector.broadcast %mul3A_1340 : f32 to vector<16xf32>
        %mul3A_1342 = arith.mulf %get3A_1339, %mul3A_1341 : vector<16xf32>
        %swap3A_1343 = arith.constant 1 : i32
        %swap3A_1344 = arith.index_cast %swap3A_1343 : i32 to index
        %swap3A_1345 = arith.index_cast %scan3A_1190 : i32 to index
        %swap3A_1346 = arith.constant 112 : index
        %swap3A_1347 = tpu.vector_load %arg7[%swap3A_1344, %swap3A_1345, %swap3A_1346] {strides = array<i32>} : memref<4x64x128xf32, #tpu.memory_space<vmem>>, vector<1x1x16xf32>,
        %swap3A_1348 = vector.shape_cast %swap3A_1347 : vector<1x1x16xf32> to vector<16xf32>
        %swap3A_1349 = vector.shape_cast %mul3A_1342 : vector<16xf32> to vector<1x1x16xf32>
        tpu.vector_store %arg7[%swap3A_1344, %swap3A_1345, %swap3A_1346], %swap3A_1349 {strides = array<i32>} : memref<4x64x128xf32, #tpu.memory_space<vmem>>, vector<1x1x16xf32>,
        %scan3A_1350 = arith.constant 0 : i32
        %scan3A_1351 = arith.constant 1 : i32
        %scan3A_1352 = arith.addi %scan3A_1190, %scan3A_1351 : i32
        %mul3A_1353 = arith.constant 2 : i32
        %mul3A_1354 = arith.muli %mul3A_1353, %scan3A_1352 : i32
        %add3A_1355 = arith.constant 0 : i32
        %add3A_1356 = arith.addi %mul3A_1354, %add3A_1355 : i32
        %get3A_1357 = arith.constant 1 : i32
        %get3A_1358 = arith.index_cast %get3A_1357 : i32 to index
        %get3A_1359 = arith.index_cast %add3A_1356 : i32 to index
        %get3A_1360 = arith.constant 0 : index
        %get3A_1361 = tpu.vector_load %arg6[%get3A_1358, %get3A_1359, %get3A_1360] {strides = array<i32>} : memref<4x128x64xf32, #tpu.memory_space<vmem>>, vector<1x1x16xf32>,
        %get3A_1362 = vector.shape_cast %get3A_1361 : vector<1x1x16xf32> to vector<16xf32>
        %mul3A_1363 = arith.constant 8.000000e+00 : f32
        %mul3A_1364 = vector.broadcast %mul3A_1363 : f32 to vector<16xf32>
        %mul3A_1365 = arith.mulf %get3A_1362, %mul3A_1364 : vector<16xf32>
        %swap3A_1366 = arith.constant 1 : i32
        %swap3A_1367 = arith.index_cast %swap3A_1366 : i32 to index
        %swap3A_1368 = arith.index_cast %scan3A_1352 : i32 to index
        %swap3A_1369 = arith.constant 0 : index
        %swap3A_1370 = tpu.vector_load %arg7[%swap3A_1367, %swap3A_1368, %swap3A_1369] {strides = array<i32>} : memref<4x64x128xf32, #tpu.memory_space<vmem>>, vector<1x1x16xf32>,
        %swap3A_1371 = vector.shape_cast %swap3A_1370 : vector<1x1x16xf32> to vector<16xf32>
        %swap3A_1372 = vector.shape_cast %mul3A_1365 : vector<16xf32> to vector<1x1x16xf32>
        tpu.vector_store %arg7[%swap3A_1367, %swap3A_1368, %swap3A_1369], %swap3A_1372 {strides = array<i32>} : memref<4x64x128xf32, #tpu.memory_space<vmem>>, vector<1x1x16xf32>,
        %mul3A_1373 = arith.constant 2 : i32
        %mul3A_1374 = arith.muli %mul3A_1373, %scan3A_1352 : i32
        %add3A_1375 = arith.constant 0 : i32
        %add3A_1376 = arith.addi %mul3A_1374, %add3A_1375 : i32
        %get3A_1377 = arith.constant 1 : i32
        %get3A_1378 = arith.index_cast %get3A_1377 : i32 to index
        %get3A_1379 = arith.index_cast %add3A_1376 : i32 to index
        %get3A_1380 = arith.constant 16 : index
        %get3A_1381 = tpu.vector_load %arg6[%get3A_1378, %get3A_1379, %get3A_1380] {strides = array<i32>} : memref<4x128x64xf32, #tpu.memory_space<vmem>>, vector<1x1x16xf32>,
        %get3A_1382 = vector.shape_cast %get3A_1381 : vector<1x1x16xf32> to vector<16xf32>
        %mul3A_1383 = arith.constant 8.000000e+00 : f32
        %mul3A_1384 = vector.broadcast %mul3A_1383 : f32 to vector<16xf32>
        %mul3A_1385 = arith.mulf %get3A_1382, %mul3A_1384 : vector<16xf32>
        %swap3A_1386 = arith.constant 1 : i32
        %swap3A_1387 = arith.index_cast %swap3A_1386 : i32 to index
        %swap3A_1388 = arith.index_cast %scan3A_1352 : i32 to index
        %swap3A_1389 = arith.constant 16 : index
        %swap3A_1390 = tpu.vector_load %arg7[%swap3A_1387, %swap3A_1388, %swap3A_1389] {strides = array<i32>} : memref<4x64x128xf32, #tpu.memory_space<vmem>>, vector<1x1x16xf32>,
        %swap3A_1391 = vector.shape_cast %swap3A_1390 : vector<1x1x16xf32> to vector<16xf32>
        %swap3A_1392 = vector.shape_cast %mul3A_1385 : vector<16xf32> to vector<1x1x16xf32>
        tpu.vector_store %arg7[%swap3A_1387, %swap3A_1388, %swap3A_1389], %swap3A_1392 {strides = array<i32>} : memref<4x64x128xf32, #tpu.memory_space<vmem>>, vector<1x1x16xf32>,
        %mul3A_1393 = arith.constant 2 : i32
        %mul3A_1394 = arith.muli %mul3A_1393, %scan3A_1352 : i32
        %add3A_1395 = arith.constant 0 : i32
        %add3A_1396 = arith.addi %mul3A_1394, %add3A_1395 : i32
        %get3A_1397 = arith.constant 1 : i32
        %get3A_1398 = arith.index_cast %get3A_1397 : i32 to index
        %get3A_1399 = arith.index_cast %add3A_1396 : i32 to index
        %get3A_1400 = arith.constant 32 : index
        %get3A_1401 = tpu.vector_load %arg6[%get3A_1398, %get3A_1399, %get3A_1400] {strides = array<i32>} : memref<4x128x64xf32, #tpu.memory_space<vmem>>, vector<1x1x16xf32>,
        %get3A_1402 = vector.shape_cast %get3A_1401 : vector<1x1x16xf32> to vector<16xf32>
        %mul3A_1403 = arith.constant 8.000000e+00 : f32
        %mul3A_1404 = vector.broadcast %mul3A_1403 : f32 to vector<16xf32>
        %mul3A_1405 = arith.mulf %get3A_1402, %mul3A_1404 : vector<16xf32>
        %swap3A_1406 = arith.constant 1 : i32
        %swap3A_1407 = arith.index_cast %swap3A_1406 : i32 to index
        %swap3A_1408 = arith.index_cast %scan3A_1352 : i32 to index
        %swap3A_1409 = arith.constant 32 : index
        %swap3A_1410 = tpu.vector_load %arg7[%swap3A_1407, %swap3A_1408, %swap3A_1409] {strides = array<i32>} : memref<4x64x128xf32, #tpu.memory_space<vmem>>, vector<1x1x16xf32>,
        %swap3A_1411 = vector.shape_cast %swap3A_1410 : vector<1x1x16xf32> to vector<16xf32>
        %swap3A_1412 = vector.shape_cast %mul3A_1405 : vector<16xf32> to vector<1x1x16xf32>
        tpu.vector_store %arg7[%swap3A_1407, %swap3A_1408, %swap3A_1409], %swap3A_1412 {strides = array<i32>} : memref<4x64x128xf32, #tpu.memory_space<vmem>>, vector<1x1x16xf32>,
        %mul3A_1413 = arith.constant 2 : i32
        %mul3A_1414 = arith.muli %mul3A_1413, %scan3A_1352 : i32
        %add3A_1415 = arith.constant 0 : i32
        %add3A_1416 = arith.addi %mul3A_1414, %add3A_1415 : i32
        %get3A_1417 = arith.constant 1 : i32
        %get3A_1418 = arith.index_cast %get3A_1417 : i32 to index
        %get3A_1419 = arith.index_cast %add3A_1416 : i32 to index
        %get3A_1420 = arith.constant 48 : index
        %get3A_1421 = tpu.vector_load %arg6[%get3A_1418, %get3A_1419, %get3A_1420] {strides = array<i32>} : memref<4x128x64xf32, #tpu.memory_space<vmem>>, vector<1x1x16xf32>,
        %get3A_1422 = vector.shape_cast %get3A_1421 : vector<1x1x16xf32> to vector<16xf32>
        %mul3A_1423 = arith.constant 8.000000e+00 : f32
        %mul3A_1424 = vector.broadcast %mul3A_1423 : f32 to vector<16xf32>
        %mul3A_1425 = arith.mulf %get3A_1422, %mul3A_1424 : vector<16xf32>
        %swap3A_1426 = arith.constant 1 : i32
        %swap3A_1427 = arith.index_cast %swap3A_1426 : i32 to index
        %swap3A_1428 = arith.index_cast %scan3A_1352 : i32 to index
        %swap3A_1429 = arith.constant 48 : index
        %swap3A_1430 = tpu.vector_load %arg7[%swap3A_1427, %swap3A_1428, %swap3A_1429] {strides = array<i32>} : memref<4x64x128xf32, #tpu.memory_space<vmem>>, vector<1x1x16xf32>,
        %swap3A_1431 = vector.shape_cast %swap3A_1430 : vector<1x1x16xf32> to vector<16xf32>
        %swap3A_1432 = vector.shape_cast %mul3A_1425 : vector<16xf32> to vector<1x1x16xf32>
        tpu.vector_store %arg7[%swap3A_1427, %swap3A_1428, %swap3A_1429], %swap3A_1432 {strides = array<i32>} : memref<4x64x128xf32, #tpu.memory_space<vmem>>, vector<1x1x16xf32>,
        %mul3A_1433 = arith.constant 2 : i32
        %mul3A_1434 = arith.muli %mul3A_1433, %scan3A_1352 : i32
        %add3A_1435 = arith.constant 1 : i32
        %add3A_1436 = arith.addi %mul3A_1434, %add3A_1435 : i32
        %get3A_1437 = arith.constant 1 : i32
        %get3A_1438 = arith.index_cast %get3A_1437 : i32 to index
        %get3A_1439 = arith.index_cast %add3A_1436 : i32 to index
        %get3A_1440 = arith.constant 0 : index
        %get3A_1441 = tpu.vector_load %arg6[%get3A_1438, %get3A_1439, %get3A_1440] {strides = array<i32>} : memref<4x128x64xf32, #tpu.memory_space<vmem>>, vector<1x1x16xf32>,
        %get3A_1442 = vector.shape_cast %get3A_1441 : vector<1x1x16xf32> to vector<16xf32>
        %mul3A_1443 = arith.constant 8.000000e+00 : f32
        %mul3A_1444 = vector.broadcast %mul3A_1443 : f32 to vector<16xf32>
        %mul3A_1445 = arith.mulf %get3A_1442, %mul3A_1444 : vector<16xf32>
        %swap3A_1446 = arith.constant 1 : i32
        %swap3A_1447 = arith.index_cast %swap3A_1446 : i32 to index
        %swap3A_1448 = arith.index_cast %scan3A_1352 : i32 to index
        %swap3A_1449 = arith.constant 64 : index
        %swap3A_1450 = tpu.vector_load %arg7[%swap3A_1447, %swap3A_1448, %swap3A_1449] {strides = array<i32>} : memref<4x64x128xf32, #tpu.memory_space<vmem>>, vector<1x1x16xf32>,
        %swap3A_1451 = vector.shape_cast %swap3A_1450 : vector<1x1x16xf32> to vector<16xf32>
        %swap3A_1452 = vector.shape_cast %mul3A_1445 : vector<16xf32> to vector<1x1x16xf32>
        tpu.vector_store %arg7[%swap3A_1447, %swap3A_1448, %swap3A_1449], %swap3A_1452 {strides = array<i32>} : memref<4x64x128xf32, #tpu.memory_space<vmem>>, vector<1x1x16xf32>,
        %mul3A_1453 = arith.constant 2 : i32
        %mul3A_1454 = arith.muli %mul3A_1453, %scan3A_1352 : i32
        %add3A_1455 = arith.constant 1 : i32
        %add3A_1456 = arith.addi %mul3A_1454, %add3A_1455 : i32
        %get3A_1457 = arith.constant 1 : i32
        %get3A_1458 = arith.index_cast %get3A_1457 : i32 to index
        %get3A_1459 = arith.index_cast %add3A_1456 : i32 to index
        %get3A_1460 = arith.constant 16 : index
        %get3A_1461 = tpu.vector_load %arg6[%get3A_1458, %get3A_1459, %get3A_1460] {strides = array<i32>} : memref<4x128x64xf32, #tpu.memory_space<vmem>>, vector<1x1x16xf32>,
        %get3A_1462 = vector.shape_cast %get3A_1461 : vector<1x1x16xf32> to vector<16xf32>
        %mul3A_1463 = arith.constant 8.000000e+00 : f32
        %mul3A_1464 = vector.broadcast %mul3A_1463 : f32 to vector<16xf32>
        %mul3A_1465 = arith.mulf %get3A_1462, %mul3A_1464 : vector<16xf32>
        %swap3A_1466 = arith.constant 1 : i32
        %swap3A_1467 = arith.index_cast %swap3A_1466 : i32 to index
        %swap3A_1468 = arith.index_cast %scan3A_1352 : i32 to index
        %swap3A_1469 = arith.constant 80 : index
        %swap3A_1470 = tpu.vector_load %arg7[%swap3A_1467, %swap3A_1468, %swap3A_1469] {strides = array<i32>} : memref<4x64x128xf32, #tpu.memory_space<vmem>>, vector<1x1x16xf32>,
        %swap3A_1471 = vector.shape_cast %swap3A_1470 : vector<1x1x16xf32> to vector<16xf32>
        %swap3A_1472 = vector.shape_cast %mul3A_1465 : vector<16xf32> to vector<1x1x16xf32>
        tpu.vector_store %arg7[%swap3A_1467, %swap3A_1468, %swap3A_1469], %swap3A_1472 {strides = array<i32>} : memref<4x64x128xf32, #tpu.memory_space<vmem>>, vector<1x1x16xf32>,
        %mul3A_1473 = arith.constant 2 : i32
        %mul3A_1474 = arith.muli %mul3A_1473, %scan3A_1352 : i32
        %add3A_1475 = arith.constant 1 : i32
        %add3A_1476 = arith.addi %mul3A_1474, %add3A_1475 : i32
        %get3A_1477 = arith.constant 1 : i32
        %get3A_1478 = arith.index_cast %get3A_1477 : i32 to index
        %get3A_1479 = arith.index_cast %add3A_1476 : i32 to index
        %get3A_1480 = arith.constant 32 : index
        %get3A_1481 = tpu.vector_load %arg6[%get3A_1478, %get3A_1479, %get3A_1480] {strides = array<i32>} : memref<4x128x64xf32, #tpu.memory_space<vmem>>, vector<1x1x16xf32>,
        %get3A_1482 = vector.shape_cast %get3A_1481 : vector<1x1x16xf32> to vector<16xf32>
        %mul3A_1483 = arith.constant 8.000000e+00 : f32
        %mul3A_1484 = vector.broadcast %mul3A_1483 : f32 to vector<16xf32>
        %mul3A_1485 = arith.mulf %get3A_1482, %mul3A_1484 : vector<16xf32>
        %swap3A_1486 = arith.constant 1 : i32
        %swap3A_1487 = arith.index_cast %swap3A_1486 : i32 to index
        %swap3A_1488 = arith.index_cast %scan3A_1352 : i32 to index
        %swap3A_1489 = arith.constant 96 : index
        %swap3A_1490 = tpu.vector_load %arg7[%swap3A_1487, %swap3A_1488, %swap3A_1489] {strides = array<i32>} : memref<4x64x128xf32, #tpu.memory_space<vmem>>, vector<1x1x16xf32>,
        %swap3A_1491 = vector.shape_cast %swap3A_1490 : vector<1x1x16xf32> to vector<16xf32>
        %swap3A_1492 = vector.shape_cast %mul3A_1485 : vector<16xf32> to vector<1x1x16xf32>
        tpu.vector_store %arg7[%swap3A_1487, %swap3A_1488, %swap3A_1489], %swap3A_1492 {strides = array<i32>} : memref<4x64x128xf32, #tpu.memory_space<vmem>>, vector<1x1x16xf32>,
        %mul3A_1493 = arith.constant 2 : i32
        %mul3A_1494 = arith.muli %mul3A_1493, %scan3A_1352 : i32
        %add3A_1495 = arith.constant 1 : i32
        %add3A_1496 = arith.addi %mul3A_1494, %add3A_1495 : i32
        %get3A_1497 = arith.constant 1 : i32
        %get3A_1498 = arith.index_cast %get3A_1497 : i32 to index
        %get3A_1499 = arith.index_cast %add3A_1496 : i32 to index
        %get3A_1500 = arith.constant 48 : index
        %get3A_1501 = tpu.vector_load %arg6[%get3A_1498, %get3A_1499, %get3A_1500] {strides = array<i32>} : memref<4x128x64xf32, #tpu.memory_space<vmem>>, vector<1x1x16xf32>,
        %get3A_1502 = vector.shape_cast %get3A_1501 : vector<1x1x16xf32> to vector<16xf32>
        %mul3A_1503 = arith.constant 8.000000e+00 : f32
        %mul3A_1504 = vector.broadcast %mul3A_1503 : f32 to vector<16xf32>
        %mul3A_1505 = arith.mulf %get3A_1502, %mul3A_1504 : vector<16xf32>
        %swap3A_1506 = arith.constant 1 : i32
        %swap3A_1507 = arith.index_cast %swap3A_1506 : i32 to index
        %swap3A_1508 = arith.index_cast %scan3A_1352 : i32 to index
        %swap3A_1509 = arith.constant 112 : index
        %swap3A_1510 = tpu.vector_load %arg7[%swap3A_1507, %swap3A_1508, %swap3A_1509] {strides = array<i32>} : memref<4x64x128xf32, #tpu.memory_space<vmem>>, vector<1x1x16xf32>,
        %swap3A_1511 = vector.shape_cast %swap3A_1510 : vector<1x1x16xf32> to vector<16xf32>
        %swap3A_1512 = vector.shape_cast %mul3A_1505 : vector<16xf32> to vector<1x1x16xf32>
        tpu.vector_store %arg7[%swap3A_1507, %swap3A_1508, %swap3A_1509], %swap3A_1512 {strides = array<i32>} : memref<4x64x128xf32, #tpu.memory_space<vmem>>, vector<1x1x16xf32>,
        %scan3A_1513 = arith.constant 0 : i32
        scf.yield %scan3A_1513 : i32
      }
      %scan3A_923 = arith.constant 64 : i32
      %jit3A_924 = arith.constant 2 : i32
      %div3A_925 = arith.divsi %mul3A_2, %jit3A_924 : i32
      %sign3A_926 = arith.constant 0 : i32
      %sign3A_927 = arith.cmpi sgt, %mul3A_2, %sign3A_926 : i32
      %sign3A_928 = arith.extui %sign3A_927 : i1 to i32
      %sign3A_929 = arith.constant 0 : i32
      %sign3A_930 = arith.cmpi slt, %mul3A_2, %sign3A_929 : i32
      %sign3A_931 = arith.extui %sign3A_930 : i1 to i32
      %sign3A_932 = arith.subi %sign3A_928, %sign3A_931 : i32
      %sign3A_933 = arith.constant 0 : i32
      %sign3A_934 = arith.cmpi sgt, %jit3A_924, %sign3A_933 : i32
      %sign3A_935 = arith.extui %sign3A_934 : i1 to i32
      %sign3A_936 = arith.constant 0 : i32
      %sign3A_937 = arith.cmpi slt, %jit3A_924, %sign3A_936 : i32
      %sign3A_938 = arith.extui %sign3A_937 : i1 to i32
      %sign3A_939 = arith.subi %sign3A_935, %sign3A_938 : i32
      %ne3A_940 = arith.cmpi ne, %sign3A_932, %sign3A_939 : i32
      %rem3A_941 = arith.remsi %mul3A_2, %jit3A_924 : i32
      %ne3A_942 = arith.constant 0 : i32
      %ne3A_943 = arith.cmpi ne, %rem3A_941, %ne3A_942 : i32
      %and3A_944 = arith.andi %ne3A_940, %ne3A_943 : i1
      %sub3A_945 = arith.constant 1 : i32
      %sub3A_946 = arith.subi %div3A_925, %sub3A_945 : i32
      %select_n3A_947 = arith.select %and3A_944, %sub3A_946, %div3A_925 : i32
      %mul3A_948 = arith.constant 64 : i32
      %mul3A_949 = arith.muli %add3A_883, %mul3A_948 : i32
      %add3A_950 = arith.addi %select_n3A_947, %mul3A_949 : i32
      %dma_start3A_951 = arith.constant 1 : i32
      %dma_start3A_952 = arith.constant 1 : i32
      %dma_start3A_953 = arith.constant 0 : i32
      %dma_start3A_954 = arith.constant 0 : i32
      %dma_start3A_955 = tpu.memref_slice %arg7[%dma_start3A_951, %dma_start3A_953, %dma_start3A_954] : memref<4x64x128xf32, #tpu.memory_space<vmem>> -> memref<1x64x128xf32, #tpu.memory_space<vmem>>
      %dma_start3A_956 = tpu.memref_squeeze %dma_start3A_955 : memref<1x64x128xf32, #tpu.memory_space<vmem>> -> memref<64x128xf32, #tpu.memory_space<vmem>>
      %dma_start3A_957 = arith.constant 0 : i32
      %dma_start3A_958 = tpu.memref_slice %arg4[%add3A_950, %dma_start3A_957] : memref<409600x128xf32, #tpu.memory_space<hbm>> -> memref<64x128xf32, #tpu.memory_space<hbm>>
      %dma_start3A_959 = tpu.memref_slice %arg9[%dma_start3A_952] : memref<4x!tpu.dma_semaphore, #tpu.memory_space<semaphore_mem>> -> memref<1x!tpu.dma_semaphore, #tpu.memory_space<semaphore_mem>>
      %dma_start3A_960 = tpu.memref_squeeze %dma_start3A_959 : memref<1x!tpu.dma_semaphore, #tpu.memory_space<semaphore_mem>> -> memref<!tpu.dma_semaphore, #tpu.memory_space<semaphore_mem>>
      %dma_start3A_961 = arith.constant 0 : i32
      %dma_start3A_962 = tpu.memref_slice %arg4[%add3A_950, %dma_start3A_961] : memref<409600x128xf32, #tpu.memory_space<hbm>> -> memref<64x128xf32, #tpu.memory_space<hbm>>
      %dma_start3A_963 = arith.constant 0 : i32
      %dma_start3A_964 = arith.constant 0 : i32
      %dma_start3A_965 = tpu.memref_slice %arg7[%dma_start3A_951, %dma_start3A_963, %dma_start3A_964] : memref<4x64x128xf32, #tpu.memory_space<vmem>> -> memref<1x64x128xf32, #tpu.memory_space<vmem>>
      %dma_start3A_966 = tpu.memref_squeeze %dma_start3A_965 : memref<1x64x128xf32, #tpu.memory_space<vmem>> -> memref<64x128xf32, #tpu.memory_space<vmem>>
      tpu.enqueue_dma source(%dma_start3A_966 : memref<64x128xf32, #tpu.memory_space<vmem>>) target(%dma_start3A_962 : memref<64x128xf32, #tpu.memory_space<hbm>>) target_semaphore(%dma_start3A_960 : memref<!tpu.dma_semaphore, #tpu.memory_space<semaphore_mem>>)
      %add3A_967 = arith.constant 4 : i32
      %add3A_968 = arith.addi %add3A_883, %add3A_967 : i32
      %dma_start3A_969 = arith.constant 1 : i32
      %dma_start3A_970 = arith.constant 1 : i32
      %dma_start3A_971 = arith.constant 0 : i32
      %dma_start3A_972 = arith.constant 0 : i32
      %dma_start3A_973 = tpu.memref_slice %arg6[%dma_start3A_969, %dma_start3A_971, %dma_start3A_972] : memref<4x128x64xf32, #tpu.memory_space<vmem>> -> memref<1x128x64xf32, #tpu.memory_space<vmem>>
      %dma_start3A_974 = tpu.memref_squeeze %dma_start3A_973 : memref<1x128x64xf32, #tpu.memory_space<vmem>> -> memref<128x64xf32, #tpu.memory_space<vmem>>
      %dma_start3A_975 = arith.constant 0 : i32
      %dma_start3A_976 = tpu.memref_slice %arg5[%add3A_968, %dma_start3A_975] : memref<200x128xi32, #tpu.memory_space<vmem>> -> memref<1x128xi32, #tpu.memory_space<vmem>>
      %dma_start3A_977 = tpu.memref_squeeze %dma_start3A_976 : memref<1x128xi32, #tpu.memory_space<vmem>> -> memref<128xi32, #tpu.memory_space<vmem>>
      %dma_start3A_978 = arith.constant 0 : i32
      %dma_start3A_979 = arith.constant 0 : i32
      %dma_start3A_980 = tpu.memref_slice %arg3[%dma_start3A_978, %dma_start3A_979] : memref<1000000x64xf32, #tpu.memory_space<hbm>> -> memref<1000000x64xf32, #tpu.memory_space<hbm>>
      %dma_start3A_981 = tpu.memref_slice %arg8[%dma_start3A_970] : memref<4x!tpu.dma_semaphore, #tpu.memory_space<semaphore_mem>> -> memref<1x!tpu.dma_semaphore, #tpu.memory_space<semaphore_mem>>
      %dma_start3A_982 = tpu.memref_squeeze %dma_start3A_981 : memref<1x!tpu.dma_semaphore, #tpu.memory_space<semaphore_mem>> -> memref<!tpu.dma_semaphore, #tpu.memory_space<semaphore_mem>>
      tpu.enqueue_indirect_dma source(%dma_start3A_980 : memref<1000000x64xf32, #tpu.memory_space<hbm>>) target(%dma_start3A_974 : memref<128x64xf32, #tpu.memory_space<vmem>>) offsets(%dma_start3A_977 : memref<128xi32, #tpu.memory_space<vmem>>) semaphore(%dma_start3A_982 : memref<!tpu.dma_semaphore, #tpu.memory_space<semaphore_mem>>)
      %mul3A_983 = arith.constant 4 : i32
      %mul3A_984 = arith.muli %scan3A_775, %mul3A_983 : i32
      %add3A_985 = arith.constant 2 : i32
      %add3A_986 = arith.addi %mul3A_984, %add3A_985 : i32
      %dma_wait3A_987 = arith.constant 0 : i32
      %dma_wait3A_988 = arith.constant 2 : i32
      %dma_wait3A_989 = arith.constant 2 : i32
      %dma_wait3A_990 = arith.constant 0 : i32
      %dma_wait3A_991 = arith.constant 0 : i32
      %dma_wait3A_992 = tpu.memref_slice %arg6[%dma_wait3A_988, %dma_wait3A_990, %dma_wait3A_991] : memref<4x128x64xf32, #tpu.memory_space<vmem>> -> memref<1x128x64xf32, #tpu.memory_space<vmem>>
      %dma_wait3A_993 = tpu.memref_squeeze %dma_wait3A_992 : memref<1x128x64xf32, #tpu.memory_space<vmem>> -> memref<128x64xf32, #tpu.memory_space<vmem>>
      %dma_wait3A_994 = arith.constant 0 : i32
      %dma_wait3A_995 = tpu.memref_slice %arg5[%dma_wait3A_987, %dma_wait3A_994] : memref<200x128xi32, #tpu.memory_space<vmem>> -> memref<1x128xi32, #tpu.memory_space<vmem>>
      %dma_wait3A_996 = tpu.memref_squeeze %dma_wait3A_995 : memref<1x128xi32, #tpu.memory_space<vmem>> -> memref<128xi32, #tpu.memory_space<vmem>>
      %dma_wait3A_997 = arith.constant 0 : i32
      %dma_wait3A_998 = arith.constant 0 : i32
      %dma_wait3A_999 = tpu.memref_slice %arg3[%dma_wait3A_997, %dma_wait3A_998] : memref<1000000x64xf32, #tpu.memory_space<hbm>> -> memref<1000000x64xf32, #tpu.memory_space<hbm>>
      %dma_wait3A_1000 = tpu.memref_slice %arg8[%dma_wait3A_989] : memref<4x!tpu.dma_semaphore, #tpu.memory_space<semaphore_mem>> -> memref<1x!tpu.dma_semaphore, #tpu.memory_space<semaphore_mem>>
      %dma_wait3A_1001 = tpu.memref_squeeze %dma_wait3A_1000 : memref<1x!tpu.dma_semaphore, #tpu.memory_space<semaphore_mem>> -> memref<!tpu.dma_semaphore, #tpu.memory_space<semaphore_mem>>
      tpu.wait_indirect_dma semaphore(%dma_wait3A_1001 : memref<!tpu.dma_semaphore, #tpu.memory_space<semaphore_mem>>) src(%dma_wait3A_999 : memref<1000000x64xf32, #tpu.memory_space<hbm>>) dst(%dma_wait3A_993 : memref<128x64xf32, #tpu.memory_space<vmem>>)
      %dma_wait3A_1002 = arith.constant 2 : i32
      %dma_wait3A_1003 = arith.constant 2 : i32
      %dma_wait3A_1004 = arith.constant 0 : i32
      %dma_wait3A_1005 = arith.constant 0 : i32
      %dma_wait3A_1006 = tpu.memref_slice %arg7[%dma_wait3A_1002, %dma_wait3A_1004, %dma_wait3A_1005] : memref<4x64x128xf32, #tpu.memory_space<vmem>> -> memref<1x64x128xf32, #tpu.memory_space<vmem>>
      %dma_wait3A_1007 = tpu.memref_squeeze %dma_wait3A_1006 : memref<1x64x128xf32, #tpu.memory_space<vmem>> -> memref<64x128xf32, #tpu.memory_space<vmem>>
      %dma_wait3A_1008 = arith.constant 0 : i32
      %dma_wait3A_1009 = arith.constant 0 : i32
      %dma_wait3A_1010 = tpu.memref_slice %arg4[%dma_wait3A_1008, %dma_wait3A_1009] : memref<409600x128xf32, #tpu.memory_space<hbm>> -> memref<64x128xf32, #tpu.memory_space<hbm>>
      %dma_wait3A_1011 = tpu.memref_slice %arg9[%dma_wait3A_1003] : memref<4x!tpu.dma_semaphore, #tpu.memory_space<semaphore_mem>> -> memref<1x!tpu.dma_semaphore, #tpu.memory_space<semaphore_mem>>
      %dma_wait3A_1012 = tpu.memref_squeeze %dma_wait3A_1011 : memref<1x!tpu.dma_semaphore, #tpu.memory_space<semaphore_mem>> -> memref<!tpu.dma_semaphore, #tpu.memory_space<semaphore_mem>>
      %dma_wait3A_1013 = arith.constant 0 : i32
      %dma_wait3A_1014 = arith.constant 0 : i32
      %dma_wait3A_1015 = tpu.memref_slice %arg4[%dma_wait3A_1013, %dma_wait3A_1014] : memref<409600x128xf32, #tpu.memory_space<hbm>> -> memref<64x128xf32, #tpu.memory_space<hbm>>
      %dma_wait3A_1016 = arith.constant 0 : i32
      %dma_wait3A_1017 = arith.constant 0 : i32
      %dma_wait3A_1018 = tpu.memref_slice %arg7[%dma_wait3A_1002, %dma_wait3A_1016, %dma_wait3A_1017] : memref<4x64x128xf32, #tpu.memory_space<vmem>> -> memref<1x64x128xf32, #tpu.memory_space<vmem>>
      %dma_wait3A_1019 = tpu.memref_squeeze %dma_wait3A_1018 : memref<1x64x128xf32, #tpu.memory_space<vmem>> -> memref<64x128xf32, #tpu.memory_space<vmem>>
      tpu.wait_dma2 semaphore(%dma_wait3A_1012 : memref<!tpu.dma_semaphore, #tpu.memory_space<semaphore_mem>>) src(%dma_wait3A_1019 : memref<64x128xf32, #tpu.memory_space<vmem>>) dst(%dma_wait3A_1015 : memref<64x128xf32, #tpu.memory_space<hbm>>)
      %scan3A_1020 = arith.constant 0 : i32
      %scan3A_1021 = arith.constant 0 : i32
      %scan3A_1022 = arith.constant 64 : i32
      %scan3A_1023 = arith.addi %scan3A_1021, %scan3A_1022 : i32
      %scan3A_1024 = arith.constant 2 : i32
      %scan3A_1025 = scf.for %scan3A_1190 = %scan3A_1021 to %scan3A_1023 step %scan3A_1024 iter_args(%scan3A_1191 = %scan3A_1020) -> (i32)  : i32 {
        %mul3A_1192 = arith.constant 2 : i32
        %mul3A_1193 = arith.muli %mul3A_1192, %scan3A_1190 : i32
        %add3A_1194 = arith.constant 0 : i32
        %add3A_1195 = arith.addi %mul3A_1193, %add3A_1194 : i32
        %get3A = arith.constant 2 : i32
        %get3A_1196 = arith.index_cast %get3A : i32 to index
        %get3A_1197 = arith.index_cast %add3A_1195 : i32 to index
        %get3A_1198 = arith.constant 0 : index
        %get3A_1199 = tpu.vector_load %arg6[%get3A_1196, %get3A_1197, %get3A_1198] {strides = array<i32>} : memref<4x128x64xf32, #tpu.memory_space<vmem>>, vector<1x1x16xf32>,
        %get3A_1200 = vector.shape_cast %get3A_1199 : vector<1x1x16xf32> to vector<16xf32>
        %mul3A_1201 = arith.constant 8.000000e+00 : f32
        %mul3A_1202 = vector.broadcast %mul3A_1201 : f32 to vector<16xf32>
        %mul3A_1203 = arith.mulf %get3A_1200, %mul3A_1202 : vector<16xf32>
        %swap3A = arith.constant 2 : i32
        %swap3A_1204 = arith.index_cast %swap3A : i32 to index
        %swap3A_1205 = arith.index_cast %scan3A_1190 : i32 to index
        %swap3A_1206 = arith.constant 0 : index
        %swap3A_1207 = tpu.vector_load %arg7[%swap3A_1204, %swap3A_1205, %swap3A_1206] {strides = array<i32>} : memref<4x64x128xf32, #tpu.memory_space<vmem>>, vector<1x1x16xf32>,
        %swap3A_1208 = vector.shape_cast %swap3A_1207 : vector<1x1x16xf32> to vector<16xf32>
        %swap3A_1209 = vector.shape_cast %mul3A_1203 : vector<16xf32> to vector<1x1x16xf32>
        tpu.vector_store %arg7[%swap3A_1204, %swap3A_1205, %swap3A_1206], %swap3A_1209 {strides = array<i32>} : memref<4x64x128xf32, #tpu.memory_space<vmem>>, vector<1x1x16xf32>,
        %mul3A_1210 = arith.constant 2 : i32
        %mul3A_1211 = arith.muli %mul3A_1210, %scan3A_1190 : i32
        %add3A_1212 = arith.constant 0 : i32
        %add3A_1213 = arith.addi %mul3A_1211, %add3A_1212 : i32
        %get3A_1214 = arith.constant 2 : i32
        %get3A_1215 = arith.index_cast %get3A_1214 : i32 to index
        %get3A_1216 = arith.index_cast %add3A_1213 : i32 to index
        %get3A_1217 = arith.constant 16 : index
        %get3A_1218 = tpu.vector_load %arg6[%get3A_1215, %get3A_1216, %get3A_1217] {strides = array<i32>} : memref<4x128x64xf32, #tpu.memory_space<vmem>>, vector<1x1x16xf32>,
        %get3A_1219 = vector.shape_cast %get3A_1218 : vector<1x1x16xf32> to vector<16xf32>
        %mul3A_1220 = arith.constant 8.000000e+00 : f32
        %mul3A_1221 = vector.broadcast %mul3A_1220 : f32 to vector<16xf32>
        %mul3A_1222 = arith.mulf %get3A_1219, %mul3A_1221 : vector<16xf32>
        %swap3A_1223 = arith.constant 2 : i32
        %swap3A_1224 = arith.index_cast %swap3A_1223 : i32 to index
        %swap3A_1225 = arith.index_cast %scan3A_1190 : i32 to index
        %swap3A_1226 = arith.constant 16 : index
        %swap3A_1227 = tpu.vector_load %arg7[%swap3A_1224, %swap3A_1225, %swap3A_1226] {strides = array<i32>} : memref<4x64x128xf32, #tpu.memory_space<vmem>>, vector<1x1x16xf32>,
        %swap3A_1228 = vector.shape_cast %swap3A_1227 : vector<1x1x16xf32> to vector<16xf32>
        %swap3A_1229 = vector.shape_cast %mul3A_1222 : vector<16xf32> to vector<1x1x16xf32>
        tpu.vector_store %arg7[%swap3A_1224, %swap3A_1225, %swap3A_1226], %swap3A_1229 {strides = array<i32>} : memref<4x64x128xf32, #tpu.memory_space<vmem>>, vector<1x1x16xf32>,
        %mul3A_1230 = arith.constant 2 : i32
        %mul3A_1231 = arith.muli %mul3A_1230, %scan3A_1190 : i32
        %add3A_1232 = arith.constant 0 : i32
        %add3A_1233 = arith.addi %mul3A_1231, %add3A_1232 : i32
        %get3A_1234 = arith.constant 2 : i32
        %get3A_1235 = arith.index_cast %get3A_1234 : i32 to index
        %get3A_1236 = arith.index_cast %add3A_1233 : i32 to index
        %get3A_1237 = arith.constant 32 : index
        %get3A_1238 = tpu.vector_load %arg6[%get3A_1235, %get3A_1236, %get3A_1237] {strides = array<i32>} : memref<4x128x64xf32, #tpu.memory_space<vmem>>, vector<1x1x16xf32>,
        %get3A_1239 = vector.shape_cast %get3A_1238 : vector<1x1x16xf32> to vector<16xf32>
        %mul3A_1240 = arith.constant 8.000000e+00 : f32
        %mul3A_1241 = vector.broadcast %mul3A_1240 : f32 to vector<16xf32>
        %mul3A_1242 = arith.mulf %get3A_1239, %mul3A_1241 : vector<16xf32>
        %swap3A_1243 = arith.constant 2 : i32
        %swap3A_1244 = arith.index_cast %swap3A_1243 : i32 to index
        %swap3A_1245 = arith.index_cast %scan3A_1190 : i32 to index
        %swap3A_1246 = arith.constant 32 : index
        %swap3A_1247 = tpu.vector_load %arg7[%swap3A_1244, %swap3A_1245, %swap3A_1246] {strides = array<i32>} : memref<4x64x128xf32, #tpu.memory_space<vmem>>, vector<1x1x16xf32>,
        %swap3A_1248 = vector.shape_cast %swap3A_1247 : vector<1x1x16xf32> to vector<16xf32>
        %swap3A_1249 = vector.shape_cast %mul3A_1242 : vector<16xf32> to vector<1x1x16xf32>
        tpu.vector_store %arg7[%swap3A_1244, %swap3A_1245, %swap3A_1246], %swap3A_1249 {strides = array<i32>} : memref<4x64x128xf32, #tpu.memory_space<vmem>>, vector<1x1x16xf32>,
        %mul3A_1250 = arith.constant 2 : i32
        %mul3A_1251 = arith.muli %mul3A_1250, %scan3A_1190 : i32
        %add3A_1252 = arith.constant 0 : i32
        %add3A_1253 = arith.addi %mul3A_1251, %add3A_1252 : i32
        %get3A_1254 = arith.constant 2 : i32
        %get3A_1255 = arith.index_cast %get3A_1254 : i32 to index
        %get3A_1256 = arith.index_cast %add3A_1253 : i32 to index
        %get3A_1257 = arith.constant 48 : index
        %get3A_1258 = tpu.vector_load %arg6[%get3A_1255, %get3A_1256, %get3A_1257] {strides = array<i32>} : memref<4x128x64xf32, #tpu.memory_space<vmem>>, vector<1x1x16xf32>,
        %get3A_1259 = vector.shape_cast %get3A_1258 : vector<1x1x16xf32> to vector<16xf32>
        %mul3A_1260 = arith.constant 8.000000e+00 : f32
        %mul3A_1261 = vector.broadcast %mul3A_1260 : f32 to vector<16xf32>
        %mul3A_1262 = arith.mulf %get3A_1259, %mul3A_1261 : vector<16xf32>
        %swap3A_1263 = arith.constant 2 : i32
        %swap3A_1264 = arith.index_cast %swap3A_1263 : i32 to index
        %swap3A_1265 = arith.index_cast %scan3A_1190 : i32 to index
        %swap3A_1266 = arith.constant 48 : index
        %swap3A_1267 = tpu.vector_load %arg7[%swap3A_1264, %swap3A_1265, %swap3A_1266] {strides = array<i32>} : memref<4x64x128xf32, #tpu.memory_space<vmem>>, vector<1x1x16xf32>,
        %swap3A_1268 = vector.shape_cast %swap3A_1267 : vector<1x1x16xf32> to vector<16xf32>
        %swap3A_1269 = vector.shape_cast %mul3A_1262 : vector<16xf32> to vector<1x1x16xf32>
        tpu.vector_store %arg7[%swap3A_1264, %swap3A_1265, %swap3A_1266], %swap3A_1269 {strides = array<i32>} : memref<4x64x128xf32, #tpu.memory_space<vmem>>, vector<1x1x16xf32>,
        %mul3A_1270 = arith.constant 2 : i32
        %mul3A_1271 = arith.muli %mul3A_1270, %scan3A_1190 : i32
        %add3A_1272 = arith.constant 1 : i32
        %add3A_1273 = arith.addi %mul3A_1271, %add3A_1272 : i32
        %get3A_1274 = arith.constant 2 : i32
        %get3A_1275 = arith.index_cast %get3A_1274 : i32 to index
        %get3A_1276 = arith.index_cast %add3A_1273 : i32 to index
        %get3A_1277 = arith.constant 0 : index
        %get3A_1278 = tpu.vector_load %arg6[%get3A_1275, %get3A_1276, %get3A_1277] {strides = array<i32>} : memref<4x128x64xf32, #tpu.memory_space<vmem>>, vector<1x1x16xf32>,
        %get3A_1279 = vector.shape_cast %get3A_1278 : vector<1x1x16xf32> to vector<16xf32>
        %mul3A_1280 = arith.constant 8.000000e+00 : f32
        %mul3A_1281 = vector.broadcast %mul3A_1280 : f32 to vector<16xf32>
        %mul3A_1282 = arith.mulf %get3A_1279, %mul3A_1281 : vector<16xf32>
        %swap3A_1283 = arith.constant 2 : i32
        %swap3A_1284 = arith.index_cast %swap3A_1283 : i32 to index
        %swap3A_1285 = arith.index_cast %scan3A_1190 : i32 to index
        %swap3A_1286 = arith.constant 64 : index
        %swap3A_1287 = tpu.vector_load %arg7[%swap3A_1284, %swap3A_1285, %swap3A_1286] {strides = array<i32>} : memref<4x64x128xf32, #tpu.memory_space<vmem>>, vector<1x1x16xf32>,
        %swap3A_1288 = vector.shape_cast %swap3A_1287 : vector<1x1x16xf32> to vector<16xf32>
        %swap3A_1289 = vector.shape_cast %mul3A_1282 : vector<16xf32> to vector<1x1x16xf32>
        tpu.vector_store %arg7[%swap3A_1284, %swap3A_1285, %swap3A_1286], %swap3A_1289 {strides = array<i32>} : memref<4x64x128xf32, #tpu.memory_space<vmem>>, vector<1x1x16xf32>,
        %mul3A_1290 = arith.constant 2 : i32
        %mul3A_1291 = arith.muli %mul3A_1290, %scan3A_1190 : i32
        %add3A_1292 = arith.constant 1 : i32
        %add3A_1293 = arith.addi %mul3A_1291, %add3A_1292 : i32
        %get3A_1294 = arith.constant 2 : i32
        %get3A_1295 = arith.index_cast %get3A_1294 : i32 to index
        %get3A_1296 = arith.index_cast %add3A_1293 : i32 to index
        %get3A_1297 = arith.constant 16 : index
        %get3A_1298 = tpu.vector_load %arg6[%get3A_1295, %get3A_1296, %get3A_1297] {strides = array<i32>} : memref<4x128x64xf32, #tpu.memory_space<vmem>>, vector<1x1x16xf32>,
        %get3A_1299 = vector.shape_cast %get3A_1298 : vector<1x1x16xf32> to vector<16xf32>
        %mul3A_1300 = arith.constant 8.000000e+00 : f32
        %mul3A_1301 = vector.broadcast %mul3A_1300 : f32 to vector<16xf32>
        %mul3A_1302 = arith.mulf %get3A_1299, %mul3A_1301 : vector<16xf32>
        %swap3A_1303 = arith.constant 2 : i32
        %swap3A_1304 = arith.index_cast %swap3A_1303 : i32 to index
        %swap3A_1305 = arith.index_cast %scan3A_1190 : i32 to index
        %swap3A_1306 = arith.constant 80 : index
        %swap3A_1307 = tpu.vector_load %arg7[%swap3A_1304, %swap3A_1305, %swap3A_1306] {strides = array<i32>} : memref<4x64x128xf32, #tpu.memory_space<vmem>>, vector<1x1x16xf32>,
        %swap3A_1308 = vector.shape_cast %swap3A_1307 : vector<1x1x16xf32> to vector<16xf32>
        %swap3A_1309 = vector.shape_cast %mul3A_1302 : vector<16xf32> to vector<1x1x16xf32>
        tpu.vector_store %arg7[%swap3A_1304, %swap3A_1305, %swap3A_1306], %swap3A_1309 {strides = array<i32>} : memref<4x64x128xf32, #tpu.memory_space<vmem>>, vector<1x1x16xf32>,
        %mul3A_1310 = arith.constant 2 : i32
        %mul3A_1311 = arith.muli %mul3A_1310, %scan3A_1190 : i32
        %add3A_1312 = arith.constant 1 : i32
        %add3A_1313 = arith.addi %mul3A_1311, %add3A_1312 : i32
        %get3A_1314 = arith.constant 2 : i32
        %get3A_1315 = arith.index_cast %get3A_1314 : i32 to index
        %get3A_1316 = arith.index_cast %add3A_1313 : i32 to index
        %get3A_1317 = arith.constant 32 : index
        %get3A_1318 = tpu.vector_load %arg6[%get3A_1315, %get3A_1316, %get3A_1317] {strides = array<i32>} : memref<4x128x64xf32, #tpu.memory_space<vmem>>, vector<1x1x16xf32>,
        %get3A_1319 = vector.shape_cast %get3A_1318 : vector<1x1x16xf32> to vector<16xf32>
        %mul3A_1320 = arith.constant 8.000000e+00 : f32
        %mul3A_1321 = vector.broadcast %mul3A_1320 : f32 to vector<16xf32>
        %mul3A_1322 = arith.mulf %get3A_1319, %mul3A_1321 : vector<16xf32>
        %swap3A_1323 = arith.constant 2 : i32
        %swap3A_1324 = arith.index_cast %swap3A_1323 : i32 to index
        %swap3A_1325 = arith.index_cast %scan3A_1190 : i32 to index
        %swap3A_1326 = arith.constant 96 : index
        %swap3A_1327 = tpu.vector_load %arg7[%swap3A_1324, %swap3A_1325, %swap3A_1326] {strides = array<i32>} : memref<4x64x128xf32, #tpu.memory_space<vmem>>, vector<1x1x16xf32>,
        %swap3A_1328 = vector.shape_cast %swap3A_1327 : vector<1x1x16xf32> to vector<16xf32>
        %swap3A_1329 = vector.shape_cast %mul3A_1322 : vector<16xf32> to vector<1x1x16xf32>
        tpu.vector_store %arg7[%swap3A_1324, %swap3A_1325, %swap3A_1326], %swap3A_1329 {strides = array<i32>} : memref<4x64x128xf32, #tpu.memory_space<vmem>>, vector<1x1x16xf32>,
        %mul3A_1330 = arith.constant 2 : i32
        %mul3A_1331 = arith.muli %mul3A_1330, %scan3A_1190 : i32
        %add3A_1332 = arith.constant 1 : i32
        %add3A_1333 = arith.addi %mul3A_1331, %add3A_1332 : i32
        %get3A_1334 = arith.constant 2 : i32
        %get3A_1335 = arith.index_cast %get3A_1334 : i32 to index
        %get3A_1336 = arith.index_cast %add3A_1333 : i32 to index
        %get3A_1337 = arith.constant 48 : index
        %get3A_1338 = tpu.vector_load %arg6[%get3A_1335, %get3A_1336, %get3A_1337] {strides = array<i32>} : memref<4x128x64xf32, #tpu.memory_space<vmem>>, vector<1x1x16xf32>,
        %get3A_1339 = vector.shape_cast %get3A_1338 : vector<1x1x16xf32> to vector<16xf32>
        %mul3A_1340 = arith.constant 8.000000e+00 : f32
        %mul3A_1341 = vector.broadcast %mul3A_1340 : f32 to vector<16xf32>
        %mul3A_1342 = arith.mulf %get3A_1339, %mul3A_1341 : vector<16xf32>
        %swap3A_1343 = arith.constant 2 : i32
        %swap3A_1344 = arith.index_cast %swap3A_1343 : i32 to index
        %swap3A_1345 = arith.index_cast %scan3A_1190 : i32 to index
        %swap3A_1346 = arith.constant 112 : index
        %swap3A_1347 = tpu.vector_load %arg7[%swap3A_1344, %swap3A_1345, %swap3A_1346] {strides = array<i32>} : memref<4x64x128xf32, #tpu.memory_space<vmem>>, vector<1x1x16xf32>,
        %swap3A_1348 = vector.shape_cast %swap3A_1347 : vector<1x1x16xf32> to vector<16xf32>
        %swap3A_1349 = vector.shape_cast %mul3A_1342 : vector<16xf32> to vector<1x1x16xf32>
        tpu.vector_store %arg7[%swap3A_1344, %swap3A_1345, %swap3A_1346], %swap3A_1349 {strides = array<i32>} : memref<4x64x128xf32, #tpu.memory_space<vmem>>, vector<1x1x16xf32>,
        %scan3A_1350 = arith.constant 0 : i32
        %scan3A_1351 = arith.constant 1 : i32
        %scan3A_1352 = arith.addi %scan3A_1190, %scan3A_1351 : i32
        %mul3A_1353 = arith.constant 2 : i32
        %mul3A_1354 = arith.muli %mul3A_1353, %scan3A_1352 : i32
        %add3A_1355 = arith.constant 0 : i32
        %add3A_1356 = arith.addi %mul3A_1354, %add3A_1355 : i32
        %get3A_1357 = arith.constant 2 : i32
        %get3A_1358 = arith.index_cast %get3A_1357 : i32 to index
        %get3A_1359 = arith.index_cast %add3A_1356 : i32 to index
        %get3A_1360 = arith.constant 0 : index
        %get3A_1361 = tpu.vector_load %arg6[%get3A_1358, %get3A_1359, %get3A_1360] {strides = array<i32>} : memref<4x128x64xf32, #tpu.memory_space<vmem>>, vector<1x1x16xf32>,
        %get3A_1362 = vector.shape_cast %get3A_1361 : vector<1x1x16xf32> to vector<16xf32>
        %mul3A_1363 = arith.constant 8.000000e+00 : f32
        %mul3A_1364 = vector.broadcast %mul3A_1363 : f32 to vector<16xf32>
        %mul3A_1365 = arith.mulf %get3A_1362, %mul3A_1364 : vector<16xf32>
        %swap3A_1366 = arith.constant 2 : i32
        %swap3A_1367 = arith.index_cast %swap3A_1366 : i32 to index
        %swap3A_1368 = arith.index_cast %scan3A_1352 : i32 to index
        %swap3A_1369 = arith.constant 0 : index
        %swap3A_1370 = tpu.vector_load %arg7[%swap3A_1367, %swap3A_1368, %swap3A_1369] {strides = array<i32>} : memref<4x64x128xf32, #tpu.memory_space<vmem>>, vector<1x1x16xf32>,
        %swap3A_1371 = vector.shape_cast %swap3A_1370 : vector<1x1x16xf32> to vector<16xf32>
        %swap3A_1372 = vector.shape_cast %mul3A_1365 : vector<16xf32> to vector<1x1x16xf32>
        tpu.vector_store %arg7[%swap3A_1367, %swap3A_1368, %swap3A_1369], %swap3A_1372 {strides = array<i32>} : memref<4x64x128xf32, #tpu.memory_space<vmem>>, vector<1x1x16xf32>,
        %mul3A_1373 = arith.constant 2 : i32
        %mul3A_1374 = arith.muli %mul3A_1373, %scan3A_1352 : i32
        %add3A_1375 = arith.constant 0 : i32
        %add3A_1376 = arith.addi %mul3A_1374, %add3A_1375 : i32
        %get3A_1377 = arith.constant 2 : i32
        %get3A_1378 = arith.index_cast %get3A_1377 : i32 to index
        %get3A_1379 = arith.index_cast %add3A_1376 : i32 to index
        %get3A_1380 = arith.constant 16 : index
        %get3A_1381 = tpu.vector_load %arg6[%get3A_1378, %get3A_1379, %get3A_1380] {strides = array<i32>} : memref<4x128x64xf32, #tpu.memory_space<vmem>>, vector<1x1x16xf32>,
        %get3A_1382 = vector.shape_cast %get3A_1381 : vector<1x1x16xf32> to vector<16xf32>
        %mul3A_1383 = arith.constant 8.000000e+00 : f32
        %mul3A_1384 = vector.broadcast %mul3A_1383 : f32 to vector<16xf32>
        %mul3A_1385 = arith.mulf %get3A_1382, %mul3A_1384 : vector<16xf32>
        %swap3A_1386 = arith.constant 2 : i32
        %swap3A_1387 = arith.index_cast %swap3A_1386 : i32 to index
        %swap3A_1388 = arith.index_cast %scan3A_1352 : i32 to index
        %swap3A_1389 = arith.constant 16 : index
        %swap3A_1390 = tpu.vector_load %arg7[%swap3A_1387, %swap3A_1388, %swap3A_1389] {strides = array<i32>} : memref<4x64x128xf32, #tpu.memory_space<vmem>>, vector<1x1x16xf32>,
        %swap3A_1391 = vector.shape_cast %swap3A_1390 : vector<1x1x16xf32> to vector<16xf32>
        %swap3A_1392 = vector.shape_cast %mul3A_1385 : vector<16xf32> to vector<1x1x16xf32>
        tpu.vector_store %arg7[%swap3A_1387, %swap3A_1388, %swap3A_1389], %swap3A_1392 {strides = array<i32>} : memref<4x64x128xf32, #tpu.memory_space<vmem>>, vector<1x1x16xf32>,
        %mul3A_1393 = arith.constant 2 : i32
        %mul3A_1394 = arith.muli %mul3A_1393, %scan3A_1352 : i32
        %add3A_1395 = arith.constant 0 : i32
        %add3A_1396 = arith.addi %mul3A_1394, %add3A_1395 : i32
        %get3A_1397 = arith.constant 2 : i32
        %get3A_1398 = arith.index_cast %get3A_1397 : i32 to index
        %get3A_1399 = arith.index_cast %add3A_1396 : i32 to index
        %get3A_1400 = arith.constant 32 : index
        %get3A_1401 = tpu.vector_load %arg6[%get3A_1398, %get3A_1399, %get3A_1400] {strides = array<i32>} : memref<4x128x64xf32, #tpu.memory_space<vmem>>, vector<1x1x16xf32>,
        %get3A_1402 = vector.shape_cast %get3A_1401 : vector<1x1x16xf32> to vector<16xf32>
        %mul3A_1403 = arith.constant 8.000000e+00 : f32
        %mul3A_1404 = vector.broadcast %mul3A_1403 : f32 to vector<16xf32>
        %mul3A_1405 = arith.mulf %get3A_1402, %mul3A_1404 : vector<16xf32>
        %swap3A_1406 = arith.constant 2 : i32
        %swap3A_1407 = arith.index_cast %swap3A_1406 : i32 to index
        %swap3A_1408 = arith.index_cast %scan3A_1352 : i32 to index
        %swap3A_1409 = arith.constant 32 : index
        %swap3A_1410 = tpu.vector_load %arg7[%swap3A_1407, %swap3A_1408, %swap3A_1409] {strides = array<i32>} : memref<4x64x128xf32, #tpu.memory_space<vmem>>, vector<1x1x16xf32>,
        %swap3A_1411 = vector.shape_cast %swap3A_1410 : vector<1x1x16xf32> to vector<16xf32>
        %swap3A_1412 = vector.shape_cast %mul3A_1405 : vector<16xf32> to vector<1x1x16xf32>
        tpu.vector_store %arg7[%swap3A_1407, %swap3A_1408, %swap3A_1409], %swap3A_1412 {strides = array<i32>} : memref<4x64x128xf32, #tpu.memory_space<vmem>>, vector<1x1x16xf32>,
        %mul3A_1413 = arith.constant 2 : i32
        %mul3A_1414 = arith.muli %mul3A_1413, %scan3A_1352 : i32
        %add3A_1415 = arith.constant 0 : i32
        %add3A_1416 = arith.addi %mul3A_1414, %add3A_1415 : i32
        %get3A_1417 = arith.constant 2 : i32
        %get3A_1418 = arith.index_cast %get3A_1417 : i32 to index
        %get3A_1419 = arith.index_cast %add3A_1416 : i32 to index
        %get3A_1420 = arith.constant 48 : index
        %get3A_1421 = tpu.vector_load %arg6[%get3A_1418, %get3A_1419, %get3A_1420] {strides = array<i32>} : memref<4x128x64xf32, #tpu.memory_space<vmem>>, vector<1x1x16xf32>,
        %get3A_1422 = vector.shape_cast %get3A_1421 : vector<1x1x16xf32> to vector<16xf32>
        %mul3A_1423 = arith.constant 8.000000e+00 : f32
        %mul3A_1424 = vector.broadcast %mul3A_1423 : f32 to vector<16xf32>
        %mul3A_1425 = arith.mulf %get3A_1422, %mul3A_1424 : vector<16xf32>
        %swap3A_1426 = arith.constant 2 : i32
        %swap3A_1427 = arith.index_cast %swap3A_1426 : i32 to index
        %swap3A_1428 = arith.index_cast %scan3A_1352 : i32 to index
        %swap3A_1429 = arith.constant 48 : index
        %swap3A_1430 = tpu.vector_load %arg7[%swap3A_1427, %swap3A_1428, %swap3A_1429] {strides = array<i32>} : memref<4x64x128xf32, #tpu.memory_space<vmem>>, vector<1x1x16xf32>,
        %swap3A_1431 = vector.shape_cast %swap3A_1430 : vector<1x1x16xf32> to vector<16xf32>
        %swap3A_1432 = vector.shape_cast %mul3A_1425 : vector<16xf32> to vector<1x1x16xf32>
        tpu.vector_store %arg7[%swap3A_1427, %swap3A_1428, %swap3A_1429], %swap3A_1432 {strides = array<i32>} : memref<4x64x128xf32, #tpu.memory_space<vmem>>, vector<1x1x16xf32>,
        %mul3A_1433 = arith.constant 2 : i32
        %mul3A_1434 = arith.muli %mul3A_1433, %scan3A_1352 : i32
        %add3A_1435 = arith.constant 1 : i32
        %add3A_1436 = arith.addi %mul3A_1434, %add3A_1435 : i32
        %get3A_1437 = arith.constant 2 : i32
        %get3A_1438 = arith.index_cast %get3A_1437 : i32 to index
        %get3A_1439 = arith.index_cast %add3A_1436 : i32 to index
        %get3A_1440 = arith.constant 0 : index
        %get3A_1441 = tpu.vector_load %arg6[%get3A_1438, %get3A_1439, %get3A_1440] {strides = array<i32>} : memref<4x128x64xf32, #tpu.memory_space<vmem>>, vector<1x1x16xf32>,
        %get3A_1442 = vector.shape_cast %get3A_1441 : vector<1x1x16xf32> to vector<16xf32>
        %mul3A_1443 = arith.constant 8.000000e+00 : f32
        %mul3A_1444 = vector.broadcast %mul3A_1443 : f32 to vector<16xf32>
        %mul3A_1445 = arith.mulf %get3A_1442, %mul3A_1444 : vector<16xf32>
        %swap3A_1446 = arith.constant 2 : i32
        %swap3A_1447 = arith.index_cast %swap3A_1446 : i32 to index
        %swap3A_1448 = arith.index_cast %scan3A_1352 : i32 to index
        %swap3A_1449 = arith.constant 64 : index
        %swap3A_1450 = tpu.vector_load %arg7[%swap3A_1447, %swap3A_1448, %swap3A_1449] {strides = array<i32>} : memref<4x64x128xf32, #tpu.memory_space<vmem>>, vector<1x1x16xf32>,
        %swap3A_1451 = vector.shape_cast %swap3A_1450 : vector<1x1x16xf32> to vector<16xf32>
        %swap3A_1452 = vector.shape_cast %mul3A_1445 : vector<16xf32> to vector<1x1x16xf32>
        tpu.vector_store %arg7[%swap3A_1447, %swap3A_1448, %swap3A_1449], %swap3A_1452 {strides = array<i32>} : memref<4x64x128xf32, #tpu.memory_space<vmem>>, vector<1x1x16xf32>,
        %mul3A_1453 = arith.constant 2 : i32
        %mul3A_1454 = arith.muli %mul3A_1453, %scan3A_1352 : i32
        %add3A_1455 = arith.constant 1 : i32
        %add3A_1456 = arith.addi %mul3A_1454, %add3A_1455 : i32
        %get3A_1457 = arith.constant 2 : i32
        %get3A_1458 = arith.index_cast %get3A_1457 : i32 to index
        %get3A_1459 = arith.index_cast %add3A_1456 : i32 to index
        %get3A_1460 = arith.constant 16 : index
        %get3A_1461 = tpu.vector_load %arg6[%get3A_1458, %get3A_1459, %get3A_1460] {strides = array<i32>} : memref<4x128x64xf32, #tpu.memory_space<vmem>>, vector<1x1x16xf32>,
        %get3A_1462 = vector.shape_cast %get3A_1461 : vector<1x1x16xf32> to vector<16xf32>
        %mul3A_1463 = arith.constant 8.000000e+00 : f32
        %mul3A_1464 = vector.broadcast %mul3A_1463 : f32 to vector<16xf32>
        %mul3A_1465 = arith.mulf %get3A_1462, %mul3A_1464 : vector<16xf32>
        %swap3A_1466 = arith.constant 2 : i32
        %swap3A_1467 = arith.index_cast %swap3A_1466 : i32 to index
        %swap3A_1468 = arith.index_cast %scan3A_1352 : i32 to index
        %swap3A_1469 = arith.constant 80 : index
        %swap3A_1470 = tpu.vector_load %arg7[%swap3A_1467, %swap3A_1468, %swap3A_1469] {strides = array<i32>} : memref<4x64x128xf32, #tpu.memory_space<vmem>>, vector<1x1x16xf32>,
        %swap3A_1471 = vector.shape_cast %swap3A_1470 : vector<1x1x16xf32> to vector<16xf32>
        %swap3A_1472 = vector.shape_cast %mul3A_1465 : vector<16xf32> to vector<1x1x16xf32>
        tpu.vector_store %arg7[%swap3A_1467, %swap3A_1468, %swap3A_1469], %swap3A_1472 {strides = array<i32>} : memref<4x64x128xf32, #tpu.memory_space<vmem>>, vector<1x1x16xf32>,
        %mul3A_1473 = arith.constant 2 : i32
        %mul3A_1474 = arith.muli %mul3A_1473, %scan3A_1352 : i32
        %add3A_1475 = arith.constant 1 : i32
        %add3A_1476 = arith.addi %mul3A_1474, %add3A_1475 : i32
        %get3A_1477 = arith.constant 2 : i32
        %get3A_1478 = arith.index_cast %get3A_1477 : i32 to index
        %get3A_1479 = arith.index_cast %add3A_1476 : i32 to index
        %get3A_1480 = arith.constant 32 : index
        %get3A_1481 = tpu.vector_load %arg6[%get3A_1478, %get3A_1479, %get3A_1480] {strides = array<i32>} : memref<4x128x64xf32, #tpu.memory_space<vmem>>, vector<1x1x16xf32>,
        %get3A_1482 = vector.shape_cast %get3A_1481 : vector<1x1x16xf32> to vector<16xf32>
        %mul3A_1483 = arith.constant 8.000000e+00 : f32
        %mul3A_1484 = vector.broadcast %mul3A_1483 : f32 to vector<16xf32>
        %mul3A_1485 = arith.mulf %get3A_1482, %mul3A_1484 : vector<16xf32>
        %swap3A_1486 = arith.constant 2 : i32
        %swap3A_1487 = arith.index_cast %swap3A_1486 : i32 to index
        %swap3A_1488 = arith.index_cast %scan3A_1352 : i32 to index
        %swap3A_1489 = arith.constant 96 : index
        %swap3A_1490 = tpu.vector_load %arg7[%swap3A_1487, %swap3A_1488, %swap3A_1489] {strides = array<i32>} : memref<4x64x128xf32, #tpu.memory_space<vmem>>, vector<1x1x16xf32>,
        %swap3A_1491 = vector.shape_cast %swap3A_1490 : vector<1x1x16xf32> to vector<16xf32>
        %swap3A_1492 = vector.shape_cast %mul3A_1485 : vector<16xf32> to vector<1x1x16xf32>
        tpu.vector_store %arg7[%swap3A_1487, %swap3A_1488, %swap3A_1489], %swap3A_1492 {strides = array<i32>} : memref<4x64x128xf32, #tpu.memory_space<vmem>>, vector<1x1x16xf32>,
        %mul3A_1493 = arith.constant 2 : i32
        %mul3A_1494 = arith.muli %mul3A_1493, %scan3A_1352 : i32
        %add3A_1495 = arith.constant 1 : i32
        %add3A_1496 = arith.addi %mul3A_1494, %add3A_1495 : i32
        %get3A_1497 = arith.constant 2 : i32
        %get3A_1498 = arith.index_cast %get3A_1497 : i32 to index
        %get3A_1499 = arith.index_cast %add3A_1496 : i32 to index
        %get3A_1500 = arith.constant 48 : index
        %get3A_1501 = tpu.vector_load %arg6[%get3A_1498, %get3A_1499, %get3A_1500] {strides = array<i32>} : memref<4x128x64xf32, #tpu.memory_space<vmem>>, vector<1x1x16xf32>,
        %get3A_1502 = vector.shape_cast %get3A_1501 : vector<1x1x16xf32> to vector<16xf32>
        %mul3A_1503 = arith.constant 8.000000e+00 : f32
        %mul3A_1504 = vector.broadcast %mul3A_1503 : f32 to vector<16xf32>
        %mul3A_1505 = arith.mulf %get3A_1502, %mul3A_1504 : vector<16xf32>
        %swap3A_1506 = arith.constant 2 : i32
        %swap3A_1507 = arith.index_cast %swap3A_1506 : i32 to index
        %swap3A_1508 = arith.index_cast %scan3A_1352 : i32 to index
        %swap3A_1509 = arith.constant 112 : index
        %swap3A_1510 = tpu.vector_load %arg7[%swap3A_1507, %swap3A_1508, %swap3A_1509] {strides = array<i32>} : memref<4x64x128xf32, #tpu.memory_space<vmem>>, vector<1x1x16xf32>,
        %swap3A_1511 = vector.shape_cast %swap3A_1510 : vector<1x1x16xf32> to vector<16xf32>
        %swap3A_1512 = vector.shape_cast %mul3A_1505 : vector<16xf32> to vector<1x1x16xf32>
        tpu.vector_store %arg7[%swap3A_1507, %swap3A_1508, %swap3A_1509], %swap3A_1512 {strides = array<i32>} : memref<4x64x128xf32, #tpu.memory_space<vmem>>, vector<1x1x16xf32>,
        %scan3A_1513 = arith.constant 0 : i32
        scf.yield %scan3A_1513 : i32
      }
      %scan3A_1026 = arith.constant 64 : i32
      %jit3A_1027 = arith.constant 2 : i32
      %div3A_1028 = arith.divsi %mul3A_2, %jit3A_1027 : i32
      %sign3A_1029 = arith.constant 0 : i32
      %sign3A_1030 = arith.cmpi sgt, %mul3A_2, %sign3A_1029 : i32
      %sign3A_1031 = arith.extui %sign3A_1030 : i1 to i32
      %sign3A_1032 = arith.constant 0 : i32
      %sign3A_1033 = arith.cmpi slt, %mul3A_2, %sign3A_1032 : i32
      %sign3A_1034 = arith.extui %sign3A_1033 : i1 to i32
      %sign3A_1035 = arith.subi %sign3A_1031, %sign3A_1034 : i32
      %sign3A_1036 = arith.constant 0 : i32
      %sign3A_1037 = arith.cmpi sgt, %jit3A_1027, %sign3A_1036 : i32
      %sign3A_1038 = arith.extui %sign3A_1037 : i1 to i32
      %sign3A_1039 = arith.constant 0 : i32
      %sign3A_1040 = arith.cmpi slt, %jit3A_1027, %sign3A_1039 : i32
      %sign3A_1041 = arith.extui %sign3A_1040 : i1 to i32
      %sign3A_1042 = arith.subi %sign3A_1038, %sign3A_1041 : i32
      %ne3A_1043 = arith.cmpi ne, %sign3A_1035, %sign3A_1042 : i32
      %rem3A_1044 = arith.remsi %mul3A_2, %jit3A_1027 : i32
      %ne3A_1045 = arith.constant 0 : i32
      %ne3A_1046 = arith.cmpi ne, %rem3A_1044, %ne3A_1045 : i32
      %and3A_1047 = arith.andi %ne3A_1043, %ne3A_1046 : i1
      %sub3A_1048 = arith.constant 1 : i32
      %sub3A_1049 = arith.subi %div3A_1028, %sub3A_1048 : i32
      %select_n3A_1050 = arith.select %and3A_1047, %sub3A_1049, %div3A_1028 : i32
      %mul3A_1051 = arith.constant 64 : i32
      %mul3A_1052 = arith.muli %add3A_986, %mul3A_1051 : i32
      %add3A_1053 = arith.addi %select_n3A_1050, %mul3A_1052 : i32
      %dma_start3A_1054 = arith.constant 2 : i32
      %dma_start3A_1055 = arith.constant 2 : i32
      %dma_start3A_1056 = arith.constant 0 : i32
      %dma_start3A_1057 = arith.constant 0 : i32
      %dma_start3A_1058 = tpu.memref_slice %arg7[%dma_start3A_1054, %dma_start3A_1056, %dma_start3A_1057] : memref<4x64x128xf32, #tpu.memory_space<vmem>> -> memref<1x64x128xf32, #tpu.memory_space<vmem>>
      %dma_start3A_1059 = tpu.memref_squeeze %dma_start3A_1058 : memref<1x64x128xf32, #tpu.memory_space<vmem>> -> memref<64x128xf32, #tpu.memory_space<vmem>>
      %dma_start3A_1060 = arith.constant 0 : i32
      %dma_start3A_1061 = tpu.memref_slice %arg4[%add3A_1053, %dma_start3A_1060] : memref<409600x128xf32, #tpu.memory_space<hbm>> -> memref<64x128xf32, #tpu.memory_space<hbm>>
      %dma_start3A_1062 = tpu.memref_slice %arg9[%dma_start3A_1055] : memref<4x!tpu.dma_semaphore, #tpu.memory_space<semaphore_mem>> -> memref<1x!tpu.dma_semaphore, #tpu.memory_space<semaphore_mem>>
      %dma_start3A_1063 = tpu.memref_squeeze %dma_start3A_1062 : memref<1x!tpu.dma_semaphore, #tpu.memory_space<semaphore_mem>> -> memref<!tpu.dma_semaphore, #tpu.memory_space<semaphore_mem>>
      %dma_start3A_1064 = arith.constant 0 : i32
      %dma_start3A_1065 = tpu.memref_slice %arg4[%add3A_1053, %dma_start3A_1064] : memref<409600x128xf32, #tpu.memory_space<hbm>> -> memref<64x128xf32, #tpu.memory_space<hbm>>
      %dma_start3A_1066 = arith.constant 0 : i32
      %dma_start3A_1067 = arith.constant 0 : i32
      %dma_start3A_1068 = tpu.memref_slice %arg7[%dma_start3A_1054, %dma_start3A_1066, %dma_start3A_1067] : memref<4x64x128xf32, #tpu.memory_space<vmem>> -> memref<1x64x128xf32, #tpu.memory_space<vmem>>
      %dma_start3A_1069 = tpu.memref_squeeze %dma_start3A_1068 : memref<1x64x128xf32, #tpu.memory_space<vmem>> -> memref<64x128xf32, #tpu.memory_space<vmem>>
      tpu.enqueue_dma source(%dma_start3A_1069 : memref<64x128xf32, #tpu.memory_space<vmem>>) target(%dma_start3A_1065 : memref<64x128xf32, #tpu.memory_space<hbm>>) target_semaphore(%dma_start3A_1063 : memref<!tpu.dma_semaphore, #tpu.memory_space<semaphore_mem>>)
      %add3A_1070 = arith.constant 4 : i32
      %add3A_1071 = arith.addi %add3A_986, %add3A_1070 : i32
      %dma_start3A_1072 = arith.constant 2 : i32
      %dma_start3A_1073 = arith.constant 2 : i32
      %dma_start3A_1074 = arith.constant 0 : i32
      %dma_start3A_1075 = arith.constant 0 : i32
      %dma_start3A_1076 = tpu.memref_slice %arg6[%dma_start3A_1072, %dma_start3A_1074, %dma_start3A_1075] : memref<4x128x64xf32, #tpu.memory_space<vmem>> -> memref<1x128x64xf32, #tpu.memory_space<vmem>>
      %dma_start3A_1077 = tpu.memref_squeeze %dma_start3A_1076 : memref<1x128x64xf32, #tpu.memory_space<vmem>> -> memref<128x64xf32, #tpu.memory_space<vmem>>
      %dma_start3A_1078 = arith.constant 0 : i32
      %dma_start3A_1079 = tpu.memref_slice %arg5[%add3A_1071, %dma_start3A_1078] : memref<200x128xi32, #tpu.memory_space<vmem>> -> memref<1x128xi32, #tpu.memory_space<vmem>>
      %dma_start3A_1080 = tpu.memref_squeeze %dma_start3A_1079 : memref<1x128xi32, #tpu.memory_space<vmem>> -> memref<128xi32, #tpu.memory_space<vmem>>
      %dma_start3A_1081 = arith.constant 0 : i32
      %dma_start3A_1082 = arith.constant 0 : i32
      %dma_start3A_1083 = tpu.memref_slice %arg3[%dma_start3A_1081, %dma_start3A_1082] : memref<1000000x64xf32, #tpu.memory_space<hbm>> -> memref<1000000x64xf32, #tpu.memory_space<hbm>>
      %dma_start3A_1084 = tpu.memref_slice %arg8[%dma_start3A_1073] : memref<4x!tpu.dma_semaphore, #tpu.memory_space<semaphore_mem>> -> memref<1x!tpu.dma_semaphore, #tpu.memory_space<semaphore_mem>>
      %dma_start3A_1085 = tpu.memref_squeeze %dma_start3A_1084 : memref<1x!tpu.dma_semaphore, #tpu.memory_space<semaphore_mem>> -> memref<!tpu.dma_semaphore, #tpu.memory_space<semaphore_mem>>
      tpu.enqueue_indirect_dma source(%dma_start3A_1083 : memref<1000000x64xf32, #tpu.memory_space<hbm>>) target(%dma_start3A_1077 : memref<128x64xf32, #tpu.memory_space<vmem>>) offsets(%dma_start3A_1080 : memref<128xi32, #tpu.memory_space<vmem>>) semaphore(%dma_start3A_1085 : memref<!tpu.dma_semaphore, #tpu.memory_space<semaphore_mem>>)
      %mul3A_1086 = arith.constant 4 : i32
      %mul3A_1087 = arith.muli %scan3A_775, %mul3A_1086 : i32
      %add3A_1088 = arith.constant 3 : i32
      %add3A_1089 = arith.addi %mul3A_1087, %add3A_1088 : i32
      %dma_wait3A_1090 = arith.constant 0 : i32
      %dma_wait3A_1091 = arith.constant 3 : i32
      %dma_wait3A_1092 = arith.constant 3 : i32
      %dma_wait3A_1093 = arith.constant 0 : i32
      %dma_wait3A_1094 = arith.constant 0 : i32
      %dma_wait3A_1095 = tpu.memref_slice %arg6[%dma_wait3A_1091, %dma_wait3A_1093, %dma_wait3A_1094] : memref<4x128x64xf32, #tpu.memory_space<vmem>> -> memref<1x128x64xf32, #tpu.memory_space<vmem>>
      %dma_wait3A_1096 = tpu.memref_squeeze %dma_wait3A_1095 : memref<1x128x64xf32, #tpu.memory_space<vmem>> -> memref<128x64xf32, #tpu.memory_space<vmem>>
      %dma_wait3A_1097 = arith.constant 0 : i32
      %dma_wait3A_1098 = tpu.memref_slice %arg5[%dma_wait3A_1090, %dma_wait3A_1097] : memref<200x128xi32, #tpu.memory_space<vmem>> -> memref<1x128xi32, #tpu.memory_space<vmem>>
      %dma_wait3A_1099 = tpu.memref_squeeze %dma_wait3A_1098 : memref<1x128xi32, #tpu.memory_space<vmem>> -> memref<128xi32, #tpu.memory_space<vmem>>
      %dma_wait3A_1100 = arith.constant 0 : i32
      %dma_wait3A_1101 = arith.constant 0 : i32
      %dma_wait3A_1102 = tpu.memref_slice %arg3[%dma_wait3A_1100, %dma_wait3A_1101] : memref<1000000x64xf32, #tpu.memory_space<hbm>> -> memref<1000000x64xf32, #tpu.memory_space<hbm>>
      %dma_wait3A_1103 = tpu.memref_slice %arg8[%dma_wait3A_1092] : memref<4x!tpu.dma_semaphore, #tpu.memory_space<semaphore_mem>> -> memref<1x!tpu.dma_semaphore, #tpu.memory_space<semaphore_mem>>
      %dma_wait3A_1104 = tpu.memref_squeeze %dma_wait3A_1103 : memref<1x!tpu.dma_semaphore, #tpu.memory_space<semaphore_mem>> -> memref<!tpu.dma_semaphore, #tpu.memory_space<semaphore_mem>>
      tpu.wait_indirect_dma semaphore(%dma_wait3A_1104 : memref<!tpu.dma_semaphore, #tpu.memory_space<semaphore_mem>>) src(%dma_wait3A_1102 : memref<1000000x64xf32, #tpu.memory_space<hbm>>) dst(%dma_wait3A_1096 : memref<128x64xf32, #tpu.memory_space<vmem>>)
      %dma_wait3A_1105 = arith.constant 3 : i32
      %dma_wait3A_1106 = arith.constant 3 : i32
      %dma_wait3A_1107 = arith.constant 0 : i32
      %dma_wait3A_1108 = arith.constant 0 : i32
      %dma_wait3A_1109 = tpu.memref_slice %arg7[%dma_wait3A_1105, %dma_wait3A_1107, %dma_wait3A_1108] : memref<4x64x128xf32, #tpu.memory_space<vmem>> -> memref<1x64x128xf32, #tpu.memory_space<vmem>>
      %dma_wait3A_1110 = tpu.memref_squeeze %dma_wait3A_1109 : memref<1x64x128xf32, #tpu.memory_space<vmem>> -> memref<64x128xf32, #tpu.memory_space<vmem>>
      %dma_wait3A_1111 = arith.constant 0 : i32
      %dma_wait3A_1112 = arith.constant 0 : i32
      %dma_wait3A_1113 = tpu.memref_slice %arg4[%dma_wait3A_1111, %dma_wait3A_1112] : memref<409600x128xf32, #tpu.memory_space<hbm>> -> memref<64x128xf32, #tpu.memory_space<hbm>>
      %dma_wait3A_1114 = tpu.memref_slice %arg9[%dma_wait3A_1106] : memref<4x!tpu.dma_semaphore, #tpu.memory_space<semaphore_mem>> -> memref<1x!tpu.dma_semaphore, #tpu.memory_space<semaphore_mem>>
      %dma_wait3A_1115 = tpu.memref_squeeze %dma_wait3A_1114 : memref<1x!tpu.dma_semaphore, #tpu.memory_space<semaphore_mem>> -> memref<!tpu.dma_semaphore, #tpu.memory_space<semaphore_mem>>
      %dma_wait3A_1116 = arith.constant 0 : i32
      %dma_wait3A_1117 = arith.constant 0 : i32
      %dma_wait3A_1118 = tpu.memref_slice %arg4[%dma_wait3A_1116, %dma_wait3A_1117] : memref<409600x128xf32, #tpu.memory_space<hbm>> -> memref<64x128xf32, #tpu.memory_space<hbm>>
      %dma_wait3A_1119 = arith.constant 0 : i32
      %dma_wait3A_1120 = arith.constant 0 : i32
      %dma_wait3A_1121 = tpu.memref_slice %arg7[%dma_wait3A_1105, %dma_wait3A_1119, %dma_wait3A_1120] : memref<4x64x128xf32, #tpu.memory_space<vmem>> -> memref<1x64x128xf32, #tpu.memory_space<vmem>>
      %dma_wait3A_1122 = tpu.memref_squeeze %dma_wait3A_1121 : memref<1x64x128xf32, #tpu.memory_space<vmem>> -> memref<64x128xf32, #tpu.memory_space<vmem>>
      tpu.wait_dma2 semaphore(%dma_wait3A_1115 : memref<!tpu.dma_semaphore, #tpu.memory_space<semaphore_mem>>) src(%dma_wait3A_1122 : memref<64x128xf32, #tpu.memory_space<vmem>>) dst(%dma_wait3A_1118 : memref<64x128xf32, #tpu.memory_space<hbm>>)
      %scan3A_1123 = arith.constant 0 : i32
      %scan3A_1124 = arith.constant 0 : i32
      %scan3A_1125 = arith.constant 64 : i32
      %scan3A_1126 = arith.addi %scan3A_1124, %scan3A_1125 : i32
      %scan3A_1127 = arith.constant 2 : i32
      %scan3A_1128 = scf.for %scan3A_1190 = %scan3A_1124 to %scan3A_1126 step %scan3A_1127 iter_args(%scan3A_1191 = %scan3A_1123) -> (i32)  : i32 {
        %mul3A_1192 = arith.constant 2 : i32
        %mul3A_1193 = arith.muli %mul3A_1192, %scan3A_1190 : i32
        %add3A_1194 = arith.constant 0 : i32
        %add3A_1195 = arith.addi %mul3A_1193, %add3A_1194 : i32
        %get3A = arith.constant 3 : i32
        %get3A_1196 = arith.index_cast %get3A : i32 to index
        %get3A_1197 = arith.index_cast %add3A_1195 : i32 to index
        %get3A_1198 = arith.constant 0 : index
        %get3A_1199 = tpu.vector_load %arg6[%get3A_1196, %get3A_1197, %get3A_1198] {strides = array<i32>} : memref<4x128x64xf32, #tpu.memory_space<vmem>>, vector<1x1x16xf32>,
        %get3A_1200 = vector.shape_cast %get3A_1199 : vector<1x1x16xf32> to vector<16xf32>
        %mul3A_1201 = arith.constant 8.000000e+00 : f32
        %mul3A_1202 = vector.broadcast %mul3A_1201 : f32 to vector<16xf32>
        %mul3A_1203 = arith.mulf %get3A_1200, %mul3A_1202 : vector<16xf32>
        %swap3A = arith.constant 3 : i32
        %swap3A_1204 = arith.index_cast %swap3A : i32 to index
        %swap3A_1205 = arith.index_cast %scan3A_1190 : i32 to index
        %swap3A_1206 = arith.constant 0 : index
        %swap3A_1207 = tpu.vector_load %arg7[%swap3A_1204, %swap3A_1205, %swap3A_1206] {strides = array<i32>} : memref<4x64x128xf32, #tpu.memory_space<vmem>>, vector<1x1x16xf32>,
        %swap3A_1208 = vector.shape_cast %swap3A_1207 : vector<1x1x16xf32> to vector<16xf32>
        %swap3A_1209 = vector.shape_cast %mul3A_1203 : vector<16xf32> to vector<1x1x16xf32>
        tpu.vector_store %arg7[%swap3A_1204, %swap3A_1205, %swap3A_1206], %swap3A_1209 {strides = array<i32>} : memref<4x64x128xf32, #tpu.memory_space<vmem>>, vector<1x1x16xf32>,
        %mul3A_1210 = arith.constant 2 : i32
        %mul3A_1211 = arith.muli %mul3A_1210, %scan3A_1190 : i32
        %add3A_1212 = arith.constant 0 : i32
        %add3A_1213 = arith.addi %mul3A_1211, %add3A_1212 : i32
        %get3A_1214 = arith.constant 3 : i32
        %get3A_1215 = arith.index_cast %get3A_1214 : i32 to index
        %get3A_1216 = arith.index_cast %add3A_1213 : i32 to index
        %get3A_1217 = arith.constant 16 : index
        %get3A_1218 = tpu.vector_load %arg6[%get3A_1215, %get3A_1216, %get3A_1217] {strides = array<i32>} : memref<4x128x64xf32, #tpu.memory_space<vmem>>, vector<1x1x16xf32>,
        %get3A_1219 = vector.shape_cast %get3A_1218 : vector<1x1x16xf32> to vector<16xf32>
        %mul3A_1220 = arith.constant 8.000000e+00 : f32
        %mul3A_1221 = vector.broadcast %mul3A_1220 : f32 to vector<16xf32>
        %mul3A_1222 = arith.mulf %get3A_1219, %mul3A_1221 : vector<16xf32>
        %swap3A_1223 = arith.constant 3 : i32
        %swap3A_1224 = arith.index_cast %swap3A_1223 : i32 to index
        %swap3A_1225 = arith.index_cast %scan3A_1190 : i32 to index
        %swap3A_1226 = arith.constant 16 : index
        %swap3A_1227 = tpu.vector_load %arg7[%swap3A_1224, %swap3A_1225, %swap3A_1226] {strides = array<i32>} : memref<4x64x128xf32, #tpu.memory_space<vmem>>, vector<1x1x16xf32>,
        %swap3A_1228 = vector.shape_cast %swap3A_1227 : vector<1x1x16xf32> to vector<16xf32>
        %swap3A_1229 = vector.shape_cast %mul3A_1222 : vector<16xf32> to vector<1x1x16xf32>
        tpu.vector_store %arg7[%swap3A_1224, %swap3A_1225, %swap3A_1226], %swap3A_1229 {strides = array<i32>} : memref<4x64x128xf32, #tpu.memory_space<vmem>>, vector<1x1x16xf32>,
        %mul3A_1230 = arith.constant 2 : i32
        %mul3A_1231 = arith.muli %mul3A_1230, %scan3A_1190 : i32
        %add3A_1232 = arith.constant 0 : i32
        %add3A_1233 = arith.addi %mul3A_1231, %add3A_1232 : i32
        %get3A_1234 = arith.constant 3 : i32
        %get3A_1235 = arith.index_cast %get3A_1234 : i32 to index
        %get3A_1236 = arith.index_cast %add3A_1233 : i32 to index
        %get3A_1237 = arith.constant 32 : index
        %get3A_1238 = tpu.vector_load %arg6[%get3A_1235, %get3A_1236, %get3A_1237] {strides = array<i32>} : memref<4x128x64xf32, #tpu.memory_space<vmem>>, vector<1x1x16xf32>,
        %get3A_1239 = vector.shape_cast %get3A_1238 : vector<1x1x16xf32> to vector<16xf32>
        %mul3A_1240 = arith.constant 8.000000e+00 : f32
        %mul3A_1241 = vector.broadcast %mul3A_1240 : f32 to vector<16xf32>
        %mul3A_1242 = arith.mulf %get3A_1239, %mul3A_1241 : vector<16xf32>
        %swap3A_1243 = arith.constant 3 : i32
        %swap3A_1244 = arith.index_cast %swap3A_1243 : i32 to index
        %swap3A_1245 = arith.index_cast %scan3A_1190 : i32 to index
        %swap3A_1246 = arith.constant 32 : index
        %swap3A_1247 = tpu.vector_load %arg7[%swap3A_1244, %swap3A_1245, %swap3A_1246] {strides = array<i32>} : memref<4x64x128xf32, #tpu.memory_space<vmem>>, vector<1x1x16xf32>,
        %swap3A_1248 = vector.shape_cast %swap3A_1247 : vector<1x1x16xf32> to vector<16xf32>
        %swap3A_1249 = vector.shape_cast %mul3A_1242 : vector<16xf32> to vector<1x1x16xf32>
        tpu.vector_store %arg7[%swap3A_1244, %swap3A_1245, %swap3A_1246], %swap3A_1249 {strides = array<i32>} : memref<4x64x128xf32, #tpu.memory_space<vmem>>, vector<1x1x16xf32>,
        %mul3A_1250 = arith.constant 2 : i32
        %mul3A_1251 = arith.muli %mul3A_1250, %scan3A_1190 : i32
        %add3A_1252 = arith.constant 0 : i32
        %add3A_1253 = arith.addi %mul3A_1251, %add3A_1252 : i32
        %get3A_1254 = arith.constant 3 : i32
        %get3A_1255 = arith.index_cast %get3A_1254 : i32 to index
        %get3A_1256 = arith.index_cast %add3A_1253 : i32 to index
        %get3A_1257 = arith.constant 48 : index
        %get3A_1258 = tpu.vector_load %arg6[%get3A_1255, %get3A_1256, %get3A_1257] {strides = array<i32>} : memref<4x128x64xf32, #tpu.memory_space<vmem>>, vector<1x1x16xf32>,
        %get3A_1259 = vector.shape_cast %get3A_1258 : vector<1x1x16xf32> to vector<16xf32>
        %mul3A_1260 = arith.constant 8.000000e+00 : f32
        %mul3A_1261 = vector.broadcast %mul3A_1260 : f32 to vector<16xf32>
        %mul3A_1262 = arith.mulf %get3A_1259, %mul3A_1261 : vector<16xf32>
        %swap3A_1263 = arith.constant 3 : i32
        %swap3A_1264 = arith.index_cast %swap3A_1263 : i32 to index
        %swap3A_1265 = arith.index_cast %scan3A_1190 : i32 to index
        %swap3A_1266 = arith.constant 48 : index
        %swap3A_1267 = tpu.vector_load %arg7[%swap3A_1264, %swap3A_1265, %swap3A_1266] {strides = array<i32>} : memref<4x64x128xf32, #tpu.memory_space<vmem>>, vector<1x1x16xf32>,
        %swap3A_1268 = vector.shape_cast %swap3A_1267 : vector<1x1x16xf32> to vector<16xf32>
        %swap3A_1269 = vector.shape_cast %mul3A_1262 : vector<16xf32> to vector<1x1x16xf32>
        tpu.vector_store %arg7[%swap3A_1264, %swap3A_1265, %swap3A_1266], %swap3A_1269 {strides = array<i32>} : memref<4x64x128xf32, #tpu.memory_space<vmem>>, vector<1x1x16xf32>,
        %mul3A_1270 = arith.constant 2 : i32
        %mul3A_1271 = arith.muli %mul3A_1270, %scan3A_1190 : i32
        %add3A_1272 = arith.constant 1 : i32
        %add3A_1273 = arith.addi %mul3A_1271, %add3A_1272 : i32
        %get3A_1274 = arith.constant 3 : i32
        %get3A_1275 = arith.index_cast %get3A_1274 : i32 to index
        %get3A_1276 = arith.index_cast %add3A_1273 : i32 to index
        %get3A_1277 = arith.constant 0 : index
        %get3A_1278 = tpu.vector_load %arg6[%get3A_1275, %get3A_1276, %get3A_1277] {strides = array<i32>} : memref<4x128x64xf32, #tpu.memory_space<vmem>>, vector<1x1x16xf32>,
        %get3A_1279 = vector.shape_cast %get3A_1278 : vector<1x1x16xf32> to vector<16xf32>
        %mul3A_1280 = arith.constant 8.000000e+00 : f32
        %mul3A_1281 = vector.broadcast %mul3A_1280 : f32 to vector<16xf32>
        %mul3A_1282 = arith.mulf %get3A_1279, %mul3A_1281 : vector<16xf32>
        %swap3A_1283 = arith.constant 3 : i32
        %swap3A_1284 = arith.index_cast %swap3A_1283 : i32 to index
        %swap3A_1285 = arith.index_cast %scan3A_1190 : i32 to index
        %swap3A_1286 = arith.constant 64 : index
        %swap3A_1287 = tpu.vector_load %arg7[%swap3A_1284, %swap3A_1285, %swap3A_1286] {strides = array<i32>} : memref<4x64x128xf32, #tpu.memory_space<vmem>>, vector<1x1x16xf32>,
        %swap3A_1288 = vector.shape_cast %swap3A_1287 : vector<1x1x16xf32> to vector<16xf32>
        %swap3A_1289 = vector.shape_cast %mul3A_1282 : vector<16xf32> to vector<1x1x16xf32>
        tpu.vector_store %arg7[%swap3A_1284, %swap3A_1285, %swap3A_1286], %swap3A_1289 {strides = array<i32>} : memref<4x64x128xf32, #tpu.memory_space<vmem>>, vector<1x1x16xf32>,
        %mul3A_1290 = arith.constant 2 : i32
        %mul3A_1291 = arith.muli %mul3A_1290, %scan3A_1190 : i32
        %add3A_1292 = arith.constant 1 : i32
        %add3A_1293 = arith.addi %mul3A_1291, %add3A_1292 : i32
        %get3A_1294 = arith.constant 3 : i32
        %get3A_1295 = arith.index_cast %get3A_1294 : i32 to index
        %get3A_1296 = arith.index_cast %add3A_1293 : i32 to index
        %get3A_1297 = arith.constant 16 : index
        %get3A_1298 = tpu.vector_load %arg6[%get3A_1295, %get3A_1296, %get3A_1297] {strides = array<i32>} : memref<4x128x64xf32, #tpu.memory_space<vmem>>, vector<1x1x16xf32>,
        %get3A_1299 = vector.shape_cast %get3A_1298 : vector<1x1x16xf32> to vector<16xf32>
        %mul3A_1300 = arith.constant 8.000000e+00 : f32
        %mul3A_1301 = vector.broadcast %mul3A_1300 : f32 to vector<16xf32>
        %mul3A_1302 = arith.mulf %get3A_1299, %mul3A_1301 : vector<16xf32>
        %swap3A_1303 = arith.constant 3 : i32
        %swap3A_1304 = arith.index_cast %swap3A_1303 : i32 to index
        %swap3A_1305 = arith.index_cast %scan3A_1190 : i32 to index
        %swap3A_1306 = arith.constant 80 : index
        %swap3A_1307 = tpu.vector_load %arg7[%swap3A_1304, %swap3A_1305, %swap3A_1306] {strides = array<i32>} : memref<4x64x128xf32, #tpu.memory_space<vmem>>, vector<1x1x16xf32>,
        %swap3A_1308 = vector.shape_cast %swap3A_1307 : vector<1x1x16xf32> to vector<16xf32>
        %swap3A_1309 = vector.shape_cast %mul3A_1302 : vector<16xf32> to vector<1x1x16xf32>
        tpu.vector_store %arg7[%swap3A_1304, %swap3A_1305, %swap3A_1306], %swap3A_1309 {strides = array<i32>} : memref<4x64x128xf32, #tpu.memory_space<vmem>>, vector<1x1x16xf32>,
        %mul3A_1310 = arith.constant 2 : i32
        %mul3A_1311 = arith.muli %mul3A_1310, %scan3A_1190 : i32
        %add3A_1312 = arith.constant 1 : i32
        %add3A_1313 = arith.addi %mul3A_1311, %add3A_1312 : i32
        %get3A_1314 = arith.constant 3 : i32
        %get3A_1315 = arith.index_cast %get3A_1314 : i32 to index
        %get3A_1316 = arith.index_cast %add3A_1313 : i32 to index
        %get3A_1317 = arith.constant 32 : index
        %get3A_1318 = tpu.vector_load %arg6[%get3A_1315, %get3A_1316, %get3A_1317] {strides = array<i32>} : memref<4x128x64xf32, #tpu.memory_space<vmem>>, vector<1x1x16xf32>,
        %get3A_1319 = vector.shape_cast %get3A_1318 : vector<1x1x16xf32> to vector<16xf32>
        %mul3A_1320 = arith.constant 8.000000e+00 : f32
        %mul3A_1321 = vector.broadcast %mul3A_1320 : f32 to vector<16xf32>
        %mul3A_1322 = arith.mulf %get3A_1319, %mul3A_1321 : vector<16xf32>
        %swap3A_1323 = arith.constant 3 : i32
        %swap3A_1324 = arith.index_cast %swap3A_1323 : i32 to index
        %swap3A_1325 = arith.index_cast %scan3A_1190 : i32 to index
        %swap3A_1326 = arith.constant 96 : index
        %swap3A_1327 = tpu.vector_load %arg7[%swap3A_1324, %swap3A_1325, %swap3A_1326] {strides = array<i32>} : memref<4x64x128xf32, #tpu.memory_space<vmem>>, vector<1x1x16xf32>,
        %swap3A_1328 = vector.shape_cast %swap3A_1327 : vector<1x1x16xf32> to vector<16xf32>
        %swap3A_1329 = vector.shape_cast %mul3A_1322 : vector<16xf32> to vector<1x1x16xf32>
        tpu.vector_store %arg7[%swap3A_1324, %swap3A_1325, %swap3A_1326], %swap3A_1329 {strides = array<i32>} : memref<4x64x128xf32, #tpu.memory_space<vmem>>, vector<1x1x16xf32>,
        %mul3A_1330 = arith.constant 2 : i32
        %mul3A_1331 = arith.muli %mul3A_1330, %scan3A_1190 : i32
        %add3A_1332 = arith.constant 1 : i32
        %add3A_1333 = arith.addi %mul3A_1331, %add3A_1332 : i32
        %get3A_1334 = arith.constant 3 : i32
        %get3A_1335 = arith.index_cast %get3A_1334 : i32 to index
        %get3A_1336 = arith.index_cast %add3A_1333 : i32 to index
        %get3A_1337 = arith.constant 48 : index
        %get3A_1338 = tpu.vector_load %arg6[%get3A_1335, %get3A_1336, %get3A_1337] {strides = array<i32>} : memref<4x128x64xf32, #tpu.memory_space<vmem>>, vector<1x1x16xf32>,
        %get3A_1339 = vector.shape_cast %get3A_1338 : vector<1x1x16xf32> to vector<16xf32>
        %mul3A_1340 = arith.constant 8.000000e+00 : f32
        %mul3A_1341 = vector.broadcast %mul3A_1340 : f32 to vector<16xf32>
        %mul3A_1342 = arith.mulf %get3A_1339, %mul3A_1341 : vector<16xf32>
        %swap3A_1343 = arith.constant 3 : i32
        %swap3A_1344 = arith.index_cast %swap3A_1343 : i32 to index
        %swap3A_1345 = arith.index_cast %scan3A_1190 : i32 to index
        %swap3A_1346 = arith.constant 112 : index
        %swap3A_1347 = tpu.vector_load %arg7[%swap3A_1344, %swap3A_1345, %swap3A_1346] {strides = array<i32>} : memref<4x64x128xf32, #tpu.memory_space<vmem>>, vector<1x1x16xf32>,
        %swap3A_1348 = vector.shape_cast %swap3A_1347 : vector<1x1x16xf32> to vector<16xf32>
        %swap3A_1349 = vector.shape_cast %mul3A_1342 : vector<16xf32> to vector<1x1x16xf32>
        tpu.vector_store %arg7[%swap3A_1344, %swap3A_1345, %swap3A_1346], %swap3A_1349 {strides = array<i32>} : memref<4x64x128xf32, #tpu.memory_space<vmem>>, vector<1x1x16xf32>,
        %scan3A_1350 = arith.constant 0 : i32
        %scan3A_1351 = arith.constant 1 : i32
        %scan3A_1352 = arith.addi %scan3A_1190, %scan3A_1351 : i32
        %mul3A_1353 = arith.constant 2 : i32
        %mul3A_1354 = arith.muli %mul3A_1353, %scan3A_1352 : i32
        %add3A_1355 = arith.constant 0 : i32
        %add3A_1356 = arith.addi %mul3A_1354, %add3A_1355 : i32
        %get3A_1357 = arith.constant 3 : i32
        %get3A_1358 = arith.index_cast %get3A_1357 : i32 to index
        %get3A_1359 = arith.index_cast %add3A_1356 : i32 to index
        %get3A_1360 = arith.constant 0 : index
        %get3A_1361 = tpu.vector_load %arg6[%get3A_1358, %get3A_1359, %get3A_1360] {strides = array<i32>} : memref<4x128x64xf32, #tpu.memory_space<vmem>>, vector<1x1x16xf32>,
        %get3A_1362 = vector.shape_cast %get3A_1361 : vector<1x1x16xf32> to vector<16xf32>
        %mul3A_1363 = arith.constant 8.000000e+00 : f32
        %mul3A_1364 = vector.broadcast %mul3A_1363 : f32 to vector<16xf32>
        %mul3A_1365 = arith.mulf %get3A_1362, %mul3A_1364 : vector<16xf32>
        %swap3A_1366 = arith.constant 3 : i32
        %swap3A_1367 = arith.index_cast %swap3A_1366 : i32 to index
        %swap3A_1368 = arith.index_cast %scan3A_1352 : i32 to index
        %swap3A_1369 = arith.constant 0 : index
        %swap3A_1370 = tpu.vector_load %arg7[%swap3A_1367, %swap3A_1368, %swap3A_1369] {strides = array<i32>} : memref<4x64x128xf32, #tpu.memory_space<vmem>>, vector<1x1x16xf32>,
        %swap3A_1371 = vector.shape_cast %swap3A_1370 : vector<1x1x16xf32> to vector<16xf32>
        %swap3A_1372 = vector.shape_cast %mul3A_1365 : vector<16xf32> to vector<1x1x16xf32>
        tpu.vector_store %arg7[%swap3A_1367, %swap3A_1368, %swap3A_1369], %swap3A_1372 {strides = array<i32>} : memref<4x64x128xf32, #tpu.memory_space<vmem>>, vector<1x1x16xf32>,
        %mul3A_1373 = arith.constant 2 : i32
        %mul3A_1374 = arith.muli %mul3A_1373, %scan3A_1352 : i32
        %add3A_1375 = arith.constant 0 : i32
        %add3A_1376 = arith.addi %mul3A_1374, %add3A_1375 : i32
        %get3A_1377 = arith.constant 3 : i32
        %get3A_1378 = arith.index_cast %get3A_1377 : i32 to index
        %get3A_1379 = arith.index_cast %add3A_1376 : i32 to index
        %get3A_1380 = arith.constant 16 : index
        %get3A_1381 = tpu.vector_load %arg6[%get3A_1378, %get3A_1379, %get3A_1380] {strides = array<i32>} : memref<4x128x64xf32, #tpu.memory_space<vmem>>, vector<1x1x16xf32>,
        %get3A_1382 = vector.shape_cast %get3A_1381 : vector<1x1x16xf32> to vector<16xf32>
        %mul3A_1383 = arith.constant 8.000000e+00 : f32
        %mul3A_1384 = vector.broadcast %mul3A_1383 : f32 to vector<16xf32>
        %mul3A_1385 = arith.mulf %get3A_1382, %mul3A_1384 : vector<16xf32>
        %swap3A_1386 = arith.constant 3 : i32
        %swap3A_1387 = arith.index_cast %swap3A_1386 : i32 to index
        %swap3A_1388 = arith.index_cast %scan3A_1352 : i32 to index
        %swap3A_1389 = arith.constant 16 : index
        %swap3A_1390 = tpu.vector_load %arg7[%swap3A_1387, %swap3A_1388, %swap3A_1389] {strides = array<i32>} : memref<4x64x128xf32, #tpu.memory_space<vmem>>, vector<1x1x16xf32>,
        %swap3A_1391 = vector.shape_cast %swap3A_1390 : vector<1x1x16xf32> to vector<16xf32>
        %swap3A_1392 = vector.shape_cast %mul3A_1385 : vector<16xf32> to vector<1x1x16xf32>
        tpu.vector_store %arg7[%swap3A_1387, %swap3A_1388, %swap3A_1389], %swap3A_1392 {strides = array<i32>} : memref<4x64x128xf32, #tpu.memory_space<vmem>>, vector<1x1x16xf32>,
        %mul3A_1393 = arith.constant 2 : i32
        %mul3A_1394 = arith.muli %mul3A_1393, %scan3A_1352 : i32
        %add3A_1395 = arith.constant 0 : i32
        %add3A_1396 = arith.addi %mul3A_1394, %add3A_1395 : i32
        %get3A_1397 = arith.constant 3 : i32
        %get3A_1398 = arith.index_cast %get3A_1397 : i32 to index
        %get3A_1399 = arith.index_cast %add3A_1396 : i32 to index
        %get3A_1400 = arith.constant 32 : index
        %get3A_1401 = tpu.vector_load %arg6[%get3A_1398, %get3A_1399, %get3A_1400] {strides = array<i32>} : memref<4x128x64xf32, #tpu.memory_space<vmem>>, vector<1x1x16xf32>,
        %get3A_1402 = vector.shape_cast %get3A_1401 : vector<1x1x16xf32> to vector<16xf32>
        %mul3A_1403 = arith.constant 8.000000e+00 : f32
        %mul3A_1404 = vector.broadcast %mul3A_1403 : f32 to vector<16xf32>
        %mul3A_1405 = arith.mulf %get3A_1402, %mul3A_1404 : vector<16xf32>
        %swap3A_1406 = arith.constant 3 : i32
        %swap3A_1407 = arith.index_cast %swap3A_1406 : i32 to index
        %swap3A_1408 = arith.index_cast %scan3A_1352 : i32 to index
        %swap3A_1409 = arith.constant 32 : index
        %swap3A_1410 = tpu.vector_load %arg7[%swap3A_1407, %swap3A_1408, %swap3A_1409] {strides = array<i32>} : memref<4x64x128xf32, #tpu.memory_space<vmem>>, vector<1x1x16xf32>,
        %swap3A_1411 = vector.shape_cast %swap3A_1410 : vector<1x1x16xf32> to vector<16xf32>
        %swap3A_1412 = vector.shape_cast %mul3A_1405 : vector<16xf32> to vector<1x1x16xf32>
        tpu.vector_store %arg7[%swap3A_1407, %swap3A_1408, %swap3A_1409], %swap3A_1412 {strides = array<i32>} : memref<4x64x128xf32, #tpu.memory_space<vmem>>, vector<1x1x16xf32>,
        %mul3A_1413 = arith.constant 2 : i32
        %mul3A_1414 = arith.muli %mul3A_1413, %scan3A_1352 : i32
        %add3A_1415 = arith.constant 0 : i32
        %add3A_1416 = arith.addi %mul3A_1414, %add3A_1415 : i32
        %get3A_1417 = arith.constant 3 : i32
        %get3A_1418 = arith.index_cast %get3A_1417 : i32 to index
        %get3A_1419 = arith.index_cast %add3A_1416 : i32 to index
        %get3A_1420 = arith.constant 48 : index
        %get3A_1421 = tpu.vector_load %arg6[%get3A_1418, %get3A_1419, %get3A_1420] {strides = array<i32>} : memref<4x128x64xf32, #tpu.memory_space<vmem>>, vector<1x1x16xf32>,
        %get3A_1422 = vector.shape_cast %get3A_1421 : vector<1x1x16xf32> to vector<16xf32>
        %mul3A_1423 = arith.constant 8.000000e+00 : f32
        %mul3A_1424 = vector.broadcast %mul3A_1423 : f32 to vector<16xf32>
        %mul3A_1425 = arith.mulf %get3A_1422, %mul3A_1424 : vector<16xf32>
        %swap3A_1426 = arith.constant 3 : i32
        %swap3A_1427 = arith.index_cast %swap3A_1426 : i32 to index
        %swap3A_1428 = arith.index_cast %scan3A_1352 : i32 to index
        %swap3A_1429 = arith.constant 48 : index
        %swap3A_1430 = tpu.vector_load %arg7[%swap3A_1427, %swap3A_1428, %swap3A_1429] {strides = array<i32>} : memref<4x64x128xf32, #tpu.memory_space<vmem>>, vector<1x1x16xf32>,
        %swap3A_1431 = vector.shape_cast %swap3A_1430 : vector<1x1x16xf32> to vector<16xf32>
        %swap3A_1432 = vector.shape_cast %mul3A_1425 : vector<16xf32> to vector<1x1x16xf32>
        tpu.vector_store %arg7[%swap3A_1427, %swap3A_1428, %swap3A_1429], %swap3A_1432 {strides = array<i32>} : memref<4x64x128xf32, #tpu.memory_space<vmem>>, vector<1x1x16xf32>,
        %mul3A_1433 = arith.constant 2 : i32
        %mul3A_1434 = arith.muli %mul3A_1433, %scan3A_1352 : i32
        %add3A_1435 = arith.constant 1 : i32
        %add3A_1436 = arith.addi %mul3A_1434, %add3A_1435 : i32
        %get3A_1437 = arith.constant 3 : i32
        %get3A_1438 = arith.index_cast %get3A_1437 : i32 to index
        %get3A_1439 = arith.index_cast %add3A_1436 : i32 to index
        %get3A_1440 = arith.constant 0 : index
        %get3A_1441 = tpu.vector_load %arg6[%get3A_1438, %get3A_1439, %get3A_1440] {strides = array<i32>} : memref<4x128x64xf32, #tpu.memory_space<vmem>>, vector<1x1x16xf32>,
        %get3A_1442 = vector.shape_cast %get3A_1441 : vector<1x1x16xf32> to vector<16xf32>
        %mul3A_1443 = arith.constant 8.000000e+00 : f32
        %mul3A_1444 = vector.broadcast %mul3A_1443 : f32 to vector<16xf32>
        %mul3A_1445 = arith.mulf %get3A_1442, %mul3A_1444 : vector<16xf32>
        %swap3A_1446 = arith.constant 3 : i32
        %swap3A_1447 = arith.index_cast %swap3A_1446 : i32 to index
        %swap3A_1448 = arith.index_cast %scan3A_1352 : i32 to index
        %swap3A_1449 = arith.constant 64 : index
        %swap3A_1450 = tpu.vector_load %arg7[%swap3A_1447, %swap3A_1448, %swap3A_1449] {strides = array<i32>} : memref<4x64x128xf32, #tpu.memory_space<vmem>>, vector<1x1x16xf32>,
        %swap3A_1451 = vector.shape_cast %swap3A_1450 : vector<1x1x16xf32> to vector<16xf32>
        %swap3A_1452 = vector.shape_cast %mul3A_1445 : vector<16xf32> to vector<1x1x16xf32>
        tpu.vector_store %arg7[%swap3A_1447, %swap3A_1448, %swap3A_1449], %swap3A_1452 {strides = array<i32>} : memref<4x64x128xf32, #tpu.memory_space<vmem>>, vector<1x1x16xf32>,
        %mul3A_1453 = arith.constant 2 : i32
        %mul3A_1454 = arith.muli %mul3A_1453, %scan3A_1352 : i32
        %add3A_1455 = arith.constant 1 : i32
        %add3A_1456 = arith.addi %mul3A_1454, %add3A_1455 : i32
        %get3A_1457 = arith.constant 3 : i32
        %get3A_1458 = arith.index_cast %get3A_1457 : i32 to index
        %get3A_1459 = arith.index_cast %add3A_1456 : i32 to index
        %get3A_1460 = arith.constant 16 : index
        %get3A_1461 = tpu.vector_load %arg6[%get3A_1458, %get3A_1459, %get3A_1460] {strides = array<i32>} : memref<4x128x64xf32, #tpu.memory_space<vmem>>, vector<1x1x16xf32>,
        %get3A_1462 = vector.shape_cast %get3A_1461 : vector<1x1x16xf32> to vector<16xf32>
        %mul3A_1463 = arith.constant 8.000000e+00 : f32
        %mul3A_1464 = vector.broadcast %mul3A_1463 : f32 to vector<16xf32>
        %mul3A_1465 = arith.mulf %get3A_1462, %mul3A_1464 : vector<16xf32>
        %swap3A_1466 = arith.constant 3 : i32
        %swap3A_1467 = arith.index_cast %swap3A_1466 : i32 to index
        %swap3A_1468 = arith.index_cast %scan3A_1352 : i32 to index
        %swap3A_1469 = arith.constant 80 : index
        %swap3A_1470 = tpu.vector_load %arg7[%swap3A_1467, %swap3A_1468, %swap3A_1469] {strides = array<i32>} : memref<4x64x128xf32, #tpu.memory_space<vmem>>, vector<1x1x16xf32>,
        %swap3A_1471 = vector.shape_cast %swap3A_1470 : vector<1x1x16xf32> to vector<16xf32>
        %swap3A_1472 = vector.shape_cast %mul3A_1465 : vector<16xf32> to vector<1x1x16xf32>
        tpu.vector_store %arg7[%swap3A_1467, %swap3A_1468, %swap3A_1469], %swap3A_1472 {strides = array<i32>} : memref<4x64x128xf32, #tpu.memory_space<vmem>>, vector<1x1x16xf32>,
        %mul3A_1473 = arith.constant 2 : i32
        %mul3A_1474 = arith.muli %mul3A_1473, %scan3A_1352 : i32
        %add3A_1475 = arith.constant 1 : i32
        %add3A_1476 = arith.addi %mul3A_1474, %add3A_1475 : i32
        %get3A_1477 = arith.constant 3 : i32
        %get3A_1478 = arith.index_cast %get3A_1477 : i32 to index
        %get3A_1479 = arith.index_cast %add3A_1476 : i32 to index
        %get3A_1480 = arith.constant 32 : index
        %get3A_1481 = tpu.vector_load %arg6[%get3A_1478, %get3A_1479, %get3A_1480] {strides = array<i32>} : memref<4x128x64xf32, #tpu.memory_space<vmem>>, vector<1x1x16xf32>,
        %get3A_1482 = vector.shape_cast %get3A_1481 : vector<1x1x16xf32> to vector<16xf32>
        %mul3A_1483 = arith.constant 8.000000e+00 : f32
        %mul3A_1484 = vector.broadcast %mul3A_1483 : f32 to vector<16xf32>
        %mul3A_1485 = arith.mulf %get3A_1482, %mul3A_1484 : vector<16xf32>
        %swap3A_1486 = arith.constant 3 : i32
        %swap3A_1487 = arith.index_cast %swap3A_1486 : i32 to index
        %swap3A_1488 = arith.index_cast %scan3A_1352 : i32 to index
        %swap3A_1489 = arith.constant 96 : index
        %swap3A_1490 = tpu.vector_load %arg7[%swap3A_1487, %swap3A_1488, %swap3A_1489] {strides = array<i32>} : memref<4x64x128xf32, #tpu.memory_space<vmem>>, vector<1x1x16xf32>,
        %swap3A_1491 = vector.shape_cast %swap3A_1490 : vector<1x1x16xf32> to vector<16xf32>
        %swap3A_1492 = vector.shape_cast %mul3A_1485 : vector<16xf32> to vector<1x1x16xf32>
        tpu.vector_store %arg7[%swap3A_1487, %swap3A_1488, %swap3A_1489], %swap3A_1492 {strides = array<i32>} : memref<4x64x128xf32, #tpu.memory_space<vmem>>, vector<1x1x16xf32>,
        %mul3A_1493 = arith.constant 2 : i32
        %mul3A_1494 = arith.muli %mul3A_1493, %scan3A_1352 : i32
        %add3A_1495 = arith.constant 1 : i32
        %add3A_1496 = arith.addi %mul3A_1494, %add3A_1495 : i32
        %get3A_1497 = arith.constant 3 : i32
        %get3A_1498 = arith.index_cast %get3A_1497 : i32 to index
        %get3A_1499 = arith.index_cast %add3A_1496 : i32 to index
        %get3A_1500 = arith.constant 48 : index
        %get3A_1501 = tpu.vector_load %arg6[%get3A_1498, %get3A_1499, %get3A_1500] {strides = array<i32>} : memref<4x128x64xf32, #tpu.memory_space<vmem>>, vector<1x1x16xf32>,
        %get3A_1502 = vector.shape_cast %get3A_1501 : vector<1x1x16xf32> to vector<16xf32>
        %mul3A_1503 = arith.constant 8.000000e+00 : f32
        %mul3A_1504 = vector.broadcast %mul3A_1503 : f32 to vector<16xf32>
        %mul3A_1505 = arith.mulf %get3A_1502, %mul3A_1504 : vector<16xf32>
        %swap3A_1506 = arith.constant 3 : i32
        %swap3A_1507 = arith.index_cast %swap3A_1506 : i32 to index
        %swap3A_1508 = arith.index_cast %scan3A_1352 : i32 to index
        %swap3A_1509 = arith.constant 112 : index
        %swap3A_1510 = tpu.vector_load %arg7[%swap3A_1507, %swap3A_1508, %swap3A_1509] {strides = array<i32>} : memref<4x64x128xf32, #tpu.memory_space<vmem>>, vector<1x1x16xf32>,
        %swap3A_1511 = vector.shape_cast %swap3A_1510 : vector<1x1x16xf32> to vector<16xf32>
        %swap3A_1512 = vector.shape_cast %mul3A_1505 : vector<16xf32> to vector<1x1x16xf32>
        tpu.vector_store %arg7[%swap3A_1507, %swap3A_1508, %swap3A_1509], %swap3A_1512 {strides = array<i32>} : memref<4x64x128xf32, #tpu.memory_space<vmem>>, vector<1x1x16xf32>,
        %scan3A_1513 = arith.constant 0 : i32
        scf.yield %scan3A_1513 : i32
      }
      %scan3A_1129 = arith.constant 64 : i32
      %jit3A_1130 = arith.constant 2 : i32
      %div3A_1131 = arith.divsi %mul3A_2, %jit3A_1130 : i32
      %sign3A_1132 = arith.constant 0 : i32
      %sign3A_1133 = arith.cmpi sgt, %mul3A_2, %sign3A_1132 : i32
      %sign3A_1134 = arith.extui %sign3A_1133 : i1 to i32
      %sign3A_1135 = arith.constant 0 : i32
      %sign3A_1136 = arith.cmpi slt, %mul3A_2, %sign3A_1135 : i32
      %sign3A_1137 = arith.extui %sign3A_1136 : i1 to i32
      %sign3A_1138 = arith.subi %sign3A_1134, %sign3A_1137 : i32
      %sign3A_1139 = arith.constant 0 : i32
      %sign3A_1140 = arith.cmpi sgt, %jit3A_1130, %sign3A_1139 : i32
      %sign3A_1141 = arith.extui %sign3A_1140 : i1 to i32
      %sign3A_1142 = arith.constant 0 : i32
      %sign3A_1143 = arith.cmpi slt, %jit3A_1130, %sign3A_1142 : i32
      %sign3A_1144 = arith.extui %sign3A_1143 : i1 to i32
      %sign3A_1145 = arith.subi %sign3A_1141, %sign3A_1144 : i32
      %ne3A_1146 = arith.cmpi ne, %sign3A_1138, %sign3A_1145 : i32
      %rem3A_1147 = arith.remsi %mul3A_2, %jit3A_1130 : i32
      %ne3A_1148 = arith.constant 0 : i32
      %ne3A_1149 = arith.cmpi ne, %rem3A_1147, %ne3A_1148 : i32
      %and3A_1150 = arith.andi %ne3A_1146, %ne3A_1149 : i1
      %sub3A_1151 = arith.constant 1 : i32
      %sub3A_1152 = arith.subi %div3A_1131, %sub3A_1151 : i32
      %select_n3A_1153 = arith.select %and3A_1150, %sub3A_1152, %div3A_1131 : i32
      %mul3A_1154 = arith.constant 64 : i32
      %mul3A_1155 = arith.muli %add3A_1089, %mul3A_1154 : i32
      %add3A_1156 = arith.addi %select_n3A_1153, %mul3A_1155 : i32
      %dma_start3A_1157 = arith.constant 3 : i32
      %dma_start3A_1158 = arith.constant 3 : i32
      %dma_start3A_1159 = arith.constant 0 : i32
      %dma_start3A_1160 = arith.constant 0 : i32
      %dma_start3A_1161 = tpu.memref_slice %arg7[%dma_start3A_1157, %dma_start3A_1159, %dma_start3A_1160] : memref<4x64x128xf32, #tpu.memory_space<vmem>> -> memref<1x64x128xf32, #tpu.memory_space<vmem>>
      %dma_start3A_1162 = tpu.memref_squeeze %dma_start3A_1161 : memref<1x64x128xf32, #tpu.memory_space<vmem>> -> memref<64x128xf32, #tpu.memory_space<vmem>>
      %dma_start3A_1163 = arith.constant 0 : i32
      %dma_start3A_1164 = tpu.memref_slice %arg4[%add3A_1156, %dma_start3A_1163] : memref<409600x128xf32, #tpu.memory_space<hbm>> -> memref<64x128xf32, #tpu.memory_space<hbm>>
      %dma_start3A_1165 = tpu.memref_slice %arg9[%dma_start3A_1158] : memref<4x!tpu.dma_semaphore, #tpu.memory_space<semaphore_mem>> -> memref<1x!tpu.dma_semaphore, #tpu.memory_space<semaphore_mem>>
      %dma_start3A_1166 = tpu.memref_squeeze %dma_start3A_1165 : memref<1x!tpu.dma_semaphore, #tpu.memory_space<semaphore_mem>> -> memref<!tpu.dma_semaphore, #tpu.memory_space<semaphore_mem>>
      %dma_start3A_1167 = arith.constant 0 : i32
      %dma_start3A_1168 = tpu.memref_slice %arg4[%add3A_1156, %dma_start3A_1167] : memref<409600x128xf32, #tpu.memory_space<hbm>> -> memref<64x128xf32, #tpu.memory_space<hbm>>
      %dma_start3A_1169 = arith.constant 0 : i32
      %dma_start3A_1170 = arith.constant 0 : i32
      %dma_start3A_1171 = tpu.memref_slice %arg7[%dma_start3A_1157, %dma_start3A_1169, %dma_start3A_1170] : memref<4x64x128xf32, #tpu.memory_space<vmem>> -> memref<1x64x128xf32, #tpu.memory_space<vmem>>
      %dma_start3A_1172 = tpu.memref_squeeze %dma_start3A_1171 : memref<1x64x128xf32, #tpu.memory_space<vmem>> -> memref<64x128xf32, #tpu.memory_space<vmem>>
      tpu.enqueue_dma source(%dma_start3A_1172 : memref<64x128xf32, #tpu.memory_space<vmem>>) target(%dma_start3A_1168 : memref<64x128xf32, #tpu.memory_space<hbm>>) target_semaphore(%dma_start3A_1166 : memref<!tpu.dma_semaphore, #tpu.memory_space<semaphore_mem>>)
      %add3A_1173 = arith.constant 4 : i32
      %add3A_1174 = arith.addi %add3A_1089, %add3A_1173 : i32
      %dma_start3A_1175 = arith.constant 3 : i32
      %dma_start3A_1176 = arith.constant 3 : i32
      %dma_start3A_1177 = arith.constant 0 : i32
      %dma_start3A_1178 = arith.constant 0 : i32
      %dma_start3A_1179 = tpu.memref_slice %arg6[%dma_start3A_1175, %dma_start3A_1177, %dma_start3A_1178] : memref<4x128x64xf32, #tpu.memory_space<vmem>> -> memref<1x128x64xf32, #tpu.memory_space<vmem>>
      %dma_start3A_1180 = tpu.memref_squeeze %dma_start3A_1179 : memref<1x128x64xf32, #tpu.memory_space<vmem>> -> memref<128x64xf32, #tpu.memory_space<vmem>>
      %dma_start3A_1181 = arith.constant 0 : i32
      %dma_start3A_1182 = tpu.memref_slice %arg5[%add3A_1174, %dma_start3A_1181] : memref<200x128xi32, #tpu.memory_space<vmem>> -> memref<1x128xi32, #tpu.memory_space<vmem>>
      %dma_start3A_1183 = tpu.memref_squeeze %dma_start3A_1182 : memref<1x128xi32, #tpu.memory_space<vmem>> -> memref<128xi32, #tpu.memory_space<vmem>>
      %dma_start3A_1184 = arith.constant 0 : i32
      %dma_start3A_1185 = arith.constant 0 : i32
      %dma_start3A_1186 = tpu.memref_slice %arg3[%dma_start3A_1184, %dma_start3A_1185] : memref<1000000x64xf32, #tpu.memory_space<hbm>> -> memref<1000000x64xf32, #tpu.memory_space<hbm>>
      %dma_start3A_1187 = tpu.memref_slice %arg8[%dma_start3A_1176] : memref<4x!tpu.dma_semaphore, #tpu.memory_space<semaphore_mem>> -> memref<1x!tpu.dma_semaphore, #tpu.memory_space<semaphore_mem>>
      %dma_start3A_1188 = tpu.memref_squeeze %dma_start3A_1187 : memref<1x!tpu.dma_semaphore, #tpu.memory_space<semaphore_mem>> -> memref<!tpu.dma_semaphore, #tpu.memory_space<semaphore_mem>>
      tpu.enqueue_indirect_dma source(%dma_start3A_1186 : memref<1000000x64xf32, #tpu.memory_space<hbm>>) target(%dma_start3A_1180 : memref<128x64xf32, #tpu.memory_space<vmem>>) offsets(%dma_start3A_1183 : memref<128xi32, #tpu.memory_space<vmem>>) semaphore(%dma_start3A_1188 : memref<!tpu.dma_semaphore, #tpu.memory_space<semaphore_mem>>)
      %scan3A_1189 = arith.constant 0 : i32
      scf.yield %scan3A_1189 : i32
    }
    %scan3A_374 = arith.constant 48 : i32
    %dma_wait3A_375 = arith.constant 0 : i32
    %dma_wait3A_376 = arith.constant 0 : i32
    %dma_wait3A_377 = arith.constant 0 : i32
    %dma_wait3A_378 = arith.constant 0 : i32
    %dma_wait3A_379 = arith.constant 0 : i32
    %dma_wait3A_380 = tpu.memref_slice %arg6[%dma_wait3A_376, %dma_wait3A_378, %dma_wait3A_379] : memref<4x128x64xf32, #tpu.memory_space<vmem>> -> memref<1x128x64xf32, #tpu.memory_space<vmem>>
    %dma_wait3A_381 = tpu.memref_squeeze %dma_wait3A_380 : memref<1x128x64xf32, #tpu.memory_space<vmem>> -> memref<128x64xf32, #tpu.memory_space<vmem>>
    %dma_wait3A_382 = arith.constant 0 : i32
    %dma_wait3A_383 = tpu.memref_slice %arg5[%dma_wait3A_375, %dma_wait3A_382] : memref<200x128xi32, #tpu.memory_space<vmem>> -> memref<1x128xi32, #tpu.memory_space<vmem>>
    %dma_wait3A_384 = tpu.memref_squeeze %dma_wait3A_383 : memref<1x128xi32, #tpu.memory_space<vmem>> -> memref<128xi32, #tpu.memory_space<vmem>>
    %dma_wait3A_385 = arith.constant 0 : i32
    %dma_wait3A_386 = arith.constant 0 : i32
    %dma_wait3A_387 = tpu.memref_slice %arg3[%dma_wait3A_385, %dma_wait3A_386] : memref<1000000x64xf32, #tpu.memory_space<hbm>> -> memref<1000000x64xf32, #tpu.memory_space<hbm>>
    %dma_wait3A_388 = tpu.memref_slice %arg8[%dma_wait3A_377] : memref<4x!tpu.dma_semaphore, #tpu.memory_space<semaphore_mem>> -> memref<1x!tpu.dma_semaphore, #tpu.memory_space<semaphore_mem>>
    %dma_wait3A_389 = tpu.memref_squeeze %dma_wait3A_388 : memref<1x!tpu.dma_semaphore, #tpu.memory_space<semaphore_mem>> -> memref<!tpu.dma_semaphore, #tpu.memory_space<semaphore_mem>>
    tpu.wait_indirect_dma semaphore(%dma_wait3A_389 : memref<!tpu.dma_semaphore, #tpu.memory_space<semaphore_mem>>) src(%dma_wait3A_387 : memref<1000000x64xf32, #tpu.memory_space<hbm>>) dst(%dma_wait3A_381 : memref<128x64xf32, #tpu.memory_space<vmem>>)
    %dma_wait3A_390 = arith.constant 0 : i32
    %dma_wait3A_391 = arith.constant 0 : i32
    %dma_wait3A_392 = arith.constant 0 : i32
    %dma_wait3A_393 = arith.constant 0 : i32
    %dma_wait3A_394 = tpu.memref_slice %arg7[%dma_wait3A_390, %dma_wait3A_392, %dma_wait3A_393] : memref<4x64x128xf32, #tpu.memory_space<vmem>> -> memref<1x64x128xf32, #tpu.memory_space<vmem>>
    %dma_wait3A_395 = tpu.memref_squeeze %dma_wait3A_394 : memref<1x64x128xf32, #tpu.memory_space<vmem>> -> memref<64x128xf32, #tpu.memory_space<vmem>>
    %dma_wait3A_396 = arith.constant 0 : i32
    %dma_wait3A_397 = arith.constant 0 : i32
    %dma_wait3A_398 = tpu.memref_slice %arg4[%dma_wait3A_396, %dma_wait3A_397] : memref<409600x128xf32, #tpu.memory_space<hbm>> -> memref<64x128xf32, #tpu.memory_space<hbm>>
    %dma_wait3A_399 = tpu.memref_slice %arg9[%dma_wait3A_391] : memref<4x!tpu.dma_semaphore, #tpu.memory_space<semaphore_mem>> -> memref<1x!tpu.dma_semaphore, #tpu.memory_space<semaphore_mem>>
    %dma_wait3A_400 = tpu.memref_squeeze %dma_wait3A_399 : memref<1x!tpu.dma_semaphore, #tpu.memory_space<semaphore_mem>> -> memref<!tpu.dma_semaphore, #tpu.memory_space<semaphore_mem>>
    %dma_wait3A_401 = arith.constant 0 : i32
    %dma_wait3A_402 = arith.constant 0 : i32
    %dma_wait3A_403 = tpu.memref_slice %arg4[%dma_wait3A_401, %dma_wait3A_402] : memref<409600x128xf32, #tpu.memory_space<hbm>> -> memref<64x128xf32, #tpu.memory_space<hbm>>
    %dma_wait3A_404 = arith.constant 0 : i32
    %dma_wait3A_405 = arith.constant 0 : i32
    %dma_wait3A_406 = tpu.memref_slice %arg7[%dma_wait3A_390, %dma_wait3A_404, %dma_wait3A_405] : memref<4x64x128xf32, #tpu.memory_space<vmem>> -> memref<1x64x128xf32, #tpu.memory_space<vmem>>
    %dma_wait3A_407 = tpu.memref_squeeze %dma_wait3A_406 : memref<1x64x128xf32, #tpu.memory_space<vmem>> -> memref<64x128xf32, #tpu.memory_space<vmem>>
    tpu.wait_dma2 semaphore(%dma_wait3A_400 : memref<!tpu.dma_semaphore, #tpu.memory_space<semaphore_mem>>) src(%dma_wait3A_407 : memref<64x128xf32, #tpu.memory_space<vmem>>) dst(%dma_wait3A_403 : memref<64x128xf32, #tpu.memory_space<hbm>>)
    %scan3A_408 = arith.constant 0 : i32
    %scan3A_409 = arith.constant 0 : i32
    %scan3A_410 = arith.constant 64 : i32
    %scan3A_411 = arith.addi %scan3A_409, %scan3A_410 : i32
    %scan3A_412 = arith.constant 2 : i32
    %scan3A_413 = scf.for %scan3A_775 = %scan3A_409 to %scan3A_411 step %scan3A_412 iter_args(%scan3A_776 = %scan3A_408) -> (i32)  : i32 {
      %mul3A_777 = arith.constant 2 : i32
      %mul3A_778 = arith.muli %mul3A_777, %scan3A_775 : i32
      %add3A_779 = arith.constant 0 : i32
      %add3A_780 = arith.addi %mul3A_778, %add3A_779 : i32
      %get3A = arith.constant 0 : i32
      %get3A_781 = arith.index_cast %get3A : i32 to index
      %get3A_782 = arith.index_cast %add3A_780 : i32 to index
      %get3A_783 = arith.constant 0 : index
      %get3A_784 = tpu.vector_load %arg6[%get3A_781, %get3A_782, %get3A_783] {strides = array<i32>} : memref<4x128x64xf32, #tpu.memory_space<vmem>>, vector<1x1x16xf32>,
      %get3A_785 = vector.shape_cast %get3A_784 : vector<1x1x16xf32> to vector<16xf32>
      %mul3A_786 = arith.constant 8.000000e+00 : f32
      %mul3A_787 = vector.broadcast %mul3A_786 : f32 to vector<16xf32>
      %mul3A_788 = arith.mulf %get3A_785, %mul3A_787 : vector<16xf32>
      %swap3A = arith.constant 0 : i32
      %swap3A_789 = arith.index_cast %swap3A : i32 to index
      %swap3A_790 = arith.index_cast %scan3A_775 : i32 to index
      %swap3A_791 = arith.constant 0 : index
      %swap3A_792 = tpu.vector_load %arg7[%swap3A_789, %swap3A_790, %swap3A_791] {strides = array<i32>} : memref<4x64x128xf32, #tpu.memory_space<vmem>>, vector<1x1x16xf32>,
      %swap3A_793 = vector.shape_cast %swap3A_792 : vector<1x1x16xf32> to vector<16xf32>
      %swap3A_794 = vector.shape_cast %mul3A_788 : vector<16xf32> to vector<1x1x16xf32>
      tpu.vector_store %arg7[%swap3A_789, %swap3A_790, %swap3A_791], %swap3A_794 {strides = array<i32>} : memref<4x64x128xf32, #tpu.memory_space<vmem>>, vector<1x1x16xf32>,
      %mul3A_795 = arith.constant 2 : i32
      %mul3A_796 = arith.muli %mul3A_795, %scan3A_775 : i32
      %add3A_797 = arith.constant 0 : i32
      %add3A_798 = arith.addi %mul3A_796, %add3A_797 : i32
      %get3A_799 = arith.constant 0 : i32
      %get3A_800 = arith.index_cast %get3A_799 : i32 to index
      %get3A_801 = arith.index_cast %add3A_798 : i32 to index
      %get3A_802 = arith.constant 16 : index
      %get3A_803 = tpu.vector_load %arg6[%get3A_800, %get3A_801, %get3A_802] {strides = array<i32>} : memref<4x128x64xf32, #tpu.memory_space<vmem>>, vector<1x1x16xf32>,
      %get3A_804 = vector.shape_cast %get3A_803 : vector<1x1x16xf32> to vector<16xf32>
      %mul3A_805 = arith.constant 8.000000e+00 : f32
      %mul3A_806 = vector.broadcast %mul3A_805 : f32 to vector<16xf32>
      %mul3A_807 = arith.mulf %get3A_804, %mul3A_806 : vector<16xf32>
      %swap3A_808 = arith.constant 0 : i32
      %swap3A_809 = arith.index_cast %swap3A_808 : i32 to index
      %swap3A_810 = arith.index_cast %scan3A_775 : i32 to index
      %swap3A_811 = arith.constant 16 : index
      %swap3A_812 = tpu.vector_load %arg7[%swap3A_809, %swap3A_810, %swap3A_811] {strides = array<i32>} : memref<4x64x128xf32, #tpu.memory_space<vmem>>, vector<1x1x16xf32>,
      %swap3A_813 = vector.shape_cast %swap3A_812 : vector<1x1x16xf32> to vector<16xf32>
      %swap3A_814 = vector.shape_cast %mul3A_807 : vector<16xf32> to vector<1x1x16xf32>
      tpu.vector_store %arg7[%swap3A_809, %swap3A_810, %swap3A_811], %swap3A_814 {strides = array<i32>} : memref<4x64x128xf32, #tpu.memory_space<vmem>>, vector<1x1x16xf32>,
      %mul3A_815 = arith.constant 2 : i32
      %mul3A_816 = arith.muli %mul3A_815, %scan3A_775 : i32
      %add3A_817 = arith.constant 0 : i32
      %add3A_818 = arith.addi %mul3A_816, %add3A_817 : i32
      %get3A_819 = arith.constant 0 : i32
      %get3A_820 = arith.index_cast %get3A_819 : i32 to index
      %get3A_821 = arith.index_cast %add3A_818 : i32 to index
      %get3A_822 = arith.constant 32 : index
      %get3A_823 = tpu.vector_load %arg6[%get3A_820, %get3A_821, %get3A_822] {strides = array<i32>} : memref<4x128x64xf32, #tpu.memory_space<vmem>>, vector<1x1x16xf32>,
      %get3A_824 = vector.shape_cast %get3A_823 : vector<1x1x16xf32> to vector<16xf32>
      %mul3A_825 = arith.constant 8.000000e+00 : f32
      %mul3A_826 = vector.broadcast %mul3A_825 : f32 to vector<16xf32>
      %mul3A_827 = arith.mulf %get3A_824, %mul3A_826 : vector<16xf32>
      %swap3A_828 = arith.constant 0 : i32
      %swap3A_829 = arith.index_cast %swap3A_828 : i32 to index
      %swap3A_830 = arith.index_cast %scan3A_775 : i32 to index
      %swap3A_831 = arith.constant 32 : index
      %swap3A_832 = tpu.vector_load %arg7[%swap3A_829, %swap3A_830, %swap3A_831] {strides = array<i32>} : memref<4x64x128xf32, #tpu.memory_space<vmem>>, vector<1x1x16xf32>,
      %swap3A_833 = vector.shape_cast %swap3A_832 : vector<1x1x16xf32> to vector<16xf32>
      %swap3A_834 = vector.shape_cast %mul3A_827 : vector<16xf32> to vector<1x1x16xf32>
      tpu.vector_store %arg7[%swap3A_829, %swap3A_830, %swap3A_831], %swap3A_834 {strides = array<i32>} : memref<4x64x128xf32, #tpu.memory_space<vmem>>, vector<1x1x16xf32>,
      %mul3A_835 = arith.constant 2 : i32
      %mul3A_836 = arith.muli %mul3A_835, %scan3A_775 : i32
      %add3A_837 = arith.constant 0 : i32
      %add3A_838 = arith.addi %mul3A_836, %add3A_837 : i32
      %get3A_839 = arith.constant 0 : i32
      %get3A_840 = arith.index_cast %get3A_839 : i32 to index
      %get3A_841 = arith.index_cast %add3A_838 : i32 to index
      %get3A_842 = arith.constant 48 : index
      %get3A_843 = tpu.vector_load %arg6[%get3A_840, %get3A_841, %get3A_842] {strides = array<i32>} : memref<4x128x64xf32, #tpu.memory_space<vmem>>, vector<1x1x16xf32>,
      %get3A_844 = vector.shape_cast %get3A_843 : vector<1x1x16xf32> to vector<16xf32>
      %mul3A_845 = arith.constant 8.000000e+00 : f32
      %mul3A_846 = vector.broadcast %mul3A_845 : f32 to vector<16xf32>
      %mul3A_847 = arith.mulf %get3A_844, %mul3A_846 : vector<16xf32>
      %swap3A_848 = arith.constant 0 : i32
      %swap3A_849 = arith.index_cast %swap3A_848 : i32 to index
      %swap3A_850 = arith.index_cast %scan3A_775 : i32 to index
      %swap3A_851 = arith.constant 48 : index
      %swap3A_852 = tpu.vector_load %arg7[%swap3A_849, %swap3A_850, %swap3A_851] {strides = array<i32>} : memref<4x64x128xf32, #tpu.memory_space<vmem>>, vector<1x1x16xf32>,
      %swap3A_853 = vector.shape_cast %swap3A_852 : vector<1x1x16xf32> to vector<16xf32>
      %swap3A_854 = vector.shape_cast %mul3A_847 : vector<16xf32> to vector<1x1x16xf32>
      tpu.vector_store %arg7[%swap3A_849, %swap3A_850, %swap3A_851], %swap3A_854 {strides = array<i32>} : memref<4x64x128xf32, #tpu.memory_space<vmem>>, vector<1x1x16xf32>,
      %mul3A_855 = arith.constant 2 : i32
      %mul3A_856 = arith.muli %mul3A_855, %scan3A_775 : i32
      %add3A_857 = arith.constant 1 : i32
      %add3A_858 = arith.addi %mul3A_856, %add3A_857 : i32
      %get3A_859 = arith.constant 0 : i32
      %get3A_860 = arith.index_cast %get3A_859 : i32 to index
      %get3A_861 = arith.index_cast %add3A_858 : i32 to index
      %get3A_862 = arith.constant 0 : index
      %get3A_863 = tpu.vector_load %arg6[%get3A_860, %get3A_861, %get3A_862] {strides = array<i32>} : memref<4x128x64xf32, #tpu.memory_space<vmem>>, vector<1x1x16xf32>,
      %get3A_864 = vector.shape_cast %get3A_863 : vector<1x1x16xf32> to vector<16xf32>
      %mul3A_865 = arith.constant 8.000000e+00 : f32
      %mul3A_866 = vector.broadcast %mul3A_865 : f32 to vector<16xf32>
      %mul3A_867 = arith.mulf %get3A_864, %mul3A_866 : vector<16xf32>
      %swap3A_868 = arith.constant 0 : i32
      %swap3A_869 = arith.index_cast %swap3A_868 : i32 to index
      %swap3A_870 = arith.index_cast %scan3A_775 : i32 to index
      %swap3A_871 = arith.constant 64 : index
      %swap3A_872 = tpu.vector_load %arg7[%swap3A_869, %swap3A_870, %swap3A_871] {strides = array<i32>} : memref<4x64x128xf32, #tpu.memory_space<vmem>>, vector<1x1x16xf32>,
      %swap3A_873 = vector.shape_cast %swap3A_872 : vector<1x1x16xf32> to vector<16xf32>
      %swap3A_874 = vector.shape_cast %mul3A_867 : vector<16xf32> to vector<1x1x16xf32>
      tpu.vector_store %arg7[%swap3A_869, %swap3A_870, %swap3A_871], %swap3A_874 {strides = array<i32>} : memref<4x64x128xf32, #tpu.memory_space<vmem>>, vector<1x1x16xf32>,
      %mul3A_875 = arith.constant 2 : i32
      %mul3A_876 = arith.muli %mul3A_875, %scan3A_775 : i32
      %add3A_877 = arith.constant 1 : i32
      %add3A_878 = arith.addi %mul3A_876, %add3A_877 : i32
      %get3A_879 = arith.constant 0 : i32
      %get3A_880 = arith.index_cast %get3A_879 : i32 to index
      %get3A_881 = arith.index_cast %add3A_878 : i32 to index
      %get3A_882 = arith.constant 16 : index
      %get3A_883 = tpu.vector_load %arg6[%get3A_880, %get3A_881, %get3A_882] {strides = array<i32>} : memref<4x128x64xf32, #tpu.memory_space<vmem>>, vector<1x1x16xf32>,
      %get3A_884 = vector.shape_cast %get3A_883 : vector<1x1x16xf32> to vector<16xf32>
      %mul3A_885 = arith.constant 8.000000e+00 : f32
      %mul3A_886 = vector.broadcast %mul3A_885 : f32 to vector<16xf32>
      %mul3A_887 = arith.mulf %get3A_884, %mul3A_886 : vector<16xf32>
      %swap3A_888 = arith.constant 0 : i32
      %swap3A_889 = arith.index_cast %swap3A_888 : i32 to index
      %swap3A_890 = arith.index_cast %scan3A_775 : i32 to index
      %swap3A_891 = arith.constant 80 : index
      %swap3A_892 = tpu.vector_load %arg7[%swap3A_889, %swap3A_890, %swap3A_891] {strides = array<i32>} : memref<4x64x128xf32, #tpu.memory_space<vmem>>, vector<1x1x16xf32>,
      %swap3A_893 = vector.shape_cast %swap3A_892 : vector<1x1x16xf32> to vector<16xf32>
      %swap3A_894 = vector.shape_cast %mul3A_887 : vector<16xf32> to vector<1x1x16xf32>
      tpu.vector_store %arg7[%swap3A_889, %swap3A_890, %swap3A_891], %swap3A_894 {strides = array<i32>} : memref<4x64x128xf32, #tpu.memory_space<vmem>>, vector<1x1x16xf32>,
      %mul3A_895 = arith.constant 2 : i32
      %mul3A_896 = arith.muli %mul3A_895, %scan3A_775 : i32
      %add3A_897 = arith.constant 1 : i32
      %add3A_898 = arith.addi %mul3A_896, %add3A_897 : i32
      %get3A_899 = arith.constant 0 : i32
      %get3A_900 = arith.index_cast %get3A_899 : i32 to index
      %get3A_901 = arith.index_cast %add3A_898 : i32 to index
      %get3A_902 = arith.constant 32 : index
      %get3A_903 = tpu.vector_load %arg6[%get3A_900, %get3A_901, %get3A_902] {strides = array<i32>} : memref<4x128x64xf32, #tpu.memory_space<vmem>>, vector<1x1x16xf32>,
      %get3A_904 = vector.shape_cast %get3A_903 : vector<1x1x16xf32> to vector<16xf32>
      %mul3A_905 = arith.constant 8.000000e+00 : f32
      %mul3A_906 = vector.broadcast %mul3A_905 : f32 to vector<16xf32>
      %mul3A_907 = arith.mulf %get3A_904, %mul3A_906 : vector<16xf32>
      %swap3A_908 = arith.constant 0 : i32
      %swap3A_909 = arith.index_cast %swap3A_908 : i32 to index
      %swap3A_910 = arith.index_cast %scan3A_775 : i32 to index
      %swap3A_911 = arith.constant 96 : index
      %swap3A_912 = tpu.vector_load %arg7[%swap3A_909, %swap3A_910, %swap3A_911] {strides = array<i32>} : memref<4x64x128xf32, #tpu.memory_space<vmem>>, vector<1x1x16xf32>,
      %swap3A_913 = vector.shape_cast %swap3A_912 : vector<1x1x16xf32> to vector<16xf32>
      %swap3A_914 = vector.shape_cast %mul3A_907 : vector<16xf32> to vector<1x1x16xf32>
      tpu.vector_store %arg7[%swap3A_909, %swap3A_910, %swap3A_911], %swap3A_914 {strides = array<i32>} : memref<4x64x128xf32, #tpu.memory_space<vmem>>, vector<1x1x16xf32>,
      %mul3A_915 = arith.constant 2 : i32
      %mul3A_916 = arith.muli %mul3A_915, %scan3A_775 : i32
      %add3A_917 = arith.constant 1 : i32
      %add3A_918 = arith.addi %mul3A_916, %add3A_917 : i32
      %get3A_919 = arith.constant 0 : i32
      %get3A_920 = arith.index_cast %get3A_919 : i32 to index
      %get3A_921 = arith.index_cast %add3A_918 : i32 to index
      %get3A_922 = arith.constant 48 : index
      %get3A_923 = tpu.vector_load %arg6[%get3A_920, %get3A_921, %get3A_922] {strides = array<i32>} : memref<4x128x64xf32, #tpu.memory_space<vmem>>, vector<1x1x16xf32>,
      %get3A_924 = vector.shape_cast %get3A_923 : vector<1x1x16xf32> to vector<16xf32>
      %mul3A_925 = arith.constant 8.000000e+00 : f32
      %mul3A_926 = vector.broadcast %mul3A_925 : f32 to vector<16xf32>
      %mul3A_927 = arith.mulf %get3A_924, %mul3A_926 : vector<16xf32>
      %swap3A_928 = arith.constant 0 : i32
      %swap3A_929 = arith.index_cast %swap3A_928 : i32 to index
      %swap3A_930 = arith.index_cast %scan3A_775 : i32 to index
      %swap3A_931 = arith.constant 112 : index
      %swap3A_932 = tpu.vector_load %arg7[%swap3A_929, %swap3A_930, %swap3A_931] {strides = array<i32>} : memref<4x64x128xf32, #tpu.memory_space<vmem>>, vector<1x1x16xf32>,
      %swap3A_933 = vector.shape_cast %swap3A_932 : vector<1x1x16xf32> to vector<16xf32>
      %swap3A_934 = vector.shape_cast %mul3A_927 : vector<16xf32> to vector<1x1x16xf32>
      tpu.vector_store %arg7[%swap3A_929, %swap3A_930, %swap3A_931], %swap3A_934 {strides = array<i32>} : memref<4x64x128xf32, #tpu.memory_space<vmem>>, vector<1x1x16xf32>,
      %scan3A_935 = arith.constant 0 : i32
      %scan3A_936 = arith.constant 1 : i32
      %scan3A_937 = arith.addi %scan3A_775, %scan3A_936 : i32
      %mul3A_938 = arith.constant 2 : i32
      %mul3A_939 = arith.muli %mul3A_938, %scan3A_937 : i32
      %add3A_940 = arith.constant 0 : i32
      %add3A_941 = arith.addi %mul3A_939, %add3A_940 : i32
      %get3A_942 = arith.constant 0 : i32
      %get3A_943 = arith.index_cast %get3A_942 : i32 to index
      %get3A_944 = arith.index_cast %add3A_941 : i32 to index
      %get3A_945 = arith.constant 0 : index
      %get3A_946 = tpu.vector_load %arg6[%get3A_943, %get3A_944, %get3A_945] {strides = array<i32>} : memref<4x128x64xf32, #tpu.memory_space<vmem>>, vector<1x1x16xf32>,
      %get3A_947 = vector.shape_cast %get3A_946 : vector<1x1x16xf32> to vector<16xf32>
      %mul3A_948 = arith.constant 8.000000e+00 : f32
      %mul3A_949 = vector.broadcast %mul3A_948 : f32 to vector<16xf32>
      %mul3A_950 = arith.mulf %get3A_947, %mul3A_949 : vector<16xf32>
      %swap3A_951 = arith.constant 0 : i32
      %swap3A_952 = arith.index_cast %swap3A_951 : i32 to index
      %swap3A_953 = arith.index_cast %scan3A_937 : i32 to index
      %swap3A_954 = arith.constant 0 : index
      %swap3A_955 = tpu.vector_load %arg7[%swap3A_952, %swap3A_953, %swap3A_954] {strides = array<i32>} : memref<4x64x128xf32, #tpu.memory_space<vmem>>, vector<1x1x16xf32>,
      %swap3A_956 = vector.shape_cast %swap3A_955 : vector<1x1x16xf32> to vector<16xf32>
      %swap3A_957 = vector.shape_cast %mul3A_950 : vector<16xf32> to vector<1x1x16xf32>
      tpu.vector_store %arg7[%swap3A_952, %swap3A_953, %swap3A_954], %swap3A_957 {strides = array<i32>} : memref<4x64x128xf32, #tpu.memory_space<vmem>>, vector<1x1x16xf32>,
      %mul3A_958 = arith.constant 2 : i32
      %mul3A_959 = arith.muli %mul3A_958, %scan3A_937 : i32
      %add3A_960 = arith.constant 0 : i32
      %add3A_961 = arith.addi %mul3A_959, %add3A_960 : i32
      %get3A_962 = arith.constant 0 : i32
      %get3A_963 = arith.index_cast %get3A_962 : i32 to index
      %get3A_964 = arith.index_cast %add3A_961 : i32 to index
      %get3A_965 = arith.constant 16 : index
      %get3A_966 = tpu.vector_load %arg6[%get3A_963, %get3A_964, %get3A_965] {strides = array<i32>} : memref<4x128x64xf32, #tpu.memory_space<vmem>>, vector<1x1x16xf32>,
      %get3A_967 = vector.shape_cast %get3A_966 : vector<1x1x16xf32> to vector<16xf32>
      %mul3A_968 = arith.constant 8.000000e+00 : f32
      %mul3A_969 = vector.broadcast %mul3A_968 : f32 to vector<16xf32>
      %mul3A_970 = arith.mulf %get3A_967, %mul3A_969 : vector<16xf32>
      %swap3A_971 = arith.constant 0 : i32
      %swap3A_972 = arith.index_cast %swap3A_971 : i32 to index
      %swap3A_973 = arith.index_cast %scan3A_937 : i32 to index
      %swap3A_974 = arith.constant 16 : index
      %swap3A_975 = tpu.vector_load %arg7[%swap3A_972, %swap3A_973, %swap3A_974] {strides = array<i32>} : memref<4x64x128xf32, #tpu.memory_space<vmem>>, vector<1x1x16xf32>,
      %swap3A_976 = vector.shape_cast %swap3A_975 : vector<1x1x16xf32> to vector<16xf32>
      %swap3A_977 = vector.shape_cast %mul3A_970 : vector<16xf32> to vector<1x1x16xf32>
      tpu.vector_store %arg7[%swap3A_972, %swap3A_973, %swap3A_974], %swap3A_977 {strides = array<i32>} : memref<4x64x128xf32, #tpu.memory_space<vmem>>, vector<1x1x16xf32>,
      %mul3A_978 = arith.constant 2 : i32
      %mul3A_979 = arith.muli %mul3A_978, %scan3A_937 : i32
      %add3A_980 = arith.constant 0 : i32
      %add3A_981 = arith.addi %mul3A_979, %add3A_980 : i32
      %get3A_982 = arith.constant 0 : i32
      %get3A_983 = arith.index_cast %get3A_982 : i32 to index
      %get3A_984 = arith.index_cast %add3A_981 : i32 to index
      %get3A_985 = arith.constant 32 : index
      %get3A_986 = tpu.vector_load %arg6[%get3A_983, %get3A_984, %get3A_985] {strides = array<i32>} : memref<4x128x64xf32, #tpu.memory_space<vmem>>, vector<1x1x16xf32>,
      %get3A_987 = vector.shape_cast %get3A_986 : vector<1x1x16xf32> to vector<16xf32>
      %mul3A_988 = arith.constant 8.000000e+00 : f32
      %mul3A_989 = vector.broadcast %mul3A_988 : f32 to vector<16xf32>
      %mul3A_990 = arith.mulf %get3A_987, %mul3A_989 : vector<16xf32>
      %swap3A_991 = arith.constant 0 : i32
      %swap3A_992 = arith.index_cast %swap3A_991 : i32 to index
      %swap3A_993 = arith.index_cast %scan3A_937 : i32 to index
      %swap3A_994 = arith.constant 32 : index
      %swap3A_995 = tpu.vector_load %arg7[%swap3A_992, %swap3A_993, %swap3A_994] {strides = array<i32>} : memref<4x64x128xf32, #tpu.memory_space<vmem>>, vector<1x1x16xf32>,
      %swap3A_996 = vector.shape_cast %swap3A_995 : vector<1x1x16xf32> to vector<16xf32>
      %swap3A_997 = vector.shape_cast %mul3A_990 : vector<16xf32> to vector<1x1x16xf32>
      tpu.vector_store %arg7[%swap3A_992, %swap3A_993, %swap3A_994], %swap3A_997 {strides = array<i32>} : memref<4x64x128xf32, #tpu.memory_space<vmem>>, vector<1x1x16xf32>,
      %mul3A_998 = arith.constant 2 : i32
      %mul3A_999 = arith.muli %mul3A_998, %scan3A_937 : i32
      %add3A_1000 = arith.constant 0 : i32
      %add3A_1001 = arith.addi %mul3A_999, %add3A_1000 : i32
      %get3A_1002 = arith.constant 0 : i32
      %get3A_1003 = arith.index_cast %get3A_1002 : i32 to index
      %get3A_1004 = arith.index_cast %add3A_1001 : i32 to index
      %get3A_1005 = arith.constant 48 : index
      %get3A_1006 = tpu.vector_load %arg6[%get3A_1003, %get3A_1004, %get3A_1005] {strides = array<i32>} : memref<4x128x64xf32, #tpu.memory_space<vmem>>, vector<1x1x16xf32>,
      %get3A_1007 = vector.shape_cast %get3A_1006 : vector<1x1x16xf32> to vector<16xf32>
      %mul3A_1008 = arith.constant 8.000000e+00 : f32
      %mul3A_1009 = vector.broadcast %mul3A_1008 : f32 to vector<16xf32>
      %mul3A_1010 = arith.mulf %get3A_1007, %mul3A_1009 : vector<16xf32>
      %swap3A_1011 = arith.constant 0 : i32
      %swap3A_1012 = arith.index_cast %swap3A_1011 : i32 to index
      %swap3A_1013 = arith.index_cast %scan3A_937 : i32 to index
      %swap3A_1014 = arith.constant 48 : index
      %swap3A_1015 = tpu.vector_load %arg7[%swap3A_1012, %swap3A_1013, %swap3A_1014] {strides = array<i32>} : memref<4x64x128xf32, #tpu.memory_space<vmem>>, vector<1x1x16xf32>,
      %swap3A_1016 = vector.shape_cast %swap3A_1015 : vector<1x1x16xf32> to vector<16xf32>
      %swap3A_1017 = vector.shape_cast %mul3A_1010 : vector<16xf32> to vector<1x1x16xf32>
      tpu.vector_store %arg7[%swap3A_1012, %swap3A_1013, %swap3A_1014], %swap3A_1017 {strides = array<i32>} : memref<4x64x128xf32, #tpu.memory_space<vmem>>, vector<1x1x16xf32>,
      %mul3A_1018 = arith.constant 2 : i32
      %mul3A_1019 = arith.muli %mul3A_1018, %scan3A_937 : i32
      %add3A_1020 = arith.constant 1 : i32
      %add3A_1021 = arith.addi %mul3A_1019, %add3A_1020 : i32
      %get3A_1022 = arith.constant 0 : i32
      %get3A_1023 = arith.index_cast %get3A_1022 : i32 to index
      %get3A_1024 = arith.index_cast %add3A_1021 : i32 to index
      %get3A_1025 = arith.constant 0 : index
      %get3A_1026 = tpu.vector_load %arg6[%get3A_1023, %get3A_1024, %get3A_1025] {strides = array<i32>} : memref<4x128x64xf32, #tpu.memory_space<vmem>>, vector<1x1x16xf32>,
      %get3A_1027 = vector.shape_cast %get3A_1026 : vector<1x1x16xf32> to vector<16xf32>
      %mul3A_1028 = arith.constant 8.000000e+00 : f32
      %mul3A_1029 = vector.broadcast %mul3A_1028 : f32 to vector<16xf32>
      %mul3A_1030 = arith.mulf %get3A_1027, %mul3A_1029 : vector<16xf32>
      %swap3A_1031 = arith.constant 0 : i32
      %swap3A_1032 = arith.index_cast %swap3A_1031 : i32 to index
      %swap3A_1033 = arith.index_cast %scan3A_937 : i32 to index
      %swap3A_1034 = arith.constant 64 : index
      %swap3A_1035 = tpu.vector_load %arg7[%swap3A_1032, %swap3A_1033, %swap3A_1034] {strides = array<i32>} : memref<4x64x128xf32, #tpu.memory_space<vmem>>, vector<1x1x16xf32>,
      %swap3A_1036 = vector.shape_cast %swap3A_1035 : vector<1x1x16xf32> to vector<16xf32>
      %swap3A_1037 = vector.shape_cast %mul3A_1030 : vector<16xf32> to vector<1x1x16xf32>
      tpu.vector_store %arg7[%swap3A_1032, %swap3A_1033, %swap3A_1034], %swap3A_1037 {strides = array<i32>} : memref<4x64x128xf32, #tpu.memory_space<vmem>>, vector<1x1x16xf32>,
      %mul3A_1038 = arith.constant 2 : i32
      %mul3A_1039 = arith.muli %mul3A_1038, %scan3A_937 : i32
      %add3A_1040 = arith.constant 1 : i32
      %add3A_1041 = arith.addi %mul3A_1039, %add3A_1040 : i32
      %get3A_1042 = arith.constant 0 : i32
      %get3A_1043 = arith.index_cast %get3A_1042 : i32 to index
      %get3A_1044 = arith.index_cast %add3A_1041 : i32 to index
      %get3A_1045 = arith.constant 16 : index
      %get3A_1046 = tpu.vector_load %arg6[%get3A_1043, %get3A_1044, %get3A_1045] {strides = array<i32>} : memref<4x128x64xf32, #tpu.memory_space<vmem>>, vector<1x1x16xf32>,
      %get3A_1047 = vector.shape_cast %get3A_1046 : vector<1x1x16xf32> to vector<16xf32>
      %mul3A_1048 = arith.constant 8.000000e+00 : f32
      %mul3A_1049 = vector.broadcast %mul3A_1048 : f32 to vector<16xf32>
      %mul3A_1050 = arith.mulf %get3A_1047, %mul3A_1049 : vector<16xf32>
      %swap3A_1051 = arith.constant 0 : i32
      %swap3A_1052 = arith.index_cast %swap3A_1051 : i32 to index
      %swap3A_1053 = arith.index_cast %scan3A_937 : i32 to index
      %swap3A_1054 = arith.constant 80 : index
      %swap3A_1055 = tpu.vector_load %arg7[%swap3A_1052, %swap3A_1053, %swap3A_1054] {strides = array<i32>} : memref<4x64x128xf32, #tpu.memory_space<vmem>>, vector<1x1x16xf32>,
      %swap3A_1056 = vector.shape_cast %swap3A_1055 : vector<1x1x16xf32> to vector<16xf32>
      %swap3A_1057 = vector.shape_cast %mul3A_1050 : vector<16xf32> to vector<1x1x16xf32>
      tpu.vector_store %arg7[%swap3A_1052, %swap3A_1053, %swap3A_1054], %swap3A_1057 {strides = array<i32>} : memref<4x64x128xf32, #tpu.memory_space<vmem>>, vector<1x1x16xf32>,
      %mul3A_1058 = arith.constant 2 : i32
      %mul3A_1059 = arith.muli %mul3A_1058, %scan3A_937 : i32
      %add3A_1060 = arith.constant 1 : i32
      %add3A_1061 = arith.addi %mul3A_1059, %add3A_1060 : i32
      %get3A_1062 = arith.constant 0 : i32
      %get3A_1063 = arith.index_cast %get3A_1062 : i32 to index
      %get3A_1064 = arith.index_cast %add3A_1061 : i32 to index
      %get3A_1065 = arith.constant 32 : index
      %get3A_1066 = tpu.vector_load %arg6[%get3A_1063, %get3A_1064, %get3A_1065] {strides = array<i32>} : memref<4x128x64xf32, #tpu.memory_space<vmem>>, vector<1x1x16xf32>,
      %get3A_1067 = vector.shape_cast %get3A_1066 : vector<1x1x16xf32> to vector<16xf32>
      %mul3A_1068 = arith.constant 8.000000e+00 : f32
      %mul3A_1069 = vector.broadcast %mul3A_1068 : f32 to vector<16xf32>
      %mul3A_1070 = arith.mulf %get3A_1067, %mul3A_1069 : vector<16xf32>
      %swap3A_1071 = arith.constant 0 : i32
      %swap3A_1072 = arith.index_cast %swap3A_1071 : i32 to index
      %swap3A_1073 = arith.index_cast %scan3A_937 : i32 to index
      %swap3A_1074 = arith.constant 96 : index
      %swap3A_1075 = tpu.vector_load %arg7[%swap3A_1072, %swap3A_1073, %swap3A_1074] {strides = array<i32>} : memref<4x64x128xf32, #tpu.memory_space<vmem>>, vector<1x1x16xf32>,
      %swap3A_1076 = vector.shape_cast %swap3A_1075 : vector<1x1x16xf32> to vector<16xf32>
      %swap3A_1077 = vector.shape_cast %mul3A_1070 : vector<16xf32> to vector<1x1x16xf32>
      tpu.vector_store %arg7[%swap3A_1072, %swap3A_1073, %swap3A_1074], %swap3A_1077 {strides = array<i32>} : memref<4x64x128xf32, #tpu.memory_space<vmem>>, vector<1x1x16xf32>,
      %mul3A_1078 = arith.constant 2 : i32
      %mul3A_1079 = arith.muli %mul3A_1078, %scan3A_937 : i32
      %add3A_1080 = arith.constant 1 : i32
      %add3A_1081 = arith.addi %mul3A_1079, %add3A_1080 : i32
      %get3A_1082 = arith.constant 0 : i32
      %get3A_1083 = arith.index_cast %get3A_1082 : i32 to index
      %get3A_1084 = arith.index_cast %add3A_1081 : i32 to index
      %get3A_1085 = arith.constant 48 : index
      %get3A_1086 = tpu.vector_load %arg6[%get3A_1083, %get3A_1084, %get3A_1085] {strides = array<i32>} : memref<4x128x64xf32, #tpu.memory_space<vmem>>, vector<1x1x16xf32>,
      %get3A_1087 = vector.shape_cast %get3A_1086 : vector<1x1x16xf32> to vector<16xf32>
      %mul3A_1088 = arith.constant 8.000000e+00 : f32
      %mul3A_1089 = vector.broadcast %mul3A_1088 : f32 to vector<16xf32>
      %mul3A_1090 = arith.mulf %get3A_1087, %mul3A_1089 : vector<16xf32>
      %swap3A_1091 = arith.constant 0 : i32
      %swap3A_1092 = arith.index_cast %swap3A_1091 : i32 to index
      %swap3A_1093 = arith.index_cast %scan3A_937 : i32 to index
      %swap3A_1094 = arith.constant 112 : index
      %swap3A_1095 = tpu.vector_load %arg7[%swap3A_1092, %swap3A_1093, %swap3A_1094] {strides = array<i32>} : memref<4x64x128xf32, #tpu.memory_space<vmem>>, vector<1x1x16xf32>,
      %swap3A_1096 = vector.shape_cast %swap3A_1095 : vector<1x1x16xf32> to vector<16xf32>
      %swap3A_1097 = vector.shape_cast %mul3A_1090 : vector<16xf32> to vector<1x1x16xf32>
      tpu.vector_store %arg7[%swap3A_1092, %swap3A_1093, %swap3A_1094], %swap3A_1097 {strides = array<i32>} : memref<4x64x128xf32, #tpu.memory_space<vmem>>, vector<1x1x16xf32>,
      %scan3A_1098 = arith.constant 0 : i32
      scf.yield %scan3A_1098 : i32
    }
    %scan3A_414 = arith.constant 64 : i32
    %jit3A_415 = arith.constant 2 : i32
    %div3A_416 = arith.divsi %mul3A_2, %jit3A_415 : i32
    %sign3A_417 = arith.constant 0 : i32
    %sign3A_418 = arith.cmpi sgt, %mul3A_2, %sign3A_417 : i32
    %sign3A_419 = arith.extui %sign3A_418 : i1 to i32
    %sign3A_420 = arith.constant 0 : i32
    %sign3A_421 = arith.cmpi slt, %mul3A_2, %sign3A_420 : i32
    %sign3A_422 = arith.extui %sign3A_421 : i1 to i32
    %sign3A_423 = arith.subi %sign3A_419, %sign3A_422 : i32
    %sign3A_424 = arith.constant 0 : i32
    %sign3A_425 = arith.cmpi sgt, %jit3A_415, %sign3A_424 : i32
    %sign3A_426 = arith.extui %sign3A_425 : i1 to i32
    %sign3A_427 = arith.constant 0 : i32
    %sign3A_428 = arith.cmpi slt, %jit3A_415, %sign3A_427 : i32
    %sign3A_429 = arith.extui %sign3A_428 : i1 to i32
    %sign3A_430 = arith.subi %sign3A_426, %sign3A_429 : i32
    %ne3A_431 = arith.cmpi ne, %sign3A_423, %sign3A_430 : i32
    %rem3A_432 = arith.remsi %mul3A_2, %jit3A_415 : i32
    %ne3A_433 = arith.constant 0 : i32
    %ne3A_434 = arith.cmpi ne, %rem3A_432, %ne3A_433 : i32
    %and3A_435 = arith.andi %ne3A_431, %ne3A_434 : i1
    %sub3A_436 = arith.constant 1 : i32
    %sub3A_437 = arith.subi %div3A_416, %sub3A_436 : i32
    %select_n3A_438 = arith.select %and3A_435, %sub3A_437, %div3A_416 : i32
    %add3A_439 = arith.constant 12544 : i32
    %add3A_440 = arith.addi %select_n3A_438, %add3A_439 : i32
    %dma_start3A_441 = arith.constant 0 : i32
    %dma_start3A_442 = arith.constant 0 : i32
    %dma_start3A_443 = arith.constant 0 : i32
    %dma_start3A_444 = arith.constant 0 : i32
    %dma_start3A_445 = tpu.memref_slice %arg7[%dma_start3A_441, %dma_start3A_443, %dma_start3A_444] : memref<4x64x128xf32, #tpu.memory_space<vmem>> -> memref<1x64x128xf32, #tpu.memory_space<vmem>>
    %dma_start3A_446 = tpu.memref_squeeze %dma_start3A_445 : memref<1x64x128xf32, #tpu.memory_space<vmem>> -> memref<64x128xf32, #tpu.memory_space<vmem>>
    %dma_start3A_447 = arith.constant 0 : i32
    %dma_start3A_448 = tpu.memref_slice %arg4[%add3A_440, %dma_start3A_447] : memref<409600x128xf32, #tpu.memory_space<hbm>> -> memref<64x128xf32, #tpu.memory_space<hbm>>
    %dma_start3A_449 = tpu.memref_slice %arg9[%dma_start3A_442] : memref<4x!tpu.dma_semaphore, #tpu.memory_space<semaphore_mem>> -> memref<1x!tpu.dma_semaphore, #tpu.memory_space<semaphore_mem>>
    %dma_start3A_450 = tpu.memref_squeeze %dma_start3A_449 : memref<1x!tpu.dma_semaphore, #tpu.memory_space<semaphore_mem>> -> memref<!tpu.dma_semaphore, #tpu.memory_space<semaphore_mem>>
    %dma_start3A_451 = arith.constant 0 : i32
    %dma_start3A_452 = tpu.memref_slice %arg4[%add3A_440, %dma_start3A_451] : memref<409600x128xf32, #tpu.memory_space<hbm>> -> memref<64x128xf32, #tpu.memory_space<hbm>>
    %dma_start3A_453 = arith.constant 0 : i32
    %dma_start3A_454 = arith.constant 0 : i32
    %dma_start3A_455 = tpu.memref_slice %arg7[%dma_start3A_441, %dma_start3A_453, %dma_start3A_454] : memref<4x64x128xf32, #tpu.memory_space<vmem>> -> memref<1x64x128xf32, #tpu.memory_space<vmem>>
    %dma_start3A_456 = tpu.memref_squeeze %dma_start3A_455 : memref<1x64x128xf32, #tpu.memory_space<vmem>> -> memref<64x128xf32, #tpu.memory_space<vmem>>
    tpu.enqueue_dma source(%dma_start3A_456 : memref<64x128xf32, #tpu.memory_space<vmem>>) target(%dma_start3A_452 : memref<64x128xf32, #tpu.memory_space<hbm>>) target_semaphore(%dma_start3A_450 : memref<!tpu.dma_semaphore, #tpu.memory_space<semaphore_mem>>)
    %dma_wait3A_457 = arith.constant 0 : i32
    %dma_wait3A_458 = arith.constant 1 : i32
    %dma_wait3A_459 = arith.constant 1 : i32
    %dma_wait3A_460 = arith.constant 0 : i32
    %dma_wait3A_461 = arith.constant 0 : i32
    %dma_wait3A_462 = tpu.memref_slice %arg6[%dma_wait3A_458, %dma_wait3A_460, %dma_wait3A_461] : memref<4x128x64xf32, #tpu.memory_space<vmem>> -> memref<1x128x64xf32, #tpu.memory_space<vmem>>
    %dma_wait3A_463 = tpu.memref_squeeze %dma_wait3A_462 : memref<1x128x64xf32, #tpu.memory_space<vmem>> -> memref<128x64xf32, #tpu.memory_space<vmem>>
    %dma_wait3A_464 = arith.constant 0 : i32
    %dma_wait3A_465 = tpu.memref_slice %arg5[%dma_wait3A_457, %dma_wait3A_464] : memref<200x128xi32, #tpu.memory_space<vmem>> -> memref<1x128xi32, #tpu.memory_space<vmem>>
    %dma_wait3A_466 = tpu.memref_squeeze %dma_wait3A_465 : memref<1x128xi32, #tpu.memory_space<vmem>> -> memref<128xi32, #tpu.memory_space<vmem>>
    %dma_wait3A_467 = arith.constant 0 : i32
    %dma_wait3A_468 = arith.constant 0 : i32
    %dma_wait3A_469 = tpu.memref_slice %arg3[%dma_wait3A_467, %dma_wait3A_468] : memref<1000000x64xf32, #tpu.memory_space<hbm>> -> memref<1000000x64xf32, #tpu.memory_space<hbm>>
    %dma_wait3A_470 = tpu.memref_slice %arg8[%dma_wait3A_459] : memref<4x!tpu.dma_semaphore, #tpu.memory_space<semaphore_mem>> -> memref<1x!tpu.dma_semaphore, #tpu.memory_space<semaphore_mem>>
    %dma_wait3A_471 = tpu.memref_squeeze %dma_wait3A_470 : memref<1x!tpu.dma_semaphore, #tpu.memory_space<semaphore_mem>> -> memref<!tpu.dma_semaphore, #tpu.memory_space<semaphore_mem>>
    tpu.wait_indirect_dma semaphore(%dma_wait3A_471 : memref<!tpu.dma_semaphore, #tpu.memory_space<semaphore_mem>>) src(%dma_wait3A_469 : memref<1000000x64xf32, #tpu.memory_space<hbm>>) dst(%dma_wait3A_463 : memref<128x64xf32, #tpu.memory_space<vmem>>)
    %dma_wait3A_472 = arith.constant 1 : i32
    %dma_wait3A_473 = arith.constant 1 : i32
    %dma_wait3A_474 = arith.constant 0 : i32
    %dma_wait3A_475 = arith.constant 0 : i32
    %dma_wait3A_476 = tpu.memref_slice %arg7[%dma_wait3A_472, %dma_wait3A_474, %dma_wait3A_475] : memref<4x64x128xf32, #tpu.memory_space<vmem>> -> memref<1x64x128xf32, #tpu.memory_space<vmem>>
    %dma_wait3A_477 = tpu.memref_squeeze %dma_wait3A_476 : memref<1x64x128xf32, #tpu.memory_space<vmem>> -> memref<64x128xf32, #tpu.memory_space<vmem>>
    %dma_wait3A_478 = arith.constant 0 : i32
    %dma_wait3A_479 = arith.constant 0 : i32
    %dma_wait3A_480 = tpu.memref_slice %arg4[%dma_wait3A_478, %dma_wait3A_479] : memref<409600x128xf32, #tpu.memory_space<hbm>> -> memref<64x128xf32, #tpu.memory_space<hbm>>
    %dma_wait3A_481 = tpu.memref_slice %arg9[%dma_wait3A_473] : memref<4x!tpu.dma_semaphore, #tpu.memory_space<semaphore_mem>> -> memref<1x!tpu.dma_semaphore, #tpu.memory_space<semaphore_mem>>
    %dma_wait3A_482 = tpu.memref_squeeze %dma_wait3A_481 : memref<1x!tpu.dma_semaphore, #tpu.memory_space<semaphore_mem>> -> memref<!tpu.dma_semaphore, #tpu.memory_space<semaphore_mem>>
    %dma_wait3A_483 = arith.constant 0 : i32
    %dma_wait3A_484 = arith.constant 0 : i32
    %dma_wait3A_485 = tpu.memref_slice %arg4[%dma_wait3A_483, %dma_wait3A_484] : memref<409600x128xf32, #tpu.memory_space<hbm>> -> memref<64x128xf32, #tpu.memory_space<hbm>>
    %dma_wait3A_486 = arith.constant 0 : i32
    %dma_wait3A_487 = arith.constant 0 : i32
    %dma_wait3A_488 = tpu.memref_slice %arg7[%dma_wait3A_472, %dma_wait3A_486, %dma_wait3A_487] : memref<4x64x128xf32, #tpu.memory_space<vmem>> -> memref<1x64x128xf32, #tpu.memory_space<vmem>>
    %dma_wait3A_489 = tpu.memref_squeeze %dma_wait3A_488 : memref<1x64x128xf32, #tpu.memory_space<vmem>> -> memref<64x128xf32, #tpu.memory_space<vmem>>
    tpu.wait_dma2 semaphore(%dma_wait3A_482 : memref<!tpu.dma_semaphore, #tpu.memory_space<semaphore_mem>>) src(%dma_wait3A_489 : memref<64x128xf32, #tpu.memory_space<vmem>>) dst(%dma_wait3A_485 : memref<64x128xf32, #tpu.memory_space<hbm>>)
    %scan3A_490 = arith.constant 0 : i32
    %scan3A_491 = arith.constant 0 : i32
    %scan3A_492 = arith.constant 64 : i32
    %scan3A_493 = arith.addi %scan3A_491, %scan3A_492 : i32
    %scan3A_494 = arith.constant 2 : i32
    %scan3A_495 = scf.for %scan3A_775 = %scan3A_491 to %scan3A_493 step %scan3A_494 iter_args(%scan3A_776 = %scan3A_490) -> (i32)  : i32 {
      %mul3A_777 = arith.constant 2 : i32
      %mul3A_778 = arith.muli %mul3A_777, %scan3A_775 : i32
      %add3A_779 = arith.constant 0 : i32
      %add3A_780 = arith.addi %mul3A_778, %add3A_779 : i32
      %get3A = arith.constant 1 : i32
      %get3A_781 = arith.index_cast %get3A : i32 to index
      %get3A_782 = arith.index_cast %add3A_780 : i32 to index
      %get3A_783 = arith.constant 0 : index
      %get3A_784 = tpu.vector_load %arg6[%get3A_781, %get3A_782, %get3A_783] {strides = array<i32>} : memref<4x128x64xf32, #tpu.memory_space<vmem>>, vector<1x1x16xf32>,
      %get3A_785 = vector.shape_cast %get3A_784 : vector<1x1x16xf32> to vector<16xf32>
      %mul3A_786 = arith.constant 8.000000e+00 : f32
      %mul3A_787 = vector.broadcast %mul3A_786 : f32 to vector<16xf32>
      %mul3A_788 = arith.mulf %get3A_785, %mul3A_787 : vector<16xf32>
      %swap3A = arith.constant 1 : i32
      %swap3A_789 = arith.index_cast %swap3A : i32 to index
      %swap3A_790 = arith.index_cast %scan3A_775 : i32 to index
      %swap3A_791 = arith.constant 0 : index
      %swap3A_792 = tpu.vector_load %arg7[%swap3A_789, %swap3A_790, %swap3A_791] {strides = array<i32>} : memref<4x64x128xf32, #tpu.memory_space<vmem>>, vector<1x1x16xf32>,
      %swap3A_793 = vector.shape_cast %swap3A_792 : vector<1x1x16xf32> to vector<16xf32>
      %swap3A_794 = vector.shape_cast %mul3A_788 : vector<16xf32> to vector<1x1x16xf32>
      tpu.vector_store %arg7[%swap3A_789, %swap3A_790, %swap3A_791], %swap3A_794 {strides = array<i32>} : memref<4x64x128xf32, #tpu.memory_space<vmem>>, vector<1x1x16xf32>,
      %mul3A_795 = arith.constant 2 : i32
      %mul3A_796 = arith.muli %mul3A_795, %scan3A_775 : i32
      %add3A_797 = arith.constant 0 : i32
      %add3A_798 = arith.addi %mul3A_796, %add3A_797 : i32
      %get3A_799 = arith.constant 1 : i32
      %get3A_800 = arith.index_cast %get3A_799 : i32 to index
      %get3A_801 = arith.index_cast %add3A_798 : i32 to index
      %get3A_802 = arith.constant 16 : index
      %get3A_803 = tpu.vector_load %arg6[%get3A_800, %get3A_801, %get3A_802] {strides = array<i32>} : memref<4x128x64xf32, #tpu.memory_space<vmem>>, vector<1x1x16xf32>,
      %get3A_804 = vector.shape_cast %get3A_803 : vector<1x1x16xf32> to vector<16xf32>
      %mul3A_805 = arith.constant 8.000000e+00 : f32
      %mul3A_806 = vector.broadcast %mul3A_805 : f32 to vector<16xf32>
      %mul3A_807 = arith.mulf %get3A_804, %mul3A_806 : vector<16xf32>
      %swap3A_808 = arith.constant 1 : i32
      %swap3A_809 = arith.index_cast %swap3A_808 : i32 to index
      %swap3A_810 = arith.index_cast %scan3A_775 : i32 to index
      %swap3A_811 = arith.constant 16 : index
      %swap3A_812 = tpu.vector_load %arg7[%swap3A_809, %swap3A_810, %swap3A_811] {strides = array<i32>} : memref<4x64x128xf32, #tpu.memory_space<vmem>>, vector<1x1x16xf32>,
      %swap3A_813 = vector.shape_cast %swap3A_812 : vector<1x1x16xf32> to vector<16xf32>
      %swap3A_814 = vector.shape_cast %mul3A_807 : vector<16xf32> to vector<1x1x16xf32>
      tpu.vector_store %arg7[%swap3A_809, %swap3A_810, %swap3A_811], %swap3A_814 {strides = array<i32>} : memref<4x64x128xf32, #tpu.memory_space<vmem>>, vector<1x1x16xf32>,
      %mul3A_815 = arith.constant 2 : i32
      %mul3A_816 = arith.muli %mul3A_815, %scan3A_775 : i32
      %add3A_817 = arith.constant 0 : i32
      %add3A_818 = arith.addi %mul3A_816, %add3A_817 : i32
      %get3A_819 = arith.constant 1 : i32
      %get3A_820 = arith.index_cast %get3A_819 : i32 to index
      %get3A_821 = arith.index_cast %add3A_818 : i32 to index
      %get3A_822 = arith.constant 32 : index
      %get3A_823 = tpu.vector_load %arg6[%get3A_820, %get3A_821, %get3A_822] {strides = array<i32>} : memref<4x128x64xf32, #tpu.memory_space<vmem>>, vector<1x1x16xf32>,
      %get3A_824 = vector.shape_cast %get3A_823 : vector<1x1x16xf32> to vector<16xf32>
      %mul3A_825 = arith.constant 8.000000e+00 : f32
      %mul3A_826 = vector.broadcast %mul3A_825 : f32 to vector<16xf32>
      %mul3A_827 = arith.mulf %get3A_824, %mul3A_826 : vector<16xf32>
      %swap3A_828 = arith.constant 1 : i32
      %swap3A_829 = arith.index_cast %swap3A_828 : i32 to index
      %swap3A_830 = arith.index_cast %scan3A_775 : i32 to index
      %swap3A_831 = arith.constant 32 : index
      %swap3A_832 = tpu.vector_load %arg7[%swap3A_829, %swap3A_830, %swap3A_831] {strides = array<i32>} : memref<4x64x128xf32, #tpu.memory_space<vmem>>, vector<1x1x16xf32>,
      %swap3A_833 = vector.shape_cast %swap3A_832 : vector<1x1x16xf32> to vector<16xf32>
      %swap3A_834 = vector.shape_cast %mul3A_827 : vector<16xf32> to vector<1x1x16xf32>
      tpu.vector_store %arg7[%swap3A_829, %swap3A_830, %swap3A_831], %swap3A_834 {strides = array<i32>} : memref<4x64x128xf32, #tpu.memory_space<vmem>>, vector<1x1x16xf32>,
      %mul3A_835 = arith.constant 2 : i32
      %mul3A_836 = arith.muli %mul3A_835, %scan3A_775 : i32
      %add3A_837 = arith.constant 0 : i32
      %add3A_838 = arith.addi %mul3A_836, %add3A_837 : i32
      %get3A_839 = arith.constant 1 : i32
      %get3A_840 = arith.index_cast %get3A_839 : i32 to index
      %get3A_841 = arith.index_cast %add3A_838 : i32 to index
      %get3A_842 = arith.constant 48 : index
      %get3A_843 = tpu.vector_load %arg6[%get3A_840, %get3A_841, %get3A_842] {strides = array<i32>} : memref<4x128x64xf32, #tpu.memory_space<vmem>>, vector<1x1x16xf32>,
      %get3A_844 = vector.shape_cast %get3A_843 : vector<1x1x16xf32> to vector<16xf32>
      %mul3A_845 = arith.constant 8.000000e+00 : f32
      %mul3A_846 = vector.broadcast %mul3A_845 : f32 to vector<16xf32>
      %mul3A_847 = arith.mulf %get3A_844, %mul3A_846 : vector<16xf32>
      %swap3A_848 = arith.constant 1 : i32
      %swap3A_849 = arith.index_cast %swap3A_848 : i32 to index
      %swap3A_850 = arith.index_cast %scan3A_775 : i32 to index
      %swap3A_851 = arith.constant 48 : index
      %swap3A_852 = tpu.vector_load %arg7[%swap3A_849, %swap3A_850, %swap3A_851] {strides = array<i32>} : memref<4x64x128xf32, #tpu.memory_space<vmem>>, vector<1x1x16xf32>,
      %swap3A_853 = vector.shape_cast %swap3A_852 : vector<1x1x16xf32> to vector<16xf32>
      %swap3A_854 = vector.shape_cast %mul3A_847 : vector<16xf32> to vector<1x1x16xf32>
      tpu.vector_store %arg7[%swap3A_849, %swap3A_850, %swap3A_851], %swap3A_854 {strides = array<i32>} : memref<4x64x128xf32, #tpu.memory_space<vmem>>, vector<1x1x16xf32>,
      %mul3A_855 = arith.constant 2 : i32
      %mul3A_856 = arith.muli %mul3A_855, %scan3A_775 : i32
      %add3A_857 = arith.constant 1 : i32
      %add3A_858 = arith.addi %mul3A_856, %add3A_857 : i32
      %get3A_859 = arith.constant 1 : i32
      %get3A_860 = arith.index_cast %get3A_859 : i32 to index
      %get3A_861 = arith.index_cast %add3A_858 : i32 to index
      %get3A_862 = arith.constant 0 : index
      %get3A_863 = tpu.vector_load %arg6[%get3A_860, %get3A_861, %get3A_862] {strides = array<i32>} : memref<4x128x64xf32, #tpu.memory_space<vmem>>, vector<1x1x16xf32>,
      %get3A_864 = vector.shape_cast %get3A_863 : vector<1x1x16xf32> to vector<16xf32>
      %mul3A_865 = arith.constant 8.000000e+00 : f32
      %mul3A_866 = vector.broadcast %mul3A_865 : f32 to vector<16xf32>
      %mul3A_867 = arith.mulf %get3A_864, %mul3A_866 : vector<16xf32>
      %swap3A_868 = arith.constant 1 : i32
      %swap3A_869 = arith.index_cast %swap3A_868 : i32 to index
      %swap3A_870 = arith.index_cast %scan3A_775 : i32 to index
      %swap3A_871 = arith.constant 64 : index
      %swap3A_872 = tpu.vector_load %arg7[%swap3A_869, %swap3A_870, %swap3A_871] {strides = array<i32>} : memref<4x64x128xf32, #tpu.memory_space<vmem>>, vector<1x1x16xf32>,
      %swap3A_873 = vector.shape_cast %swap3A_872 : vector<1x1x16xf32> to vector<16xf32>
      %swap3A_874 = vector.shape_cast %mul3A_867 : vector<16xf32> to vector<1x1x16xf32>
      tpu.vector_store %arg7[%swap3A_869, %swap3A_870, %swap3A_871], %swap3A_874 {strides = array<i32>} : memref<4x64x128xf32, #tpu.memory_space<vmem>>, vector<1x1x16xf32>,
      %mul3A_875 = arith.constant 2 : i32
      %mul3A_876 = arith.muli %mul3A_875, %scan3A_775 : i32
      %add3A_877 = arith.constant 1 : i32
      %add3A_878 = arith.addi %mul3A_876, %add3A_877 : i32
      %get3A_879 = arith.constant 1 : i32
      %get3A_880 = arith.index_cast %get3A_879 : i32 to index
      %get3A_881 = arith.index_cast %add3A_878 : i32 to index
      %get3A_882 = arith.constant 16 : index
      %get3A_883 = tpu.vector_load %arg6[%get3A_880, %get3A_881, %get3A_882] {strides = array<i32>} : memref<4x128x64xf32, #tpu.memory_space<vmem>>, vector<1x1x16xf32>,
      %get3A_884 = vector.shape_cast %get3A_883 : vector<1x1x16xf32> to vector<16xf32>
      %mul3A_885 = arith.constant 8.000000e+00 : f32
      %mul3A_886 = vector.broadcast %mul3A_885 : f32 to vector<16xf32>
      %mul3A_887 = arith.mulf %get3A_884, %mul3A_886 : vector<16xf32>
      %swap3A_888 = arith.constant 1 : i32
      %swap3A_889 = arith.index_cast %swap3A_888 : i32 to index
      %swap3A_890 = arith.index_cast %scan3A_775 : i32 to index
      %swap3A_891 = arith.constant 80 : index
      %swap3A_892 = tpu.vector_load %arg7[%swap3A_889, %swap3A_890, %swap3A_891] {strides = array<i32>} : memref<4x64x128xf32, #tpu.memory_space<vmem>>, vector<1x1x16xf32>,
      %swap3A_893 = vector.shape_cast %swap3A_892 : vector<1x1x16xf32> to vector<16xf32>
      %swap3A_894 = vector.shape_cast %mul3A_887 : vector<16xf32> to vector<1x1x16xf32>
      tpu.vector_store %arg7[%swap3A_889, %swap3A_890, %swap3A_891], %swap3A_894 {strides = array<i32>} : memref<4x64x128xf32, #tpu.memory_space<vmem>>, vector<1x1x16xf32>,
      %mul3A_895 = arith.constant 2 : i32
      %mul3A_896 = arith.muli %mul3A_895, %scan3A_775 : i32
      %add3A_897 = arith.constant 1 : i32
      %add3A_898 = arith.addi %mul3A_896, %add3A_897 : i32
      %get3A_899 = arith.constant 1 : i32
      %get3A_900 = arith.index_cast %get3A_899 : i32 to index
      %get3A_901 = arith.index_cast %add3A_898 : i32 to index
      %get3A_902 = arith.constant 32 : index
      %get3A_903 = tpu.vector_load %arg6[%get3A_900, %get3A_901, %get3A_902] {strides = array<i32>} : memref<4x128x64xf32, #tpu.memory_space<vmem>>, vector<1x1x16xf32>,
      %get3A_904 = vector.shape_cast %get3A_903 : vector<1x1x16xf32> to vector<16xf32>
      %mul3A_905 = arith.constant 8.000000e+00 : f32
      %mul3A_906 = vector.broadcast %mul3A_905 : f32 to vector<16xf32>
      %mul3A_907 = arith.mulf %get3A_904, %mul3A_906 : vector<16xf32>
      %swap3A_908 = arith.constant 1 : i32
      %swap3A_909 = arith.index_cast %swap3A_908 : i32 to index
      %swap3A_910 = arith.index_cast %scan3A_775 : i32 to index
      %swap3A_911 = arith.constant 96 : index
      %swap3A_912 = tpu.vector_load %arg7[%swap3A_909, %swap3A_910, %swap3A_911] {strides = array<i32>} : memref<4x64x128xf32, #tpu.memory_space<vmem>>, vector<1x1x16xf32>,
      %swap3A_913 = vector.shape_cast %swap3A_912 : vector<1x1x16xf32> to vector<16xf32>
      %swap3A_914 = vector.shape_cast %mul3A_907 : vector<16xf32> to vector<1x1x16xf32>
      tpu.vector_store %arg7[%swap3A_909, %swap3A_910, %swap3A_911], %swap3A_914 {strides = array<i32>} : memref<4x64x128xf32, #tpu.memory_space<vmem>>, vector<1x1x16xf32>,
      %mul3A_915 = arith.constant 2 : i32
      %mul3A_916 = arith.muli %mul3A_915, %scan3A_775 : i32
      %add3A_917 = arith.constant 1 : i32
      %add3A_918 = arith.addi %mul3A_916, %add3A_917 : i32
      %get3A_919 = arith.constant 1 : i32
      %get3A_920 = arith.index_cast %get3A_919 : i32 to index
      %get3A_921 = arith.index_cast %add3A_918 : i32 to index
      %get3A_922 = arith.constant 48 : index
      %get3A_923 = tpu.vector_load %arg6[%get3A_920, %get3A_921, %get3A_922] {strides = array<i32>} : memref<4x128x64xf32, #tpu.memory_space<vmem>>, vector<1x1x16xf32>,
      %get3A_924 = vector.shape_cast %get3A_923 : vector<1x1x16xf32> to vector<16xf32>
      %mul3A_925 = arith.constant 8.000000e+00 : f32
      %mul3A_926 = vector.broadcast %mul3A_925 : f32 to vector<16xf32>
      %mul3A_927 = arith.mulf %get3A_924, %mul3A_926 : vector<16xf32>
      %swap3A_928 = arith.constant 1 : i32
      %swap3A_929 = arith.index_cast %swap3A_928 : i32 to index
      %swap3A_930 = arith.index_cast %scan3A_775 : i32 to index
      %swap3A_931 = arith.constant 112 : index
      %swap3A_932 = tpu.vector_load %arg7[%swap3A_929, %swap3A_930, %swap3A_931] {strides = array<i32>} : memref<4x64x128xf32, #tpu.memory_space<vmem>>, vector<1x1x16xf32>,
      %swap3A_933 = vector.shape_cast %swap3A_932 : vector<1x1x16xf32> to vector<16xf32>
      %swap3A_934 = vector.shape_cast %mul3A_927 : vector<16xf32> to vector<1x1x16xf32>
      tpu.vector_store %arg7[%swap3A_929, %swap3A_930, %swap3A_931], %swap3A_934 {strides = array<i32>} : memref<4x64x128xf32, #tpu.memory_space<vmem>>, vector<1x1x16xf32>,
      %scan3A_935 = arith.constant 0 : i32
      %scan3A_936 = arith.constant 1 : i32
      %scan3A_937 = arith.addi %scan3A_775, %scan3A_936 : i32
      %mul3A_938 = arith.constant 2 : i32
      %mul3A_939 = arith.muli %mul3A_938, %scan3A_937 : i32
      %add3A_940 = arith.constant 0 : i32
      %add3A_941 = arith.addi %mul3A_939, %add3A_940 : i32
      %get3A_942 = arith.constant 1 : i32
      %get3A_943 = arith.index_cast %get3A_942 : i32 to index
      %get3A_944 = arith.index_cast %add3A_941 : i32 to index
      %get3A_945 = arith.constant 0 : index
      %get3A_946 = tpu.vector_load %arg6[%get3A_943, %get3A_944, %get3A_945] {strides = array<i32>} : memref<4x128x64xf32, #tpu.memory_space<vmem>>, vector<1x1x16xf32>,
      %get3A_947 = vector.shape_cast %get3A_946 : vector<1x1x16xf32> to vector<16xf32>
      %mul3A_948 = arith.constant 8.000000e+00 : f32
      %mul3A_949 = vector.broadcast %mul3A_948 : f32 to vector<16xf32>
      %mul3A_950 = arith.mulf %get3A_947, %mul3A_949 : vector<16xf32>
      %swap3A_951 = arith.constant 1 : i32
      %swap3A_952 = arith.index_cast %swap3A_951 : i32 to index
      %swap3A_953 = arith.index_cast %scan3A_937 : i32 to index
      %swap3A_954 = arith.constant 0 : index
      %swap3A_955 = tpu.vector_load %arg7[%swap3A_952, %swap3A_953, %swap3A_954] {strides = array<i32>} : memref<4x64x128xf32, #tpu.memory_space<vmem>>, vector<1x1x16xf32>,
      %swap3A_956 = vector.shape_cast %swap3A_955 : vector<1x1x16xf32> to vector<16xf32>
      %swap3A_957 = vector.shape_cast %mul3A_950 : vector<16xf32> to vector<1x1x16xf32>
      tpu.vector_store %arg7[%swap3A_952, %swap3A_953, %swap3A_954], %swap3A_957 {strides = array<i32>} : memref<4x64x128xf32, #tpu.memory_space<vmem>>, vector<1x1x16xf32>,
      %mul3A_958 = arith.constant 2 : i32
      %mul3A_959 = arith.muli %mul3A_958, %scan3A_937 : i32
      %add3A_960 = arith.constant 0 : i32
      %add3A_961 = arith.addi %mul3A_959, %add3A_960 : i32
      %get3A_962 = arith.constant 1 : i32
      %get3A_963 = arith.index_cast %get3A_962 : i32 to index
      %get3A_964 = arith.index_cast %add3A_961 : i32 to index
      %get3A_965 = arith.constant 16 : index
      %get3A_966 = tpu.vector_load %arg6[%get3A_963, %get3A_964, %get3A_965] {strides = array<i32>} : memref<4x128x64xf32, #tpu.memory_space<vmem>>, vector<1x1x16xf32>,
      %get3A_967 = vector.shape_cast %get3A_966 : vector<1x1x16xf32> to vector<16xf32>
      %mul3A_968 = arith.constant 8.000000e+00 : f32
      %mul3A_969 = vector.broadcast %mul3A_968 : f32 to vector<16xf32>
      %mul3A_970 = arith.mulf %get3A_967, %mul3A_969 : vector<16xf32>
      %swap3A_971 = arith.constant 1 : i32
      %swap3A_972 = arith.index_cast %swap3A_971 : i32 to index
      %swap3A_973 = arith.index_cast %scan3A_937 : i32 to index
      %swap3A_974 = arith.constant 16 : index
      %swap3A_975 = tpu.vector_load %arg7[%swap3A_972, %swap3A_973, %swap3A_974] {strides = array<i32>} : memref<4x64x128xf32, #tpu.memory_space<vmem>>, vector<1x1x16xf32>,
      %swap3A_976 = vector.shape_cast %swap3A_975 : vector<1x1x16xf32> to vector<16xf32>
      %swap3A_977 = vector.shape_cast %mul3A_970 : vector<16xf32> to vector<1x1x16xf32>
      tpu.vector_store %arg7[%swap3A_972, %swap3A_973, %swap3A_974], %swap3A_977 {strides = array<i32>} : memref<4x64x128xf32, #tpu.memory_space<vmem>>, vector<1x1x16xf32>,
      %mul3A_978 = arith.constant 2 : i32
      %mul3A_979 = arith.muli %mul3A_978, %scan3A_937 : i32
      %add3A_980 = arith.constant 0 : i32
      %add3A_981 = arith.addi %mul3A_979, %add3A_980 : i32
      %get3A_982 = arith.constant 1 : i32
      %get3A_983 = arith.index_cast %get3A_982 : i32 to index
      %get3A_984 = arith.index_cast %add3A_981 : i32 to index
      %get3A_985 = arith.constant 32 : index
      %get3A_986 = tpu.vector_load %arg6[%get3A_983, %get3A_984, %get3A_985] {strides = array<i32>} : memref<4x128x64xf32, #tpu.memory_space<vmem>>, vector<1x1x16xf32>,
      %get3A_987 = vector.shape_cast %get3A_986 : vector<1x1x16xf32> to vector<16xf32>
      %mul3A_988 = arith.constant 8.000000e+00 : f32
      %mul3A_989 = vector.broadcast %mul3A_988 : f32 to vector<16xf32>
      %mul3A_990 = arith.mulf %get3A_987, %mul3A_989 : vector<16xf32>
      %swap3A_991 = arith.constant 1 : i32
      %swap3A_992 = arith.index_cast %swap3A_991 : i32 to index
      %swap3A_993 = arith.index_cast %scan3A_937 : i32 to index
      %swap3A_994 = arith.constant 32 : index
      %swap3A_995 = tpu.vector_load %arg7[%swap3A_992, %swap3A_993, %swap3A_994] {strides = array<i32>} : memref<4x64x128xf32, #tpu.memory_space<vmem>>, vector<1x1x16xf32>,
      %swap3A_996 = vector.shape_cast %swap3A_995 : vector<1x1x16xf32> to vector<16xf32>
      %swap3A_997 = vector.shape_cast %mul3A_990 : vector<16xf32> to vector<1x1x16xf32>
      tpu.vector_store %arg7[%swap3A_992, %swap3A_993, %swap3A_994], %swap3A_997 {strides = array<i32>} : memref<4x64x128xf32, #tpu.memory_space<vmem>>, vector<1x1x16xf32>,
      %mul3A_998 = arith.constant 2 : i32
      %mul3A_999 = arith.muli %mul3A_998, %scan3A_937 : i32
      %add3A_1000 = arith.constant 0 : i32
      %add3A_1001 = arith.addi %mul3A_999, %add3A_1000 : i32
      %get3A_1002 = arith.constant 1 : i32
      %get3A_1003 = arith.index_cast %get3A_1002 : i32 to index
      %get3A_1004 = arith.index_cast %add3A_1001 : i32 to index
      %get3A_1005 = arith.constant 48 : index
      %get3A_1006 = tpu.vector_load %arg6[%get3A_1003, %get3A_1004, %get3A_1005] {strides = array<i32>} : memref<4x128x64xf32, #tpu.memory_space<vmem>>, vector<1x1x16xf32>,
      %get3A_1007 = vector.shape_cast %get3A_1006 : vector<1x1x16xf32> to vector<16xf32>
      %mul3A_1008 = arith.constant 8.000000e+00 : f32
      %mul3A_1009 = vector.broadcast %mul3A_1008 : f32 to vector<16xf32>
      %mul3A_1010 = arith.mulf %get3A_1007, %mul3A_1009 : vector<16xf32>
      %swap3A_1011 = arith.constant 1 : i32
      %swap3A_1012 = arith.index_cast %swap3A_1011 : i32 to index
      %swap3A_1013 = arith.index_cast %scan3A_937 : i32 to index
      %swap3A_1014 = arith.constant 48 : index
      %swap3A_1015 = tpu.vector_load %arg7[%swap3A_1012, %swap3A_1013, %swap3A_1014] {strides = array<i32>} : memref<4x64x128xf32, #tpu.memory_space<vmem>>, vector<1x1x16xf32>,
      %swap3A_1016 = vector.shape_cast %swap3A_1015 : vector<1x1x16xf32> to vector<16xf32>
      %swap3A_1017 = vector.shape_cast %mul3A_1010 : vector<16xf32> to vector<1x1x16xf32>
      tpu.vector_store %arg7[%swap3A_1012, %swap3A_1013, %swap3A_1014], %swap3A_1017 {strides = array<i32>} : memref<4x64x128xf32, #tpu.memory_space<vmem>>, vector<1x1x16xf32>,
      %mul3A_1018 = arith.constant 2 : i32
      %mul3A_1019 = arith.muli %mul3A_1018, %scan3A_937 : i32
      %add3A_1020 = arith.constant 1 : i32
      %add3A_1021 = arith.addi %mul3A_1019, %add3A_1020 : i32
      %get3A_1022 = arith.constant 1 : i32
      %get3A_1023 = arith.index_cast %get3A_1022 : i32 to index
      %get3A_1024 = arith.index_cast %add3A_1021 : i32 to index
      %get3A_1025 = arith.constant 0 : index
      %get3A_1026 = tpu.vector_load %arg6[%get3A_1023, %get3A_1024, %get3A_1025] {strides = array<i32>} : memref<4x128x64xf32, #tpu.memory_space<vmem>>, vector<1x1x16xf32>,
      %get3A_1027 = vector.shape_cast %get3A_1026 : vector<1x1x16xf32> to vector<16xf32>
      %mul3A_1028 = arith.constant 8.000000e+00 : f32
      %mul3A_1029 = vector.broadcast %mul3A_1028 : f32 to vector<16xf32>
      %mul3A_1030 = arith.mulf %get3A_1027, %mul3A_1029 : vector<16xf32>
      %swap3A_1031 = arith.constant 1 : i32
      %swap3A_1032 = arith.index_cast %swap3A_1031 : i32 to index
      %swap3A_1033 = arith.index_cast %scan3A_937 : i32 to index
      %swap3A_1034 = arith.constant 64 : index
      %swap3A_1035 = tpu.vector_load %arg7[%swap3A_1032, %swap3A_1033, %swap3A_1034] {strides = array<i32>} : memref<4x64x128xf32, #tpu.memory_space<vmem>>, vector<1x1x16xf32>,
      %swap3A_1036 = vector.shape_cast %swap3A_1035 : vector<1x1x16xf32> to vector<16xf32>
      %swap3A_1037 = vector.shape_cast %mul3A_1030 : vector<16xf32> to vector<1x1x16xf32>
      tpu.vector_store %arg7[%swap3A_1032, %swap3A_1033, %swap3A_1034], %swap3A_1037 {strides = array<i32>} : memref<4x64x128xf32, #tpu.memory_space<vmem>>, vector<1x1x16xf32>,
      %mul3A_1038 = arith.constant 2 : i32
      %mul3A_1039 = arith.muli %mul3A_1038, %scan3A_937 : i32
      %add3A_1040 = arith.constant 1 : i32
      %add3A_1041 = arith.addi %mul3A_1039, %add3A_1040 : i32
      %get3A_1042 = arith.constant 1 : i32
      %get3A_1043 = arith.index_cast %get3A_1042 : i32 to index
      %get3A_1044 = arith.index_cast %add3A_1041 : i32 to index
      %get3A_1045 = arith.constant 16 : index
      %get3A_1046 = tpu.vector_load %arg6[%get3A_1043, %get3A_1044, %get3A_1045] {strides = array<i32>} : memref<4x128x64xf32, #tpu.memory_space<vmem>>, vector<1x1x16xf32>,
      %get3A_1047 = vector.shape_cast %get3A_1046 : vector<1x1x16xf32> to vector<16xf32>
      %mul3A_1048 = arith.constant 8.000000e+00 : f32
      %mul3A_1049 = vector.broadcast %mul3A_1048 : f32 to vector<16xf32>
      %mul3A_1050 = arith.mulf %get3A_1047, %mul3A_1049 : vector<16xf32>
      %swap3A_1051 = arith.constant 1 : i32
      %swap3A_1052 = arith.index_cast %swap3A_1051 : i32 to index
      %swap3A_1053 = arith.index_cast %scan3A_937 : i32 to index
      %swap3A_1054 = arith.constant 80 : index
      %swap3A_1055 = tpu.vector_load %arg7[%swap3A_1052, %swap3A_1053, %swap3A_1054] {strides = array<i32>} : memref<4x64x128xf32, #tpu.memory_space<vmem>>, vector<1x1x16xf32>,
      %swap3A_1056 = vector.shape_cast %swap3A_1055 : vector<1x1x16xf32> to vector<16xf32>
      %swap3A_1057 = vector.shape_cast %mul3A_1050 : vector<16xf32> to vector<1x1x16xf32>
      tpu.vector_store %arg7[%swap3A_1052, %swap3A_1053, %swap3A_1054], %swap3A_1057 {strides = array<i32>} : memref<4x64x128xf32, #tpu.memory_space<vmem>>, vector<1x1x16xf32>,
      %mul3A_1058 = arith.constant 2 : i32
      %mul3A_1059 = arith.muli %mul3A_1058, %scan3A_937 : i32
      %add3A_1060 = arith.constant 1 : i32
      %add3A_1061 = arith.addi %mul3A_1059, %add3A_1060 : i32
      %get3A_1062 = arith.constant 1 : i32
      %get3A_1063 = arith.index_cast %get3A_1062 : i32 to index
      %get3A_1064 = arith.index_cast %add3A_1061 : i32 to index
      %get3A_1065 = arith.constant 32 : index
      %get3A_1066 = tpu.vector_load %arg6[%get3A_1063, %get3A_1064, %get3A_1065] {strides = array<i32>} : memref<4x128x64xf32, #tpu.memory_space<vmem>>, vector<1x1x16xf32>,
      %get3A_1067 = vector.shape_cast %get3A_1066 : vector<1x1x16xf32> to vector<16xf32>
      %mul3A_1068 = arith.constant 8.000000e+00 : f32
      %mul3A_1069 = vector.broadcast %mul3A_1068 : f32 to vector<16xf32>
      %mul3A_1070 = arith.mulf %get3A_1067, %mul3A_1069 : vector<16xf32>
      %swap3A_1071 = arith.constant 1 : i32
      %swap3A_1072 = arith.index_cast %swap3A_1071 : i32 to index
      %swap3A_1073 = arith.index_cast %scan3A_937 : i32 to index
      %swap3A_1074 = arith.constant 96 : index
      %swap3A_1075 = tpu.vector_load %arg7[%swap3A_1072, %swap3A_1073, %swap3A_1074] {strides = array<i32>} : memref<4x64x128xf32, #tpu.memory_space<vmem>>, vector<1x1x16xf32>,
      %swap3A_1076 = vector.shape_cast %swap3A_1075 : vector<1x1x16xf32> to vector<16xf32>
      %swap3A_1077 = vector.shape_cast %mul3A_1070 : vector<16xf32> to vector<1x1x16xf32>
      tpu.vector_store %arg7[%swap3A_1072, %swap3A_1073, %swap3A_1074], %swap3A_1077 {strides = array<i32>} : memref<4x64x128xf32, #tpu.memory_space<vmem>>, vector<1x1x16xf32>,
      %mul3A_1078 = arith.constant 2 : i32
      %mul3A_1079 = arith.muli %mul3A_1078, %scan3A_937 : i32
      %add3A_1080 = arith.constant 1 : i32
      %add3A_1081 = arith.addi %mul3A_1079, %add3A_1080 : i32
      %get3A_1082 = arith.constant 1 : i32
      %get3A_1083 = arith.index_cast %get3A_1082 : i32 to index
      %get3A_1084 = arith.index_cast %add3A_1081 : i32 to index
      %get3A_1085 = arith.constant 48 : index
      %get3A_1086 = tpu.vector_load %arg6[%get3A_1083, %get3A_1084, %get3A_1085] {strides = array<i32>} : memref<4x128x64xf32, #tpu.memory_space<vmem>>, vector<1x1x16xf32>,
      %get3A_1087 = vector.shape_cast %get3A_1086 : vector<1x1x16xf32> to vector<16xf32>
      %mul3A_1088 = arith.constant 8.000000e+00 : f32
      %mul3A_1089 = vector.broadcast %mul3A_1088 : f32 to vector<16xf32>
      %mul3A_1090 = arith.mulf %get3A_1087, %mul3A_1089 : vector<16xf32>
      %swap3A_1091 = arith.constant 1 : i32
      %swap3A_1092 = arith.index_cast %swap3A_1091 : i32 to index
      %swap3A_1093 = arith.index_cast %scan3A_937 : i32 to index
      %swap3A_1094 = arith.constant 112 : index
      %swap3A_1095 = tpu.vector_load %arg7[%swap3A_1092, %swap3A_1093, %swap3A_1094] {strides = array<i32>} : memref<4x64x128xf32, #tpu.memory_space<vmem>>, vector<1x1x16xf32>,
      %swap3A_1096 = vector.shape_cast %swap3A_1095 : vector<1x1x16xf32> to vector<16xf32>
      %swap3A_1097 = vector.shape_cast %mul3A_1090 : vector<16xf32> to vector<1x1x16xf32>
      tpu.vector_store %arg7[%swap3A_1092, %swap3A_1093, %swap3A_1094], %swap3A_1097 {strides = array<i32>} : memref<4x64x128xf32, #tpu.memory_space<vmem>>, vector<1x1x16xf32>,
      %scan3A_1098 = arith.constant 0 : i32
      scf.yield %scan3A_1098 : i32
    }
    %scan3A_496 = arith.constant 64 : i32
    %jit3A_497 = arith.constant 2 : i32
    %div3A_498 = arith.divsi %mul3A_2, %jit3A_497 : i32
    %sign3A_499 = arith.constant 0 : i32
    %sign3A_500 = arith.cmpi sgt, %mul3A_2, %sign3A_499 : i32
    %sign3A_501 = arith.extui %sign3A_500 : i1 to i32
    %sign3A_502 = arith.constant 0 : i32
    %sign3A_503 = arith.cmpi slt, %mul3A_2, %sign3A_502 : i32
    %sign3A_504 = arith.extui %sign3A_503 : i1 to i32
    %sign3A_505 = arith.subi %sign3A_501, %sign3A_504 : i32
    %sign3A_506 = arith.constant 0 : i32
    %sign3A_507 = arith.cmpi sgt, %jit3A_497, %sign3A_506 : i32
    %sign3A_508 = arith.extui %sign3A_507 : i1 to i32
    %sign3A_509 = arith.constant 0 : i32
    %sign3A_510 = arith.cmpi slt, %jit3A_497, %sign3A_509 : i32
    %sign3A_511 = arith.extui %sign3A_510 : i1 to i32
    %sign3A_512 = arith.subi %sign3A_508, %sign3A_511 : i32
    %ne3A_513 = arith.cmpi ne, %sign3A_505, %sign3A_512 : i32
    %rem3A_514 = arith.remsi %mul3A_2, %jit3A_497 : i32
    %ne3A_515 = arith.constant 0 : i32
    %ne3A_516 = arith.cmpi ne, %rem3A_514, %ne3A_515 : i32
    %and3A_517 = arith.andi %ne3A_513, %ne3A_516 : i1
    %sub3A_518 = arith.constant 1 : i32
    %sub3A_519 = arith.subi %div3A_498, %sub3A_518 : i32
    %select_n3A_520 = arith.select %and3A_517, %sub3A_519, %div3A_498 : i32
    %add3A_521 = arith.constant 12608 : i32
    %add3A_522 = arith.addi %select_n3A_520, %add3A_521 : i32
    %dma_start3A_523 = arith.constant 1 : i32
    %dma_start3A_524 = arith.constant 1 : i32
    %dma_start3A_525 = arith.constant 0 : i32
    %dma_start3A_526 = arith.constant 0 : i32
    %dma_start3A_527 = tpu.memref_slice %arg7[%dma_start3A_523, %dma_start3A_525, %dma_start3A_526] : memref<4x64x128xf32, #tpu.memory_space<vmem>> -> memref<1x64x128xf32, #tpu.memory_space<vmem>>
    %dma_start3A_528 = tpu.memref_squeeze %dma_start3A_527 : memref<1x64x128xf32, #tpu.memory_space<vmem>> -> memref<64x128xf32, #tpu.memory_space<vmem>>
    %dma_start3A_529 = arith.constant 0 : i32
    %dma_start3A_530 = tpu.memref_slice %arg4[%add3A_522, %dma_start3A_529] : memref<409600x128xf32, #tpu.memory_space<hbm>> -> memref<64x128xf32, #tpu.memory_space<hbm>>
    %dma_start3A_531 = tpu.memref_slice %arg9[%dma_start3A_524] : memref<4x!tpu.dma_semaphore, #tpu.memory_space<semaphore_mem>> -> memref<1x!tpu.dma_semaphore, #tpu.memory_space<semaphore_mem>>
    %dma_start3A_532 = tpu.memref_squeeze %dma_start3A_531 : memref<1x!tpu.dma_semaphore, #tpu.memory_space<semaphore_mem>> -> memref<!tpu.dma_semaphore, #tpu.memory_space<semaphore_mem>>
    %dma_start3A_533 = arith.constant 0 : i32
    %dma_start3A_534 = tpu.memref_slice %arg4[%add3A_522, %dma_start3A_533] : memref<409600x128xf32, #tpu.memory_space<hbm>> -> memref<64x128xf32, #tpu.memory_space<hbm>>
    %dma_start3A_535 = arith.constant 0 : i32
    %dma_start3A_536 = arith.constant 0 : i32
    %dma_start3A_537 = tpu.memref_slice %arg7[%dma_start3A_523, %dma_start3A_535, %dma_start3A_536] : memref<4x64x128xf32, #tpu.memory_space<vmem>> -> memref<1x64x128xf32, #tpu.memory_space<vmem>>
    %dma_start3A_538 = tpu.memref_squeeze %dma_start3A_537 : memref<1x64x128xf32, #tpu.memory_space<vmem>> -> memref<64x128xf32, #tpu.memory_space<vmem>>
    tpu.enqueue_dma source(%dma_start3A_538 : memref<64x128xf32, #tpu.memory_space<vmem>>) target(%dma_start3A_534 : memref<64x128xf32, #tpu.memory_space<hbm>>) target_semaphore(%dma_start3A_532 : memref<!tpu.dma_semaphore, #tpu.memory_space<semaphore_mem>>)
    %dma_wait3A_539 = arith.constant 0 : i32
    %dma_wait3A_540 = arith.constant 2 : i32
    %dma_wait3A_541 = arith.constant 2 : i32
    %dma_wait3A_542 = arith.constant 0 : i32
    %dma_wait3A_543 = arith.constant 0 : i32
    %dma_wait3A_544 = tpu.memref_slice %arg6[%dma_wait3A_540, %dma_wait3A_542, %dma_wait3A_543] : memref<4x128x64xf32, #tpu.memory_space<vmem>> -> memref<1x128x64xf32, #tpu.memory_space<vmem>>
    %dma_wait3A_545 = tpu.memref_squeeze %dma_wait3A_544 : memref<1x128x64xf32, #tpu.memory_space<vmem>> -> memref<128x64xf32, #tpu.memory_space<vmem>>
    %dma_wait3A_546 = arith.constant 0 : i32
    %dma_wait3A_547 = tpu.memref_slice %arg5[%dma_wait3A_539, %dma_wait3A_546] : memref<200x128xi32, #tpu.memory_space<vmem>> -> memref<1x128xi32, #tpu.memory_space<vmem>>
    %dma_wait3A_548 = tpu.memref_squeeze %dma_wait3A_547 : memref<1x128xi32, #tpu.memory_space<vmem>> -> memref<128xi32, #tpu.memory_space<vmem>>
    %dma_wait3A_549 = arith.constant 0 : i32
    %dma_wait3A_550 = arith.constant 0 : i32
    %dma_wait3A_551 = tpu.memref_slice %arg3[%dma_wait3A_549, %dma_wait3A_550] : memref<1000000x64xf32, #tpu.memory_space<hbm>> -> memref<1000000x64xf32, #tpu.memory_space<hbm>>
    %dma_wait3A_552 = tpu.memref_slice %arg8[%dma_wait3A_541] : memref<4x!tpu.dma_semaphore, #tpu.memory_space<semaphore_mem>> -> memref<1x!tpu.dma_semaphore, #tpu.memory_space<semaphore_mem>>
    %dma_wait3A_553 = tpu.memref_squeeze %dma_wait3A_552 : memref<1x!tpu.dma_semaphore, #tpu.memory_space<semaphore_mem>> -> memref<!tpu.dma_semaphore, #tpu.memory_space<semaphore_mem>>
    tpu.wait_indirect_dma semaphore(%dma_wait3A_553 : memref<!tpu.dma_semaphore, #tpu.memory_space<semaphore_mem>>) src(%dma_wait3A_551 : memref<1000000x64xf32, #tpu.memory_space<hbm>>) dst(%dma_wait3A_545 : memref<128x64xf32, #tpu.memory_space<vmem>>)
    %dma_wait3A_554 = arith.constant 2 : i32
    %dma_wait3A_555 = arith.constant 2 : i32
    %dma_wait3A_556 = arith.constant 0 : i32
    %dma_wait3A_557 = arith.constant 0 : i32
    %dma_wait3A_558 = tpu.memref_slice %arg7[%dma_wait3A_554, %dma_wait3A_556, %dma_wait3A_557] : memref<4x64x128xf32, #tpu.memory_space<vmem>> -> memref<1x64x128xf32, #tpu.memory_space<vmem>>
    %dma_wait3A_559 = tpu.memref_squeeze %dma_wait3A_558 : memref<1x64x128xf32, #tpu.memory_space<vmem>> -> memref<64x128xf32, #tpu.memory_space<vmem>>
    %dma_wait3A_560 = arith.constant 0 : i32
    %dma_wait3A_561 = arith.constant 0 : i32
    %dma_wait3A_562 = tpu.memref_slice %arg4[%dma_wait3A_560, %dma_wait3A_561] : memref<409600x128xf32, #tpu.memory_space<hbm>> -> memref<64x128xf32, #tpu.memory_space<hbm>>
    %dma_wait3A_563 = tpu.memref_slice %arg9[%dma_wait3A_555] : memref<4x!tpu.dma_semaphore, #tpu.memory_space<semaphore_mem>> -> memref<1x!tpu.dma_semaphore, #tpu.memory_space<semaphore_mem>>
    %dma_wait3A_564 = tpu.memref_squeeze %dma_wait3A_563 : memref<1x!tpu.dma_semaphore, #tpu.memory_space<semaphore_mem>> -> memref<!tpu.dma_semaphore, #tpu.memory_space<semaphore_mem>>
    %dma_wait3A_565 = arith.constant 0 : i32
    %dma_wait3A_566 = arith.constant 0 : i32
    %dma_wait3A_567 = tpu.memref_slice %arg4[%dma_wait3A_565, %dma_wait3A_566] : memref<409600x128xf32, #tpu.memory_space<hbm>> -> memref<64x128xf32, #tpu.memory_space<hbm>>
    %dma_wait3A_568 = arith.constant 0 : i32
    %dma_wait3A_569 = arith.constant 0 : i32
    %dma_wait3A_570 = tpu.memref_slice %arg7[%dma_wait3A_554, %dma_wait3A_568, %dma_wait3A_569] : memref<4x64x128xf32, #tpu.memory_space<vmem>> -> memref<1x64x128xf32, #tpu.memory_space<vmem>>
    %dma_wait3A_571 = tpu.memref_squeeze %dma_wait3A_570 : memref<1x64x128xf32, #tpu.memory_space<vmem>> -> memref<64x128xf32, #tpu.memory_space<vmem>>
    tpu.wait_dma2 semaphore(%dma_wait3A_564 : memref<!tpu.dma_semaphore, #tpu.memory_space<semaphore_mem>>) src(%dma_wait3A_571 : memref<64x128xf32, #tpu.memory_space<vmem>>) dst(%dma_wait3A_567 : memref<64x128xf32, #tpu.memory_space<hbm>>)
    %scan3A_572 = arith.constant 0 : i32
    %scan3A_573 = arith.constant 0 : i32
    %scan3A_574 = arith.constant 64 : i32
    %scan3A_575 = arith.addi %scan3A_573, %scan3A_574 : i32
    %scan3A_576 = arith.constant 2 : i32
    %scan3A_577 = scf.for %scan3A_775 = %scan3A_573 to %scan3A_575 step %scan3A_576 iter_args(%scan3A_776 = %scan3A_572) -> (i32)  : i32 {
      %mul3A_777 = arith.constant 2 : i32
      %mul3A_778 = arith.muli %mul3A_777, %scan3A_775 : i32
      %add3A_779 = arith.constant 0 : i32
      %add3A_780 = arith.addi %mul3A_778, %add3A_779 : i32
      %get3A = arith.constant 2 : i32
      %get3A_781 = arith.index_cast %get3A : i32 to index
      %get3A_782 = arith.index_cast %add3A_780 : i32 to index
      %get3A_783 = arith.constant 0 : index
      %get3A_784 = tpu.vector_load %arg6[%get3A_781, %get3A_782, %get3A_783] {strides = array<i32>} : memref<4x128x64xf32, #tpu.memory_space<vmem>>, vector<1x1x16xf32>,
      %get3A_785 = vector.shape_cast %get3A_784 : vector<1x1x16xf32> to vector<16xf32>
      %mul3A_786 = arith.constant 8.000000e+00 : f32
      %mul3A_787 = vector.broadcast %mul3A_786 : f32 to vector<16xf32>
      %mul3A_788 = arith.mulf %get3A_785, %mul3A_787 : vector<16xf32>
      %swap3A = arith.constant 2 : i32
      %swap3A_789 = arith.index_cast %swap3A : i32 to index
      %swap3A_790 = arith.index_cast %scan3A_775 : i32 to index
      %swap3A_791 = arith.constant 0 : index
      %swap3A_792 = tpu.vector_load %arg7[%swap3A_789, %swap3A_790, %swap3A_791] {strides = array<i32>} : memref<4x64x128xf32, #tpu.memory_space<vmem>>, vector<1x1x16xf32>,
      %swap3A_793 = vector.shape_cast %swap3A_792 : vector<1x1x16xf32> to vector<16xf32>
      %swap3A_794 = vector.shape_cast %mul3A_788 : vector<16xf32> to vector<1x1x16xf32>
      tpu.vector_store %arg7[%swap3A_789, %swap3A_790, %swap3A_791], %swap3A_794 {strides = array<i32>} : memref<4x64x128xf32, #tpu.memory_space<vmem>>, vector<1x1x16xf32>,
      %mul3A_795 = arith.constant 2 : i32
      %mul3A_796 = arith.muli %mul3A_795, %scan3A_775 : i32
      %add3A_797 = arith.constant 0 : i32
      %add3A_798 = arith.addi %mul3A_796, %add3A_797 : i32
      %get3A_799 = arith.constant 2 : i32
      %get3A_800 = arith.index_cast %get3A_799 : i32 to index
      %get3A_801 = arith.index_cast %add3A_798 : i32 to index
      %get3A_802 = arith.constant 16 : index
      %get3A_803 = tpu.vector_load %arg6[%get3A_800, %get3A_801, %get3A_802] {strides = array<i32>} : memref<4x128x64xf32, #tpu.memory_space<vmem>>, vector<1x1x16xf32>,
      %get3A_804 = vector.shape_cast %get3A_803 : vector<1x1x16xf32> to vector<16xf32>
      %mul3A_805 = arith.constant 8.000000e+00 : f32
      %mul3A_806 = vector.broadcast %mul3A_805 : f32 to vector<16xf32>
      %mul3A_807 = arith.mulf %get3A_804, %mul3A_806 : vector<16xf32>
      %swap3A_808 = arith.constant 2 : i32
      %swap3A_809 = arith.index_cast %swap3A_808 : i32 to index
      %swap3A_810 = arith.index_cast %scan3A_775 : i32 to index
      %swap3A_811 = arith.constant 16 : index
      %swap3A_812 = tpu.vector_load %arg7[%swap3A_809, %swap3A_810, %swap3A_811] {strides = array<i32>} : memref<4x64x128xf32, #tpu.memory_space<vmem>>, vector<1x1x16xf32>,
      %swap3A_813 = vector.shape_cast %swap3A_812 : vector<1x1x16xf32> to vector<16xf32>
      %swap3A_814 = vector.shape_cast %mul3A_807 : vector<16xf32> to vector<1x1x16xf32>
      tpu.vector_store %arg7[%swap3A_809, %swap3A_810, %swap3A_811], %swap3A_814 {strides = array<i32>} : memref<4x64x128xf32, #tpu.memory_space<vmem>>, vector<1x1x16xf32>,
      %mul3A_815 = arith.constant 2 : i32
      %mul3A_816 = arith.muli %mul3A_815, %scan3A_775 : i32
      %add3A_817 = arith.constant 0 : i32
      %add3A_818 = arith.addi %mul3A_816, %add3A_817 : i32
      %get3A_819 = arith.constant 2 : i32
      %get3A_820 = arith.index_cast %get3A_819 : i32 to index
      %get3A_821 = arith.index_cast %add3A_818 : i32 to index
      %get3A_822 = arith.constant 32 : index
      %get3A_823 = tpu.vector_load %arg6[%get3A_820, %get3A_821, %get3A_822] {strides = array<i32>} : memref<4x128x64xf32, #tpu.memory_space<vmem>>, vector<1x1x16xf32>,
      %get3A_824 = vector.shape_cast %get3A_823 : vector<1x1x16xf32> to vector<16xf32>
      %mul3A_825 = arith.constant 8.000000e+00 : f32
      %mul3A_826 = vector.broadcast %mul3A_825 : f32 to vector<16xf32>
      %mul3A_827 = arith.mulf %get3A_824, %mul3A_826 : vector<16xf32>
      %swap3A_828 = arith.constant 2 : i32
      %swap3A_829 = arith.index_cast %swap3A_828 : i32 to index
      %swap3A_830 = arith.index_cast %scan3A_775 : i32 to index
      %swap3A_831 = arith.constant 32 : index
      %swap3A_832 = tpu.vector_load %arg7[%swap3A_829, %swap3A_830, %swap3A_831] {strides = array<i32>} : memref<4x64x128xf32, #tpu.memory_space<vmem>>, vector<1x1x16xf32>,
      %swap3A_833 = vector.shape_cast %swap3A_832 : vector<1x1x16xf32> to vector<16xf32>
      %swap3A_834 = vector.shape_cast %mul3A_827 : vector<16xf32> to vector<1x1x16xf32>
      tpu.vector_store %arg7[%swap3A_829, %swap3A_830, %swap3A_831], %swap3A_834 {strides = array<i32>} : memref<4x64x128xf32, #tpu.memory_space<vmem>>, vector<1x1x16xf32>,
      %mul3A_835 = arith.constant 2 : i32
      %mul3A_836 = arith.muli %mul3A_835, %scan3A_775 : i32
      %add3A_837 = arith.constant 0 : i32
      %add3A_838 = arith.addi %mul3A_836, %add3A_837 : i32
      %get3A_839 = arith.constant 2 : i32
      %get3A_840 = arith.index_cast %get3A_839 : i32 to index
      %get3A_841 = arith.index_cast %add3A_838 : i32 to index
      %get3A_842 = arith.constant 48 : index
      %get3A_843 = tpu.vector_load %arg6[%get3A_840, %get3A_841, %get3A_842] {strides = array<i32>} : memref<4x128x64xf32, #tpu.memory_space<vmem>>, vector<1x1x16xf32>,
      %get3A_844 = vector.shape_cast %get3A_843 : vector<1x1x16xf32> to vector<16xf32>
      %mul3A_845 = arith.constant 8.000000e+00 : f32
      %mul3A_846 = vector.broadcast %mul3A_845 : f32 to vector<16xf32>
      %mul3A_847 = arith.mulf %get3A_844, %mul3A_846 : vector<16xf32>
      %swap3A_848 = arith.constant 2 : i32
      %swap3A_849 = arith.index_cast %swap3A_848 : i32 to index
      %swap3A_850 = arith.index_cast %scan3A_775 : i32 to index
      %swap3A_851 = arith.constant 48 : index
      %swap3A_852 = tpu.vector_load %arg7[%swap3A_849, %swap3A_850, %swap3A_851] {strides = array<i32>} : memref<4x64x128xf32, #tpu.memory_space<vmem>>, vector<1x1x16xf32>,
      %swap3A_853 = vector.shape_cast %swap3A_852 : vector<1x1x16xf32> to vector<16xf32>
      %swap3A_854 = vector.shape_cast %mul3A_847 : vector<16xf32> to vector<1x1x16xf32>
      tpu.vector_store %arg7[%swap3A_849, %swap3A_850, %swap3A_851], %swap3A_854 {strides = array<i32>} : memref<4x64x128xf32, #tpu.memory_space<vmem>>, vector<1x1x16xf32>,
      %mul3A_855 = arith.constant 2 : i32
      %mul3A_856 = arith.muli %mul3A_855, %scan3A_775 : i32
      %add3A_857 = arith.constant 1 : i32
      %add3A_858 = arith.addi %mul3A_856, %add3A_857 : i32
      %get3A_859 = arith.constant 2 : i32
      %get3A_860 = arith.index_cast %get3A_859 : i32 to index
      %get3A_861 = arith.index_cast %add3A_858 : i32 to index
      %get3A_862 = arith.constant 0 : index
      %get3A_863 = tpu.vector_load %arg6[%get3A_860, %get3A_861, %get3A_862] {strides = array<i32>} : memref<4x128x64xf32, #tpu.memory_space<vmem>>, vector<1x1x16xf32>,
      %get3A_864 = vector.shape_cast %get3A_863 : vector<1x1x16xf32> to vector<16xf32>
      %mul3A_865 = arith.constant 8.000000e+00 : f32
      %mul3A_866 = vector.broadcast %mul3A_865 : f32 to vector<16xf32>
      %mul3A_867 = arith.mulf %get3A_864, %mul3A_866 : vector<16xf32>
      %swap3A_868 = arith.constant 2 : i32
      %swap3A_869 = arith.index_cast %swap3A_868 : i32 to index
      %swap3A_870 = arith.index_cast %scan3A_775 : i32 to index
      %swap3A_871 = arith.constant 64 : index
      %swap3A_872 = tpu.vector_load %arg7[%swap3A_869, %swap3A_870, %swap3A_871] {strides = array<i32>} : memref<4x64x128xf32, #tpu.memory_space<vmem>>, vector<1x1x16xf32>,
      %swap3A_873 = vector.shape_cast %swap3A_872 : vector<1x1x16xf32> to vector<16xf32>
      %swap3A_874 = vector.shape_cast %mul3A_867 : vector<16xf32> to vector<1x1x16xf32>
      tpu.vector_store %arg7[%swap3A_869, %swap3A_870, %swap3A_871], %swap3A_874 {strides = array<i32>} : memref<4x64x128xf32, #tpu.memory_space<vmem>>, vector<1x1x16xf32>,
      %mul3A_875 = arith.constant 2 : i32
      %mul3A_876 = arith.muli %mul3A_875, %scan3A_775 : i32
      %add3A_877 = arith.constant 1 : i32
      %add3A_878 = arith.addi %mul3A_876, %add3A_877 : i32
      %get3A_879 = arith.constant 2 : i32
      %get3A_880 = arith.index_cast %get3A_879 : i32 to index
      %get3A_881 = arith.index_cast %add3A_878 : i32 to index
      %get3A_882 = arith.constant 16 : index
      %get3A_883 = tpu.vector_load %arg6[%get3A_880, %get3A_881, %get3A_882] {strides = array<i32>} : memref<4x128x64xf32, #tpu.memory_space<vmem>>, vector<1x1x16xf32>,
      %get3A_884 = vector.shape_cast %get3A_883 : vector<1x1x16xf32> to vector<16xf32>
      %mul3A_885 = arith.constant 8.000000e+00 : f32
      %mul3A_886 = vector.broadcast %mul3A_885 : f32 to vector<16xf32>
      %mul3A_887 = arith.mulf %get3A_884, %mul3A_886 : vector<16xf32>
      %swap3A_888 = arith.constant 2 : i32
      %swap3A_889 = arith.index_cast %swap3A_888 : i32 to index
      %swap3A_890 = arith.index_cast %scan3A_775 : i32 to index
      %swap3A_891 = arith.constant 80 : index
      %swap3A_892 = tpu.vector_load %arg7[%swap3A_889, %swap3A_890, %swap3A_891] {strides = array<i32>} : memref<4x64x128xf32, #tpu.memory_space<vmem>>, vector<1x1x16xf32>,
      %swap3A_893 = vector.shape_cast %swap3A_892 : vector<1x1x16xf32> to vector<16xf32>
      %swap3A_894 = vector.shape_cast %mul3A_887 : vector<16xf32> to vector<1x1x16xf32>
      tpu.vector_store %arg7[%swap3A_889, %swap3A_890, %swap3A_891], %swap3A_894 {strides = array<i32>} : memref<4x64x128xf32, #tpu.memory_space<vmem>>, vector<1x1x16xf32>,
      %mul3A_895 = arith.constant 2 : i32
      %mul3A_896 = arith.muli %mul3A_895, %scan3A_775 : i32
      %add3A_897 = arith.constant 1 : i32
      %add3A_898 = arith.addi %mul3A_896, %add3A_897 : i32
      %get3A_899 = arith.constant 2 : i32
      %get3A_900 = arith.index_cast %get3A_899 : i32 to index
      %get3A_901 = arith.index_cast %add3A_898 : i32 to index
      %get3A_902 = arith.constant 32 : index
      %get3A_903 = tpu.vector_load %arg6[%get3A_900, %get3A_901, %get3A_902] {strides = array<i32>} : memref<4x128x64xf32, #tpu.memory_space<vmem>>, vector<1x1x16xf32>,
      %get3A_904 = vector.shape_cast %get3A_903 : vector<1x1x16xf32> to vector<16xf32>
      %mul3A_905 = arith.constant 8.000000e+00 : f32
      %mul3A_906 = vector.broadcast %mul3A_905 : f32 to vector<16xf32>
      %mul3A_907 = arith.mulf %get3A_904, %mul3A_906 : vector<16xf32>
      %swap3A_908 = arith.constant 2 : i32
      %swap3A_909 = arith.index_cast %swap3A_908 : i32 to index
      %swap3A_910 = arith.index_cast %scan3A_775 : i32 to index
      %swap3A_911 = arith.constant 96 : index
      %swap3A_912 = tpu.vector_load %arg7[%swap3A_909, %swap3A_910, %swap3A_911] {strides = array<i32>} : memref<4x64x128xf32, #tpu.memory_space<vmem>>, vector<1x1x16xf32>,
      %swap3A_913 = vector.shape_cast %swap3A_912 : vector<1x1x16xf32> to vector<16xf32>
      %swap3A_914 = vector.shape_cast %mul3A_907 : vector<16xf32> to vector<1x1x16xf32>
      tpu.vector_store %arg7[%swap3A_909, %swap3A_910, %swap3A_911], %swap3A_914 {strides = array<i32>} : memref<4x64x128xf32, #tpu.memory_space<vmem>>, vector<1x1x16xf32>,
      %mul3A_915 = arith.constant 2 : i32
      %mul3A_916 = arith.muli %mul3A_915, %scan3A_775 : i32
      %add3A_917 = arith.constant 1 : i32
      %add3A_918 = arith.addi %mul3A_916, %add3A_917 : i32
      %get3A_919 = arith.constant 2 : i32
      %get3A_920 = arith.index_cast %get3A_919 : i32 to index
      %get3A_921 = arith.index_cast %add3A_918 : i32 to index
      %get3A_922 = arith.constant 48 : index
      %get3A_923 = tpu.vector_load %arg6[%get3A_920, %get3A_921, %get3A_922] {strides = array<i32>} : memref<4x128x64xf32, #tpu.memory_space<vmem>>, vector<1x1x16xf32>,
      %get3A_924 = vector.shape_cast %get3A_923 : vector<1x1x16xf32> to vector<16xf32>
      %mul3A_925 = arith.constant 8.000000e+00 : f32
      %mul3A_926 = vector.broadcast %mul3A_925 : f32 to vector<16xf32>
      %mul3A_927 = arith.mulf %get3A_924, %mul3A_926 : vector<16xf32>
      %swap3A_928 = arith.constant 2 : i32
      %swap3A_929 = arith.index_cast %swap3A_928 : i32 to index
      %swap3A_930 = arith.index_cast %scan3A_775 : i32 to index
      %swap3A_931 = arith.constant 112 : index
      %swap3A_932 = tpu.vector_load %arg7[%swap3A_929, %swap3A_930, %swap3A_931] {strides = array<i32>} : memref<4x64x128xf32, #tpu.memory_space<vmem>>, vector<1x1x16xf32>,
      %swap3A_933 = vector.shape_cast %swap3A_932 : vector<1x1x16xf32> to vector<16xf32>
      %swap3A_934 = vector.shape_cast %mul3A_927 : vector<16xf32> to vector<1x1x16xf32>
      tpu.vector_store %arg7[%swap3A_929, %swap3A_930, %swap3A_931], %swap3A_934 {strides = array<i32>} : memref<4x64x128xf32, #tpu.memory_space<vmem>>, vector<1x1x16xf32>,
      %scan3A_935 = arith.constant 0 : i32
      %scan3A_936 = arith.constant 1 : i32
      %scan3A_937 = arith.addi %scan3A_775, %scan3A_936 : i32
      %mul3A_938 = arith.constant 2 : i32
      %mul3A_939 = arith.muli %mul3A_938, %scan3A_937 : i32
      %add3A_940 = arith.constant 0 : i32
      %add3A_941 = arith.addi %mul3A_939, %add3A_940 : i32
      %get3A_942 = arith.constant 2 : i32
      %get3A_943 = arith.index_cast %get3A_942 : i32 to index
      %get3A_944 = arith.index_cast %add3A_941 : i32 to index
      %get3A_945 = arith.constant 0 : index
      %get3A_946 = tpu.vector_load %arg6[%get3A_943, %get3A_944, %get3A_945] {strides = array<i32>} : memref<4x128x64xf32, #tpu.memory_space<vmem>>, vector<1x1x16xf32>,
      %get3A_947 = vector.shape_cast %get3A_946 : vector<1x1x16xf32> to vector<16xf32>
      %mul3A_948 = arith.constant 8.000000e+00 : f32
      %mul3A_949 = vector.broadcast %mul3A_948 : f32 to vector<16xf32>
      %mul3A_950 = arith.mulf %get3A_947, %mul3A_949 : vector<16xf32>
      %swap3A_951 = arith.constant 2 : i32
      %swap3A_952 = arith.index_cast %swap3A_951 : i32 to index
      %swap3A_953 = arith.index_cast %scan3A_937 : i32 to index
      %swap3A_954 = arith.constant 0 : index
      %swap3A_955 = tpu.vector_load %arg7[%swap3A_952, %swap3A_953, %swap3A_954] {strides = array<i32>} : memref<4x64x128xf32, #tpu.memory_space<vmem>>, vector<1x1x16xf32>,
      %swap3A_956 = vector.shape_cast %swap3A_955 : vector<1x1x16xf32> to vector<16xf32>
      %swap3A_957 = vector.shape_cast %mul3A_950 : vector<16xf32> to vector<1x1x16xf32>
      tpu.vector_store %arg7[%swap3A_952, %swap3A_953, %swap3A_954], %swap3A_957 {strides = array<i32>} : memref<4x64x128xf32, #tpu.memory_space<vmem>>, vector<1x1x16xf32>,
      %mul3A_958 = arith.constant 2 : i32
      %mul3A_959 = arith.muli %mul3A_958, %scan3A_937 : i32
      %add3A_960 = arith.constant 0 : i32
      %add3A_961 = arith.addi %mul3A_959, %add3A_960 : i32
      %get3A_962 = arith.constant 2 : i32
      %get3A_963 = arith.index_cast %get3A_962 : i32 to index
      %get3A_964 = arith.index_cast %add3A_961 : i32 to index
      %get3A_965 = arith.constant 16 : index
      %get3A_966 = tpu.vector_load %arg6[%get3A_963, %get3A_964, %get3A_965] {strides = array<i32>} : memref<4x128x64xf32, #tpu.memory_space<vmem>>, vector<1x1x16xf32>,
      %get3A_967 = vector.shape_cast %get3A_966 : vector<1x1x16xf32> to vector<16xf32>
      %mul3A_968 = arith.constant 8.000000e+00 : f32
      %mul3A_969 = vector.broadcast %mul3A_968 : f32 to vector<16xf32>
      %mul3A_970 = arith.mulf %get3A_967, %mul3A_969 : vector<16xf32>
      %swap3A_971 = arith.constant 2 : i32
      %swap3A_972 = arith.index_cast %swap3A_971 : i32 to index
      %swap3A_973 = arith.index_cast %scan3A_937 : i32 to index
      %swap3A_974 = arith.constant 16 : index
      %swap3A_975 = tpu.vector_load %arg7[%swap3A_972, %swap3A_973, %swap3A_974] {strides = array<i32>} : memref<4x64x128xf32, #tpu.memory_space<vmem>>, vector<1x1x16xf32>,
      %swap3A_976 = vector.shape_cast %swap3A_975 : vector<1x1x16xf32> to vector<16xf32>
      %swap3A_977 = vector.shape_cast %mul3A_970 : vector<16xf32> to vector<1x1x16xf32>
      tpu.vector_store %arg7[%swap3A_972, %swap3A_973, %swap3A_974], %swap3A_977 {strides = array<i32>} : memref<4x64x128xf32, #tpu.memory_space<vmem>>, vector<1x1x16xf32>,
      %mul3A_978 = arith.constant 2 : i32
      %mul3A_979 = arith.muli %mul3A_978, %scan3A_937 : i32
      %add3A_980 = arith.constant 0 : i32
      %add3A_981 = arith.addi %mul3A_979, %add3A_980 : i32
      %get3A_982 = arith.constant 2 : i32
      %get3A_983 = arith.index_cast %get3A_982 : i32 to index
      %get3A_984 = arith.index_cast %add3A_981 : i32 to index
      %get3A_985 = arith.constant 32 : index
      %get3A_986 = tpu.vector_load %arg6[%get3A_983, %get3A_984, %get3A_985] {strides = array<i32>} : memref<4x128x64xf32, #tpu.memory_space<vmem>>, vector<1x1x16xf32>,
      %get3A_987 = vector.shape_cast %get3A_986 : vector<1x1x16xf32> to vector<16xf32>
      %mul3A_988 = arith.constant 8.000000e+00 : f32
      %mul3A_989 = vector.broadcast %mul3A_988 : f32 to vector<16xf32>
      %mul3A_990 = arith.mulf %get3A_987, %mul3A_989 : vector<16xf32>
      %swap3A_991 = arith.constant 2 : i32
      %swap3A_992 = arith.index_cast %swap3A_991 : i32 to index
      %swap3A_993 = arith.index_cast %scan3A_937 : i32 to index
      %swap3A_994 = arith.constant 32 : index
      %swap3A_995 = tpu.vector_load %arg7[%swap3A_992, %swap3A_993, %swap3A_994] {strides = array<i32>} : memref<4x64x128xf32, #tpu.memory_space<vmem>>, vector<1x1x16xf32>,
      %swap3A_996 = vector.shape_cast %swap3A_995 : vector<1x1x16xf32> to vector<16xf32>
      %swap3A_997 = vector.shape_cast %mul3A_990 : vector<16xf32> to vector<1x1x16xf32>
      tpu.vector_store %arg7[%swap3A_992, %swap3A_993, %swap3A_994], %swap3A_997 {strides = array<i32>} : memref<4x64x128xf32, #tpu.memory_space<vmem>>, vector<1x1x16xf32>,
      %mul3A_998 = arith.constant 2 : i32
      %mul3A_999 = arith.muli %mul3A_998, %scan3A_937 : i32
      %add3A_1000 = arith.constant 0 : i32
      %add3A_1001 = arith.addi %mul3A_999, %add3A_1000 : i32
      %get3A_1002 = arith.constant 2 : i32
      %get3A_1003 = arith.index_cast %get3A_1002 : i32 to index
      %get3A_1004 = arith.index_cast %add3A_1001 : i32 to index
      %get3A_1005 = arith.constant 48 : index
      %get3A_1006 = tpu.vector_load %arg6[%get3A_1003, %get3A_1004, %get3A_1005] {strides = array<i32>} : memref<4x128x64xf32, #tpu.memory_space<vmem>>, vector<1x1x16xf32>,
      %get3A_1007 = vector.shape_cast %get3A_1006 : vector<1x1x16xf32> to vector<16xf32>
      %mul3A_1008 = arith.constant 8.000000e+00 : f32
      %mul3A_1009 = vector.broadcast %mul3A_1008 : f32 to vector<16xf32>
      %mul3A_1010 = arith.mulf %get3A_1007, %mul3A_1009 : vector<16xf32>
      %swap3A_1011 = arith.constant 2 : i32
      %swap3A_1012 = arith.index_cast %swap3A_1011 : i32 to index
      %swap3A_1013 = arith.index_cast %scan3A_937 : i32 to index
      %swap3A_1014 = arith.constant 48 : index
      %swap3A_1015 = tpu.vector_load %arg7[%swap3A_1012, %swap3A_1013, %swap3A_1014] {strides = array<i32>} : memref<4x64x128xf32, #tpu.memory_space<vmem>>, vector<1x1x16xf32>,
      %swap3A_1016 = vector.shape_cast %swap3A_1015 : vector<1x1x16xf32> to vector<16xf32>
      %swap3A_1017 = vector.shape_cast %mul3A_1010 : vector<16xf32> to vector<1x1x16xf32>
      tpu.vector_store %arg7[%swap3A_1012, %swap3A_1013, %swap3A_1014], %swap3A_1017 {strides = array<i32>} : memref<4x64x128xf32, #tpu.memory_space<vmem>>, vector<1x1x16xf32>,
      %mul3A_1018 = arith.constant 2 : i32
      %mul3A_1019 = arith.muli %mul3A_1018, %scan3A_937 : i32
      %add3A_1020 = arith.constant 1 : i32
      %add3A_1021 = arith.addi %mul3A_1019, %add3A_1020 : i32
      %get3A_1022 = arith.constant 2 : i32
      %get3A_1023 = arith.index_cast %get3A_1022 : i32 to index
      %get3A_1024 = arith.index_cast %add3A_1021 : i32 to index
      %get3A_1025 = arith.constant 0 : index
      %get3A_1026 = tpu.vector_load %arg6[%get3A_1023, %get3A_1024, %get3A_1025] {strides = array<i32>} : memref<4x128x64xf32, #tpu.memory_space<vmem>>, vector<1x1x16xf32>,
      %get3A_1027 = vector.shape_cast %get3A_1026 : vector<1x1x16xf32> to vector<16xf32>
      %mul3A_1028 = arith.constant 8.000000e+00 : f32
      %mul3A_1029 = vector.broadcast %mul3A_1028 : f32 to vector<16xf32>
      %mul3A_1030 = arith.mulf %get3A_1027, %mul3A_1029 : vector<16xf32>
      %swap3A_1031 = arith.constant 2 : i32
      %swap3A_1032 = arith.index_cast %swap3A_1031 : i32 to index
      %swap3A_1033 = arith.index_cast %scan3A_937 : i32 to index
      %swap3A_1034 = arith.constant 64 : index
      %swap3A_1035 = tpu.vector_load %arg7[%swap3A_1032, %swap3A_1033, %swap3A_1034] {strides = array<i32>} : memref<4x64x128xf32, #tpu.memory_space<vmem>>, vector<1x1x16xf32>,
      %swap3A_1036 = vector.shape_cast %swap3A_1035 : vector<1x1x16xf32> to vector<16xf32>
      %swap3A_1037 = vector.shape_cast %mul3A_1030 : vector<16xf32> to vector<1x1x16xf32>
      tpu.vector_store %arg7[%swap3A_1032, %swap3A_1033, %swap3A_1034], %swap3A_1037 {strides = array<i32>} : memref<4x64x128xf32, #tpu.memory_space<vmem>>, vector<1x1x16xf32>,
      %mul3A_1038 = arith.constant 2 : i32
      %mul3A_1039 = arith.muli %mul3A_1038, %scan3A_937 : i32
      %add3A_1040 = arith.constant 1 : i32
      %add3A_1041 = arith.addi %mul3A_1039, %add3A_1040 : i32
      %get3A_1042 = arith.constant 2 : i32
      %get3A_1043 = arith.index_cast %get3A_1042 : i32 to index
      %get3A_1044 = arith.index_cast %add3A_1041 : i32 to index
      %get3A_1045 = arith.constant 16 : index
      %get3A_1046 = tpu.vector_load %arg6[%get3A_1043, %get3A_1044, %get3A_1045] {strides = array<i32>} : memref<4x128x64xf32, #tpu.memory_space<vmem>>, vector<1x1x16xf32>,
      %get3A_1047 = vector.shape_cast %get3A_1046 : vector<1x1x16xf32> to vector<16xf32>
      %mul3A_1048 = arith.constant 8.000000e+00 : f32
      %mul3A_1049 = vector.broadcast %mul3A_1048 : f32 to vector<16xf32>
      %mul3A_1050 = arith.mulf %get3A_1047, %mul3A_1049 : vector<16xf32>
      %swap3A_1051 = arith.constant 2 : i32
      %swap3A_1052 = arith.index_cast %swap3A_1051 : i32 to index
      %swap3A_1053 = arith.index_cast %scan3A_937 : i32 to index
      %swap3A_1054 = arith.constant 80 : index
      %swap3A_1055 = tpu.vector_load %arg7[%swap3A_1052, %swap3A_1053, %swap3A_1054] {strides = array<i32>} : memref<4x64x128xf32, #tpu.memory_space<vmem>>, vector<1x1x16xf32>,
      %swap3A_1056 = vector.shape_cast %swap3A_1055 : vector<1x1x16xf32> to vector<16xf32>
      %swap3A_1057 = vector.shape_cast %mul3A_1050 : vector<16xf32> to vector<1x1x16xf32>
      tpu.vector_store %arg7[%swap3A_1052, %swap3A_1053, %swap3A_1054], %swap3A_1057 {strides = array<i32>} : memref<4x64x128xf32, #tpu.memory_space<vmem>>, vector<1x1x16xf32>,
      %mul3A_1058 = arith.constant 2 : i32
      %mul3A_1059 = arith.muli %mul3A_1058, %scan3A_937 : i32
      %add3A_1060 = arith.constant 1 : i32
      %add3A_1061 = arith.addi %mul3A_1059, %add3A_1060 : i32
      %get3A_1062 = arith.constant 2 : i32
      %get3A_1063 = arith.index_cast %get3A_1062 : i32 to index
      %get3A_1064 = arith.index_cast %add3A_1061 : i32 to index
      %get3A_1065 = arith.constant 32 : index
      %get3A_1066 = tpu.vector_load %arg6[%get3A_1063, %get3A_1064, %get3A_1065] {strides = array<i32>} : memref<4x128x64xf32, #tpu.memory_space<vmem>>, vector<1x1x16xf32>,
      %get3A_1067 = vector.shape_cast %get3A_1066 : vector<1x1x16xf32> to vector<16xf32>
      %mul3A_1068 = arith.constant 8.000000e+00 : f32
      %mul3A_1069 = vector.broadcast %mul3A_1068 : f32 to vector<16xf32>
      %mul3A_1070 = arith.mulf %get3A_1067, %mul3A_1069 : vector<16xf32>
      %swap3A_1071 = arith.constant 2 : i32
      %swap3A_1072 = arith.index_cast %swap3A_1071 : i32 to index
      %swap3A_1073 = arith.index_cast %scan3A_937 : i32 to index
      %swap3A_1074 = arith.constant 96 : index
      %swap3A_1075 = tpu.vector_load %arg7[%swap3A_1072, %swap3A_1073, %swap3A_1074] {strides = array<i32>} : memref<4x64x128xf32, #tpu.memory_space<vmem>>, vector<1x1x16xf32>,
      %swap3A_1076 = vector.shape_cast %swap3A_1075 : vector<1x1x16xf32> to vector<16xf32>
      %swap3A_1077 = vector.shape_cast %mul3A_1070 : vector<16xf32> to vector<1x1x16xf32>
      tpu.vector_store %arg7[%swap3A_1072, %swap3A_1073, %swap3A_1074], %swap3A_1077 {strides = array<i32>} : memref<4x64x128xf32, #tpu.memory_space<vmem>>, vector<1x1x16xf32>,
      %mul3A_1078 = arith.constant 2 : i32
      %mul3A_1079 = arith.muli %mul3A_1078, %scan3A_937 : i32
      %add3A_1080 = arith.constant 1 : i32
      %add3A_1081 = arith.addi %mul3A_1079, %add3A_1080 : i32
      %get3A_1082 = arith.constant 2 : i32
      %get3A_1083 = arith.index_cast %get3A_1082 : i32 to index
      %get3A_1084 = arith.index_cast %add3A_1081 : i32 to index
      %get3A_1085 = arith.constant 48 : index
      %get3A_1086 = tpu.vector_load %arg6[%get3A_1083, %get3A_1084, %get3A_1085] {strides = array<i32>} : memref<4x128x64xf32, #tpu.memory_space<vmem>>, vector<1x1x16xf32>,
      %get3A_1087 = vector.shape_cast %get3A_1086 : vector<1x1x16xf32> to vector<16xf32>
      %mul3A_1088 = arith.constant 8.000000e+00 : f32
      %mul3A_1089 = vector.broadcast %mul3A_1088 : f32 to vector<16xf32>
      %mul3A_1090 = arith.mulf %get3A_1087, %mul3A_1089 : vector<16xf32>
      %swap3A_1091 = arith.constant 2 : i32
      %swap3A_1092 = arith.index_cast %swap3A_1091 : i32 to index
      %swap3A_1093 = arith.index_cast %scan3A_937 : i32 to index
      %swap3A_1094 = arith.constant 112 : index
      %swap3A_1095 = tpu.vector_load %arg7[%swap3A_1092, %swap3A_1093, %swap3A_1094] {strides = array<i32>} : memref<4x64x128xf32, #tpu.memory_space<vmem>>, vector<1x1x16xf32>,
      %swap3A_1096 = vector.shape_cast %swap3A_1095 : vector<1x1x16xf32> to vector<16xf32>
      %swap3A_1097 = vector.shape_cast %mul3A_1090 : vector<16xf32> to vector<1x1x16xf32>
      tpu.vector_store %arg7[%swap3A_1092, %swap3A_1093, %swap3A_1094], %swap3A_1097 {strides = array<i32>} : memref<4x64x128xf32, #tpu.memory_space<vmem>>, vector<1x1x16xf32>,
      %scan3A_1098 = arith.constant 0 : i32
      scf.yield %scan3A_1098 : i32
    }
    %scan3A_578 = arith.constant 64 : i32
    %jit3A_579 = arith.constant 2 : i32
    %div3A_580 = arith.divsi %mul3A_2, %jit3A_579 : i32
    %sign3A_581 = arith.constant 0 : i32
    %sign3A_582 = arith.cmpi sgt, %mul3A_2, %sign3A_581 : i32
    %sign3A_583 = arith.extui %sign3A_582 : i1 to i32
    %sign3A_584 = arith.constant 0 : i32
    %sign3A_585 = arith.cmpi slt, %mul3A_2, %sign3A_584 : i32
    %sign3A_586 = arith.extui %sign3A_585 : i1 to i32
    %sign3A_587 = arith.subi %sign3A_583, %sign3A_586 : i32
    %sign3A_588 = arith.constant 0 : i32
    %sign3A_589 = arith.cmpi sgt, %jit3A_579, %sign3A_588 : i32
    %sign3A_590 = arith.extui %sign3A_589 : i1 to i32
    %sign3A_591 = arith.constant 0 : i32
    %sign3A_592 = arith.cmpi slt, %jit3A_579, %sign3A_591 : i32
    %sign3A_593 = arith.extui %sign3A_592 : i1 to i32
    %sign3A_594 = arith.subi %sign3A_590, %sign3A_593 : i32
    %ne3A_595 = arith.cmpi ne, %sign3A_587, %sign3A_594 : i32
    %rem3A_596 = arith.remsi %mul3A_2, %jit3A_579 : i32
    %ne3A_597 = arith.constant 0 : i32
    %ne3A_598 = arith.cmpi ne, %rem3A_596, %ne3A_597 : i32
    %and3A_599 = arith.andi %ne3A_595, %ne3A_598 : i1
    %sub3A_600 = arith.constant 1 : i32
    %sub3A_601 = arith.subi %div3A_580, %sub3A_600 : i32
    %select_n3A_602 = arith.select %and3A_599, %sub3A_601, %div3A_580 : i32
    %add3A_603 = arith.constant 12672 : i32
    %add3A_604 = arith.addi %select_n3A_602, %add3A_603 : i32
    %dma_start3A_605 = arith.constant 2 : i32
    %dma_start3A_606 = arith.constant 2 : i32
    %dma_start3A_607 = arith.constant 0 : i32
    %dma_start3A_608 = arith.constant 0 : i32
    %dma_start3A_609 = tpu.memref_slice %arg7[%dma_start3A_605, %dma_start3A_607, %dma_start3A_608] : memref<4x64x128xf32, #tpu.memory_space<vmem>> -> memref<1x64x128xf32, #tpu.memory_space<vmem>>
    %dma_start3A_610 = tpu.memref_squeeze %dma_start3A_609 : memref<1x64x128xf32, #tpu.memory_space<vmem>> -> memref<64x128xf32, #tpu.memory_space<vmem>>
    %dma_start3A_611 = arith.constant 0 : i32
    %dma_start3A_612 = tpu.memref_slice %arg4[%add3A_604, %dma_start3A_611] : memref<409600x128xf32, #tpu.memory_space<hbm>> -> memref<64x128xf32, #tpu.memory_space<hbm>>
    %dma_start3A_613 = tpu.memref_slice %arg9[%dma_start3A_606] : memref<4x!tpu.dma_semaphore, #tpu.memory_space<semaphore_mem>> -> memref<1x!tpu.dma_semaphore, #tpu.memory_space<semaphore_mem>>
    %dma_start3A_614 = tpu.memref_squeeze %dma_start3A_613 : memref<1x!tpu.dma_semaphore, #tpu.memory_space<semaphore_mem>> -> memref<!tpu.dma_semaphore, #tpu.memory_space<semaphore_mem>>
    %dma_start3A_615 = arith.constant 0 : i32
    %dma_start3A_616 = tpu.memref_slice %arg4[%add3A_604, %dma_start3A_615] : memref<409600x128xf32, #tpu.memory_space<hbm>> -> memref<64x128xf32, #tpu.memory_space<hbm>>
    %dma_start3A_617 = arith.constant 0 : i32
    %dma_start3A_618 = arith.constant 0 : i32
    %dma_start3A_619 = tpu.memref_slice %arg7[%dma_start3A_605, %dma_start3A_617, %dma_start3A_618] : memref<4x64x128xf32, #tpu.memory_space<vmem>> -> memref<1x64x128xf32, #tpu.memory_space<vmem>>
    %dma_start3A_620 = tpu.memref_squeeze %dma_start3A_619 : memref<1x64x128xf32, #tpu.memory_space<vmem>> -> memref<64x128xf32, #tpu.memory_space<vmem>>
    tpu.enqueue_dma source(%dma_start3A_620 : memref<64x128xf32, #tpu.memory_space<vmem>>) target(%dma_start3A_616 : memref<64x128xf32, #tpu.memory_space<hbm>>) target_semaphore(%dma_start3A_614 : memref<!tpu.dma_semaphore, #tpu.memory_space<semaphore_mem>>)
    %dma_wait3A_621 = arith.constant 0 : i32
    %dma_wait3A_622 = arith.constant 3 : i32
    %dma_wait3A_623 = arith.constant 3 : i32
    %dma_wait3A_624 = arith.constant 0 : i32
    %dma_wait3A_625 = arith.constant 0 : i32
    %dma_wait3A_626 = tpu.memref_slice %arg6[%dma_wait3A_622, %dma_wait3A_624, %dma_wait3A_625] : memref<4x128x64xf32, #tpu.memory_space<vmem>> -> memref<1x128x64xf32, #tpu.memory_space<vmem>>
    %dma_wait3A_627 = tpu.memref_squeeze %dma_wait3A_626 : memref<1x128x64xf32, #tpu.memory_space<vmem>> -> memref<128x64xf32, #tpu.memory_space<vmem>>
    %dma_wait3A_628 = arith.constant 0 : i32
    %dma_wait3A_629 = tpu.memref_slice %arg5[%dma_wait3A_621, %dma_wait3A_628] : memref<200x128xi32, #tpu.memory_space<vmem>> -> memref<1x128xi32, #tpu.memory_space<vmem>>
    %dma_wait3A_630 = tpu.memref_squeeze %dma_wait3A_629 : memref<1x128xi32, #tpu.memory_space<vmem>> -> memref<128xi32, #tpu.memory_space<vmem>>
    %dma_wait3A_631 = arith.constant 0 : i32
    %dma_wait3A_632 = arith.constant 0 : i32
    %dma_wait3A_633 = tpu.memref_slice %arg3[%dma_wait3A_631, %dma_wait3A_632] : memref<1000000x64xf32, #tpu.memory_space<hbm>> -> memref<1000000x64xf32, #tpu.memory_space<hbm>>
    %dma_wait3A_634 = tpu.memref_slice %arg8[%dma_wait3A_623] : memref<4x!tpu.dma_semaphore, #tpu.memory_space<semaphore_mem>> -> memref<1x!tpu.dma_semaphore, #tpu.memory_space<semaphore_mem>>
    %dma_wait3A_635 = tpu.memref_squeeze %dma_wait3A_634 : memref<1x!tpu.dma_semaphore, #tpu.memory_space<semaphore_mem>> -> memref<!tpu.dma_semaphore, #tpu.memory_space<semaphore_mem>>
    tpu.wait_indirect_dma semaphore(%dma_wait3A_635 : memref<!tpu.dma_semaphore, #tpu.memory_space<semaphore_mem>>) src(%dma_wait3A_633 : memref<1000000x64xf32, #tpu.memory_space<hbm>>) dst(%dma_wait3A_627 : memref<128x64xf32, #tpu.memory_space<vmem>>)
    %dma_wait3A_636 = arith.constant 3 : i32
    %dma_wait3A_637 = arith.constant 3 : i32
    %dma_wait3A_638 = arith.constant 0 : i32
    %dma_wait3A_639 = arith.constant 0 : i32
    %dma_wait3A_640 = tpu.memref_slice %arg7[%dma_wait3A_636, %dma_wait3A_638, %dma_wait3A_639] : memref<4x64x128xf32, #tpu.memory_space<vmem>> -> memref<1x64x128xf32, #tpu.memory_space<vmem>>
    %dma_wait3A_641 = tpu.memref_squeeze %dma_wait3A_640 : memref<1x64x128xf32, #tpu.memory_space<vmem>> -> memref<64x128xf32, #tpu.memory_space<vmem>>
    %dma_wait3A_642 = arith.constant 0 : i32
    %dma_wait3A_643 = arith.constant 0 : i32
    %dma_wait3A_644 = tpu.memref_slice %arg4[%dma_wait3A_642, %dma_wait3A_643] : memref<409600x128xf32, #tpu.memory_space<hbm>> -> memref<64x128xf32, #tpu.memory_space<hbm>>
    %dma_wait3A_645 = tpu.memref_slice %arg9[%dma_wait3A_637] : memref<4x!tpu.dma_semaphore, #tpu.memory_space<semaphore_mem>> -> memref<1x!tpu.dma_semaphore, #tpu.memory_space<semaphore_mem>>
    %dma_wait3A_646 = tpu.memref_squeeze %dma_wait3A_645 : memref<1x!tpu.dma_semaphore, #tpu.memory_space<semaphore_mem>> -> memref<!tpu.dma_semaphore, #tpu.memory_space<semaphore_mem>>
    %dma_wait3A_647 = arith.constant 0 : i32
    %dma_wait3A_648 = arith.constant 0 : i32
    %dma_wait3A_649 = tpu.memref_slice %arg4[%dma_wait3A_647, %dma_wait3A_648] : memref<409600x128xf32, #tpu.memory_space<hbm>> -> memref<64x128xf32, #tpu.memory_space<hbm>>
    %dma_wait3A_650 = arith.constant 0 : i32
    %dma_wait3A_651 = arith.constant 0 : i32
    %dma_wait3A_652 = tpu.memref_slice %arg7[%dma_wait3A_636, %dma_wait3A_650, %dma_wait3A_651] : memref<4x64x128xf32, #tpu.memory_space<vmem>> -> memref<1x64x128xf32, #tpu.memory_space<vmem>>
    %dma_wait3A_653 = tpu.memref_squeeze %dma_wait3A_652 : memref<1x64x128xf32, #tpu.memory_space<vmem>> -> memref<64x128xf32, #tpu.memory_space<vmem>>
    tpu.wait_dma2 semaphore(%dma_wait3A_646 : memref<!tpu.dma_semaphore, #tpu.memory_space<semaphore_mem>>) src(%dma_wait3A_653 : memref<64x128xf32, #tpu.memory_space<vmem>>) dst(%dma_wait3A_649 : memref<64x128xf32, #tpu.memory_space<hbm>>)
    %scan3A_654 = arith.constant 0 : i32
    %scan3A_655 = arith.constant 0 : i32
    %scan3A_656 = arith.constant 64 : i32
    %scan3A_657 = arith.addi %scan3A_655, %scan3A_656 : i32
    %scan3A_658 = arith.constant 2 : i32
    %scan3A_659 = scf.for %scan3A_775 = %scan3A_655 to %scan3A_657 step %scan3A_658 iter_args(%scan3A_776 = %scan3A_654) -> (i32)  : i32 {
      %mul3A_777 = arith.constant 2 : i32
      %mul3A_778 = arith.muli %mul3A_777, %scan3A_775 : i32
      %add3A_779 = arith.constant 0 : i32
      %add3A_780 = arith.addi %mul3A_778, %add3A_779 : i32
      %get3A = arith.constant 3 : i32
      %get3A_781 = arith.index_cast %get3A : i32 to index
      %get3A_782 = arith.index_cast %add3A_780 : i32 to index
      %get3A_783 = arith.constant 0 : index
      %get3A_784 = tpu.vector_load %arg6[%get3A_781, %get3A_782, %get3A_783] {strides = array<i32>} : memref<4x128x64xf32, #tpu.memory_space<vmem>>, vector<1x1x16xf32>,
      %get3A_785 = vector.shape_cast %get3A_784 : vector<1x1x16xf32> to vector<16xf32>
      %mul3A_786 = arith.constant 8.000000e+00 : f32
      %mul3A_787 = vector.broadcast %mul3A_786 : f32 to vector<16xf32>
      %mul3A_788 = arith.mulf %get3A_785, %mul3A_787 : vector<16xf32>
      %swap3A = arith.constant 3 : i32
      %swap3A_789 = arith.index_cast %swap3A : i32 to index
      %swap3A_790 = arith.index_cast %scan3A_775 : i32 to index
      %swap3A_791 = arith.constant 0 : index
      %swap3A_792 = tpu.vector_load %arg7[%swap3A_789, %swap3A_790, %swap3A_791] {strides = array<i32>} : memref<4x64x128xf32, #tpu.memory_space<vmem>>, vector<1x1x16xf32>,
      %swap3A_793 = vector.shape_cast %swap3A_792 : vector<1x1x16xf32> to vector<16xf32>
      %swap3A_794 = vector.shape_cast %mul3A_788 : vector<16xf32> to vector<1x1x16xf32>
      tpu.vector_store %arg7[%swap3A_789, %swap3A_790, %swap3A_791], %swap3A_794 {strides = array<i32>} : memref<4x64x128xf32, #tpu.memory_space<vmem>>, vector<1x1x16xf32>,
      %mul3A_795 = arith.constant 2 : i32
      %mul3A_796 = arith.muli %mul3A_795, %scan3A_775 : i32
      %add3A_797 = arith.constant 0 : i32
      %add3A_798 = arith.addi %mul3A_796, %add3A_797 : i32
      %get3A_799 = arith.constant 3 : i32
      %get3A_800 = arith.index_cast %get3A_799 : i32 to index
      %get3A_801 = arith.index_cast %add3A_798 : i32 to index
      %get3A_802 = arith.constant 16 : index
      %get3A_803 = tpu.vector_load %arg6[%get3A_800, %get3A_801, %get3A_802] {strides = array<i32>} : memref<4x128x64xf32, #tpu.memory_space<vmem>>, vector<1x1x16xf32>,
      %get3A_804 = vector.shape_cast %get3A_803 : vector<1x1x16xf32> to vector<16xf32>
      %mul3A_805 = arith.constant 8.000000e+00 : f32
      %mul3A_806 = vector.broadcast %mul3A_805 : f32 to vector<16xf32>
      %mul3A_807 = arith.mulf %get3A_804, %mul3A_806 : vector<16xf32>
      %swap3A_808 = arith.constant 3 : i32
      %swap3A_809 = arith.index_cast %swap3A_808 : i32 to index
      %swap3A_810 = arith.index_cast %scan3A_775 : i32 to index
      %swap3A_811 = arith.constant 16 : index
      %swap3A_812 = tpu.vector_load %arg7[%swap3A_809, %swap3A_810, %swap3A_811] {strides = array<i32>} : memref<4x64x128xf32, #tpu.memory_space<vmem>>, vector<1x1x16xf32>,
      %swap3A_813 = vector.shape_cast %swap3A_812 : vector<1x1x16xf32> to vector<16xf32>
      %swap3A_814 = vector.shape_cast %mul3A_807 : vector<16xf32> to vector<1x1x16xf32>
      tpu.vector_store %arg7[%swap3A_809, %swap3A_810, %swap3A_811], %swap3A_814 {strides = array<i32>} : memref<4x64x128xf32, #tpu.memory_space<vmem>>, vector<1x1x16xf32>,
      %mul3A_815 = arith.constant 2 : i32
      %mul3A_816 = arith.muli %mul3A_815, %scan3A_775 : i32
      %add3A_817 = arith.constant 0 : i32
      %add3A_818 = arith.addi %mul3A_816, %add3A_817 : i32
      %get3A_819 = arith.constant 3 : i32
      %get3A_820 = arith.index_cast %get3A_819 : i32 to index
      %get3A_821 = arith.index_cast %add3A_818 : i32 to index
      %get3A_822 = arith.constant 32 : index
      %get3A_823 = tpu.vector_load %arg6[%get3A_820, %get3A_821, %get3A_822] {strides = array<i32>} : memref<4x128x64xf32, #tpu.memory_space<vmem>>, vector<1x1x16xf32>,
      %get3A_824 = vector.shape_cast %get3A_823 : vector<1x1x16xf32> to vector<16xf32>
      %mul3A_825 = arith.constant 8.000000e+00 : f32
      %mul3A_826 = vector.broadcast %mul3A_825 : f32 to vector<16xf32>
      %mul3A_827 = arith.mulf %get3A_824, %mul3A_826 : vector<16xf32>
      %swap3A_828 = arith.constant 3 : i32
      %swap3A_829 = arith.index_cast %swap3A_828 : i32 to index
      %swap3A_830 = arith.index_cast %scan3A_775 : i32 to index
      %swap3A_831 = arith.constant 32 : index
      %swap3A_832 = tpu.vector_load %arg7[%swap3A_829, %swap3A_830, %swap3A_831] {strides = array<i32>} : memref<4x64x128xf32, #tpu.memory_space<vmem>>, vector<1x1x16xf32>,
      %swap3A_833 = vector.shape_cast %swap3A_832 : vector<1x1x16xf32> to vector<16xf32>
      %swap3A_834 = vector.shape_cast %mul3A_827 : vector<16xf32> to vector<1x1x16xf32>
      tpu.vector_store %arg7[%swap3A_829, %swap3A_830, %swap3A_831], %swap3A_834 {strides = array<i32>} : memref<4x64x128xf32, #tpu.memory_space<vmem>>, vector<1x1x16xf32>,
      %mul3A_835 = arith.constant 2 : i32
      %mul3A_836 = arith.muli %mul3A_835, %scan3A_775 : i32
      %add3A_837 = arith.constant 0 : i32
      %add3A_838 = arith.addi %mul3A_836, %add3A_837 : i32
      %get3A_839 = arith.constant 3 : i32
      %get3A_840 = arith.index_cast %get3A_839 : i32 to index
      %get3A_841 = arith.index_cast %add3A_838 : i32 to index
      %get3A_842 = arith.constant 48 : index
      %get3A_843 = tpu.vector_load %arg6[%get3A_840, %get3A_841, %get3A_842] {strides = array<i32>} : memref<4x128x64xf32, #tpu.memory_space<vmem>>, vector<1x1x16xf32>,
      %get3A_844 = vector.shape_cast %get3A_843 : vector<1x1x16xf32> to vector<16xf32>
      %mul3A_845 = arith.constant 8.000000e+00 : f32
      %mul3A_846 = vector.broadcast %mul3A_845 : f32 to vector<16xf32>
      %mul3A_847 = arith.mulf %get3A_844, %mul3A_846 : vector<16xf32>
      %swap3A_848 = arith.constant 3 : i32
      %swap3A_849 = arith.index_cast %swap3A_848 : i32 to index
      %swap3A_850 = arith.index_cast %scan3A_775 : i32 to index
      %swap3A_851 = arith.constant 48 : index
      %swap3A_852 = tpu.vector_load %arg7[%swap3A_849, %swap3A_850, %swap3A_851] {strides = array<i32>} : memref<4x64x128xf32, #tpu.memory_space<vmem>>, vector<1x1x16xf32>,
      %swap3A_853 = vector.shape_cast %swap3A_852 : vector<1x1x16xf32> to vector<16xf32>
      %swap3A_854 = vector.shape_cast %mul3A_847 : vector<16xf32> to vector<1x1x16xf32>
      tpu.vector_store %arg7[%swap3A_849, %swap3A_850, %swap3A_851], %swap3A_854 {strides = array<i32>} : memref<4x64x128xf32, #tpu.memory_space<vmem>>, vector<1x1x16xf32>,
      %mul3A_855 = arith.constant 2 : i32
      %mul3A_856 = arith.muli %mul3A_855, %scan3A_775 : i32
      %add3A_857 = arith.constant 1 : i32
      %add3A_858 = arith.addi %mul3A_856, %add3A_857 : i32
      %get3A_859 = arith.constant 3 : i32
      %get3A_860 = arith.index_cast %get3A_859 : i32 to index
      %get3A_861 = arith.index_cast %add3A_858 : i32 to index
      %get3A_862 = arith.constant 0 : index
      %get3A_863 = tpu.vector_load %arg6[%get3A_860, %get3A_861, %get3A_862] {strides = array<i32>} : memref<4x128x64xf32, #tpu.memory_space<vmem>>, vector<1x1x16xf32>,
      %get3A_864 = vector.shape_cast %get3A_863 : vector<1x1x16xf32> to vector<16xf32>
      %mul3A_865 = arith.constant 8.000000e+00 : f32
      %mul3A_866 = vector.broadcast %mul3A_865 : f32 to vector<16xf32>
      %mul3A_867 = arith.mulf %get3A_864, %mul3A_866 : vector<16xf32>
      %swap3A_868 = arith.constant 3 : i32
      %swap3A_869 = arith.index_cast %swap3A_868 : i32 to index
      %swap3A_870 = arith.index_cast %scan3A_775 : i32 to index
      %swap3A_871 = arith.constant 64 : index
      %swap3A_872 = tpu.vector_load %arg7[%swap3A_869, %swap3A_870, %swap3A_871] {strides = array<i32>} : memref<4x64x128xf32, #tpu.memory_space<vmem>>, vector<1x1x16xf32>,
      %swap3A_873 = vector.shape_cast %swap3A_872 : vector<1x1x16xf32> to vector<16xf32>
      %swap3A_874 = vector.shape_cast %mul3A_867 : vector<16xf32> to vector<1x1x16xf32>
      tpu.vector_store %arg7[%swap3A_869, %swap3A_870, %swap3A_871], %swap3A_874 {strides = array<i32>} : memref<4x64x128xf32, #tpu.memory_space<vmem>>, vector<1x1x16xf32>,
      %mul3A_875 = arith.constant 2 : i32
      %mul3A_876 = arith.muli %mul3A_875, %scan3A_775 : i32
      %add3A_877 = arith.constant 1 : i32
      %add3A_878 = arith.addi %mul3A_876, %add3A_877 : i32
      %get3A_879 = arith.constant 3 : i32
      %get3A_880 = arith.index_cast %get3A_879 : i32 to index
      %get3A_881 = arith.index_cast %add3A_878 : i32 to index
      %get3A_882 = arith.constant 16 : index
      %get3A_883 = tpu.vector_load %arg6[%get3A_880, %get3A_881, %get3A_882] {strides = array<i32>} : memref<4x128x64xf32, #tpu.memory_space<vmem>>, vector<1x1x16xf32>,
      %get3A_884 = vector.shape_cast %get3A_883 : vector<1x1x16xf32> to vector<16xf32>
      %mul3A_885 = arith.constant 8.000000e+00 : f32
      %mul3A_886 = vector.broadcast %mul3A_885 : f32 to vector<16xf32>
      %mul3A_887 = arith.mulf %get3A_884, %mul3A_886 : vector<16xf32>
      %swap3A_888 = arith.constant 3 : i32
      %swap3A_889 = arith.index_cast %swap3A_888 : i32 to index
      %swap3A_890 = arith.index_cast %scan3A_775 : i32 to index
      %swap3A_891 = arith.constant 80 : index
      %swap3A_892 = tpu.vector_load %arg7[%swap3A_889, %swap3A_890, %swap3A_891] {strides = array<i32>} : memref<4x64x128xf32, #tpu.memory_space<vmem>>, vector<1x1x16xf32>,
      %swap3A_893 = vector.shape_cast %swap3A_892 : vector<1x1x16xf32> to vector<16xf32>
      %swap3A_894 = vector.shape_cast %mul3A_887 : vector<16xf32> to vector<1x1x16xf32>
      tpu.vector_store %arg7[%swap3A_889, %swap3A_890, %swap3A_891], %swap3A_894 {strides = array<i32>} : memref<4x64x128xf32, #tpu.memory_space<vmem>>, vector<1x1x16xf32>,
      %mul3A_895 = arith.constant 2 : i32
      %mul3A_896 = arith.muli %mul3A_895, %scan3A_775 : i32
      %add3A_897 = arith.constant 1 : i32
      %add3A_898 = arith.addi %mul3A_896, %add3A_897 : i32
      %get3A_899 = arith.constant 3 : i32
      %get3A_900 = arith.index_cast %get3A_899 : i32 to index
      %get3A_901 = arith.index_cast %add3A_898 : i32 to index
      %get3A_902 = arith.constant 32 : index
      %get3A_903 = tpu.vector_load %arg6[%get3A_900, %get3A_901, %get3A_902] {strides = array<i32>} : memref<4x128x64xf32, #tpu.memory_space<vmem>>, vector<1x1x16xf32>,
      %get3A_904 = vector.shape_cast %get3A_903 : vector<1x1x16xf32> to vector<16xf32>
      %mul3A_905 = arith.constant 8.000000e+00 : f32
      %mul3A_906 = vector.broadcast %mul3A_905 : f32 to vector<16xf32>
      %mul3A_907 = arith.mulf %get3A_904, %mul3A_906 : vector<16xf32>
      %swap3A_908 = arith.constant 3 : i32
      %swap3A_909 = arith.index_cast %swap3A_908 : i32 to index
      %swap3A_910 = arith.index_cast %scan3A_775 : i32 to index
      %swap3A_911 = arith.constant 96 : index
      %swap3A_912 = tpu.vector_load %arg7[%swap3A_909, %swap3A_910, %swap3A_911] {strides = array<i32>} : memref<4x64x128xf32, #tpu.memory_space<vmem>>, vector<1x1x16xf32>,
      %swap3A_913 = vector.shape_cast %swap3A_912 : vector<1x1x16xf32> to vector<16xf32>
      %swap3A_914 = vector.shape_cast %mul3A_907 : vector<16xf32> to vector<1x1x16xf32>
      tpu.vector_store %arg7[%swap3A_909, %swap3A_910, %swap3A_911], %swap3A_914 {strides = array<i32>} : memref<4x64x128xf32, #tpu.memory_space<vmem>>, vector<1x1x16xf32>,
      %mul3A_915 = arith.constant 2 : i32
      %mul3A_916 = arith.muli %mul3A_915, %scan3A_775 : i32
      %add3A_917 = arith.constant 1 : i32
      %add3A_918 = arith.addi %mul3A_916, %add3A_917 : i32
      %get3A_919 = arith.constant 3 : i32
      %get3A_920 = arith.index_cast %get3A_919 : i32 to index
      %get3A_921 = arith.index_cast %add3A_918 : i32 to index
      %get3A_922 = arith.constant 48 : index
      %get3A_923 = tpu.vector_load %arg6[%get3A_920, %get3A_921, %get3A_922] {strides = array<i32>} : memref<4x128x64xf32, #tpu.memory_space<vmem>>, vector<1x1x16xf32>,
      %get3A_924 = vector.shape_cast %get3A_923 : vector<1x1x16xf32> to vector<16xf32>
      %mul3A_925 = arith.constant 8.000000e+00 : f32
      %mul3A_926 = vector.broadcast %mul3A_925 : f32 to vector<16xf32>
      %mul3A_927 = arith.mulf %get3A_924, %mul3A_926 : vector<16xf32>
      %swap3A_928 = arith.constant 3 : i32
      %swap3A_929 = arith.index_cast %swap3A_928 : i32 to index
      %swap3A_930 = arith.index_cast %scan3A_775 : i32 to index
      %swap3A_931 = arith.constant 112 : index
      %swap3A_932 = tpu.vector_load %arg7[%swap3A_929, %swap3A_930, %swap3A_931] {strides = array<i32>} : memref<4x64x128xf32, #tpu.memory_space<vmem>>, vector<1x1x16xf32>,
      %swap3A_933 = vector.shape_cast %swap3A_932 : vector<1x1x16xf32> to vector<16xf32>
      %swap3A_934 = vector.shape_cast %mul3A_927 : vector<16xf32> to vector<1x1x16xf32>
      tpu.vector_store %arg7[%swap3A_929, %swap3A_930, %swap3A_931], %swap3A_934 {strides = array<i32>} : memref<4x64x128xf32, #tpu.memory_space<vmem>>, vector<1x1x16xf32>,
      %scan3A_935 = arith.constant 0 : i32
      %scan3A_936 = arith.constant 1 : i32
      %scan3A_937 = arith.addi %scan3A_775, %scan3A_936 : i32
      %mul3A_938 = arith.constant 2 : i32
      %mul3A_939 = arith.muli %mul3A_938, %scan3A_937 : i32
      %add3A_940 = arith.constant 0 : i32
      %add3A_941 = arith.addi %mul3A_939, %add3A_940 : i32
      %get3A_942 = arith.constant 3 : i32
      %get3A_943 = arith.index_cast %get3A_942 : i32 to index
      %get3A_944 = arith.index_cast %add3A_941 : i32 to index
      %get3A_945 = arith.constant 0 : index
      %get3A_946 = tpu.vector_load %arg6[%get3A_943, %get3A_944, %get3A_945] {strides = array<i32>} : memref<4x128x64xf32, #tpu.memory_space<vmem>>, vector<1x1x16xf32>,
      %get3A_947 = vector.shape_cast %get3A_946 : vector<1x1x16xf32> to vector<16xf32>
      %mul3A_948 = arith.constant 8.000000e+00 : f32
      %mul3A_949 = vector.broadcast %mul3A_948 : f32 to vector<16xf32>
      %mul3A_950 = arith.mulf %get3A_947, %mul3A_949 : vector<16xf32>
      %swap3A_951 = arith.constant 3 : i32
      %swap3A_952 = arith.index_cast %swap3A_951 : i32 to index
      %swap3A_953 = arith.index_cast %scan3A_937 : i32 to index
      %swap3A_954 = arith.constant 0 : index
      %swap3A_955 = tpu.vector_load %arg7[%swap3A_952, %swap3A_953, %swap3A_954] {strides = array<i32>} : memref<4x64x128xf32, #tpu.memory_space<vmem>>, vector<1x1x16xf32>,
      %swap3A_956 = vector.shape_cast %swap3A_955 : vector<1x1x16xf32> to vector<16xf32>
      %swap3A_957 = vector.shape_cast %mul3A_950 : vector<16xf32> to vector<1x1x16xf32>
      tpu.vector_store %arg7[%swap3A_952, %swap3A_953, %swap3A_954], %swap3A_957 {strides = array<i32>} : memref<4x64x128xf32, #tpu.memory_space<vmem>>, vector<1x1x16xf32>,
      %mul3A_958 = arith.constant 2 : i32
      %mul3A_959 = arith.muli %mul3A_958, %scan3A_937 : i32
      %add3A_960 = arith.constant 0 : i32
      %add3A_961 = arith.addi %mul3A_959, %add3A_960 : i32
      %get3A_962 = arith.constant 3 : i32
      %get3A_963 = arith.index_cast %get3A_962 : i32 to index
      %get3A_964 = arith.index_cast %add3A_961 : i32 to index
      %get3A_965 = arith.constant 16 : index
      %get3A_966 = tpu.vector_load %arg6[%get3A_963, %get3A_964, %get3A_965] {strides = array<i32>} : memref<4x128x64xf32, #tpu.memory_space<vmem>>, vector<1x1x16xf32>,
      %get3A_967 = vector.shape_cast %get3A_966 : vector<1x1x16xf32> to vector<16xf32>
      %mul3A_968 = arith.constant 8.000000e+00 : f32
      %mul3A_969 = vector.broadcast %mul3A_968 : f32 to vector<16xf32>
      %mul3A_970 = arith.mulf %get3A_967, %mul3A_969 : vector<16xf32>
      %swap3A_971 = arith.constant 3 : i32
      %swap3A_972 = arith.index_cast %swap3A_971 : i32 to index
      %swap3A_973 = arith.index_cast %scan3A_937 : i32 to index
      %swap3A_974 = arith.constant 16 : index
      %swap3A_975 = tpu.vector_load %arg7[%swap3A_972, %swap3A_973, %swap3A_974] {strides = array<i32>} : memref<4x64x128xf32, #tpu.memory_space<vmem>>, vector<1x1x16xf32>,
      %swap3A_976 = vector.shape_cast %swap3A_975 : vector<1x1x16xf32> to vector<16xf32>
      %swap3A_977 = vector.shape_cast %mul3A_970 : vector<16xf32> to vector<1x1x16xf32>
      tpu.vector_store %arg7[%swap3A_972, %swap3A_973, %swap3A_974], %swap3A_977 {strides = array<i32>} : memref<4x64x128xf32, #tpu.memory_space<vmem>>, vector<1x1x16xf32>,
      %mul3A_978 = arith.constant 2 : i32
      %mul3A_979 = arith.muli %mul3A_978, %scan3A_937 : i32
      %add3A_980 = arith.constant 0 : i32
      %add3A_981 = arith.addi %mul3A_979, %add3A_980 : i32
      %get3A_982 = arith.constant 3 : i32
      %get3A_983 = arith.index_cast %get3A_982 : i32 to index
      %get3A_984 = arith.index_cast %add3A_981 : i32 to index
      %get3A_985 = arith.constant 32 : index
      %get3A_986 = tpu.vector_load %arg6[%get3A_983, %get3A_984, %get3A_985] {strides = array<i32>} : memref<4x128x64xf32, #tpu.memory_space<vmem>>, vector<1x1x16xf32>,
      %get3A_987 = vector.shape_cast %get3A_986 : vector<1x1x16xf32> to vector<16xf32>
      %mul3A_988 = arith.constant 8.000000e+00 : f32
      %mul3A_989 = vector.broadcast %mul3A_988 : f32 to vector<16xf32>
      %mul3A_990 = arith.mulf %get3A_987, %mul3A_989 : vector<16xf32>
      %swap3A_991 = arith.constant 3 : i32
      %swap3A_992 = arith.index_cast %swap3A_991 : i32 to index
      %swap3A_993 = arith.index_cast %scan3A_937 : i32 to index
      %swap3A_994 = arith.constant 32 : index
      %swap3A_995 = tpu.vector_load %arg7[%swap3A_992, %swap3A_993, %swap3A_994] {strides = array<i32>} : memref<4x64x128xf32, #tpu.memory_space<vmem>>, vector<1x1x16xf32>,
      %swap3A_996 = vector.shape_cast %swap3A_995 : vector<1x1x16xf32> to vector<16xf32>
      %swap3A_997 = vector.shape_cast %mul3A_990 : vector<16xf32> to vector<1x1x16xf32>
      tpu.vector_store %arg7[%swap3A_992, %swap3A_993, %swap3A_994], %swap3A_997 {strides = array<i32>} : memref<4x64x128xf32, #tpu.memory_space<vmem>>, vector<1x1x16xf32>,
      %mul3A_998 = arith.constant 2 : i32
      %mul3A_999 = arith.muli %mul3A_998, %scan3A_937 : i32
      %add3A_1000 = arith.constant 0 : i32
      %add3A_1001 = arith.addi %mul3A_999, %add3A_1000 : i32
      %get3A_1002 = arith.constant 3 : i32
      %get3A_1003 = arith.index_cast %get3A_1002 : i32 to index
      %get3A_1004 = arith.index_cast %add3A_1001 : i32 to index
      %get3A_1005 = arith.constant 48 : index
      %get3A_1006 = tpu.vector_load %arg6[%get3A_1003, %get3A_1004, %get3A_1005] {strides = array<i32>} : memref<4x128x64xf32, #tpu.memory_space<vmem>>, vector<1x1x16xf32>,
      %get3A_1007 = vector.shape_cast %get3A_1006 : vector<1x1x16xf32> to vector<16xf32>
      %mul3A_1008 = arith.constant 8.000000e+00 : f32
      %mul3A_1009 = vector.broadcast %mul3A_1008 : f32 to vector<16xf32>
      %mul3A_1010 = arith.mulf %get3A_1007, %mul3A_1009 : vector<16xf32>
      %swap3A_1011 = arith.constant 3 : i32
      %swap3A_1012 = arith.index_cast %swap3A_1011 : i32 to index
      %swap3A_1013 = arith.index_cast %scan3A_937 : i32 to index
      %swap3A_1014 = arith.constant 48 : index
      %swap3A_1015 = tpu.vector_load %arg7[%swap3A_1012, %swap3A_1013, %swap3A_1014] {strides = array<i32>} : memref<4x64x128xf32, #tpu.memory_space<vmem>>, vector<1x1x16xf32>,
      %swap3A_1016 = vector.shape_cast %swap3A_1015 : vector<1x1x16xf32> to vector<16xf32>
      %swap3A_1017 = vector.shape_cast %mul3A_1010 : vector<16xf32> to vector<1x1x16xf32>
      tpu.vector_store %arg7[%swap3A_1012, %swap3A_1013, %swap3A_1014], %swap3A_1017 {strides = array<i32>} : memref<4x64x128xf32, #tpu.memory_space<vmem>>, vector<1x1x16xf32>,
      %mul3A_1018 = arith.constant 2 : i32
      %mul3A_1019 = arith.muli %mul3A_1018, %scan3A_937 : i32
      %add3A_1020 = arith.constant 1 : i32
      %add3A_1021 = arith.addi %mul3A_1019, %add3A_1020 : i32
      %get3A_1022 = arith.constant 3 : i32
      %get3A_1023 = arith.index_cast %get3A_1022 : i32 to index
      %get3A_1024 = arith.index_cast %add3A_1021 : i32 to index
      %get3A_1025 = arith.constant 0 : index
      %get3A_1026 = tpu.vector_load %arg6[%get3A_1023, %get3A_1024, %get3A_1025] {strides = array<i32>} : memref<4x128x64xf32, #tpu.memory_space<vmem>>, vector<1x1x16xf32>,
      %get3A_1027 = vector.shape_cast %get3A_1026 : vector<1x1x16xf32> to vector<16xf32>
      %mul3A_1028 = arith.constant 8.000000e+00 : f32
      %mul3A_1029 = vector.broadcast %mul3A_1028 : f32 to vector<16xf32>
      %mul3A_1030 = arith.mulf %get3A_1027, %mul3A_1029 : vector<16xf32>
      %swap3A_1031 = arith.constant 3 : i32
      %swap3A_1032 = arith.index_cast %swap3A_1031 : i32 to index
      %swap3A_1033 = arith.index_cast %scan3A_937 : i32 to index
      %swap3A_1034 = arith.constant 64 : index
      %swap3A_1035 = tpu.vector_load %arg7[%swap3A_1032, %swap3A_1033, %swap3A_1034] {strides = array<i32>} : memref<4x64x128xf32, #tpu.memory_space<vmem>>, vector<1x1x16xf32>,
      %swap3A_1036 = vector.shape_cast %swap3A_1035 : vector<1x1x16xf32> to vector<16xf32>
      %swap3A_1037 = vector.shape_cast %mul3A_1030 : vector<16xf32> to vector<1x1x16xf32>
      tpu.vector_store %arg7[%swap3A_1032, %swap3A_1033, %swap3A_1034], %swap3A_1037 {strides = array<i32>} : memref<4x64x128xf32, #tpu.memory_space<vmem>>, vector<1x1x16xf32>,
      %mul3A_1038 = arith.constant 2 : i32
      %mul3A_1039 = arith.muli %mul3A_1038, %scan3A_937 : i32
      %add3A_1040 = arith.constant 1 : i32
      %add3A_1041 = arith.addi %mul3A_1039, %add3A_1040 : i32
      %get3A_1042 = arith.constant 3 : i32
      %get3A_1043 = arith.index_cast %get3A_1042 : i32 to index
      %get3A_1044 = arith.index_cast %add3A_1041 : i32 to index
      %get3A_1045 = arith.constant 16 : index
      %get3A_1046 = tpu.vector_load %arg6[%get3A_1043, %get3A_1044, %get3A_1045] {strides = array<i32>} : memref<4x128x64xf32, #tpu.memory_space<vmem>>, vector<1x1x16xf32>,
      %get3A_1047 = vector.shape_cast %get3A_1046 : vector<1x1x16xf32> to vector<16xf32>
      %mul3A_1048 = arith.constant 8.000000e+00 : f32
      %mul3A_1049 = vector.broadcast %mul3A_1048 : f32 to vector<16xf32>
      %mul3A_1050 = arith.mulf %get3A_1047, %mul3A_1049 : vector<16xf32>
      %swap3A_1051 = arith.constant 3 : i32
      %swap3A_1052 = arith.index_cast %swap3A_1051 : i32 to index
      %swap3A_1053 = arith.index_cast %scan3A_937 : i32 to index
      %swap3A_1054 = arith.constant 80 : index
      %swap3A_1055 = tpu.vector_load %arg7[%swap3A_1052, %swap3A_1053, %swap3A_1054] {strides = array<i32>} : memref<4x64x128xf32, #tpu.memory_space<vmem>>, vector<1x1x16xf32>,
      %swap3A_1056 = vector.shape_cast %swap3A_1055 : vector<1x1x16xf32> to vector<16xf32>
      %swap3A_1057 = vector.shape_cast %mul3A_1050 : vector<16xf32> to vector<1x1x16xf32>
      tpu.vector_store %arg7[%swap3A_1052, %swap3A_1053, %swap3A_1054], %swap3A_1057 {strides = array<i32>} : memref<4x64x128xf32, #tpu.memory_space<vmem>>, vector<1x1x16xf32>,
      %mul3A_1058 = arith.constant 2 : i32
      %mul3A_1059 = arith.muli %mul3A_1058, %scan3A_937 : i32
      %add3A_1060 = arith.constant 1 : i32
      %add3A_1061 = arith.addi %mul3A_1059, %add3A_1060 : i32
      %get3A_1062 = arith.constant 3 : i32
      %get3A_1063 = arith.index_cast %get3A_1062 : i32 to index
      %get3A_1064 = arith.index_cast %add3A_1061 : i32 to index
      %get3A_1065 = arith.constant 32 : index
      %get3A_1066 = tpu.vector_load %arg6[%get3A_1063, %get3A_1064, %get3A_1065] {strides = array<i32>} : memref<4x128x64xf32, #tpu.memory_space<vmem>>, vector<1x1x16xf32>,
      %get3A_1067 = vector.shape_cast %get3A_1066 : vector<1x1x16xf32> to vector<16xf32>
      %mul3A_1068 = arith.constant 8.000000e+00 : f32
      %mul3A_1069 = vector.broadcast %mul3A_1068 : f32 to vector<16xf32>
      %mul3A_1070 = arith.mulf %get3A_1067, %mul3A_1069 : vector<16xf32>
      %swap3A_1071 = arith.constant 3 : i32
      %swap3A_1072 = arith.index_cast %swap3A_1071 : i32 to index
      %swap3A_1073 = arith.index_cast %scan3A_937 : i32 to index
      %swap3A_1074 = arith.constant 96 : index
      %swap3A_1075 = tpu.vector_load %arg7[%swap3A_1072, %swap3A_1073, %swap3A_1074] {strides = array<i32>} : memref<4x64x128xf32, #tpu.memory_space<vmem>>, vector<1x1x16xf32>,
      %swap3A_1076 = vector.shape_cast %swap3A_1075 : vector<1x1x16xf32> to vector<16xf32>
      %swap3A_1077 = vector.shape_cast %mul3A_1070 : vector<16xf32> to vector<1x1x16xf32>
      tpu.vector_store %arg7[%swap3A_1072, %swap3A_1073, %swap3A_1074], %swap3A_1077 {strides = array<i32>} : memref<4x64x128xf32, #tpu.memory_space<vmem>>, vector<1x1x16xf32>,
      %mul3A_1078 = arith.constant 2 : i32
      %mul3A_1079 = arith.muli %mul3A_1078, %scan3A_937 : i32
      %add3A_1080 = arith.constant 1 : i32
      %add3A_1081 = arith.addi %mul3A_1079, %add3A_1080 : i32
      %get3A_1082 = arith.constant 3 : i32
      %get3A_1083 = arith.index_cast %get3A_1082 : i32 to index
      %get3A_1084 = arith.index_cast %add3A_1081 : i32 to index
      %get3A_1085 = arith.constant 48 : index
      %get3A_1086 = tpu.vector_load %arg6[%get3A_1083, %get3A_1084, %get3A_1085] {strides = array<i32>} : memref<4x128x64xf32, #tpu.memory_space<vmem>>, vector<1x1x16xf32>,
      %get3A_1087 = vector.shape_cast %get3A_1086 : vector<1x1x16xf32> to vector<16xf32>
      %mul3A_1088 = arith.constant 8.000000e+00 : f32
      %mul3A_1089 = vector.broadcast %mul3A_1088 : f32 to vector<16xf32>
      %mul3A_1090 = arith.mulf %get3A_1087, %mul3A_1089 : vector<16xf32>
      %swap3A_1091 = arith.constant 3 : i32
      %swap3A_1092 = arith.index_cast %swap3A_1091 : i32 to index
      %swap3A_1093 = arith.index_cast %scan3A_937 : i32 to index
      %swap3A_1094 = arith.constant 112 : index
      %swap3A_1095 = tpu.vector_load %arg7[%swap3A_1092, %swap3A_1093, %swap3A_1094] {strides = array<i32>} : memref<4x64x128xf32, #tpu.memory_space<vmem>>, vector<1x1x16xf32>,
      %swap3A_1096 = vector.shape_cast %swap3A_1095 : vector<1x1x16xf32> to vector<16xf32>
      %swap3A_1097 = vector.shape_cast %mul3A_1090 : vector<16xf32> to vector<1x1x16xf32>
      tpu.vector_store %arg7[%swap3A_1092, %swap3A_1093, %swap3A_1094], %swap3A_1097 {strides = array<i32>} : memref<4x64x128xf32, #tpu.memory_space<vmem>>, vector<1x1x16xf32>,
      %scan3A_1098 = arith.constant 0 : i32
      scf.yield %scan3A_1098 : i32
    }
    %scan3A_660 = arith.constant 64 : i32
    %jit3A_661 = arith.constant 2 : i32
    %div3A_662 = arith.divsi %mul3A_2, %jit3A_661 : i32
    %sign3A_663 = arith.constant 0 : i32
    %sign3A_664 = arith.cmpi sgt, %mul3A_2, %sign3A_663 : i32
    %sign3A_665 = arith.extui %sign3A_664 : i1 to i32
    %sign3A_666 = arith.constant 0 : i32
    %sign3A_667 = arith.cmpi slt, %mul3A_2, %sign3A_666 : i32
    %sign3A_668 = arith.extui %sign3A_667 : i1 to i32
    %sign3A_669 = arith.subi %sign3A_665, %sign3A_668 : i32
    %sign3A_670 = arith.constant 0 : i32
    %sign3A_671 = arith.cmpi sgt, %jit3A_661, %sign3A_670 : i32
    %sign3A_672 = arith.extui %sign3A_671 : i1 to i32
    %sign3A_673 = arith.constant 0 : i32
    %sign3A_674 = arith.cmpi slt, %jit3A_661, %sign3A_673 : i32
    %sign3A_675 = arith.extui %sign3A_674 : i1 to i32
    %sign3A_676 = arith.subi %sign3A_672, %sign3A_675 : i32
    %ne3A_677 = arith.cmpi ne, %sign3A_669, %sign3A_676 : i32
    %rem3A_678 = arith.remsi %mul3A_2, %jit3A_661 : i32
    %ne3A_679 = arith.constant 0 : i32
    %ne3A_680 = arith.cmpi ne, %rem3A_678, %ne3A_679 : i32
    %and3A_681 = arith.andi %ne3A_677, %ne3A_680 : i1
    %sub3A_682 = arith.constant 1 : i32
    %sub3A_683 = arith.subi %div3A_662, %sub3A_682 : i32
    %select_n3A_684 = arith.select %and3A_681, %sub3A_683, %div3A_662 : i32
    %add3A_685 = arith.constant 12736 : i32
    %add3A_686 = arith.addi %select_n3A_684, %add3A_685 : i32
    %dma_start3A_687 = arith.constant 3 : i32
    %dma_start3A_688 = arith.constant 3 : i32
    %dma_start3A_689 = arith.constant 0 : i32
    %dma_start3A_690 = arith.constant 0 : i32
    %dma_start3A_691 = tpu.memref_slice %arg7[%dma_start3A_687, %dma_start3A_689, %dma_start3A_690] : memref<4x64x128xf32, #tpu.memory_space<vmem>> -> memref<1x64x128xf32, #tpu.memory_space<vmem>>
    %dma_start3A_692 = tpu.memref_squeeze %dma_start3A_691 : memref<1x64x128xf32, #tpu.memory_space<vmem>> -> memref<64x128xf32, #tpu.memory_space<vmem>>
    %dma_start3A_693 = arith.constant 0 : i32
    %dma_start3A_694 = tpu.memref_slice %arg4[%add3A_686, %dma_start3A_693] : memref<409600x128xf32, #tpu.memory_space<hbm>> -> memref<64x128xf32, #tpu.memory_space<hbm>>
    %dma_start3A_695 = tpu.memref_slice %arg9[%dma_start3A_688] : memref<4x!tpu.dma_semaphore, #tpu.memory_space<semaphore_mem>> -> memref<1x!tpu.dma_semaphore, #tpu.memory_space<semaphore_mem>>
    %dma_start3A_696 = tpu.memref_squeeze %dma_start3A_695 : memref<1x!tpu.dma_semaphore, #tpu.memory_space<semaphore_mem>> -> memref<!tpu.dma_semaphore, #tpu.memory_space<semaphore_mem>>
    %dma_start3A_697 = arith.constant 0 : i32
    %dma_start3A_698 = tpu.memref_slice %arg4[%add3A_686, %dma_start3A_697] : memref<409600x128xf32, #tpu.memory_space<hbm>> -> memref<64x128xf32, #tpu.memory_space<hbm>>
    %dma_start3A_699 = arith.constant 0 : i32
    %dma_start3A_700 = arith.constant 0 : i32
    %dma_start3A_701 = tpu.memref_slice %arg7[%dma_start3A_687, %dma_start3A_699, %dma_start3A_700] : memref<4x64x128xf32, #tpu.memory_space<vmem>> -> memref<1x64x128xf32, #tpu.memory_space<vmem>>
    %dma_start3A_702 = tpu.memref_squeeze %dma_start3A_701 : memref<1x64x128xf32, #tpu.memory_space<vmem>> -> memref<64x128xf32, #tpu.memory_space<vmem>>
    tpu.enqueue_dma source(%dma_start3A_702 : memref<64x128xf32, #tpu.memory_space<vmem>>) target(%dma_start3A_698 : memref<64x128xf32, #tpu.memory_space<hbm>>) target_semaphore(%dma_start3A_696 : memref<!tpu.dma_semaphore, #tpu.memory_space<semaphore_mem>>)
    %dma_wait3A_703 = arith.constant 0 : i32
    %dma_wait3A_704 = arith.constant 0 : i32
    %dma_wait3A_705 = arith.constant 0 : i32
    %dma_wait3A_706 = arith.constant 0 : i32
    %dma_wait3A_707 = tpu.memref_slice %arg7[%dma_wait3A_703, %dma_wait3A_705, %dma_wait3A_706] : memref<4x64x128xf32, #tpu.memory_space<vmem>> -> memref<1x64x128xf32, #tpu.memory_space<vmem>>
    %dma_wait3A_708 = tpu.memref_squeeze %dma_wait3A_707 : memref<1x64x128xf32, #tpu.memory_space<vmem>> -> memref<64x128xf32, #tpu.memory_space<vmem>>
    %dma_wait3A_709 = arith.constant 0 : i32
    %dma_wait3A_710 = arith.constant 0 : i32
    %dma_wait3A_711 = tpu.memref_slice %arg4[%dma_wait3A_709, %dma_wait3A_710] : memref<409600x128xf32, #tpu.memory_space<hbm>> -> memref<64x128xf32, #tpu.memory_space<hbm>>
    %dma_wait3A_712 = tpu.memref_slice %arg9[%dma_wait3A_704] : memref<4x!tpu.dma_semaphore, #tpu.memory_space<semaphore_mem>> -> memref<1x!tpu.dma_semaphore, #tpu.memory_space<semaphore_mem>>
    %dma_wait3A_713 = tpu.memref_squeeze %dma_wait3A_712 : memref<1x!tpu.dma_semaphore, #tpu.memory_space<semaphore_mem>> -> memref<!tpu.dma_semaphore, #tpu.memory_space<semaphore_mem>>
    %dma_wait3A_714 = arith.constant 0 : i32
    %dma_wait3A_715 = arith.constant 0 : i32
    %dma_wait3A_716 = tpu.memref_slice %arg4[%dma_wait3A_714, %dma_wait3A_715] : memref<409600x128xf32, #tpu.memory_space<hbm>> -> memref<64x128xf32, #tpu.memory_space<hbm>>
    %dma_wait3A_717 = arith.constant 0 : i32
    %dma_wait3A_718 = arith.constant 0 : i32
    %dma_wait3A_719 = tpu.memref_slice %arg7[%dma_wait3A_703, %dma_wait3A_717, %dma_wait3A_718] : memref<4x64x128xf32, #tpu.memory_space<vmem>> -> memref<1x64x128xf32, #tpu.memory_space<vmem>>
    %dma_wait3A_720 = tpu.memref_squeeze %dma_wait3A_719 : memref<1x64x128xf32, #tpu.memory_space<vmem>> -> memref<64x128xf32, #tpu.memory_space<vmem>>
    tpu.wait_dma2 semaphore(%dma_wait3A_713 : memref<!tpu.dma_semaphore, #tpu.memory_space<semaphore_mem>>) src(%dma_wait3A_720 : memref<64x128xf32, #tpu.memory_space<vmem>>) dst(%dma_wait3A_716 : memref<64x128xf32, #tpu.memory_space<hbm>>)
    %dma_wait3A_721 = arith.constant 1 : i32
    %dma_wait3A_722 = arith.constant 1 : i32
    %dma_wait3A_723 = arith.constant 0 : i32
    %dma_wait3A_724 = arith.constant 0 : i32
    %dma_wait3A_725 = tpu.memref_slice %arg7[%dma_wait3A_721, %dma_wait3A_723, %dma_wait3A_724] : memref<4x64x128xf32, #tpu.memory_space<vmem>> -> memref<1x64x128xf32, #tpu.memory_space<vmem>>
    %dma_wait3A_726 = tpu.memref_squeeze %dma_wait3A_725 : memref<1x64x128xf32, #tpu.memory_space<vmem>> -> memref<64x128xf32, #tpu.memory_space<vmem>>
    %dma_wait3A_727 = arith.constant 0 : i32
    %dma_wait3A_728 = arith.constant 0 : i32
    %dma_wait3A_729 = tpu.memref_slice %arg4[%dma_wait3A_727, %dma_wait3A_728] : memref<409600x128xf32, #tpu.memory_space<hbm>> -> memref<64x128xf32, #tpu.memory_space<hbm>>
    %dma_wait3A_730 = tpu.memref_slice %arg9[%dma_wait3A_722] : memref<4x!tpu.dma_semaphore, #tpu.memory_space<semaphore_mem>> -> memref<1x!tpu.dma_semaphore, #tpu.memory_space<semaphore_mem>>
    %dma_wait3A_731 = tpu.memref_squeeze %dma_wait3A_730 : memref<1x!tpu.dma_semaphore, #tpu.memory_space<semaphore_mem>> -> memref<!tpu.dma_semaphore, #tpu.memory_space<semaphore_mem>>
    %dma_wait3A_732 = arith.constant 0 : i32
    %dma_wait3A_733 = arith.constant 0 : i32
    %dma_wait3A_734 = tpu.memref_slice %arg4[%dma_wait3A_732, %dma_wait3A_733] : memref<409600x128xf32, #tpu.memory_space<hbm>> -> memref<64x128xf32, #tpu.memory_space<hbm>>
    %dma_wait3A_735 = arith.constant 0 : i32
    %dma_wait3A_736 = arith.constant 0 : i32
    %dma_wait3A_737 = tpu.memref_slice %arg7[%dma_wait3A_721, %dma_wait3A_735, %dma_wait3A_736] : memref<4x64x128xf32, #tpu.memory_space<vmem>> -> memref<1x64x128xf32, #tpu.memory_space<vmem>>
    %dma_wait3A_738 = tpu.memref_squeeze %dma_wait3A_737 : memref<1x64x128xf32, #tpu.memory_space<vmem>> -> memref<64x128xf32, #tpu.memory_space<vmem>>
    tpu.wait_dma2 semaphore(%dma_wait3A_731 : memref<!tpu.dma_semaphore, #tpu.memory_space<semaphore_mem>>) src(%dma_wait3A_738 : memref<64x128xf32, #tpu.memory_space<vmem>>) dst(%dma_wait3A_734 : memref<64x128xf32, #tpu.memory_space<hbm>>)
    %dma_wait3A_739 = arith.constant 2 : i32
    %dma_wait3A_740 = arith.constant 2 : i32
    %dma_wait3A_741 = arith.constant 0 : i32
    %dma_wait3A_742 = arith.constant 0 : i32
    %dma_wait3A_743 = tpu.memref_slice %arg7[%dma_wait3A_739, %dma_wait3A_741, %dma_wait3A_742] : memref<4x64x128xf32, #tpu.memory_space<vmem>> -> memref<1x64x128xf32, #tpu.memory_space<vmem>>
    %dma_wait3A_744 = tpu.memref_squeeze %dma_wait3A_743 : memref<1x64x128xf32, #tpu.memory_space<vmem>> -> memref<64x128xf32, #tpu.memory_space<vmem>>
    %dma_wait3A_745 = arith.constant 0 : i32
    %dma_wait3A_746 = arith.constant 0 : i32
    %dma_wait3A_747 = tpu.memref_slice %arg4[%dma_wait3A_745, %dma_wait3A_746] : memref<409600x128xf32, #tpu.memory_space<hbm>> -> memref<64x128xf32, #tpu.memory_space<hbm>>
    %dma_wait3A_748 = tpu.memref_slice %arg9[%dma_wait3A_740] : memref<4x!tpu.dma_semaphore, #tpu.memory_space<semaphore_mem>> -> memref<1x!tpu.dma_semaphore, #tpu.memory_space<semaphore_mem>>
    %dma_wait3A_749 = tpu.memref_squeeze %dma_wait3A_748 : memref<1x!tpu.dma_semaphore, #tpu.memory_space<semaphore_mem>> -> memref<!tpu.dma_semaphore, #tpu.memory_space<semaphore_mem>>
    %dma_wait3A_750 = arith.constant 0 : i32
    %dma_wait3A_751 = arith.constant 0 : i32
    %dma_wait3A_752 = tpu.memref_slice %arg4[%dma_wait3A_750, %dma_wait3A_751] : memref<409600x128xf32, #tpu.memory_space<hbm>> -> memref<64x128xf32, #tpu.memory_space<hbm>>
    %dma_wait3A_753 = arith.constant 0 : i32
    %dma_wait3A_754 = arith.constant 0 : i32
    %dma_wait3A_755 = tpu.memref_slice %arg7[%dma_wait3A_739, %dma_wait3A_753, %dma_wait3A_754] : memref<4x64x128xf32, #tpu.memory_space<vmem>> -> memref<1x64x128xf32, #tpu.memory_space<vmem>>
    %dma_wait3A_756 = tpu.memref_squeeze %dma_wait3A_755 : memref<1x64x128xf32, #tpu.memory_space<vmem>> -> memref<64x128xf32, #tpu.memory_space<vmem>>
    tpu.wait_dma2 semaphore(%dma_wait3A_749 : memref<!tpu.dma_semaphore, #tpu.memory_space<semaphore_mem>>) src(%dma_wait3A_756 : memref<64x128xf32, #tpu.memory_space<vmem>>) dst(%dma_wait3A_752 : memref<64x128xf32, #tpu.memory_space<hbm>>)
    %dma_wait3A_757 = arith.constant 3 : i32
    %dma_wait3A_758 = arith.constant 3 : i32
    %dma_wait3A_759 = arith.constant 0 : i32
    %dma_wait3A_760 = arith.constant 0 : i32
    %dma_wait3A_761 = tpu.memref_slice %arg7[%dma_wait3A_757, %dma_wait3A_759, %dma_wait3A_760] : memref<4x64x128xf32, #tpu.memory_space<vmem>> -> memref<1x64x128xf32, #tpu.memory_space<vmem>>
    %dma_wait3A_762 = tpu.memref_squeeze %dma_wait3A_761 : memref<1x64x128xf32, #tpu.memory_space<vmem>> -> memref<64x128xf32, #tpu.memory_space<vmem>>
    %dma_wait3A_763 = arith.constant 0 : i32
    %dma_wait3A_764 = arith.constant 0 : i32
    %dma_wait3A_765 = tpu.memref_slice %arg4[%dma_wait3A_763, %dma_wait3A_764] : memref<409600x128xf32, #tpu.memory_space<hbm>> -> memref<64x128xf32, #tpu.memory_space<hbm>>
    %dma_wait3A_766 = tpu.memref_slice %arg9[%dma_wait3A_758] : memref<4x!tpu.dma_semaphore, #tpu.memory_space<semaphore_mem>> -> memref<1x!tpu.dma_semaphore, #tpu.memory_space<semaphore_mem>>
    %dma_wait3A_767 = tpu.memref_squeeze %dma_wait3A_766 : memref<1x!tpu.dma_semaphore, #tpu.memory_space<semaphore_mem>> -> memref<!tpu.dma_semaphore, #tpu.memory_space<semaphore_mem>>
    %dma_wait3A_768 = arith.constant 0 : i32
    %dma_wait3A_769 = arith.constant 0 : i32
    %dma_wait3A_770 = tpu.memref_slice %arg4[%dma_wait3A_768, %dma_wait3A_769] : memref<409600x128xf32, #tpu.memory_space<hbm>> -> memref<64x128xf32, #tpu.memory_space<hbm>>
    %dma_wait3A_771 = arith.constant 0 : i32
    %dma_wait3A_772 = arith.constant 0 : i32
    %dma_wait3A_773 = tpu.memref_slice %arg7[%dma_wait3A_757, %dma_wait3A_771, %dma_wait3A_772] : memref<4x64x128xf32, #tpu.memory_space<vmem>> -> memref<1x64x128xf32, #tpu.memory_space<vmem>>
    %dma_wait3A_774 = tpu.memref_squeeze %dma_wait3A_773 : memref<1x64x128xf32, #tpu.memory_space<vmem>> -> memref<64x128xf32, #tpu.memory_space<vmem>>
    tpu.wait_dma2 semaphore(%dma_wait3A_767 : memref<!tpu.dma_semaphore, #tpu.memory_space<semaphore_mem>>) src(%dma_wait3A_774 : memref<64x128xf32, #tpu.memory_space<vmem>>) dst(%dma_wait3A_770 : memref<64x128xf32, #tpu.memory_space<hbm>>)
    return
  }
}

</mosaic_0001>

<sc_bundles>
// kernel: _embed.3.cloned.1.call-start
scs
__scs_entry_jumppad:
0x0: {  	(pc) =	sbr.rel $0x88, $3  }
0x1: {  	(tag) =	ssettag $0x0;
	lr =	simm.s32 $0x1  }
0x2: {  	[smem:$0x3F9F] =	sst lr;
	_ =	strace $0xD0000000  }
0x3: {  	_ = 	snop  }
0x4: {  	_ = 	snop  }
0x5: {  	_ = 	snop  }
0x6: {  	_ = 	snop  }
0x7: {  	_ = 	snop  }
__scs_overlays_trampoline_lowered:
0x8: {  	[smem:$0x3FAE] =	sst s0  }
0x9: {  	[smem:$0x3FAF] =	sst s1  }
0xa: {  	[smem:$0x3FB0] =	sst s2  }
0xb: {  	[smem:$0x3FB1] =	sst s3  }
0xc: {  	[smem:$0x3FB2] =	sst s4  }
0xd: {  	[smem:$0x3FB3] =	sst s5  }
0xe: {  	[smem:$0x3FB4] =	sst s6  }
0xf: {  	[smem:$0x3FB5] =	sst s7  }
0x10: {  	[smem:$0x3FB6] =	sst s8  }
0x11: {  	[smem:$0x3FB7] =	sst s9;
	s0 =	simm.s32 @!p0 $0x0  }
0x12: {  	s1 =	sld [smem:$0x3F9D];
	s0 =	simm.s32 @p0 $0x1  }
0x13: {  	[smem:$0x3FB8] =	sst s0;
	s0 =	simm.s32 @!p1 $0x0  }
0x14: {  	s2 =	sld [smem:$0x3F9C];
	s0 =	simm.s32 @p1 $0x1  }
0x15: {  	[smem:$0x3FB9] =	sst s0;
	s0 =	simm.s32 @!p2 $0x0  }
0x16: {  	s3 =	sld [smem:$0x3FDB];
	s0 =	simm.s32 @p2 $0x1  }
0x17: {  	s4 =	simm.s32 $0x1BF5;
	[smem:$0x3FBB] =	sst s0  }
0x18: {  	s0 =	sld [smem:$0x3F9E];
	_ =	swait.ge [sflag:s4], $0x0  }
0x19: {  	s7 =	sld [smem:$0x3F9F]  }
0x1a: {  	s8 =	sadd.s32 $0xFFFFE003, lr  }
0x1b: {  	s9 =	sadd.s32 $0xFFFFFEF7, lr;
	s5 =	simm.s32 $0xFFFFFFFF;
	p2 =	slt.u32 s8, $0xFFFFF086  }
0x1c: {  	p1 =	slt.u32 s9, $0xF7A;
	s5 =	simm.s32 @!p2 $0x0  }
0x1d: {  	s5 =	simm.s32 @p1 $0x1;
	p0 =	seq.s32 s7, s2  }
0x1e: {  	s7 =	smul.u32 @!p0 $0xF7A, s2;
	p2 =	seq.s32 @!p0 s5, $0x0  }
0x1f: {  	s9 =	smul.u32 $0xF7A, s1;
	s8 =	simm.s32 @!p0 $0x1BF5;
	p2 =	por !p2, p0  }
0x20: {  	[sflag:s8] =	ssyncset.s32 @!p0 $0xFFFFF086;
	s6 =	sadd.s32 @!p0 s3, s7;
	s7 =	simm.s32 @!p0 $0x108  }
0x21: {  	s3 =	sadd.s32 s3, s9;
	s6 =	sadd.s32 @!p0 $0x88, s6;
	s7 =	simm.s32 @p2 $0x1082  }
0x22: {  	[simem:s7], [sflag:s8] =	dma.local @!p0 [hbm:s6], $0xF7A  }
0x23: {  	s9 =	sor.u32 $0xD0000000, s2;
	s6 =	simm.s32 $0x108;
	_ =	swait.ge @!p0 [sflag:s8], $0x0  }
0x24: {  	s3 =	sadd.s32 $0x88, s3;
	s6 =	simm.s32 @!p1 $0x1082;
	[sflag:s4] =	ssyncset.s32 $0xFFFFF086  }
0x25: {  	[simem:s6], [sflag:s4] =	dma.local [hbm:s3], $0xF7A  }
0x26: {  	[smem:$0x3F9F] =	sst s1;
	(tag) =	ssettag s2;
	_ =	strace s9  }
0x27: {  	s1 =	sld [smem:$0x3FAF]  }
0x28: {  	s2 =	sld [smem:$0x3FB0]  }
0x29: {  	s4 =	sld [smem:$0x3FB2]  }
0x2a: {  	p0 =	seq.s32 s5, $0x0;
	s5 =	sld [smem:$0x3FB3]  }
0x2b: {  	s6 =	sld [smem:$0x3FB4]  }
0x2c: {  	s7 =	sld [smem:$0x3FB5]  }
0x2d: {  	s3 =	simm.s32 $0x108;
	s8 =	sld [smem:$0x3FB6]  }
0x2e: {  	s3 =	simm.s32 @!p0 $0x1082;
	s9 =	sld [smem:$0x3FB7]  }
0x2f: {  	lr =	sadd.s32 s0, s3;
	s0 =	sld [smem:$0x3FAE]  }
0x30: {  	s3 =	sld [smem:$0x3FB1]  }
0x31: {  	[smem:$0x3FBA] =	sst s10  }
0x32: {  	s10 =	sld [smem:$0x3FB8];
	_ =	sdelay $0x3  }
0x33: {  	p0 =	seq.s32 s10, $0x1;
	s10 =	sld [smem:$0x3FBA];
	_ =	sdelay $0x3  }
0x34: {  	[smem:$0x3FBA] =	sst s10  }
0x35: {  	s10 =	sld [smem:$0x3FB9];
	_ =	sdelay $0x3  }
0x36: {  	p1 =	seq.s32 s10, $0x1;
	s10 =	sld [smem:$0x3FBA];
	_ =	sdelay $0x3  }
0x37: {  	[smem:$0x3FBA] =	sst s10  }
0x38: {  	s10 =	sld [smem:$0x3FBB]  }
0x39: {  	_ = 	snop;
	(pc) =	sbr.ind lr, $3  }
0x3a: {  	_ = 	snop  }
0x3b: {  	_ = 	snop  }
0x3c: {  	p2 =	seq.s32 s10, $0x1;
	s10 =	sld [smem:$0x3FBA]  }
0x3d: {  	_ =	shalt  }
0x3e: {  	_ =	shalt  }
0x3f: {  	_ =	shalt  }
0x40: {  	_ =	shalt  }
0x41: {  	_ =	shalt  }
0x42: {  	_ =	shalt  }
0x43: {  	_ =	shalt  }
0x44: {  	_ =	shalt  }
0x45: {  	_ =	shalt  }
0x46: {  	_ =	shalt  }
0x47: {  	_ =	shalt  }
0x48: {  	_ =	shalt  }
0x49: {  	_ =	shalt  }
0x4a: {  	_ =	shalt  }
0x4b: {  	_ =	shalt  }
0x4c: {  	_ =	shalt  }
0x4d: {  	_ =	shalt  }
0x4e: {  	_ =	shalt  }
0x4f: {  	_ =	shalt  }
0x50: {  	_ =	shalt  }
0x51: {  	_ =	shalt  }
0x52: {  	_ =	shalt  }
0x53: {  	_ =	shalt  }
0x54: {  	_ =	shalt  }
0x55: {  	_ =	shalt  }
0x56: {  	_ =	shalt  }
0x57: {  	_ =	shalt  }
0x58: {  	_ =	shalt  }
0x59: {  	_ =	shalt  }
0x5a: {  	_ =	shalt  }
0x5b: {  	_ =	shalt  }
0x5c: {  	_ =	shalt  }
0x5d: {  	_ =	shalt  }
0x5e: {  	_ =	shalt  }
0x5f: {  	_ =	shalt  }
0x60: {  	_ =	shalt  }
0x61: {  	_ =	shalt  }
0x62: {  	_ =	shalt  }
0x63: {  	_ =	shalt  }
0x64: {  	_ =	shalt  }
0x65: {  	_ =	shalt  }
0x66: {  	_ =	shalt  }
0x67: {  	_ =	shalt  }
0x68: {  	_ =	shalt  }
0x69: {  	_ =	shalt  }
0x6a: {  	_ =	shalt  }
0x6b: {  	_ =	shalt  }
0x6c: {  	_ =	shalt  }
0x6d: {  	_ =	shalt  }
0x6e: {  	_ =	shalt  }
0x6f: {  	_ =	shalt  }
0x70: {  	_ =	shalt  }
0x71: {  	_ =	shalt  }
0x72: {  	_ =	shalt  }
0x73: {  	_ =	shalt  }
0x74: {  	_ =	shalt  }
0x75: {  	_ =	shalt  }
0x76: {  	_ =	shalt  }
0x77: {  	_ =	shalt  }
0x78: {  	_ =	shalt  }
0x79: {  	_ =	shalt  }
0x7a: {  	_ =	shalt  }
0x7b: {  	_ =	shalt  }
0x7c: {  	_ =	shalt  }
0x7d: {  	_ =	shalt  }
0x7e: {  	_ =	shalt  }
0x7f: {  	_ =	shalt  }
0x80: {  	_ =	shalt  }
0x81: {  	_ =	shalt  }
0x82: {  	_ =	shalt  }
0x83: {  	_ =	shalt  }
0x84: {  	_ =	shalt  }
0x85: {  	_ =	shalt  }
0x86: {  	_ =	shalt  }
0x87: {  	_ =	shalt  }
.Lfunc_end0:
.L_simem_size_0:
called_computation_lowered:
.L_overlay_start_0:
0x88: {  	s2 =	sld [smem:$0x3FD9]  }
0x89: {  	s3 =	sld [smem:$0x3FFE];
	_ =	sdelay $0x1  }
0x8a: {  	s1 =	srdreg.scid  }
0x8b: {  	s0 =	sand.u32 $0x1, s1  }
0x8c: {  	s17 =	sshll.u32 s0, $0xA;
	s2 =	sadd.s32 s3, s2  }
0x8d: {  	s2 =	sadd.s32 s2, s17  }
0x8e: {  	[smem:$0x3FC6] =	sst s2  }
0x8f: {  	_ = 	snop  }
0x90: {  	s2 =	sld [smem:$0x3FC9]  }
0x91: {  	s18 =	sld [smem:$0x3FD0];
	(tm) =	ssettm $0x1  }
0x92: {  	s4 =	sld [smem:$0x3FFB];
	_ =	sdelay $0x3  }
0x93: {  	_ =	strace s4  }
0x94: {  	s4 =	sld [smem:$0x3FFC];
	_ =	sdelay $0x3  }
0x95: {  	_ =	strace s4  }
0x96: {  	s4 =	sld [smem:$0x3FFD];
	_ =	sdelay $0x3  }
0x97: {  	_ =	strace s4  }
0x98: {  	_ =	strace $0x8FFFFFFF  }
0x99: {  	s19 =	sld [smem:$0x3FDB];
	_ =	sdelay $0x1  }
0x9a: {  	s5 =	simm.s32 $_scs_section_size  }
0x9b: {  	s6 =	simm.s32 $_size__tile_overlayer_lowered;
	s7 =	simm.s32 $_tile_overlayer_lowered  }
0x9c: {  	s22 =	simm.s32 $0x1BFF;
	s21 =	sshll.u32 s7, $0x1;
	s4 =	sadd.s32 s5, s19  }
0x9d: {  	s8 =	simm.s32 $0x0;
	s20 =	sshll.u32 s6, $0x1;
	s6 =	sadd.s32 s21, s4  }
0x9e: {  	[timem:s8], [sflag:s22] =	dma.local [hbm:s6], s20  }
0x9f: {  	_ =	swait.ge [sflag:s22], s20  }
0xa0: {  	s5 =	ssub.s32 $0x0, s20;
	[sflag:s22] =	ssyncset.done $0x0  }
0xa1: {  	[sflag:s22] =	ssyncadd.s32 s5;
	_ =	sdelay $0x1  }
0xa2: {  	s23 =	simm.s32 $0x1B8B  }
0xa3: {  	_ =	swait.ge [sflag:s23], $0x1  }
0xa4: {  	[sflag:s23] =	ssyncset.done $0x0  }
0xa5: {  	s25 =	simm.s32 $0x1B8E;
	s24 =	sld [smem:$0x3FFE];
	[sflag:s23] =	ssyncadd.s32 $0xFFFFFFFF  }
0xa6: {  	s26 =	simm.s32 $execute0_lowered;
	[smem:$0x3FD2] =	sst s25  }
0xa7: {  	s6 =	sshll.u32 s26, $0x1;
	_ =	strace $0x80000046;
	[dreg:$0x1] =	wrdreg $0xFFFFFFFF  }
0xa8: {  	s28 =	simm.s32 $_size_execute0_lowered;
	s4 =	sadd.s32 s4, s6;
	[dreg:$0x0] =	wrdreg $0x0  }
0xa9: {  	s6 =	sshll.u32 s28, $0x1;
	[dreg:$0x2] =	wrdreg s4  }
0xaa: {  	[dreg:$0x3] =	wrdreg s6  }
0xab: {  	[dreg:$0x4] =	wrdreg $0xC0  }
0xac: {  	_ =	task [dreg:s8], $0x5FFFF  }
0xad: {  	[dreg:$0x1] =	wrdreg $0xFFFFFFFF  }
0xae: {  	[dreg:$0x0] =	wrdreg $0x60  }
0xaf: {  	[dreg:$0x2] =	wrdreg s2  }
0xb0: {  	[dreg:$0x3] =	wrdreg s24  }
0xb1: {  	[dreg:$0x4] =	wrdreg s18  }
0xb2: {  	[dreg:$0x5] =	wrdreg $0x9  }
0xb3: {  	_ =	task.clear_ibuf [dreg:s8], $0x6FFFF;
	_ =	strace $0x90000046  }
0xb4: {  	s29 =	simm.s32 $0x9;
	_ =	strace $0x80000048  }
0xb5: {  	_ =	swait.ge [sflag:s29], $0x1  }
0xb6: {  	[sflag:s29] =	ssyncadd.s32 $0xFFFFFFFF  }
0xb7: {  	_ =	strace $0x90000048  }
0xb8: {  	_ =	sfence  }
0xb9: {  	s30 =	sld [smem:$0x0];
	_ =	sdelay $0x2  }
0xba: {  	s31 =	sshll.u32 s1, $0xD;
	s1 =	sshrl.u32 s1, $0x2  }
0xbb: {  	s3 =	sand.u32 $0x4000, s31;
	s1 =	sadd.s32 s1, s30  }
0xbc: {  	s0 =	sor.u32 s3, s0;
	s1 =	sshll.u32 s1, $0x11  }
0xbd: {  	s0 =	sor.u32 s1, s0  }
0xbe: {  	s0 =	sadd.s32 $0x8F2B, s0  }
0xbf: {  	[sflag:s0] =	ssyncadd.remote.s32 $0x1  }
0xc0: {  	_ =	sfence.sel $0xFFFF  }
0xc1: {  	[dreg:$0x0] =	wrdreg $0xFFFFFFFF;
	(pc) =	sbr.abs _section_cstart, $3  }
0xc2: {  	[dreg:$0x1] =	wrdreg $0xFFFFFFFF  }
0xc3: {  	_ =	task.clear_ibuf [dreg:s8], $0x2FFFF;
	_ =	strace $0x9FFFFFFF  }
0xc4: {  	(tm) =	ssettm $0x7FFFFFFF  }
0xc5: {  	_ =	shalt  }
tec
execute0_lowered:
.L_overlay_start_1:
0x0: {  	(tag) =	ssettag $0x1  }
0x1: {  	s0 =	rddreg [dreg:$0x0]  }
0x2: {  	s1 =	rddreg [dreg:$0x1];
	s3 =	srdreg.scid  }
0x3: {  	s5 =	stileid.u32;
	s2 =	rddreg [dreg:$0x2];
	s28 =	simm.s32 $0x1  }
0x4: {  	s29 =	simm.s32 $0xE400;
	s31 =	simm.s32 $0x2;
	s30 =	simm.s32 $0x14400  }
0x5: {  	s10 =	simm.s32 $0x8;
	s4 =	sand.u32 $0x1, s3;
	s5 =	sshll.u32 s5, $0x1  }
0x6: {  	s14 =	simm.s32 $0x0;
	s3 =	simm.s32 $0x0;
	s5 =	sor.u32 s4, s5  }
0x7: {  	[smem:$0x7FF] =	sst s3;
	s6 =	ssub.s32 $0x2, s4;
	s8 =	smul.u32 $0x6400, s5  }
0x8: {  	s4 =	sadd.s32 $0xF42800, s1;
	s7 =	sshrl.u32 s6, $0x1;
	s9 =	smul.u32 $0x32000, s5  }
0x9: {  	s1 =	simm.s32 $0x10400;
	_ =	strace $0x80000047;
	s15 =	ssub.s32 s6, s7  }
0xa: {  	s7 =	smul.u32 $0x190000, s5;
	s16 =	sshrl.u32 s8, $0x3;
	s17 =	sadd.s32 s2, s9  }
0xb: {  	s18 =	sshrl.u32 s8, $0x1;
	s26 =	smax.u32 s15, $0x1;
	s8 =	simm.s32 $0x6  }
0xc: {  	s9 =	simm.s32 $0x7;
	s0 =	sadd.s32 s0, s16;
	[dreg:$0x5] =	wrdreg s17  }
0xd: {  	s19 =	sadd.s32 $0x400, s17;
	s20 =	sadd.s32 $0x800, s17;
	[dreg:$0xd] =	wrdreg s26  }
0xe: {  	s21 =	sadd.s32 $0xC00, s17;
	s11 =	sor.u32 $0x40, s18;
	[dreg:$0x4] =	wrdreg s0  }
0xf: {  	s22 =	sshrl.u32 s7, $0x3;
	s12 =	sor.u32 $0x80, s18;
	[dreg:$0x6] =	wrdreg s19  }
0x10: {  	s13 =	sor.u32 $0xC0, s18;
	[dreg:$0x7] =	wrdreg s20;
	s23 =	sadd.s32 s2, s22  }
0x11: {  	s26 =	simm.s32 $0xC400;
	[dreg:$0x8] =	wrdreg s21;
	s5 =	sadd.s32 $0x31000, s23  }
0x12: {  	s20 =	simm.s32 $0x80;
	s24 =	sadd.s32 $0x31400, s23;
	[dreg:$0x9] =	wrdreg s5  }
0x13: {  	s21 =	simm.s32 $0x6400;
	s25 =	sadd.s32 $0x31800, s23;
	[dreg:$0xa] =	wrdreg s24  }
0x14: {  	s22 =	simm.s32 $0x8400;
	s0 =	sadd.s32 $0x31C00, s23;
	[dreg:$0xb] =	wrdreg s25  }
0x15: {  	s23 =	simm.s32 $0x3;
	[dreg:$0xc] =	wrdreg s0;
	s24 =	simm.s32 $0xA400  }
0x16: {  	s25 =	simm.s32 $0x12400;
	s0 =	simm.s32 $0x4;
	s5 =	simm.s32 $0x5  }
.LBB2_1:
0x17: {  	s6 =	rddreg [dreg:$0x4];
	s16 =	simm.s32 $0x9  }
0x18: {  	[tilespmem:s3], [sflag:$0x9] =	stream.linear.gather [hbm4b:s6+s3], $0x6400, $0x38;
	[tilespmem:$0x16400] =	vst v63  }
0x19: {  	_ =	swait.ge [sflag:s16], $0x6400  }
0x1a: {  	[sflag:s16] =	ssyncset.done $0x0  }
0x1b: {  	[sflag:s16] =	ssyncadd.s32 $0xFFFF9C00  }
0x1c: {  	[tilespmem:s21], [sflag:$0x1] =	stream.indirect.gather [hbm4b:s4+s20], $0x40, s3, s20, $0xb8;
	[tilespmem:$0x16400] =	vst v63  }
0x1d: {  	_ = 	snop  }
0x1e: {  	[tilespmem:s22], [sflag:$0x2] =	stream.indirect.gather [hbm4b:s4+s20], $0x40, s20, s20, $0xb8;
	[tilespmem:$0x16400] =	vst v63  }
0x1f: {  	s17 =	simm.s32 $0x100  }
0x20: {  	[tilespmem:s24], [sflag:$0x3] =	stream.indirect.gather [hbm4b:s4+s20], $0x40, s17, s20, $0xb8;
	[tilespmem:$0x16400] =	vst v63  }
0x21: {  	s18 =	simm.s32 $0x180  }
0x22: {  	[tilespmem:s26], [sflag:$0x4] =	stream.indirect.gather [hbm4b:s4+s20], $0x40, s18, s20, $0xb8;
	[tilespmem:$0x16400] =	vst v63  }
0x23: {  	_ =	swait.ge [sflag:s28], $0x2000  }
0x24: {  	[sflag:s28] =	ssyncset.done $0x0  }
0x25: {  	s19 =	simm.s32 $0x6480;
	[sflag:s28] =	ssyncadd.s32 $0xFFFFE000  }
0x26: {  	v0 =	vld [tilespmem:s19+$0xFFFFFF80];
	_ =	sdelay $0x4  }
0x27: {  	v0 =	vmul.f32 $8.000000000e+00, v0  }
0x28: {  	s15 =	simm.s32 $0xE480  }
0x29: {  	[tilespmem:s15+$0xFFFFFF80] =	vst v0  }
0x2a: {  	v0 =	vld [tilespmem:s19+$0xFFFFFF90];
	_ =	sdelay $0x4  }
0x2b: {  	v0 =	vmul.f32 $8.000000000e+00, v0;
	_ =	sdelay $0x1  }
0x2c: {  	[tilespmem:s15+$0xFFFFFF90] =	vst v0  }
0x2d: {  	v0 =	vld [tilespmem:s19+$0xFFFFFFA0];
	_ =	sdelay $0x4  }
0x2e: {  	v0 =	vmul.f32 $8.000000000e+00, v0;
	_ =	sdelay $0x1  }
0x2f: {  	[tilespmem:s15+$0xFFFFFFA0] =	vst v0  }
0x30: {  	v0 =	vld [tilespmem:s19+$0xFFFFFFB0];
	_ =	sdelay $0x4  }
0x31: {  	v0 =	vmul.f32 $8.000000000e+00, v0;
	_ =	sdelay $0x1  }
0x32: {  	[tilespmem:s15+$0xFFFFFFB0] =	vst v0  }
0x33: {  	v0 =	vld [tilespmem:s19+$0xFFFFFFC0];
	_ =	sdelay $0x4  }
0x34: {  	v0 =	vmul.f32 $8.000000000e+00, v0;
	_ =	sdelay $0x1  }
0x35: {  	[tilespmem:s15+$0xFFFFFFC0] =	vst v0  }
0x36: {  	v0 =	vld [tilespmem:s19+$0xFFFFFFD0];
	_ =	sdelay $0x4  }
0x37: {  	v0 =	vmul.f32 $8.000000000e+00, v0;
	_ =	sdelay $0x1  }
0x38: {  	[tilespmem:s15+$0xFFFFFFD0] =	vst v0  }
0x39: {  	v0 =	vld [tilespmem:s19+$0xFFFFFFE0];
	_ =	sdelay $0x4  }
0x3a: {  	v0 =	vmul.f32 $8.000000000e+00, v0;
	_ =	sdelay $0x1  }
0x3b: {  	[tilespmem:s15+$0xFFFFFFE0] =	vst v0  }
0x3c: {  	v0 =	vld [tilespmem:s19+$0xFFFFFFF0];
	_ =	sdelay $0x4  }
0x3d: {  	v0 =	vmul.f32 $8.000000000e+00, v0;
	_ =	sdelay $0x1  }
0x3e: {  	[tilespmem:s15+$0xFFFFFFF0] =	vst v0  }
0x3f: {  	v0 =	vld [tilespmem:s19+$0x0];
	_ =	sdelay $0x4  }
0x40: {  	v0 =	vmul.f32 $8.000000000e+00, v0;
	_ =	sdelay $0x1  }
0x41: {  	[tilespmem:s15+$0x0] =	vst v0  }
0x42: {  	v0 =	vld [tilespmem:s19+$0x10];
	_ =	sdelay $0x4  }
0x43: {  	v0 =	vmul.f32 $8.000000000e+00, v0;
	_ =	sdelay $0x1  }
0x44: {  	[tilespmem:s15+$0x10] =	vst v0  }
0x45: {  	v0 =	vld [tilespmem:s19+$0x20];
	_ =	sdelay $0x4  }
0x46: {  	v0 =	vmul.f32 $8.000000000e+00, v0;
	_ =	sdelay $0x1  }
0x47: {  	[tilespmem:s15+$0x20] =	vst v0  }
0x48: {  	v0 =	vld [tilespmem:s19+$0x30];
	_ =	sdelay $0x4  }
0x49: {  	v0 =	vmul.f32 $8.000000000e+00, v0;
	_ =	sdelay $0x1  }
0x4a: {  	[tilespmem:s15+$0x30] =	vst v0  }
0x4b: {  	v0 =	vld [tilespmem:s19+$0x40];
	_ =	sdelay $0x4  }
0x4c: {  	v0 =	vmul.f32 $8.000000000e+00, v0;
	_ =	sdelay $0x1  }
0x4d: {  	[tilespmem:s15+$0x40] =	vst v0  }
0x4e: {  	v0 =	vld [tilespmem:s19+$0x50];
	_ =	sdelay $0x4  }
0x4f: {  	v0 =	vmul.f32 $8.000000000e+00, v0;
	_ =	sdelay $0x1  }
0x50: {  	[tilespmem:s15+$0x50] =	vst v0  }
0x51: {  	v0 =	vld [tilespmem:s19+$0x60];
	_ =	sdelay $0x4  }
0x52: {  	v0 =	vmul.f32 $8.000000000e+00, v0;
	_ =	sdelay $0x1  }
0x53: {  	[tilespmem:s15+$0x60] =	vst v0  }
0x54: {  	v0 =	vld [tilespmem:s19+$0x70];
	_ =	sdelay $0x4  }
0x55: {  	v0 =	vmul.f32 $8.000000000e+00, v0;
	_ =	sdelay $0x1  }
0x56: {  	s16 =	simm.s32 $0x0;
	s17 =	simm.s32 $0x6580;
	[tilespmem:s15+$0x70] =	vst v0  }
.LBB2_2:
0x57: {  	v0 =	vld [tilespmem:s17+$0xFFFFFF80];
	s16 =	sadd.s32 $0x2, s16  }
0x58: {  	p0 =	slt.u32 s16, $0x3E;
	_ =	sdelay $0x3  }
0x59: {  	v0 =	vmul.f32 $8.000000000e+00, v0  }
0x5a: {  	s15 =	sadd.s32 $0x100, s15  }
0x5b: {  	[tilespmem:s15+$0xFFFFFF80] =	vst v0  }
0x5c: {  	v0 =	vld [tilespmem:s17+$0xFFFFFF90];
	_ =	sdelay $0x4  }
0x5d: {  	v0 =	vmul.f32 $8.000000000e+00, v0;
	_ =	sdelay $0x1  }
0x5e: {  	[tilespmem:s15+$0xFFFFFF90] =	vst v0  }
0x5f: {  	v0 =	vld [tilespmem:s17+$0xFFFFFFA0];
	_ =	sdelay $0x4  }
0x60: {  	v0 =	vmul.f32 $8.000000000e+00, v0;
	_ =	sdelay $0x1  }
0x61: {  	[tilespmem:s15+$0xFFFFFFA0] =	vst v0  }
0x62: {  	v0 =	vld [tilespmem:s17+$0xFFFFFFB0];
	_ =	sdelay $0x4  }
0x63: {  	v0 =	vmul.f32 $8.000000000e+00, v0;
	_ =	sdelay $0x1  }
0x64: {  	[tilespmem:s15+$0xFFFFFFB0] =	vst v0  }
0x65: {  	v0 =	vld [tilespmem:s17+$0xFFFFFFC0];
	_ =	sdelay $0x4  }
0x66: {  	v0 =	vmul.f32 $8.000000000e+00, v0;
	_ =	sdelay $0x1  }
0x67: {  	[tilespmem:s15+$0xFFFFFFC0] =	vst v0  }
0x68: {  	v0 =	vld [tilespmem:s17+$0xFFFFFFD0];
	_ =	sdelay $0x4  }
0x69: {  	v0 =	vmul.f32 $8.000000000e+00, v0;
	_ =	sdelay $0x1  }
0x6a: {  	[tilespmem:s15+$0xFFFFFFD0] =	vst v0  }
0x6b: {  	v0 =	vld [tilespmem:s17+$0xFFFFFFE0];
	_ =	sdelay $0x4  }
0x6c: {  	v0 =	vmul.f32 $8.000000000e+00, v0;
	_ =	sdelay $0x1  }
0x6d: {  	[tilespmem:s15+$0xFFFFFFE0] =	vst v0  }
0x6e: {  	v0 =	vld [tilespmem:s17+$0xFFFFFFF0];
	_ =	sdelay $0x4  }
0x6f: {  	v0 =	vmul.f32 $8.000000000e+00, v0;
	_ =	sdelay $0x1  }
0x70: {  	[tilespmem:s15+$0xFFFFFFF0] =	vst v0  }
0x71: {  	v0 =	vld [tilespmem:s17+$0x0];
	_ =	sdelay $0x4  }
0x72: {  	v0 =	vmul.f32 $8.000000000e+00, v0;
	_ =	sdelay $0x1  }
0x73: {  	[tilespmem:s15+$0x0] =	vst v0  }
0x74: {  	v0 =	vld [tilespmem:s17+$0x10];
	_ =	sdelay $0x4  }
0x75: {  	v0 =	vmul.f32 $8.000000000e+00, v0;
	_ =	sdelay $0x1  }
0x76: {  	[tilespmem:s15+$0x10] =	vst v0  }
0x77: {  	v0 =	vld [tilespmem:s17+$0x20];
	_ =	sdelay $0x4  }
0x78: {  	v0 =	vmul.f32 $8.000000000e+00, v0;
	_ =	sdelay $0x1  }
0x79: {  	[tilespmem:s15+$0x20] =	vst v0  }
0x7a: {  	v0 =	vld [tilespmem:s17+$0x30];
	_ =	sdelay $0x4  }
0x7b: {  	v0 =	vmul.f32 $8.000000000e+00, v0;
	_ =	sdelay $0x1  }
0x7c: {  	[tilespmem:s15+$0x30] =	vst v0  }
0x7d: {  	v0 =	vld [tilespmem:s17+$0x40];
	_ =	sdelay $0x4  }
0x7e: {  	v0 =	vmul.f32 $8.000000000e+00, v0;
	_ =	sdelay $0x1  }
0x7f: {  	[tilespmem:s15+$0x40] =	vst v0  }
0x80: {  	v0 =	vld [tilespmem:s17+$0x50];
	_ =	sdelay $0x4  }
0x81: {  	v0 =	vmul.f32 $8.000000000e+00, v0;
	_ =	sdelay $0x1  }
0x82: {  	[tilespmem:s15+$0x50] =	vst v0  }
0x83: {  	v0 =	vld [tilespmem:s17+$0x60];
	_ =	sdelay $0x4  }
0x84: {  	v0 =	vmul.f32 $8.000000000e+00, v0;
	_ =	sdelay $0x1  }
0x85: {  	[tilespmem:s15+$0x60] =	vst v0  }
0x86: {  	v0 =	vld [tilespmem:s17+$0x70];
	_ =	sdelay $0x2  }
.Ltmp0:
0x87: {  	(pc) =	sbr.rel @p0 .LBB2_2-.Ltmp0, $3  }
0x88: {  	_ = 	snop  }
0x89: {  	v0 =	vmul.f32 $8.000000000e+00, v0;
	_ =	sdelay $0x1  }
0x8a: {  	s17 =	sadd.s32 $0x100, s17;
	[tilespmem:s15+$0x70] =	vst v0  }
0x8b: {  	s6 =	rddreg [dreg:$0x5]  }
0x8c: {  	[hbm4b:s6+s3] =	stream.linear.scatter [tilespmem:s29], [sflag:$0x5], $0x2000, $0x38;
	[tilespmem:$0x16400] =	vst v63  }
0x8d: {  	[dreg:$0xe] =	wrdreg s14;
	s18 =	simm.s32 $0x200  }
0x8e: {  	[tilespmem:s21], [sflag:$0x1] =	stream.indirect.gather [hbm4b:s4+s20], $0x40, s18, s20, $0xb8;
	[tilespmem:$0x16400] =	vst v63  }
0x8f: {  	_ =	swait.ge [sflag:s31], $0x2000  }
0x90: {  	[sflag:s31] =	ssyncset.done $0x0  }
0x91: {  	s19 =	simm.s32 $0x84F0;
	[sflag:s31] =	ssyncadd.s32 $0xFFFFE000  }
0x92: {  	v0 =	vld [tilespmem:s19+$0xFFFFFF10];
	_ =	sdelay $0x4  }
0x93: {  	v0 =	vmul.f32 $8.000000000e+00, v0  }
0x94: {  	s15 =	simm.s32 $0x104F0  }
0x95: {  	[tilespmem:s15+$0xFFFFFF10] =	vst v0  }
0x96: {  	v0 =	vld [tilespmem:s19+$0xFFFFFF20];
	_ =	sdelay $0x4  }
0x97: {  	v0 =	vmul.f32 $8.000000000e+00, v0;
	_ =	sdelay $0x1  }
0x98: {  	[tilespmem:s15+$0xFFFFFF20] =	vst v0  }
0x99: {  	v0 =	vld [tilespmem:s19+$0xFFFFFF30];
	_ =	sdelay $0x4  }
0x9a: {  	v0 =	vmul.f32 $8.000000000e+00, v0;
	_ =	sdelay $0x1  }
0x9b: {  	[tilespmem:s15+$0xFFFFFF30] =	vst v0  }
0x9c: {  	v0 =	vld [tilespmem:s19+$0xFFFFFF40];
	_ =	sdelay $0x4  }
0x9d: {  	v0 =	vmul.f32 $8.000000000e+00, v0;
	_ =	sdelay $0x1  }
0x9e: {  	[tilespmem:s15+$0xFFFFFF40] =	vst v0  }
0x9f: {  	v0 =	vld [tilespmem:s19+$0xFFFFFF50];
	_ =	sdelay $0x4  }
0xa0: {  	v0 =	vmul.f32 $8.000000000e+00, v0;
	_ =	sdelay $0x1  }
0xa1: {  	[tilespmem:s15+$0xFFFFFF50] =	vst v0  }
0xa2: {  	v0 =	vld [tilespmem:s19+$0xFFFFFF60];
	_ =	sdelay $0x4  }
0xa3: {  	v0 =	vmul.f32 $8.000000000e+00, v0;
	_ =	sdelay $0x1  }
0xa4: {  	[tilespmem:s15+$0xFFFFFF60] =	vst v0  }
0xa5: {  	v0 =	vld [tilespmem:s19+$0xFFFFFF70];
	_ =	sdelay $0x4  }
0xa6: {  	v0 =	vmul.f32 $8.000000000e+00, v0;
	_ =	sdelay $0x1  }
0xa7: {  	[tilespmem:s15+$0xFFFFFF70] =	vst v0  }
0xa8: {  	v0 =	vld [tilespmem:s19+$0xFFFFFF80];
	_ =	sdelay $0x4  }
0xa9: {  	v0 =	vmul.f32 $8.000000000e+00, v0;
	_ =	sdelay $0x1  }
0xaa: {  	[tilespmem:s15+$0xFFFFFF80] =	vst v0  }
0xab: {  	v0 =	vld [tilespmem:s19+$0xFFFFFF90];
	_ =	sdelay $0x4  }
0xac: {  	v0 =	vmul.f32 $8.000000000e+00, v0;
	_ =	sdelay $0x1  }
0xad: {  	[tilespmem:s15+$0xFFFFFF90] =	vst v0  }
0xae: {  	v0 =	vld [tilespmem:s19+$0xFFFFFFA0];
	_ =	sdelay $0x4  }
0xaf: {  	v0 =	vmul.f32 $8.000000000e+00, v0;
	_ =	sdelay $0x1  }
0xb0: {  	[tilespmem:s15+$0xFFFFFFA0] =	vst v0  }
0xb1: {  	v0 =	vld [tilespmem:s19+$0xFFFFFFB0];
	_ =	sdelay $0x4  }
0xb2: {  	v0 =	vmul.f32 $8.000000000e+00, v0;
	_ =	sdelay $0x1  }
0xb3: {  	[tilespmem:s15+$0xFFFFFFB0] =	vst v0  }
0xb4: {  	v0 =	vld [tilespmem:s19+$0xFFFFFFC0];
	_ =	sdelay $0x4  }
0xb5: {  	v0 =	vmul.f32 $8.000000000e+00, v0;
	_ =	sdelay $0x1  }
0xb6: {  	[tilespmem:s15+$0xFFFFFFC0] =	vst v0  }
0xb7: {  	v0 =	vld [tilespmem:s19+$0xFFFFFFD0];
	_ =	sdelay $0x4  }
0xb8: {  	v0 =	vmul.f32 $8.000000000e+00, v0;
	_ =	sdelay $0x1  }
0xb9: {  	[tilespmem:s15+$0xFFFFFFD0] =	vst v0  }
0xba: {  	v0 =	vld [tilespmem:s19+$0xFFFFFFE0];
	_ =	sdelay $0x4  }
0xbb: {  	v0 =	vmul.f32 $8.000000000e+00, v0;
	_ =	sdelay $0x1  }
0xbc: {  	[tilespmem:s15+$0xFFFFFFE0] =	vst v0  }
0xbd: {  	v0 =	vld [tilespmem:s19+$0xFFFFFFF0];
	_ =	sdelay $0x4  }
0xbe: {  	v0 =	vmul.f32 $8.000000000e+00, v0;
	_ =	sdelay $0x1  }
0xbf: {  	[tilespmem:s15+$0xFFFFFFF0] =	vst v0  }
0xc0: {  	v0 =	vld [tilespmem:s19+$0x0];
	_ =	sdelay $0x4  }
0xc1: {  	v0 =	vmul.f32 $8.000000000e+00, v0;
	_ =	sdelay $0x1  }
0xc2: {  	s16 =	simm.s32 $0x0;
	s17 =	simm.s32 $0x85F0;
	[tilespmem:s15+$0x0] =	vst v0  }
.LBB2_4:
0xc3: {  	v0 =	vld [tilespmem:s17+$0xFFFFFF10];
	s16 =	sadd.s32 $0x2, s16  }
0xc4: {  	p0 =	slt.u32 s16, $0x3E;
	_ =	sdelay $0x3  }
0xc5: {  	v0 =	vmul.f32 $8.000000000e+00, v0  }
0xc6: {  	s15 =	sadd.s32 $0x100, s15  }
0xc7: {  	[tilespmem:s15+$0xFFFFFF10] =	vst v0  }
0xc8: {  	v0 =	vld [tilespmem:s17+$0xFFFFFF20];
	_ =	sdelay $0x4  }
0xc9: {  	v0 =	vmul.f32 $8.000000000e+00, v0;
	_ =	sdelay $0x1  }
0xca: {  	[tilespmem:s15+$0xFFFFFF20] =	vst v0  }
0xcb: {  	v0 =	vld [tilespmem:s17+$0xFFFFFF30];
	_ =	sdelay $0x4  }
0xcc: {  	v0 =	vmul.f32 $8.000000000e+00, v0;
	_ =	sdelay $0x1  }
0xcd: {  	[tilespmem:s15+$0xFFFFFF30] =	vst v0  }
0xce: {  	v0 =	vld [tilespmem:s17+$0xFFFFFF40];
	_ =	sdelay $0x4  }
0xcf: {  	v0 =	vmul.f32 $8.000000000e+00, v0;
	_ =	sdelay $0x1  }
0xd0: {  	[tilespmem:s15+$0xFFFFFF40] =	vst v0  }
0xd1: {  	v0 =	vld [tilespmem:s17+$0xFFFFFF50];
	_ =	sdelay $0x4  }
0xd2: {  	v0 =	vmul.f32 $8.000000000e+00, v0;
	_ =	sdelay $0x1  }
0xd3: {  	[tilespmem:s15+$0xFFFFFF50] =	vst v0  }
0xd4: {  	v0 =	vld [tilespmem:s17+$0xFFFFFF60];
	_ =	sdelay $0x4  }
0xd5: {  	v0 =	vmul.f32 $8.000000000e+00, v0;
	_ =	sdelay $0x1  }
0xd6: {  	[tilespmem:s15+$0xFFFFFF60] =	vst v0  }
0xd7: {  	v0 =	vld [tilespmem:s17+$0xFFFFFF70];
	_ =	sdelay $0x4  }
0xd8: {  	v0 =	vmul.f32 $8.000000000e+00, v0;
	_ =	sdelay $0x1  }
0xd9: {  	[tilespmem:s15+$0xFFFFFF70] =	vst v0  }
0xda: {  	v0 =	vld [tilespmem:s17+$0xFFFFFF80];
	_ =	sdelay $0x4  }
0xdb: {  	v0 =	vmul.f32 $8.000000000e+00, v0;
	_ =	sdelay $0x1  }
0xdc: {  	[tilespmem:s15+$0xFFFFFF80] =	vst v0  }
0xdd: {  	v0 =	vld [tilespmem:s17+$0xFFFFFF90];
	_ =	sdelay $0x4  }
0xde: {  	v0 =	vmul.f32 $8.000000000e+00, v0;
	_ =	sdelay $0x1  }
0xdf: {  	[tilespmem:s15+$0xFFFFFF90] =	vst v0  }
0xe0: {  	v0 =	vld [tilespmem:s17+$0xFFFFFFA0];
	_ =	sdelay $0x4  }
0xe1: {  	v0 =	vmul.f32 $8.000000000e+00, v0;
	_ =	sdelay $0x1  }
0xe2: {  	[tilespmem:s15+$0xFFFFFFA0] =	vst v0  }
0xe3: {  	v0 =	vld [tilespmem:s17+$0xFFFFFFB0];
	_ =	sdelay $0x4  }
0xe4: {  	v0 =	vmul.f32 $8.000000000e+00, v0;
	_ =	sdelay $0x1  }
0xe5: {  	[tilespmem:s15+$0xFFFFFFB0] =	vst v0  }
0xe6: {  	v0 =	vld [tilespmem:s17+$0xFFFFFFC0];
	_ =	sdelay $0x4  }
0xe7: {  	v0 =	vmul.f32 $8.000000000e+00, v0;
	_ =	sdelay $0x1  }
0xe8: {  	[tilespmem:s15+$0xFFFFFFC0] =	vst v0  }
0xe9: {  	v0 =	vld [tilespmem:s17+$0xFFFFFFD0];
	_ =	sdelay $0x4  }
0xea: {  	v0 =	vmul.f32 $8.000000000e+00, v0;
	_ =	sdelay $0x1  }
0xeb: {  	[tilespmem:s15+$0xFFFFFFD0] =	vst v0  }
0xec: {  	v0 =	vld [tilespmem:s17+$0xFFFFFFE0];
	_ =	sdelay $0x4  }
0xed: {  	v0 =	vmul.f32 $8.000000000e+00, v0;
	_ =	sdelay $0x1  }
0xee: {  	[tilespmem:s15+$0xFFFFFFE0] =	vst v0  }
0xef: {  	v0 =	vld [tilespmem:s17+$0xFFFFFFF0];
	_ =	sdelay $0x4  }
0xf0: {  	v0 =	vmul.f32 $8.000000000e+00, v0;
	_ =	sdelay $0x1  }
0xf1: {  	[tilespmem:s15+$0xFFFFFFF0] =	vst v0  }
0xf2: {  	v0 =	vld [tilespmem:s17+$0x0];
	_ =	sdelay $0x2  }
.Ltmp1:
0xf3: {  	(pc) =	sbr.rel @p0 .LBB2_4-.Ltmp1, $3  }
0xf4: {  	_ = 	snop  }
0xf5: {  	v0 =	vmul.f32 $8.000000000e+00, v0;
	_ =	sdelay $0x1  }
0xf6: {  	s17 =	sadd.s32 $0x100, s17;
	[tilespmem:s15+$0x0] =	vst v0  }
0xf7: {  	s6 =	simm.s32 $0x0;
	s14 =	rddreg [dreg:$0x6]  }
0xf8: {  	[hbm4b:s14+s6] =	stream.linear.scatter [tilespmem:s1], [sflag:$0x6], $0x2000, $0x38;
	[tilespmem:$0x16400] =	vst v63  }
0xf9: {  	s19 =	simm.s32 $0x280  }
0xfa: {  	[tilespmem:s22], [sflag:$0x2] =	stream.indirect.gather [hbm4b:s4+s20], $0x40, s19, s20, $0xb8;
	[tilespmem:$0x16400] =	vst v63  }
0xfb: {  	_ =	swait.ge [sflag:s23], $0x2000  }
0xfc: {  	[sflag:s23] =	ssyncset.done $0x0  }
0xfd: {  	s6 =	simm.s32 $0x0;
	[sflag:s23] =	ssyncadd.s32 $0xFFFFE000  }
0xfe: {  	v0 =	vld [tilespmem:s6+$0xA4F0]  }
0xff: {  	v1 =	vld [tilespmem:s6+$0xA400]  }
0x100: {  	v2 =	vld [tilespmem:s6+$0xA410]  }
0x101: {  	v3 =	vld [tilespmem:s6+$0xA420]  }
0x102: {  	v4 =	vld [tilespmem:s6+$0xA430]  }
0x103: {  	v5 =	vld [tilespmem:s6+$0xA440];
	v0 =	vmul.f32 $8.000000000e+00, v0  }
0x104: {  	v6 =	vld [tilespmem:s6+$0xA450];
	v1 =	vmul.f32 $8.000000000e+00, v1  }
0x105: {  	v7 =	vld [tilespmem:s6+$0xA460];
	[tilespmem:s6+$0x124F0] =	vst v0;
	v0 =	vmul.f32 $8.000000000e+00, v2  }
0x106: {  	v8 =	vld [tilespmem:s6+$0xA470];
	[tilespmem:s6+$0x12400] =	vst v1;
	v1 =	vmul.f32 $8.000000000e+00, v3  }
0x107: {  	v9 =	vld [tilespmem:s6+$0xA480];
	[tilespmem:s6+$0x12410] =	vst v0;
	v0 =	vmul.f32 $8.000000000e+00, v4  }
0x108: {  	v2 =	vld [tilespmem:s6+$0xA490];
	[tilespmem:s6+$0x12420] =	vst v1;
	v1 =	vmul.f32 $8.000000000e+00, v5  }
0x109: {  	v3 =	vmul.f32 $8.000000000e+00, v6;
	[tilespmem:s6+$0x12430] =	vst v0;
	v0 =	vld [tilespmem:s6+$0xA4A0]  }
0x10a: {  	v4 =	vmul.f32 $8.000000000e+00, v7;
	[tilespmem:s6+$0x12440] =	vst v1;
	v1 =	vld [tilespmem:s6+$0xA4B0]  }
0x10b: {  	v6 =	vmul.f32 $8.000000000e+00, v8;
	[tilespmem:s6+$0x12450] =	vst v3;
	v3 =	vld [tilespmem:s6+$0xA4C0]  }
0x10c: {  	s15 =	simm.s32 $0x0;
	s16 =	simm.s32 $0x400;
	v5 =	vmul.f32 $8.000000000e+00, v9;
	[tilespmem:s6+$0x12460] =	vst v4;
	v4 =	vld [tilespmem:s6+$0xA4D0]  }
.LBB2_6:
0x10d: {  	s17 =	sshra.s32 s16, $0x2;
	s15 =	sadd.s32 $0x2, s15;
	[tilespmem:s6+$0x12470] =	vst v6;
	v2 =	vmul.f32 $8.000000000e+00, v2;
	v6 =	vld [tilespmem:s6+$0xA4E0]  }
0x10e: {  	v7 =	vld [tilespmem:s17+$0xA4F0];
	p0 =	slt.u32 s15, $0x3E;
	[tilespmem:s6+$0x12480] =	vst v5;
	v0 =	vmul.f32 $8.000000000e+00, v0  }
0x10f: {  	v5 =	vld [tilespmem:s17+$0xA400];
	[tilespmem:s6+$0x12490] =	vst v2;
	v1 =	vmul.f32 $8.000000000e+00, v1  }
0x110: {  	v2 =	vld [tilespmem:s17+$0xA410];
	[tilespmem:s6+$0x124A0] =	vst v0;
	v0 =	vmul.f32 $8.000000000e+00, v3  }
0x111: {  	v3 =	vld [tilespmem:s17+$0xA420];
	[tilespmem:s6+$0x124B0] =	vst v1;
	v1 =	vmul.f32 $8.000000000e+00, v4  }
0x112: {  	v4 =	vld [tilespmem:s17+$0xA430];
	[tilespmem:s6+$0x124C0] =	vst v0;
	v0 =	vmul.f32 $8.000000000e+00, v6  }
0x113: {  	v6 =	vld [tilespmem:s17+$0xA440];
	v7 =	vmul.f32 $8.000000000e+00, v7;
	[tilespmem:s6+$0x124D0] =	vst v1  }
0x114: {  	v1 =	vmul.f32 $8.000000000e+00, v5;
	v5 =	vld [tilespmem:s17+$0xA450];
	[tilespmem:s6+$0x124E0] =	vst v0;
	s6 =	smov.u32 s17  }
0x115: {  	v0 =	vmul.f32 $8.000000000e+00, v2;
	v8 =	vld [tilespmem:s6+$0xA460];
	[tilespmem:s6+$0x124F0] =	vst v7  }
0x116: {  	[tilespmem:s6+$0x12400] =	vst v1;
	v1 =	vmul.f32 $8.000000000e+00, v3;
	v3 =	vld [tilespmem:s6+$0xA470]  }
0x117: {  	[tilespmem:s6+$0x12410] =	vst v0;
	v0 =	vmul.f32 $8.000000000e+00, v4;
	v4 =	vld [tilespmem:s6+$0xA480]  }
.Ltmp2:
0x118: {  	[tilespmem:s6+$0x12420] =	vst v1;
	v1 =	vmul.f32 $8.000000000e+00, v6;
	v2 =	vld [tilespmem:s6+$0xA490];
	(pc) =	sbr.rel @p0 .LBB2_6-.Ltmp2, $4  }
0x119: {  	[tilespmem:s6+$0x12430] =	vst v0;
	v5 =	vmul.f32 $8.000000000e+00, v5;
	v0 =	vld [tilespmem:s6+$0xA4A0]  }
0x11a: {  	[tilespmem:s6+$0x12440] =	vst v1;
	v7 =	vmul.f32 $8.000000000e+00, v8;
	v1 =	vld [tilespmem:s6+$0xA4B0]  }
0x11b: {  	[tilespmem:s6+$0x12450] =	vst v5;
	v6 =	vmul.f32 $8.000000000e+00, v3;
	v3 =	vld [tilespmem:s6+$0xA4C0]  }
0x11c: {  	s16 =	sadd.s32 $0x400, s16;
	[tilespmem:s6+$0x12460] =	vst v7;
	v5 =	vmul.f32 $8.000000000e+00, v4;
	v4 =	vld [tilespmem:s6+$0xA4D0]  }
0x11d: {  	[tilespmem:s6+$0x12470] =	vst v6;
	v2 =	vmul.f32 $8.000000000e+00, v2;
	v6 =	vld [tilespmem:s6+$0xA4E0]  }
0x11e: {  	[tilespmem:s6+$0x12480] =	vst v5;
	v0 =	vmul.f32 $8.000000000e+00, v0  }
0x11f: {  	[tilespmem:s6+$0x12490] =	vst v2;
	v1 =	vmul.f32 $8.000000000e+00, v1  }
0x120: {  	[tilespmem:s6+$0x124A0] =	vst v0;
	v0 =	vmul.f32 $8.000000000e+00, v3  }
0x121: {  	[tilespmem:s6+$0x124B0] =	vst v1;
	v1 =	vmul.f32 $8.000000000e+00, v4  }
0x122: {  	[tilespmem:s6+$0x124C0] =	vst v0;
	v0 =	vmul.f32 $8.000000000e+00, v6  }
0x123: {  	[tilespmem:s6+$0x124D0] =	vst v1  }
0x124: {  	s18 =	simm.s32 $0x0;
	s14 =	rddreg [dreg:$0x7];
	[tilespmem:s6+$0x124E0] =	vst v0  }
0x125: {  	[hbm4b:s14+s18] =	stream.linear.scatter [tilespmem:s25], [sflag:$0x7], $0x2000, $0x38;
	[tilespmem:$0x16400] =	vst v63  }
0x126: {  	s19 =	simm.s32 $0x300  }
0x127: {  	[tilespmem:s24], [sflag:$0x3] =	stream.indirect.gather [hbm4b:s4+s20], $0x40, s19, s20, $0xb8;
	[tilespmem:$0x16400] =	vst v63  }
0x128: {  	_ =	swait.ge [sflag:s0], $0x2000  }
0x129: {  	[sflag:s0] =	ssyncset.done $0x0  }
0x12a: {  	s6 =	simm.s32 $0x0;
	[sflag:s0] =	ssyncadd.s32 $0xFFFFE000  }
0x12b: {  	v0 =	vld [tilespmem:s6+$0xC4F0]  }
0x12c: {  	v1 =	vld [tilespmem:s6+$0xC400]  }
0x12d: {  	v2 =	vld [tilespmem:s6+$0xC410]  }
0x12e: {  	v3 =	vld [tilespmem:s6+$0xC420]  }
0x12f: {  	v4 =	vld [tilespmem:s6+$0xC430]  }
0x130: {  	v5 =	vld [tilespmem:s6+$0xC440];
	v0 =	vmul.f32 $8.000000000e+00, v0  }
0x131: {  	v6 =	vld [tilespmem:s6+$0xC450];
	v1 =	vmul.f32 $8.000000000e+00, v1  }
0x132: {  	v7 =	vld [tilespmem:s6+$0xC460];
	[tilespmem:s6+$0x144F0] =	vst v0;
	v0 =	vmul.f32 $8.000000000e+00, v2  }
0x133: {  	v8 =	vld [tilespmem:s6+$0xC470];
	[tilespmem:s6+$0x14400] =	vst v1;
	v1 =	vmul.f32 $8.000000000e+00, v3  }
0x134: {  	v9 =	vld [tilespmem:s6+$0xC480];
	[tilespmem:s6+$0x14410] =	vst v0;
	v0 =	vmul.f32 $8.000000000e+00, v4  }
0x135: {  	v2 =	vld [tilespmem:s6+$0xC490];
	[tilespmem:s6+$0x14420] =	vst v1;
	v1 =	vmul.f32 $8.000000000e+00, v5  }
0x136: {  	v3 =	vmul.f32 $8.000000000e+00, v6;
	[tilespmem:s6+$0x14430] =	vst v0;
	v0 =	vld [tilespmem:s6+$0xC4A0]  }
0x137: {  	v4 =	vmul.f32 $8.000000000e+00, v7;
	[tilespmem:s6+$0x14440] =	vst v1;
	v1 =	vld [tilespmem:s6+$0xC4B0]  }
0x138: {  	v6 =	vmul.f32 $8.000000000e+00, v8;
	[tilespmem:s6+$0x14450] =	vst v3;
	v3 =	vld [tilespmem:s6+$0xC4C0]  }
0x139: {  	s15 =	simm.s32 $0x0;
	s16 =	simm.s32 $0x400;
	v5 =	vmul.f32 $8.000000000e+00, v9;
	[tilespmem:s6+$0x14460] =	vst v4;
	v4 =	vld [tilespmem:s6+$0xC4D0]  }
.LBB2_8:
0x13a: {  	s17 =	sshra.s32 s16, $0x2;
	s15 =	sadd.s32 $0x2, s15;
	[tilespmem:s6+$0x14470] =	vst v6;
	v2 =	vmul.f32 $8.000000000e+00, v2;
	v6 =	vld [tilespmem:s6+$0xC4E0]  }
0x13b: {  	v7 =	vld [tilespmem:s17+$0xC4F0];
	p0 =	slt.u32 s15, $0x3E;
	[tilespmem:s6+$0x14480] =	vst v5;
	v0 =	vmul.f32 $8.000000000e+00, v0  }
0x13c: {  	v5 =	vld [tilespmem:s17+$0xC400];
	[tilespmem:s6+$0x14490] =	vst v2;
	v1 =	vmul.f32 $8.000000000e+00, v1  }
0x13d: {  	v2 =	vld [tilespmem:s17+$0xC410];
	[tilespmem:s6+$0x144A0] =	vst v0;
	v0 =	vmul.f32 $8.000000000e+00, v3  }
0x13e: {  	v3 =	vld [tilespmem:s17+$0xC420];
	[tilespmem:s6+$0x144B0] =	vst v1;
	v1 =	vmul.f32 $8.000000000e+00, v4  }
0x13f: {  	v4 =	vld [tilespmem:s17+$0xC430];
	[tilespmem:s6+$0x144C0] =	vst v0;
	v0 =	vmul.f32 $8.000000000e+00, v6  }
0x140: {  	v6 =	vld [tilespmem:s17+$0xC440];
	v7 =	vmul.f32 $8.000000000e+00, v7;
	[tilespmem:s6+$0x144D0] =	vst v1  }
0x141: {  	v1 =	vmul.f32 $8.000000000e+00, v5;
	v5 =	vld [tilespmem:s17+$0xC450];
	[tilespmem:s6+$0x144E0] =	vst v0;
	s6 =	smov.u32 s17  }
0x142: {  	v0 =	vmul.f32 $8.000000000e+00, v2;
	v8 =	vld [tilespmem:s6+$0xC460];
	[tilespmem:s6+$0x144F0] =	vst v7  }
0x143: {  	[tilespmem:s6+$0x14400] =	vst v1;
	v1 =	vmul.f32 $8.000000000e+00, v3;
	v3 =	vld [tilespmem:s6+$0xC470]  }
0x144: {  	[tilespmem:s6+$0x14410] =	vst v0;
	v0 =	vmul.f32 $8.000000000e+00, v4;
	v4 =	vld [tilespmem:s6+$0xC480]  }
.Ltmp3:
0x145: {  	[tilespmem:s6+$0x14420] =	vst v1;
	v1 =	vmul.f32 $8.000000000e+00, v6;
	v2 =	vld [tilespmem:s6+$0xC490];
	(pc) =	sbr.rel @p0 .LBB2_8-.Ltmp3, $4  }
0x146: {  	[tilespmem:s6+$0x14430] =	vst v0;
	v5 =	vmul.f32 $8.000000000e+00, v5;
	v0 =	vld [tilespmem:s6+$0xC4A0]  }
0x147: {  	[tilespmem:s6+$0x14440] =	vst v1;
	v7 =	vmul.f32 $8.000000000e+00, v8;
	v1 =	vld [tilespmem:s6+$0xC4B0]  }
0x148: {  	[tilespmem:s6+$0x14450] =	vst v5;
	v6 =	vmul.f32 $8.000000000e+00, v3;
	v3 =	vld [tilespmem:s6+$0xC4C0]  }
0x149: {  	s16 =	sadd.s32 $0x400, s16;
	[tilespmem:s6+$0x14460] =	vst v7;
	v5 =	vmul.f32 $8.000000000e+00, v4;
	v4 =	vld [tilespmem:s6+$0xC4D0]  }
0x14a: {  	[tilespmem:s6+$0x14470] =	vst v6;
	v2 =	vmul.f32 $8.000000000e+00, v2;
	v60 =	vld [tilespmem:s6+$0xC4E0]  }
0x14b: {  	[tilespmem:s6+$0x14480] =	vst v5;
	v0 =	vmul.f32 $8.000000000e+00, v0  }
0x14c: {  	[tilespmem:s6+$0x14490] =	vst v2;
	v1 =	vmul.f32 $8.000000000e+00, v1  }
0x14d: {  	[tilespmem:s6+$0x144A0] =	vst v0;
	v61 =	vmul.f32 $8.000000000e+00, v3  }
0x14e: {  	[tilespmem:s6+$0x144B0] =	vst v1;
	v62 =	vmul.f32 $8.000000000e+00, v4  }
0x14f: {  	[tilespmem:s6+$0x144C0] =	vst v61;
	v63 =	vmul.f32 $8.000000000e+00, v60  }
0x150: {  	[tilespmem:s6+$0x144D0] =	vst v62  }
0x151: {  	s18 =	rddreg [dreg:$0x8];
	[tilespmem:s6+$0x144E0] =	vst v63  }
0x152: {  	[hbm4b:s18+s3] =	stream.linear.scatter [tilespmem:s30], [sflag:$0x8], $0x2000, $0x38;
	[tilespmem:$0x16400] =	vst v63  }
0x153: {  	s19 =	simm.s32 $0x380;
	s15 =	simm.s32 $0x1  }
0x154: {  	[tilespmem:s26], [sflag:$0x4] =	stream.indirect.gather [hbm4b:s4+s20], $0x40, s19, s20, $0xb8;
	[tilespmem:$0x16400] =	vst v63  }
.LBB2_10:
0x155: {  	_ =	swait.ge [sflag:s28], $0x2000  }
0x156: {  	[sflag:s28] =	ssyncset.done $0x0  }
0x157: {  	[sflag:s28] =	ssyncadd.s32 $0xFFFFE000  }
0x158: {  	_ =	swait.ge [sflag:s5], $0x2000  }
0x159: {  	[sflag:s5] =	ssyncset.done $0x0  }
0x15a: {  	s6 =	simm.s32 $0x6480;
	[sflag:s5] =	ssyncadd.s32 $0xFFFFE000  }
0x15b: {  	v0 =	vld [tilespmem:s6+$0xFFFFFF80];
	_ =	sdelay $0x4  }
0x15c: {  	v0 =	vmul.f32 $8.000000000e+00, v0  }
0x15d: {  	s16 =	simm.s32 $0xE480  }
0x15e: {  	[tilespmem:s16+$0xFFFFFF80] =	vst v0  }
0x15f: {  	v0 =	vld [tilespmem:s6+$0xFFFFFF90];
	_ =	sdelay $0x4  }
0x160: {  	v0 =	vmul.f32 $8.000000000e+00, v0;
	_ =	sdelay $0x1  }
0x161: {  	[tilespmem:s16+$0xFFFFFF90] =	vst v0  }
0x162: {  	v0 =	vld [tilespmem:s6+$0xFFFFFFA0];
	_ =	sdelay $0x4  }
0x163: {  	v0 =	vmul.f32 $8.000000000e+00, v0;
	_ =	sdelay $0x1  }
0x164: {  	[tilespmem:s16+$0xFFFFFFA0] =	vst v0  }
0x165: {  	v0 =	vld [tilespmem:s6+$0xFFFFFFB0];
	_ =	sdelay $0x4  }
0x166: {  	v0 =	vmul.f32 $8.000000000e+00, v0;
	_ =	sdelay $0x1  }
0x167: {  	[tilespmem:s16+$0xFFFFFFB0] =	vst v0  }
0x168: {  	v0 =	vld [tilespmem:s6+$0xFFFFFFC0];
	_ =	sdelay $0x4  }
0x169: {  	v0 =	vmul.f32 $8.000000000e+00, v0;
	_ =	sdelay $0x1  }
0x16a: {  	[tilespmem:s16+$0xFFFFFFC0] =	vst v0  }
0x16b: {  	v0 =	vld [tilespmem:s6+$0xFFFFFFD0];
	_ =	sdelay $0x4  }
0x16c: {  	v0 =	vmul.f32 $8.000000000e+00, v0;
	_ =	sdelay $0x1  }
0x16d: {  	[tilespmem:s16+$0xFFFFFFD0] =	vst v0  }
0x16e: {  	v0 =	vld [tilespmem:s6+$0xFFFFFFE0];
	_ =	sdelay $0x4  }
0x16f: {  	v0 =	vmul.f32 $8.000000000e+00, v0;
	_ =	sdelay $0x1  }
0x170: {  	[tilespmem:s16+$0xFFFFFFE0] =	vst v0  }
0x171: {  	v0 =	vld [tilespmem:s6+$0xFFFFFFF0];
	_ =	sdelay $0x4  }
0x172: {  	v0 =	vmul.f32 $8.000000000e+00, v0;
	_ =	sdelay $0x1  }
0x173: {  	[tilespmem:s16+$0xFFFFFFF0] =	vst v0  }
0x174: {  	v0 =	vld [tilespmem:s6+$0x0];
	_ =	sdelay $0x4  }
0x175: {  	v0 =	vmul.f32 $8.000000000e+00, v0;
	_ =	sdelay $0x1  }
0x176: {  	[tilespmem:s16+$0x0] =	vst v0  }
0x177: {  	v0 =	vld [tilespmem:s6+$0x10];
	_ =	sdelay $0x4  }
0x178: {  	v0 =	vmul.f32 $8.000000000e+00, v0;
	_ =	sdelay $0x1  }
0x179: {  	[tilespmem:s16+$0x10] =	vst v0  }
0x17a: {  	v0 =	vld [tilespmem:s6+$0x20];
	_ =	sdelay $0x4  }
0x17b: {  	v0 =	vmul.f32 $8.000000000e+00, v0;
	_ =	sdelay $0x1  }
0x17c: {  	[tilespmem:s16+$0x20] =	vst v0  }
0x17d: {  	v0 =	vld [tilespmem:s6+$0x30];
	_ =	sdelay $0x4  }
0x17e: {  	v0 =	vmul.f32 $8.000000000e+00, v0;
	_ =	sdelay $0x1  }
0x17f: {  	[tilespmem:s16+$0x30] =	vst v0  }
0x180: {  	v0 =	vld [tilespmem:s6+$0x40];
	_ =	sdelay $0x4  }
0x181: {  	v0 =	vmul.f32 $8.000000000e+00, v0;
	_ =	sdelay $0x1  }
0x182: {  	[tilespmem:s16+$0x40] =	vst v0  }
0x183: {  	v0 =	vld [tilespmem:s6+$0x50];
	_ =	sdelay $0x4  }
0x184: {  	v0 =	vmul.f32 $8.000000000e+00, v0;
	_ =	sdelay $0x1  }
0x185: {  	[tilespmem:s16+$0x50] =	vst v0  }
0x186: {  	v0 =	vld [tilespmem:s6+$0x60];
	_ =	sdelay $0x4  }
0x187: {  	v0 =	vmul.f32 $8.000000000e+00, v0;
	_ =	sdelay $0x1  }
0x188: {  	[tilespmem:s16+$0x60] =	vst v0  }
0x189: {  	v0 =	vld [tilespmem:s6+$0x70];
	_ =	sdelay $0x4  }
0x18a: {  	v0 =	vmul.f32 $8.000000000e+00, v0;
	_ =	sdelay $0x1  }
0x18b: {  	s17 =	simm.s32 $0x0;
	s18 =	simm.s32 $0x6580;
	[tilespmem:s16+$0x70] =	vst v0  }
.LBB2_11:
0x18c: {  	v0 =	vld [tilespmem:s18+$0xFFFFFF80];
	s17 =	sadd.s32 $0x2, s17  }
0x18d: {  	p0 =	slt.u32 s17, $0x3E;
	_ =	sdelay $0x3  }
0x18e: {  	v0 =	vmul.f32 $8.000000000e+00, v0  }
0x18f: {  	s16 =	sadd.s32 $0x100, s16  }
0x190: {  	[tilespmem:s16+$0xFFFFFF80] =	vst v0  }
0x191: {  	v0 =	vld [tilespmem:s18+$0xFFFFFF90];
	_ =	sdelay $0x4  }
0x192: {  	v0 =	vmul.f32 $8.000000000e+00, v0;
	_ =	sdelay $0x1  }
0x193: {  	[tilespmem:s16+$0xFFFFFF90] =	vst v0  }
0x194: {  	v0 =	vld [tilespmem:s18+$0xFFFFFFA0];
	_ =	sdelay $0x4  }
0x195: {  	v0 =	vmul.f32 $8.000000000e+00, v0;
	_ =	sdelay $0x1  }
0x196: {  	[tilespmem:s16+$0xFFFFFFA0] =	vst v0  }
0x197: {  	v0 =	vld [tilespmem:s18+$0xFFFFFFB0];
	_ =	sdelay $0x4  }
0x198: {  	v0 =	vmul.f32 $8.000000000e+00, v0;
	_ =	sdelay $0x1  }
0x199: {  	[tilespmem:s16+$0xFFFFFFB0] =	vst v0  }
0x19a: {  	v0 =	vld [tilespmem:s18+$0xFFFFFFC0];
	_ =	sdelay $0x4  }
0x19b: {  	v0 =	vmul.f32 $8.000000000e+00, v0;
	_ =	sdelay $0x1  }
0x19c: {  	[tilespmem:s16+$0xFFFFFFC0] =	vst v0  }
0x19d: {  	v0 =	vld [tilespmem:s18+$0xFFFFFFD0];
	_ =	sdelay $0x4  }
0x19e: {  	v0 =	vmul.f32 $8.000000000e+00, v0;
	_ =	sdelay $0x1  }
0x19f: {  	[tilespmem:s16+$0xFFFFFFD0] =	vst v0  }
0x1a0: {  	v0 =	vld [tilespmem:s18+$0xFFFFFFE0];
	_ =	sdelay $0x4  }
0x1a1: {  	v0 =	vmul.f32 $8.000000000e+00, v0;
	_ =	sdelay $0x1  }
0x1a2: {  	[tilespmem:s16+$0xFFFFFFE0] =	vst v0  }
0x1a3: {  	v0 =	vld [tilespmem:s18+$0xFFFFFFF0];
	_ =	sdelay $0x4  }
0x1a4: {  	v0 =	vmul.f32 $8.000000000e+00, v0;
	_ =	sdelay $0x1  }
0x1a5: {  	[tilespmem:s16+$0xFFFFFFF0] =	vst v0  }
0x1a6: {  	v0 =	vld [tilespmem:s18+$0x0];
	_ =	sdelay $0x4  }
0x1a7: {  	v0 =	vmul.f32 $8.000000000e+00, v0;
	_ =	sdelay $0x1  }
0x1a8: {  	[tilespmem:s16+$0x0] =	vst v0  }
0x1a9: {  	v0 =	vld [tilespmem:s18+$0x10];
	_ =	sdelay $0x4  }
0x1aa: {  	v0 =	vmul.f32 $8.000000000e+00, v0;
	_ =	sdelay $0x1  }
0x1ab: {  	[tilespmem:s16+$0x10] =	vst v0  }
0x1ac: {  	v0 =	vld [tilespmem:s18+$0x20];
	_ =	sdelay $0x4  }
0x1ad: {  	v0 =	vmul.f32 $8.000000000e+00, v0;
	_ =	sdelay $0x1  }
0x1ae: {  	[tilespmem:s16+$0x20] =	vst v0  }
0x1af: {  	v0 =	vld [tilespmem:s18+$0x30];
	_ =	sdelay $0x4  }
0x1b0: {  	v0 =	vmul.f32 $8.000000000e+00, v0;
	_ =	sdelay $0x1  }
0x1b1: {  	[tilespmem:s16+$0x30] =	vst v0  }
0x1b2: {  	v0 =	vld [tilespmem:s18+$0x40];
	_ =	sdelay $0x4  }
0x1b3: {  	v0 =	vmul.f32 $8.000000000e+00, v0;
	_ =	sdelay $0x1  }
0x1b4: {  	[tilespmem:s16+$0x40] =	vst v0  }
0x1b5: {  	v0 =	vld [tilespmem:s18+$0x50];
	_ =	sdelay $0x4  }
0x1b6: {  	v0 =	vmul.f32 $8.000000000e+00, v0;
	_ =	sdelay $0x1  }
0x1b7: {  	[tilespmem:s16+$0x50] =	vst v0  }
0x1b8: {  	v0 =	vld [tilespmem:s18+$0x60];
	_ =	sdelay $0x4  }
0x1b9: {  	v0 =	vmul.f32 $8.000000000e+00, v0;
	_ =	sdelay $0x1  }
0x1ba: {  	[tilespmem:s16+$0x60] =	vst v0  }
0x1bb: {  	v0 =	vld [tilespmem:s18+$0x70];
	_ =	sdelay $0x2  }
.Ltmp4:
0x1bc: {  	(pc) =	sbr.rel @p0 .LBB2_11-.Ltmp4, $3  }
0x1bd: {  	_ = 	snop  }
0x1be: {  	v0 =	vmul.f32 $8.000000000e+00, v0;
	_ =	sdelay $0x1  }
0x1bf: {  	s18 =	sadd.s32 $0x100, s18;
	[tilespmem:s16+$0x70] =	vst v0  }
0x1c0: {  	s6 =	sshll.u32 s15, $0xF  }
0x1c1: {  	s6 =	sadd.s32 s7, s6  }
0x1c2: {  	s18 =	sshll.u32 s15, $0x9;
	s6 =	sshrl.u32 s6, $0x3  }
0x1c3: {  	s16 =	sand.u32 $0x3FFFFE00, s18;
	s6 =	sadd.s32 s2, s6  }
0x1c4: {  	[hbm4b:s6+s3] =	stream.linear.scatter [tilespmem:s29], [sflag:$0x5], $0x2000, $0x38;
	[tilespmem:$0x16400] =	vst v63  }
0x1c5: {  	s6 =	sadd.s32 $0x200, s16  }
0x1c6: {  	[tilespmem:s21], [sflag:$0x1] =	stream.indirect.gather [hbm4b:s4+s20], $0x40, s6, s20, $0xb8;
	[tilespmem:$0x16400] =	vst v63  }
0x1c7: {  	_ =	swait.ge [sflag:s31], $0x2000  }
0x1c8: {  	[sflag:s31] =	ssyncset.done $0x0  }
0x1c9: {  	[sflag:s31] =	ssyncadd.s32 $0xFFFFE000  }
0x1ca: {  	_ =	swait.ge [sflag:s8], $0x2000  }
0x1cb: {  	[sflag:s8] =	ssyncset.done $0x0  }
0x1cc: {  	s19 =	simm.s32 $0x84F0;
	[sflag:s8] =	ssyncadd.s32 $0xFFFFE000  }
0x1cd: {  	v0 =	vld [tilespmem:s19+$0xFFFFFF10];
	_ =	sdelay $0x4  }
0x1ce: {  	v0 =	vmul.f32 $8.000000000e+00, v0  }
0x1cf: {  	s17 =	simm.s32 $0x104F0  }
0x1d0: {  	[tilespmem:s17+$0xFFFFFF10] =	vst v0  }
0x1d1: {  	v0 =	vld [tilespmem:s19+$0xFFFFFF20];
	_ =	sdelay $0x4  }
0x1d2: {  	v0 =	vmul.f32 $8.000000000e+00, v0;
	_ =	sdelay $0x1  }
0x1d3: {  	[tilespmem:s17+$0xFFFFFF20] =	vst v0  }
0x1d4: {  	v0 =	vld [tilespmem:s19+$0xFFFFFF30];
	_ =	sdelay $0x4  }
0x1d5: {  	v0 =	vmul.f32 $8.000000000e+00, v0;
	_ =	sdelay $0x1  }
0x1d6: {  	[tilespmem:s17+$0xFFFFFF30] =	vst v0  }
0x1d7: {  	v0 =	vld [tilespmem:s19+$0xFFFFFF40];
	_ =	sdelay $0x4  }
0x1d8: {  	v0 =	vmul.f32 $8.000000000e+00, v0;
	_ =	sdelay $0x1  }
0x1d9: {  	[tilespmem:s17+$0xFFFFFF40] =	vst v0  }
0x1da: {  	v0 =	vld [tilespmem:s19+$0xFFFFFF50];
	_ =	sdelay $0x4  }
0x1db: {  	v0 =	vmul.f32 $8.000000000e+00, v0;
	_ =	sdelay $0x1  }
0x1dc: {  	[tilespmem:s17+$0xFFFFFF50] =	vst v0  }
0x1dd: {  	v0 =	vld [tilespmem:s19+$0xFFFFFF60];
	_ =	sdelay $0x4  }
0x1de: {  	v0 =	vmul.f32 $8.000000000e+00, v0;
	_ =	sdelay $0x1  }
0x1df: {  	[tilespmem:s17+$0xFFFFFF60] =	vst v0  }
0x1e0: {  	v0 =	vld [tilespmem:s19+$0xFFFFFF70];
	_ =	sdelay $0x4  }
0x1e1: {  	v0 =	vmul.f32 $8.000000000e+00, v0;
	_ =	sdelay $0x1  }
0x1e2: {  	[tilespmem:s17+$0xFFFFFF70] =	vst v0  }
0x1e3: {  	v0 =	vld [tilespmem:s19+$0xFFFFFF80];
	_ =	sdelay $0x4  }
0x1e4: {  	v0 =	vmul.f32 $8.000000000e+00, v0;
	_ =	sdelay $0x1  }
0x1e5: {  	[tilespmem:s17+$0xFFFFFF80] =	vst v0  }
0x1e6: {  	v0 =	vld [tilespmem:s19+$0xFFFFFF90];
	_ =	sdelay $0x4  }
0x1e7: {  	v0 =	vmul.f32 $8.000000000e+00, v0;
	_ =	sdelay $0x1  }
0x1e8: {  	[tilespmem:s17+$0xFFFFFF90] =	vst v0  }
0x1e9: {  	v0 =	vld [tilespmem:s19+$0xFFFFFFA0];
	_ =	sdelay $0x4  }
0x1ea: {  	v0 =	vmul.f32 $8.000000000e+00, v0;
	_ =	sdelay $0x1  }
0x1eb: {  	[tilespmem:s17+$0xFFFFFFA0] =	vst v0  }
0x1ec: {  	v0 =	vld [tilespmem:s19+$0xFFFFFFB0];
	_ =	sdelay $0x4  }
0x1ed: {  	v0 =	vmul.f32 $8.000000000e+00, v0;
	_ =	sdelay $0x1  }
0x1ee: {  	[tilespmem:s17+$0xFFFFFFB0] =	vst v0  }
0x1ef: {  	v0 =	vld [tilespmem:s19+$0xFFFFFFC0];
	_ =	sdelay $0x4  }
0x1f0: {  	v0 =	vmul.f32 $8.000000000e+00, v0;
	_ =	sdelay $0x1  }
0x1f1: {  	[tilespmem:s17+$0xFFFFFFC0] =	vst v0  }
0x1f2: {  	v0 =	vld [tilespmem:s19+$0xFFFFFFD0];
	_ =	sdelay $0x4  }
0x1f3: {  	v0 =	vmul.f32 $8.000000000e+00, v0;
	_ =	sdelay $0x1  }
0x1f4: {  	[tilespmem:s17+$0xFFFFFFD0] =	vst v0  }
0x1f5: {  	v0 =	vld [tilespmem:s19+$0xFFFFFFE0];
	_ =	sdelay $0x4  }
0x1f6: {  	v0 =	vmul.f32 $8.000000000e+00, v0;
	_ =	sdelay $0x1  }
0x1f7: {  	[tilespmem:s17+$0xFFFFFFE0] =	vst v0  }
0x1f8: {  	v0 =	vld [tilespmem:s19+$0xFFFFFFF0];
	_ =	sdelay $0x4  }
0x1f9: {  	v0 =	vmul.f32 $8.000000000e+00, v0;
	_ =	sdelay $0x1  }
0x1fa: {  	[tilespmem:s17+$0xFFFFFFF0] =	vst v0  }
0x1fb: {  	v0 =	vld [tilespmem:s19+$0x0];
	_ =	sdelay $0x4  }
0x1fc: {  	v0 =	vmul.f32 $8.000000000e+00, v0;
	_ =	sdelay $0x1  }
0x1fd: {  	s18 =	simm.s32 $0x0;
	s6 =	simm.s32 $0x85F0;
	[tilespmem:s17+$0x0] =	vst v0  }
.LBB2_13:
0x1fe: {  	v0 =	vld [tilespmem:s6+$0xFFFFFF10];
	s18 =	sadd.s32 $0x2, s18  }
0x1ff: {  	p0 =	slt.u32 s18, $0x3E;
	_ =	sdelay $0x3  }
0x200: {  	v0 =	vmul.f32 $8.000000000e+00, v0  }
0x201: {  	s17 =	sadd.s32 $0x100, s17  }
0x202: {  	[tilespmem:s17+$0xFFFFFF10] =	vst v0  }
0x203: {  	v0 =	vld [tilespmem:s6+$0xFFFFFF20];
	_ =	sdelay $0x4  }
0x204: {  	v0 =	vmul.f32 $8.000000000e+00, v0;
	_ =	sdelay $0x1  }
0x205: {  	[tilespmem:s17+$0xFFFFFF20] =	vst v0  }
0x206: {  	v0 =	vld [tilespmem:s6+$0xFFFFFF30];
	_ =	sdelay $0x4  }
0x207: {  	v0 =	vmul.f32 $8.000000000e+00, v0;
	_ =	sdelay $0x1  }
0x208: {  	[tilespmem:s17+$0xFFFFFF30] =	vst v0  }
0x209: {  	v0 =	vld [tilespmem:s6+$0xFFFFFF40];
	_ =	sdelay $0x4  }
0x20a: {  	v0 =	vmul.f32 $8.000000000e+00, v0;
	_ =	sdelay $0x1  }
0x20b: {  	[tilespmem:s17+$0xFFFFFF40] =	vst v0  }
0x20c: {  	v0 =	vld [tilespmem:s6+$0xFFFFFF50];
	_ =	sdelay $0x4  }
0x20d: {  	v0 =	vmul.f32 $8.000000000e+00, v0;
	_ =	sdelay $0x1  }
0x20e: {  	[tilespmem:s17+$0xFFFFFF50] =	vst v0  }
0x20f: {  	v0 =	vld [tilespmem:s6+$0xFFFFFF60];
	_ =	sdelay $0x4  }
0x210: {  	v0 =	vmul.f32 $8.000000000e+00, v0;
	_ =	sdelay $0x1  }
0x211: {  	[tilespmem:s17+$0xFFFFFF60] =	vst v0  }
0x212: {  	v0 =	vld [tilespmem:s6+$0xFFFFFF70];
	_ =	sdelay $0x4  }
0x213: {  	v0 =	vmul.f32 $8.000000000e+00, v0;
	_ =	sdelay $0x1  }
0x214: {  	[tilespmem:s17+$0xFFFFFF70] =	vst v0  }
0x215: {  	v0 =	vld [tilespmem:s6+$0xFFFFFF80];
	_ =	sdelay $0x4  }
0x216: {  	v0 =	vmul.f32 $8.000000000e+00, v0;
	_ =	sdelay $0x1  }
0x217: {  	[tilespmem:s17+$0xFFFFFF80] =	vst v0  }
0x218: {  	v0 =	vld [tilespmem:s6+$0xFFFFFF90];
	_ =	sdelay $0x4  }
0x219: {  	v0 =	vmul.f32 $8.000000000e+00, v0;
	_ =	sdelay $0x1  }
0x21a: {  	[tilespmem:s17+$0xFFFFFF90] =	vst v0  }
0x21b: {  	v0 =	vld [tilespmem:s6+$0xFFFFFFA0];
	_ =	sdelay $0x4  }
0x21c: {  	v0 =	vmul.f32 $8.000000000e+00, v0;
	_ =	sdelay $0x1  }
0x21d: {  	[tilespmem:s17+$0xFFFFFFA0] =	vst v0  }
0x21e: {  	v0 =	vld [tilespmem:s6+$0xFFFFFFB0];
	_ =	sdelay $0x4  }
0x21f: {  	v0 =	vmul.f32 $8.000000000e+00, v0;
	_ =	sdelay $0x1  }
0x220: {  	[tilespmem:s17+$0xFFFFFFB0] =	vst v0  }
0x221: {  	v0 =	vld [tilespmem:s6+$0xFFFFFFC0];
	_ =	sdelay $0x4  }
0x222: {  	v0 =	vmul.f32 $8.000000000e+00, v0;
	_ =	sdelay $0x1  }
0x223: {  	[tilespmem:s17+$0xFFFFFFC0] =	vst v0  }
0x224: {  	v0 =	vld [tilespmem:s6+$0xFFFFFFD0];
	_ =	sdelay $0x4  }
0x225: {  	v0 =	vmul.f32 $8.000000000e+00, v0;
	_ =	sdelay $0x1  }
0x226: {  	[tilespmem:s17+$0xFFFFFFD0] =	vst v0  }
0x227: {  	v0 =	vld [tilespmem:s6+$0xFFFFFFE0];
	_ =	sdelay $0x4  }
0x228: {  	v0 =	vmul.f32 $8.000000000e+00, v0;
	_ =	sdelay $0x1  }
0x229: {  	[tilespmem:s17+$0xFFFFFFE0] =	vst v0  }
0x22a: {  	v0 =	vld [tilespmem:s6+$0xFFFFFFF0];
	_ =	sdelay $0x4  }
0x22b: {  	v0 =	vmul.f32 $8.000000000e+00, v0;
	_ =	sdelay $0x1  }
0x22c: {  	[tilespmem:s17+$0xFFFFFFF0] =	vst v0  }
0x22d: {  	v0 =	vld [tilespmem:s6+$0x0];
	_ =	sdelay $0x2  }
.Ltmp5:
0x22e: {  	(pc) =	sbr.rel @p0 .LBB2_13-.Ltmp5, $3  }
0x22f: {  	_ = 	snop  }
0x230: {  	v0 =	vmul.f32 $8.000000000e+00, v0;
	_ =	sdelay $0x1  }
0x231: {  	s6 =	sadd.s32 $0x100, s6;
	[tilespmem:s17+$0x0] =	vst v0  }
0x232: {  	s17 =	sshll.u32 s15, $0x8  }
0x233: {  	s6 =	sadd.s32 s17, s11  }
0x234: {  	s6 =	sshll.u32 s6, $0x4  }
0x235: {  	s18 =	simm.s32 $0x0;
	s6 =	sadd.s32 s2, s6  }
0x236: {  	[hbm4b:s6+s18] =	stream.linear.scatter [tilespmem:s1], [sflag:$0x6], $0x2000, $0x38;
	[tilespmem:$0x16400] =	vst v63  }
0x237: {  	s19 =	sadd.s32 $0x280, s16  }
0x238: {  	[tilespmem:s22], [sflag:$0x2] =	stream.indirect.gather [hbm4b:s4+s20], $0x40, s19, s20, $0xb8;
	[tilespmem:$0x16400] =	vst v63  }
0x239: {  	_ =	swait.ge [sflag:s23], $0x2000  }
0x23a: {  	[sflag:s23] =	ssyncset.done $0x0  }
0x23b: {  	[sflag:s23] =	ssyncadd.s32 $0xFFFFE000  }
0x23c: {  	_ =	swait.ge [sflag:s9], $0x2000  }
0x23d: {  	[sflag:s9] =	ssyncset.done $0x0  }
0x23e: {  	s6 =	simm.s32 $0x0;
	[sflag:s9] =	ssyncadd.s32 $0xFFFFE000  }
0x23f: {  	v0 =	vld [tilespmem:s6+$0xA4F0]  }
0x240: {  	v1 =	vld [tilespmem:s6+$0xA400]  }
0x241: {  	v2 =	vld [tilespmem:s6+$0xA410]  }
0x242: {  	v3 =	vld [tilespmem:s6+$0xA420]  }
0x243: {  	v4 =	vld [tilespmem:s6+$0xA430]  }
0x244: {  	v5 =	vld [tilespmem:s6+$0xA440];
	v0 =	vmul.f32 $8.000000000e+00, v0  }
0x245: {  	v6 =	vld [tilespmem:s6+$0xA450];
	v1 =	vmul.f32 $8.000000000e+00, v1  }
0x246: {  	v7 =	vld [tilespmem:s6+$0xA460];
	[tilespmem:s6+$0x124F0] =	vst v0;
	v0 =	vmul.f32 $8.000000000e+00, v2  }
0x247: {  	v8 =	vld [tilespmem:s6+$0xA470];
	[tilespmem:s6+$0x12400] =	vst v1;
	v1 =	vmul.f32 $8.000000000e+00, v3  }
0x248: {  	v9 =	vld [tilespmem:s6+$0xA480];
	[tilespmem:s6+$0x12410] =	vst v0;
	v0 =	vmul.f32 $8.000000000e+00, v4  }
0x249: {  	v2 =	vld [tilespmem:s6+$0xA490];
	[tilespmem:s6+$0x12420] =	vst v1;
	v1 =	vmul.f32 $8.000000000e+00, v5  }
0x24a: {  	v3 =	vmul.f32 $8.000000000e+00, v6;
	[tilespmem:s6+$0x12430] =	vst v0;
	v0 =	vld [tilespmem:s6+$0xA4A0]  }
0x24b: {  	v4 =	vmul.f32 $8.000000000e+00, v7;
	[tilespmem:s6+$0x12440] =	vst v1;
	v1 =	vld [tilespmem:s6+$0xA4B0]  }
0x24c: {  	v6 =	vmul.f32 $8.000000000e+00, v8;
	[tilespmem:s6+$0x12450] =	vst v3;
	v3 =	vld [tilespmem:s6+$0xA4C0]  }
0x24d: {  	s18 =	simm.s32 $0x0;
	s19 =	simm.s32 $0x400;
	v5 =	vmul.f32 $8.000000000e+00, v9;
	[tilespmem:s6+$0x12460] =	vst v4;
	v4 =	vld [tilespmem:s6+$0xA4D0]  }
.LBB2_15:
0x24e: {  	s14 =	sshra.s32 s19, $0x2;
	s18 =	sadd.s32 $0x2, s18;
	[tilespmem:s6+$0x12470] =	vst v6;
	v2 =	vmul.f32 $8.000000000e+00, v2;
	v6 =	vld [tilespmem:s6+$0xA4E0]  }
0x24f: {  	v7 =	vld [tilespmem:s14+$0xA4F0];
	p0 =	slt.u32 s18, $0x3E;
	[tilespmem:s6+$0x12480] =	vst v5;
	v0 =	vmul.f32 $8.000000000e+00, v0  }
0x250: {  	v5 =	vld [tilespmem:s14+$0xA400];
	[tilespmem:s6+$0x12490] =	vst v2;
	v1 =	vmul.f32 $8.000000000e+00, v1  }
0x251: {  	v2 =	vld [tilespmem:s14+$0xA410];
	[tilespmem:s6+$0x124A0] =	vst v0;
	v0 =	vmul.f32 $8.000000000e+00, v3  }
0x252: {  	v3 =	vld [tilespmem:s14+$0xA420];
	[tilespmem:s6+$0x124B0] =	vst v1;
	v1 =	vmul.f32 $8.000000000e+00, v4  }
0x253: {  	v4 =	vld [tilespmem:s14+$0xA430];
	[tilespmem:s6+$0x124C0] =	vst v0;
	v0 =	vmul.f32 $8.000000000e+00, v6  }
0x254: {  	v6 =	vld [tilespmem:s14+$0xA440];
	v7 =	vmul.f32 $8.000000000e+00, v7;
	[tilespmem:s6+$0x124D0] =	vst v1  }
0x255: {  	v1 =	vmul.f32 $8.000000000e+00, v5;
	v5 =	vld [tilespmem:s14+$0xA450];
	[tilespmem:s6+$0x124E0] =	vst v0;
	s6 =	smov.u32 s14  }
0x256: {  	v0 =	vmul.f32 $8.000000000e+00, v2;
	v8 =	vld [tilespmem:s6+$0xA460];
	[tilespmem:s6+$0x124F0] =	vst v7  }
0x257: {  	[tilespmem:s6+$0x12400] =	vst v1;
	v1 =	vmul.f32 $8.000000000e+00, v3;
	v3 =	vld [tilespmem:s6+$0xA470]  }
0x258: {  	[tilespmem:s6+$0x12410] =	vst v0;
	v0 =	vmul.f32 $8.000000000e+00, v4;
	v4 =	vld [tilespmem:s6+$0xA480]  }
.Ltmp6:
0x259: {  	[tilespmem:s6+$0x12420] =	vst v1;
	v1 =	vmul.f32 $8.000000000e+00, v6;
	v2 =	vld [tilespmem:s6+$0xA490];
	(pc) =	sbr.rel @p0 .LBB2_15-.Ltmp6, $4  }
0x25a: {  	[tilespmem:s6+$0x12430] =	vst v0;
	v5 =	vmul.f32 $8.000000000e+00, v5;
	v0 =	vld [tilespmem:s6+$0xA4A0]  }
0x25b: {  	[tilespmem:s6+$0x12440] =	vst v1;
	v7 =	vmul.f32 $8.000000000e+00, v8;
	v1 =	vld [tilespmem:s6+$0xA4B0]  }
0x25c: {  	[tilespmem:s6+$0x12450] =	vst v5;
	v6 =	vmul.f32 $8.000000000e+00, v3;
	v3 =	vld [tilespmem:s6+$0xA4C0]  }
0x25d: {  	s19 =	sadd.s32 $0x400, s19;
	[tilespmem:s6+$0x12460] =	vst v7;
	v5 =	vmul.f32 $8.000000000e+00, v4;
	v4 =	vld [tilespmem:s6+$0xA4D0]  }
0x25e: {  	[tilespmem:s6+$0x12470] =	vst v6;
	v2 =	vmul.f32 $8.000000000e+00, v2;
	v6 =	vld [tilespmem:s6+$0xA4E0]  }
0x25f: {  	[tilespmem:s6+$0x12480] =	vst v5;
	v0 =	vmul.f32 $8.000000000e+00, v0  }
0x260: {  	[tilespmem:s6+$0x12490] =	vst v2;
	v1 =	vmul.f32 $8.000000000e+00, v1  }
0x261: {  	[tilespmem:s6+$0x124A0] =	vst v0;
	v0 =	vmul.f32 $8.000000000e+00, v3  }
0x262: {  	[tilespmem:s6+$0x124B0] =	vst v1;
	v1 =	vmul.f32 $8.000000000e+00, v4  }
0x263: {  	s14 =	sadd.s32 s17, s12;
	[tilespmem:s6+$0x124C0] =	vst v0;
	v0 =	vmul.f32 $8.000000000e+00, v6  }
0x264: {  	s14 =	sshll.u32 s14, $0x4;
	[tilespmem:s6+$0x124D0] =	vst v1  }
0x265: {  	s18 =	simm.s32 $0x0;
	s14 =	sadd.s32 s2, s14;
	[tilespmem:s6+$0x124E0] =	vst v0  }
0x266: {  	[hbm4b:s14+s18] =	stream.linear.scatter [tilespmem:s25], [sflag:$0x7], $0x2000, $0x38;
	[tilespmem:$0x16400] =	vst v63  }
0x267: {  	s19 =	sadd.s32 $0x300, s16  }
0x268: {  	[tilespmem:s24], [sflag:$0x3] =	stream.indirect.gather [hbm4b:s4+s20], $0x40, s19, s20, $0xb8;
	[tilespmem:$0x16400] =	vst v63  }
0x269: {  	_ =	swait.ge [sflag:s0], $0x2000  }
0x26a: {  	[sflag:s0] =	ssyncset.done $0x0  }
0x26b: {  	[sflag:s0] =	ssyncadd.s32 $0xFFFFE000  }
0x26c: {  	_ =	swait.ge [sflag:s10], $0x2000  }
0x26d: {  	[sflag:s10] =	ssyncset.done $0x0  }
0x26e: {  	s6 =	simm.s32 $0x0;
	[sflag:s10] =	ssyncadd.s32 $0xFFFFE000  }
0x26f: {  	v0 =	vld [tilespmem:s6+$0xC4F0]  }
0x270: {  	v1 =	vld [tilespmem:s6+$0xC400]  }
0x271: {  	v2 =	vld [tilespmem:s6+$0xC410]  }
0x272: {  	v3 =	vld [tilespmem:s6+$0xC420]  }
0x273: {  	v4 =	vld [tilespmem:s6+$0xC430]  }
0x274: {  	v5 =	vld [tilespmem:s6+$0xC440];
	v0 =	vmul.f32 $8.000000000e+00, v0  }
0x275: {  	v6 =	vld [tilespmem:s6+$0xC450];
	v1 =	vmul.f32 $8.000000000e+00, v1  }
0x276: {  	v7 =	vld [tilespmem:s6+$0xC460];
	[tilespmem:s6+$0x144F0] =	vst v0;
	v0 =	vmul.f32 $8.000000000e+00, v2  }
0x277: {  	v8 =	vld [tilespmem:s6+$0xC470];
	[tilespmem:s6+$0x14400] =	vst v1;
	v1 =	vmul.f32 $8.000000000e+00, v3  }
0x278: {  	v9 =	vld [tilespmem:s6+$0xC480];
	[tilespmem:s6+$0x14410] =	vst v0;
	v0 =	vmul.f32 $8.000000000e+00, v4  }
0x279: {  	v2 =	vld [tilespmem:s6+$0xC490];
	[tilespmem:s6+$0x14420] =	vst v1;
	v1 =	vmul.f32 $8.000000000e+00, v5  }
0x27a: {  	v3 =	vmul.f32 $8.000000000e+00, v6;
	[tilespmem:s6+$0x14430] =	vst v0;
	v0 =	vld [tilespmem:s6+$0xC4A0]  }
0x27b: {  	v4 =	vmul.f32 $8.000000000e+00, v7;
	[tilespmem:s6+$0x14440] =	vst v1;
	v1 =	vld [tilespmem:s6+$0xC4B0]  }
0x27c: {  	v6 =	vmul.f32 $8.000000000e+00, v8;
	[tilespmem:s6+$0x14450] =	vst v3;
	v3 =	vld [tilespmem:s6+$0xC4C0]  }
0x27d: {  	s18 =	simm.s32 $0x0;
	s19 =	simm.s32 $0x400;
	v5 =	vmul.f32 $8.000000000e+00, v9;
	[tilespmem:s6+$0x14460] =	vst v4;
	v4 =	vld [tilespmem:s6+$0xC4D0]  }
.LBB2_17:
0x27e: {  	s14 =	sshra.s32 s19, $0x2;
	s18 =	sadd.s32 $0x2, s18;
	[tilespmem:s6+$0x14470] =	vst v6;
	v2 =	vmul.f32 $8.000000000e+00, v2;
	v6 =	vld [tilespmem:s6+$0xC4E0]  }
0x27f: {  	v7 =	vld [tilespmem:s14+$0xC4F0];
	p0 =	slt.u32 s18, $0x3E;
	[tilespmem:s6+$0x14480] =	vst v5;
	v0 =	vmul.f32 $8.000000000e+00, v0  }
0x280: {  	v5 =	vld [tilespmem:s14+$0xC400];
	[tilespmem:s6+$0x14490] =	vst v2;
	v1 =	vmul.f32 $8.000000000e+00, v1  }
0x281: {  	v2 =	vld [tilespmem:s14+$0xC410];
	[tilespmem:s6+$0x144A0] =	vst v0;
	v0 =	vmul.f32 $8.000000000e+00, v3  }
0x282: {  	v3 =	vld [tilespmem:s14+$0xC420];
	[tilespmem:s6+$0x144B0] =	vst v1;
	v1 =	vmul.f32 $8.000000000e+00, v4  }
0x283: {  	v4 =	vld [tilespmem:s14+$0xC430];
	[tilespmem:s6+$0x144C0] =	vst v0;
	v0 =	vmul.f32 $8.000000000e+00, v6  }
0x284: {  	v6 =	vld [tilespmem:s14+$0xC440];
	v7 =	vmul.f32 $8.000000000e+00, v7;
	[tilespmem:s6+$0x144D0] =	vst v1  }
0x285: {  	v1 =	vmul.f32 $8.000000000e+00, v5;
	v5 =	vld [tilespmem:s14+$0xC450];
	[tilespmem:s6+$0x144E0] =	vst v0;
	s6 =	smov.u32 s14  }
0x286: {  	v0 =	vmul.f32 $8.000000000e+00, v2;
	v8 =	vld [tilespmem:s6+$0xC460];
	[tilespmem:s6+$0x144F0] =	vst v7  }
0x287: {  	[tilespmem:s6+$0x14400] =	vst v1;
	v1 =	vmul.f32 $8.000000000e+00, v3;
	v3 =	vld [tilespmem:s6+$0xC470]  }
0x288: {  	[tilespmem:s6+$0x14410] =	vst v0;
	v0 =	vmul.f32 $8.000000000e+00, v4;
	v4 =	vld [tilespmem:s6+$0xC480]  }
.Ltmp7:
0x289: {  	[tilespmem:s6+$0x14420] =	vst v1;
	v1 =	vmul.f32 $8.000000000e+00, v6;
	v2 =	vld [tilespmem:s6+$0xC490];
	(pc) =	sbr.rel @p0 .LBB2_17-.Ltmp7, $4  }
0x28a: {  	[tilespmem:s6+$0x14430] =	vst v0;
	v5 =	vmul.f32 $8.000000000e+00, v5;
	v0 =	vld [tilespmem:s6+$0xC4A0]  }
0x28b: {  	[tilespmem:s6+$0x14440] =	vst v1;
	v7 =	vmul.f32 $8.000000000e+00, v8;
	v1 =	vld [tilespmem:s6+$0xC4B0]  }
0x28c: {  	[tilespmem:s6+$0x14450] =	vst v5;
	v6 =	vmul.f32 $8.000000000e+00, v3;
	v3 =	vld [tilespmem:s6+$0xC4C0]  }
0x28d: {  	s19 =	sadd.s32 $0x400, s19;
	[tilespmem:s6+$0x14460] =	vst v7;
	v5 =	vmul.f32 $8.000000000e+00, v4;
	v4 =	vld [tilespmem:s6+$0xC4D0]  }
0x28e: {  	[tilespmem:s6+$0x14470] =	vst v6;
	v2 =	vmul.f32 $8.000000000e+00, v2;
	v60 =	vld [tilespmem:s6+$0xC4E0]  }
0x28f: {  	[tilespmem:s6+$0x14480] =	vst v5;
	v0 =	vmul.f32 $8.000000000e+00, v0  }
0x290: {  	[tilespmem:s6+$0x14490] =	vst v2;
	v1 =	vmul.f32 $8.000000000e+00, v1  }
0x291: {  	[tilespmem:s6+$0x144A0] =	vst v0;
	v61 =	vmul.f32 $8.000000000e+00, v3  }
0x292: {  	s15 =	sadd.s32 $0x1, s15;
	[tilespmem:s6+$0x144B0] =	vst v1;
	v62 =	vmul.f32 $8.000000000e+00, v4  }
0x293: {  	s14 =	sadd.s32 s17, s13;
	p0 =	sne.s32 s15, $0x31;
	[tilespmem:s6+$0x144C0] =	vst v61;
	v63 =	vmul.f32 $8.000000000e+00, v60  }
.Ltmp8:
0x294: {  	s14 =	sshll.u32 s14, $0x4;
	[tilespmem:s6+$0x144D0] =	vst v62;
	(pc) =	sbr.rel @p0 .LBB2_10-.Ltmp8, $4  }
0x295: {  	s18 =	sadd.s32 s2, s14;
	[tilespmem:s6+$0x144E0] =	vst v63  }
0x296: {  	[hbm4b:s18+s3] =	stream.linear.scatter [tilespmem:s30], [sflag:$0x8], $0x2000, $0x38;
	[tilespmem:$0x16400] =	vst v63  }
0x297: {  	s19 =	sadd.s32 $0x380, s16  }
0x298: {  	[tilespmem:s26], [sflag:$0x4] =	stream.indirect.gather [hbm4b:s4+s20], $0x40, s19, s20, $0xb8;
	[tilespmem:$0x16400] =	vst v63  }
0x299: {  	_ =	swait.ge [sflag:s28], $0x2000  }
0x29a: {  	[sflag:s28] =	ssyncset.done $0x0  }
0x29b: {  	[sflag:s28] =	ssyncadd.s32 $0xFFFFE000  }
0x29c: {  	_ =	swait.ge [sflag:s5], $0x2000  }
0x29d: {  	[sflag:s5] =	ssyncset.done $0x0  }
0x29e: {  	s6 =	simm.s32 $0x6480;
	[sflag:s5] =	ssyncadd.s32 $0xFFFFE000  }
0x29f: {  	v0 =	vld [tilespmem:s6+$0xFFFFFF80];
	_ =	sdelay $0x4  }
0x2a0: {  	v0 =	vmul.f32 $8.000000000e+00, v0  }
0x2a1: {  	s15 =	simm.s32 $0xE480  }
0x2a2: {  	[tilespmem:s15+$0xFFFFFF80] =	vst v0  }
0x2a3: {  	v0 =	vld [tilespmem:s6+$0xFFFFFF90];
	_ =	sdelay $0x4  }
0x2a4: {  	v0 =	vmul.f32 $8.000000000e+00, v0;
	_ =	sdelay $0x1  }
0x2a5: {  	[tilespmem:s15+$0xFFFFFF90] =	vst v0  }
0x2a6: {  	v0 =	vld [tilespmem:s6+$0xFFFFFFA0];
	_ =	sdelay $0x4  }
0x2a7: {  	v0 =	vmul.f32 $8.000000000e+00, v0;
	_ =	sdelay $0x1  }
0x2a8: {  	[tilespmem:s15+$0xFFFFFFA0] =	vst v0  }
0x2a9: {  	v0 =	vld [tilespmem:s6+$0xFFFFFFB0];
	_ =	sdelay $0x4  }
0x2aa: {  	v0 =	vmul.f32 $8.000000000e+00, v0;
	_ =	sdelay $0x1  }
0x2ab: {  	[tilespmem:s15+$0xFFFFFFB0] =	vst v0  }
0x2ac: {  	v0 =	vld [tilespmem:s6+$0xFFFFFFC0];
	_ =	sdelay $0x4  }
0x2ad: {  	v0 =	vmul.f32 $8.000000000e+00, v0;
	_ =	sdelay $0x1  }
0x2ae: {  	[tilespmem:s15+$0xFFFFFFC0] =	vst v0  }
0x2af: {  	v0 =	vld [tilespmem:s6+$0xFFFFFFD0];
	_ =	sdelay $0x4  }
0x2b0: {  	v0 =	vmul.f32 $8.000000000e+00, v0;
	_ =	sdelay $0x1  }
0x2b1: {  	[tilespmem:s15+$0xFFFFFFD0] =	vst v0  }
0x2b2: {  	v0 =	vld [tilespmem:s6+$0xFFFFFFE0];
	_ =	sdelay $0x4  }
0x2b3: {  	v0 =	vmul.f32 $8.000000000e+00, v0;
	_ =	sdelay $0x1  }
0x2b4: {  	[tilespmem:s15+$0xFFFFFFE0] =	vst v0  }
0x2b5: {  	v0 =	vld [tilespmem:s6+$0xFFFFFFF0];
	_ =	sdelay $0x4  }
0x2b6: {  	v0 =	vmul.f32 $8.000000000e+00, v0;
	_ =	sdelay $0x1  }
0x2b7: {  	[tilespmem:s15+$0xFFFFFFF0] =	vst v0  }
0x2b8: {  	v0 =	vld [tilespmem:s6+$0x0];
	_ =	sdelay $0x4  }
0x2b9: {  	v0 =	vmul.f32 $8.000000000e+00, v0;
	_ =	sdelay $0x1  }
0x2ba: {  	[tilespmem:s15+$0x0] =	vst v0  }
0x2bb: {  	v0 =	vld [tilespmem:s6+$0x10];
	_ =	sdelay $0x4  }
0x2bc: {  	v0 =	vmul.f32 $8.000000000e+00, v0;
	_ =	sdelay $0x1  }
0x2bd: {  	[tilespmem:s15+$0x10] =	vst v0  }
0x2be: {  	v0 =	vld [tilespmem:s6+$0x20];
	_ =	sdelay $0x4  }
0x2bf: {  	v0 =	vmul.f32 $8.000000000e+00, v0;
	_ =	sdelay $0x1  }
0x2c0: {  	[tilespmem:s15+$0x20] =	vst v0  }
0x2c1: {  	v0 =	vld [tilespmem:s6+$0x30];
	_ =	sdelay $0x4  }
0x2c2: {  	v0 =	vmul.f32 $8.000000000e+00, v0;
	_ =	sdelay $0x1  }
0x2c3: {  	[tilespmem:s15+$0x30] =	vst v0  }
0x2c4: {  	v0 =	vld [tilespmem:s6+$0x40];
	_ =	sdelay $0x4  }
0x2c5: {  	v0 =	vmul.f32 $8.000000000e+00, v0;
	_ =	sdelay $0x1  }
0x2c6: {  	[tilespmem:s15+$0x40] =	vst v0  }
0x2c7: {  	v0 =	vld [tilespmem:s6+$0x50];
	_ =	sdelay $0x4  }
0x2c8: {  	v0 =	vmul.f32 $8.000000000e+00, v0;
	_ =	sdelay $0x1  }
0x2c9: {  	[tilespmem:s15+$0x50] =	vst v0  }
0x2ca: {  	v0 =	vld [tilespmem:s6+$0x60];
	_ =	sdelay $0x4  }
0x2cb: {  	v0 =	vmul.f32 $8.000000000e+00, v0;
	_ =	sdelay $0x1  }
0x2cc: {  	[tilespmem:s15+$0x60] =	vst v0  }
0x2cd: {  	v0 =	vld [tilespmem:s6+$0x70];
	_ =	sdelay $0x4  }
0x2ce: {  	v0 =	vmul.f32 $8.000000000e+00, v0;
	_ =	sdelay $0x1  }
0x2cf: {  	s16 =	simm.s32 $0x0;
	s6 =	simm.s32 $0x6580;
	[tilespmem:s15+$0x70] =	vst v0  }
.LBB2_20:
0x2d0: {  	v0 =	vld [tilespmem:s6+$0xFFFFFF80];
	s16 =	sadd.s32 $0x2, s16  }
0x2d1: {  	p0 =	slt.u32 s16, $0x3E;
	_ =	sdelay $0x3  }
0x2d2: {  	v0 =	vmul.f32 $8.000000000e+00, v0  }
0x2d3: {  	s15 =	sadd.s32 $0x100, s15  }
0x2d4: {  	[tilespmem:s15+$0xFFFFFF80] =	vst v0  }
0x2d5: {  	v0 =	vld [tilespmem:s6+$0xFFFFFF90];
	_ =	sdelay $0x4  }
0x2d6: {  	v0 =	vmul.f32 $8.000000000e+00, v0;
	_ =	sdelay $0x1  }
0x2d7: {  	[tilespmem:s15+$0xFFFFFF90] =	vst v0  }
0x2d8: {  	v0 =	vld [tilespmem:s6+$0xFFFFFFA0];
	_ =	sdelay $0x4  }
0x2d9: {  	v0 =	vmul.f32 $8.000000000e+00, v0;
	_ =	sdelay $0x1  }
0x2da: {  	[tilespmem:s15+$0xFFFFFFA0] =	vst v0  }
0x2db: {  	v0 =	vld [tilespmem:s6+$0xFFFFFFB0];
	_ =	sdelay $0x4  }
0x2dc: {  	v0 =	vmul.f32 $8.000000000e+00, v0;
	_ =	sdelay $0x1  }
0x2dd: {  	[tilespmem:s15+$0xFFFFFFB0] =	vst v0  }
0x2de: {  	v0 =	vld [tilespmem:s6+$0xFFFFFFC0];
	_ =	sdelay $0x4  }
0x2df: {  	v0 =	vmul.f32 $8.000000000e+00, v0;
	_ =	sdelay $0x1  }
0x2e0: {  	[tilespmem:s15+$0xFFFFFFC0] =	vst v0  }
0x2e1: {  	v0 =	vld [tilespmem:s6+$0xFFFFFFD0];
	_ =	sdelay $0x4  }
0x2e2: {  	v0 =	vmul.f32 $8.000000000e+00, v0;
	_ =	sdelay $0x1  }
0x2e3: {  	[tilespmem:s15+$0xFFFFFFD0] =	vst v0  }
0x2e4: {  	v0 =	vld [tilespmem:s6+$0xFFFFFFE0];
	_ =	sdelay $0x4  }
0x2e5: {  	v0 =	vmul.f32 $8.000000000e+00, v0;
	_ =	sdelay $0x1  }
0x2e6: {  	[tilespmem:s15+$0xFFFFFFE0] =	vst v0  }
0x2e7: {  	v0 =	vld [tilespmem:s6+$0xFFFFFFF0];
	_ =	sdelay $0x4  }
0x2e8: {  	v0 =	vmul.f32 $8.000000000e+00, v0;
	_ =	sdelay $0x1  }
0x2e9: {  	[tilespmem:s15+$0xFFFFFFF0] =	vst v0  }
0x2ea: {  	v0 =	vld [tilespmem:s6+$0x0];
	_ =	sdelay $0x4  }
0x2eb: {  	v0 =	vmul.f32 $8.000000000e+00, v0;
	_ =	sdelay $0x1  }
0x2ec: {  	[tilespmem:s15+$0x0] =	vst v0  }
0x2ed: {  	v0 =	vld [tilespmem:s6+$0x10];
	_ =	sdelay $0x4  }
0x2ee: {  	v0 =	vmul.f32 $8.000000000e+00, v0;
	_ =	sdelay $0x1  }
0x2ef: {  	[tilespmem:s15+$0x10] =	vst v0  }
0x2f0: {  	v0 =	vld [tilespmem:s6+$0x20];
	_ =	sdelay $0x4  }
0x2f1: {  	v0 =	vmul.f32 $8.000000000e+00, v0;
	_ =	sdelay $0x1  }
0x2f2: {  	[tilespmem:s15+$0x20] =	vst v0  }
0x2f3: {  	v0 =	vld [tilespmem:s6+$0x30];
	_ =	sdelay $0x4  }
0x2f4: {  	v0 =	vmul.f32 $8.000000000e+00, v0;
	_ =	sdelay $0x1  }
0x2f5: {  	[tilespmem:s15+$0x30] =	vst v0  }
0x2f6: {  	v0 =	vld [tilespmem:s6+$0x40];
	_ =	sdelay $0x4  }
0x2f7: {  	v0 =	vmul.f32 $8.000000000e+00, v0;
	_ =	sdelay $0x1  }
0x2f8: {  	[tilespmem:s15+$0x40] =	vst v0  }
0x2f9: {  	v0 =	vld [tilespmem:s6+$0x50];
	_ =	sdelay $0x4  }
0x2fa: {  	v0 =	vmul.f32 $8.000000000e+00, v0;
	_ =	sdelay $0x1  }
0x2fb: {  	[tilespmem:s15+$0x50] =	vst v0  }
0x2fc: {  	v0 =	vld [tilespmem:s6+$0x60];
	_ =	sdelay $0x4  }
0x2fd: {  	v0 =	vmul.f32 $8.000000000e+00, v0;
	_ =	sdelay $0x1  }
0x2fe: {  	[tilespmem:s15+$0x60] =	vst v0  }
0x2ff: {  	v0 =	vld [tilespmem:s6+$0x70];
	_ =	sdelay $0x2  }
.Ltmp9:
0x300: {  	(pc) =	sbr.rel @p0 .LBB2_20-.Ltmp9, $3  }
0x301: {  	_ = 	snop  }
0x302: {  	v0 =	vmul.f32 $8.000000000e+00, v0;
	_ =	sdelay $0x1  }
0x303: {  	s6 =	sadd.s32 $0x100, s6;
	[tilespmem:s15+$0x70] =	vst v0  }
0x304: {  	s6 =	rddreg [dreg:$0x9]  }
0x305: {  	[hbm4b:s6+s3] =	stream.linear.scatter [tilespmem:s29], [sflag:$0x5], $0x2000, $0x38;
	[tilespmem:$0x16400] =	vst v63  }
0x306: {  	_ =	swait.ge [sflag:s31], $0x2000  }
0x307: {  	[sflag:s31] =	ssyncset.done $0x0  }
0x308: {  	[sflag:s31] =	ssyncadd.s32 $0xFFFFE000  }
0x309: {  	_ =	swait.ge [sflag:s8], $0x2000  }
0x30a: {  	[sflag:s8] =	ssyncset.done $0x0  }
0x30b: {  	s19 =	simm.s32 $0x84F0;
	[sflag:s8] =	ssyncadd.s32 $0xFFFFE000  }
0x30c: {  	v0 =	vld [tilespmem:s19+$0xFFFFFF10];
	_ =	sdelay $0x4  }
0x30d: {  	v0 =	vmul.f32 $8.000000000e+00, v0  }
0x30e: {  	s15 =	simm.s32 $0x104F0  }
0x30f: {  	[tilespmem:s15+$0xFFFFFF10] =	vst v0  }
0x310: {  	v0 =	vld [tilespmem:s19+$0xFFFFFF20];
	_ =	sdelay $0x4  }
0x311: {  	v0 =	vmul.f32 $8.000000000e+00, v0;
	_ =	sdelay $0x1  }
0x312: {  	[tilespmem:s15+$0xFFFFFF20] =	vst v0  }
0x313: {  	v0 =	vld [tilespmem:s19+$0xFFFFFF30];
	_ =	sdelay $0x4  }
0x314: {  	v0 =	vmul.f32 $8.000000000e+00, v0;
	_ =	sdelay $0x1  }
0x315: {  	[tilespmem:s15+$0xFFFFFF30] =	vst v0  }
0x316: {  	v0 =	vld [tilespmem:s19+$0xFFFFFF40];
	_ =	sdelay $0x4  }
0x317: {  	v0 =	vmul.f32 $8.000000000e+00, v0;
	_ =	sdelay $0x1  }
0x318: {  	[tilespmem:s15+$0xFFFFFF40] =	vst v0  }
0x319: {  	v0 =	vld [tilespmem:s19+$0xFFFFFF50];
	_ =	sdelay $0x4  }
0x31a: {  	v0 =	vmul.f32 $8.000000000e+00, v0;
	_ =	sdelay $0x1  }
0x31b: {  	[tilespmem:s15+$0xFFFFFF50] =	vst v0  }
0x31c: {  	v0 =	vld [tilespmem:s19+$0xFFFFFF60];
	_ =	sdelay $0x4  }
0x31d: {  	v0 =	vmul.f32 $8.000000000e+00, v0;
	_ =	sdelay $0x1  }
0x31e: {  	[tilespmem:s15+$0xFFFFFF60] =	vst v0  }
0x31f: {  	v0 =	vld [tilespmem:s19+$0xFFFFFF70];
	_ =	sdelay $0x4  }
0x320: {  	v0 =	vmul.f32 $8.000000000e+00, v0;
	_ =	sdelay $0x1  }
0x321: {  	[tilespmem:s15+$0xFFFFFF70] =	vst v0  }
0x322: {  	v0 =	vld [tilespmem:s19+$0xFFFFFF80];
	_ =	sdelay $0x4  }
0x323: {  	v0 =	vmul.f32 $8.000000000e+00, v0;
	_ =	sdelay $0x1  }
0x324: {  	[tilespmem:s15+$0xFFFFFF80] =	vst v0  }
0x325: {  	v0 =	vld [tilespmem:s19+$0xFFFFFF90];
	_ =	sdelay $0x4  }
0x326: {  	v0 =	vmul.f32 $8.000000000e+00, v0;
	_ =	sdelay $0x1  }
0x327: {  	[tilespmem:s15+$0xFFFFFF90] =	vst v0  }
0x328: {  	v0 =	vld [tilespmem:s19+$0xFFFFFFA0];
	_ =	sdelay $0x4  }
0x329: {  	v0 =	vmul.f32 $8.000000000e+00, v0;
	_ =	sdelay $0x1  }
0x32a: {  	[tilespmem:s15+$0xFFFFFFA0] =	vst v0  }
0x32b: {  	v0 =	vld [tilespmem:s19+$0xFFFFFFB0];
	_ =	sdelay $0x4  }
0x32c: {  	v0 =	vmul.f32 $8.000000000e+00, v0;
	_ =	sdelay $0x1  }
0x32d: {  	[tilespmem:s15+$0xFFFFFFB0] =	vst v0  }
0x32e: {  	v0 =	vld [tilespmem:s19+$0xFFFFFFC0];
	_ =	sdelay $0x4  }
0x32f: {  	v0 =	vmul.f32 $8.000000000e+00, v0;
	_ =	sdelay $0x1  }
0x330: {  	[tilespmem:s15+$0xFFFFFFC0] =	vst v0  }
0x331: {  	v0 =	vld [tilespmem:s19+$0xFFFFFFD0];
	_ =	sdelay $0x4  }
0x332: {  	v0 =	vmul.f32 $8.000000000e+00, v0;
	_ =	sdelay $0x1  }
0x333: {  	[tilespmem:s15+$0xFFFFFFD0] =	vst v0  }
0x334: {  	v0 =	vld [tilespmem:s19+$0xFFFFFFE0];
	_ =	sdelay $0x4  }
0x335: {  	v0 =	vmul.f32 $8.000000000e+00, v0;
	_ =	sdelay $0x1  }
0x336: {  	[tilespmem:s15+$0xFFFFFFE0] =	vst v0  }
0x337: {  	v0 =	vld [tilespmem:s19+$0xFFFFFFF0];
	_ =	sdelay $0x4  }
0x338: {  	v0 =	vmul.f32 $8.000000000e+00, v0;
	_ =	sdelay $0x1  }
0x339: {  	[tilespmem:s15+$0xFFFFFFF0] =	vst v0  }
0x33a: {  	v0 =	vld [tilespmem:s19+$0x0];
	_ =	sdelay $0x4  }
0x33b: {  	v0 =	vmul.f32 $8.000000000e+00, v0;
	_ =	sdelay $0x1  }
0x33c: {  	s16 =	simm.s32 $0x0;
	s6 =	simm.s32 $0x85F0;
	[tilespmem:s15+$0x0] =	vst v0  }
.LBB2_22:
0x33d: {  	v0 =	vld [tilespmem:s6+$0xFFFFFF10];
	s16 =	sadd.s32 $0x2, s16  }
0x33e: {  	p0 =	slt.u32 s16, $0x3E;
	_ =	sdelay $0x3  }
0x33f: {  	v0 =	vmul.f32 $8.000000000e+00, v0  }
0x340: {  	s15 =	sadd.s32 $0x100, s15  }
0x341: {  	[tilespmem:s15+$0xFFFFFF10] =	vst v0  }
0x342: {  	v0 =	vld [tilespmem:s6+$0xFFFFFF20];
	_ =	sdelay $0x4  }
0x343: {  	v0 =	vmul.f32 $8.000000000e+00, v0;
	_ =	sdelay $0x1  }
0x344: {  	[tilespmem:s15+$0xFFFFFF20] =	vst v0  }
0x345: {  	v0 =	vld [tilespmem:s6+$0xFFFFFF30];
	_ =	sdelay $0x4  }
0x346: {  	v0 =	vmul.f32 $8.000000000e+00, v0;
	_ =	sdelay $0x1  }
0x347: {  	[tilespmem:s15+$0xFFFFFF30] =	vst v0  }
0x348: {  	v0 =	vld [tilespmem:s6+$0xFFFFFF40];
	_ =	sdelay $0x4  }
0x349: {  	v0 =	vmul.f32 $8.000000000e+00, v0;
	_ =	sdelay $0x1  }
0x34a: {  	[tilespmem:s15+$0xFFFFFF40] =	vst v0  }
0x34b: {  	v0 =	vld [tilespmem:s6+$0xFFFFFF50];
	_ =	sdelay $0x4  }
0x34c: {  	v0 =	vmul.f32 $8.000000000e+00, v0;
	_ =	sdelay $0x1  }
0x34d: {  	[tilespmem:s15+$0xFFFFFF50] =	vst v0  }
0x34e: {  	v0 =	vld [tilespmem:s6+$0xFFFFFF60];
	_ =	sdelay $0x4  }
0x34f: {  	v0 =	vmul.f32 $8.000000000e+00, v0;
	_ =	sdelay $0x1  }
0x350: {  	[tilespmem:s15+$0xFFFFFF60] =	vst v0  }
0x351: {  	v0 =	vld [tilespmem:s6+$0xFFFFFF70];
	_ =	sdelay $0x4  }
0x352: {  	v0 =	vmul.f32 $8.000000000e+00, v0;
	_ =	sdelay $0x1  }
0x353: {  	[tilespmem:s15+$0xFFFFFF70] =	vst v0  }
0x354: {  	v0 =	vld [tilespmem:s6+$0xFFFFFF80];
	_ =	sdelay $0x4  }
0x355: {  	v0 =	vmul.f32 $8.000000000e+00, v0;
	_ =	sdelay $0x1  }
0x356: {  	[tilespmem:s15+$0xFFFFFF80] =	vst v0  }
0x357: {  	v0 =	vld [tilespmem:s6+$0xFFFFFF90];
	_ =	sdelay $0x4  }
0x358: {  	v0 =	vmul.f32 $8.000000000e+00, v0;
	_ =	sdelay $0x1  }
0x359: {  	[tilespmem:s15+$0xFFFFFF90] =	vst v0  }
0x35a: {  	v0 =	vld [tilespmem:s6+$0xFFFFFFA0];
	_ =	sdelay $0x4  }
0x35b: {  	v0 =	vmul.f32 $8.000000000e+00, v0;
	_ =	sdelay $0x1  }
0x35c: {  	[tilespmem:s15+$0xFFFFFFA0] =	vst v0  }
0x35d: {  	v0 =	vld [tilespmem:s6+$0xFFFFFFB0];
	_ =	sdelay $0x4  }
0x35e: {  	v0 =	vmul.f32 $8.000000000e+00, v0;
	_ =	sdelay $0x1  }
0x35f: {  	[tilespmem:s15+$0xFFFFFFB0] =	vst v0  }
0x360: {  	v0 =	vld [tilespmem:s6+$0xFFFFFFC0];
	_ =	sdelay $0x4  }
0x361: {  	v0 =	vmul.f32 $8.000000000e+00, v0;
	_ =	sdelay $0x1  }
0x362: {  	[tilespmem:s15+$0xFFFFFFC0] =	vst v0  }
0x363: {  	v0 =	vld [tilespmem:s6+$0xFFFFFFD0];
	_ =	sdelay $0x4  }
0x364: {  	v0 =	vmul.f32 $8.000000000e+00, v0;
	_ =	sdelay $0x1  }
0x365: {  	[tilespmem:s15+$0xFFFFFFD0] =	vst v0  }
0x366: {  	v0 =	vld [tilespmem:s6+$0xFFFFFFE0];
	_ =	sdelay $0x4  }
0x367: {  	v0 =	vmul.f32 $8.000000000e+00, v0;
	_ =	sdelay $0x1  }
0x368: {  	[tilespmem:s15+$0xFFFFFFE0] =	vst v0  }
0x369: {  	v0 =	vld [tilespmem:s6+$0xFFFFFFF0];
	_ =	sdelay $0x4  }
0x36a: {  	v0 =	vmul.f32 $8.000000000e+00, v0;
	_ =	sdelay $0x1  }
0x36b: {  	[tilespmem:s15+$0xFFFFFFF0] =	vst v0  }
0x36c: {  	v0 =	vld [tilespmem:s6+$0x0];
	_ =	sdelay $0x2  }
.Ltmp10:
0x36d: {  	(pc) =	sbr.rel @p0 .LBB2_22-.Ltmp10, $3  }
0x36e: {  	_ = 	snop  }
0x36f: {  	v0 =	vmul.f32 $8.000000000e+00, v0;
	_ =	sdelay $0x1  }
0x370: {  	s6 =	sadd.s32 $0x100, s6;
	[tilespmem:s15+$0x0] =	vst v0  }
0x371: {  	s6 =	simm.s32 $0x0;
	s14 =	rddreg [dreg:$0xa]  }
0x372: {  	[hbm4b:s14+s6] =	stream.linear.scatter [tilespmem:s1], [sflag:$0x6], $0x2000, $0x38;
	[tilespmem:$0x16400] =	vst v63  }
0x373: {  	_ =	swait.ge [sflag:s23], $0x2000  }
0x374: {  	[sflag:s23] =	ssyncset.done $0x0  }
0x375: {  	[sflag:s23] =	ssyncadd.s32 $0xFFFFE000  }
0x376: {  	_ =	swait.ge [sflag:s9], $0x2000  }
0x377: {  	[sflag:s9] =	ssyncset.done $0x0  }
0x378: {  	s6 =	simm.s32 $0x0;
	[sflag:s9] =	ssyncadd.s32 $0xFFFFE000  }
0x379: {  	v0 =	vld [tilespmem:s6+$0xA4F0]  }
0x37a: {  	v1 =	vld [tilespmem:s6+$0xA400]  }
0x37b: {  	v2 =	vld [tilespmem:s6+$0xA410]  }
0x37c: {  	v3 =	vld [tilespmem:s6+$0xA420]  }
0x37d: {  	v4 =	vld [tilespmem:s6+$0xA430]  }
0x37e: {  	v5 =	vld [tilespmem:s6+$0xA440];
	v0 =	vmul.f32 $8.000000000e+00, v0  }
0x37f: {  	v6 =	vld [tilespmem:s6+$0xA450];
	v1 =	vmul.f32 $8.000000000e+00, v1  }
0x380: {  	v7 =	vld [tilespmem:s6+$0xA460];
	[tilespmem:s6+$0x124F0] =	vst v0;
	v0 =	vmul.f32 $8.000000000e+00, v2  }
0x381: {  	v8 =	vld [tilespmem:s6+$0xA470];
	[tilespmem:s6+$0x12400] =	vst v1;
	v1 =	vmul.f32 $8.000000000e+00, v3  }
0x382: {  	v9 =	vld [tilespmem:s6+$0xA480];
	[tilespmem:s6+$0x12410] =	vst v0;
	v0 =	vmul.f32 $8.000000000e+00, v4  }
0x383: {  	v2 =	vld [tilespmem:s6+$0xA490];
	[tilespmem:s6+$0x12420] =	vst v1;
	v1 =	vmul.f32 $8.000000000e+00, v5  }
0x384: {  	v3 =	vmul.f32 $8.000000000e+00, v6;
	[tilespmem:s6+$0x12430] =	vst v0;
	v0 =	vld [tilespmem:s6+$0xA4A0]  }
0x385: {  	v4 =	vmul.f32 $8.000000000e+00, v7;
	[tilespmem:s6+$0x12440] =	vst v1;
	v1 =	vld [tilespmem:s6+$0xA4B0]  }
0x386: {  	v6 =	vmul.f32 $8.000000000e+00, v8;
	[tilespmem:s6+$0x12450] =	vst v3;
	v3 =	vld [tilespmem:s6+$0xA4C0]  }
0x387: {  	s15 =	simm.s32 $0x0;
	s16 =	simm.s32 $0x400;
	v5 =	vmul.f32 $8.000000000e+00, v9;
	[tilespmem:s6+$0x12460] =	vst v4;
	v4 =	vld [tilespmem:s6+$0xA4D0]  }
.LBB2_24:
0x388: {  	s14 =	sshra.s32 s16, $0x2;
	s15 =	sadd.s32 $0x2, s15;
	[tilespmem:s6+$0x12470] =	vst v6;
	v2 =	vmul.f32 $8.000000000e+00, v2;
	v6 =	vld [tilespmem:s6+$0xA4E0]  }
0x389: {  	v7 =	vld [tilespmem:s14+$0xA4F0];
	p0 =	slt.u32 s15, $0x3E;
	[tilespmem:s6+$0x12480] =	vst v5;
	v0 =	vmul.f32 $8.000000000e+00, v0  }
0x38a: {  	v5 =	vld [tilespmem:s14+$0xA400];
	[tilespmem:s6+$0x12490] =	vst v2;
	v1 =	vmul.f32 $8.000000000e+00, v1  }
0x38b: {  	v2 =	vld [tilespmem:s14+$0xA410];
	[tilespmem:s6+$0x124A0] =	vst v0;
	v0 =	vmul.f32 $8.000000000e+00, v3  }
0x38c: {  	v3 =	vld [tilespmem:s14+$0xA420];
	[tilespmem:s6+$0x124B0] =	vst v1;
	v1 =	vmul.f32 $8.000000000e+00, v4  }
0x38d: {  	v4 =	vld [tilespmem:s14+$0xA430];
	[tilespmem:s6+$0x124C0] =	vst v0;
	v0 =	vmul.f32 $8.000000000e+00, v6  }
0x38e: {  	v6 =	vld [tilespmem:s14+$0xA440];
	v7 =	vmul.f32 $8.000000000e+00, v7;
	[tilespmem:s6+$0x124D0] =	vst v1  }
0x38f: {  	v1 =	vmul.f32 $8.000000000e+00, v5;
	v5 =	vld [tilespmem:s14+$0xA450];
	[tilespmem:s6+$0x124E0] =	vst v0;
	s6 =	smov.u32 s14  }
0x390: {  	v0 =	vmul.f32 $8.000000000e+00, v2;
	v8 =	vld [tilespmem:s6+$0xA460];
	[tilespmem:s6+$0x124F0] =	vst v7  }
0x391: {  	[tilespmem:s6+$0x12400] =	vst v1;
	v1 =	vmul.f32 $8.000000000e+00, v3;
	v3 =	vld [tilespmem:s6+$0xA470]  }
0x392: {  	[tilespmem:s6+$0x12410] =	vst v0;
	v0 =	vmul.f32 $8.000000000e+00, v4;
	v4 =	vld [tilespmem:s6+$0xA480]  }
.Ltmp11:
0x393: {  	[tilespmem:s6+$0x12420] =	vst v1;
	v1 =	vmul.f32 $8.000000000e+00, v6;
	v2 =	vld [tilespmem:s6+$0xA490];
	(pc) =	sbr.rel @p0 .LBB2_24-.Ltmp11, $4  }
0x394: {  	[tilespmem:s6+$0x12430] =	vst v0;
	v5 =	vmul.f32 $8.000000000e+00, v5;
	v0 =	vld [tilespmem:s6+$0xA4A0]  }
0x395: {  	[tilespmem:s6+$0x12440] =	vst v1;
	v7 =	vmul.f32 $8.000000000e+00, v8;
	v1 =	vld [tilespmem:s6+$0xA4B0]  }
0x396: {  	[tilespmem:s6+$0x12450] =	vst v5;
	v6 =	vmul.f32 $8.000000000e+00, v3;
	v3 =	vld [tilespmem:s6+$0xA4C0]  }
0x397: {  	s16 =	sadd.s32 $0x400, s16;
	[tilespmem:s6+$0x12460] =	vst v7;
	v5 =	vmul.f32 $8.000000000e+00, v4;
	v4 =	vld [tilespmem:s6+$0xA4D0]  }
0x398: {  	[tilespmem:s6+$0x12470] =	vst v6;
	v2 =	vmul.f32 $8.000000000e+00, v2;
	v6 =	vld [tilespmem:s6+$0xA4E0]  }
0x399: {  	[tilespmem:s6+$0x12480] =	vst v5;
	v0 =	vmul.f32 $8.000000000e+00, v0  }
0x39a: {  	[tilespmem:s6+$0x12490] =	vst v2;
	v1 =	vmul.f32 $8.000000000e+00, v1  }
0x39b: {  	[tilespmem:s6+$0x124A0] =	vst v0;
	v0 =	vmul.f32 $8.000000000e+00, v3  }
0x39c: {  	[tilespmem:s6+$0x124B0] =	vst v1;
	v1 =	vmul.f32 $8.000000000e+00, v4  }
0x39d: {  	[tilespmem:s6+$0x124C0] =	vst v0;
	v0 =	vmul.f32 $8.000000000e+00, v6  }
0x39e: {  	[tilespmem:s6+$0x124D0] =	vst v1  }
0x39f: {  	s19 =	simm.s32 $0x0;
	s14 =	rddreg [dreg:$0xb];
	[tilespmem:s6+$0x124E0] =	vst v0  }
0x3a0: {  	[hbm4b:s14+s19] =	stream.linear.scatter [tilespmem:s25], [sflag:$0x7], $0x2000, $0x38;
	[tilespmem:$0x16400] =	vst v63  }
0x3a1: {  	_ =	swait.ge [sflag:s0], $0x2000  }
0x3a2: {  	[sflag:s0] =	ssyncset.done $0x0  }
0x3a3: {  	[sflag:s0] =	ssyncadd.s32 $0xFFFFE000  }
0x3a4: {  	_ =	swait.ge [sflag:s10], $0x2000  }
0x3a5: {  	[sflag:s10] =	ssyncset.done $0x0  }
0x3a6: {  	s6 =	simm.s32 $0x0;
	[sflag:s10] =	ssyncadd.s32 $0xFFFFE000  }
0x3a7: {  	v0 =	vld [tilespmem:s6+$0xC4F0]  }
0x3a8: {  	v1 =	vld [tilespmem:s6+$0xC400]  }
0x3a9: {  	v2 =	vld [tilespmem:s6+$0xC410]  }
0x3aa: {  	v3 =	vld [tilespmem:s6+$0xC420]  }
0x3ab: {  	v4 =	vld [tilespmem:s6+$0xC430]  }
0x3ac: {  	v5 =	vld [tilespmem:s6+$0xC440];
	v0 =	vmul.f32 $8.000000000e+00, v0  }
0x3ad: {  	v6 =	vld [tilespmem:s6+$0xC450];
	v1 =	vmul.f32 $8.000000000e+00, v1  }
0x3ae: {  	v7 =	vld [tilespmem:s6+$0xC460];
	[tilespmem:s6+$0x144F0] =	vst v0;
	v0 =	vmul.f32 $8.000000000e+00, v2  }
0x3af: {  	v8 =	vld [tilespmem:s6+$0xC470];
	[tilespmem:s6+$0x14400] =	vst v1;
	v1 =	vmul.f32 $8.000000000e+00, v3  }
0x3b0: {  	v9 =	vld [tilespmem:s6+$0xC480];
	[tilespmem:s6+$0x14410] =	vst v0;
	v0 =	vmul.f32 $8.000000000e+00, v4  }
0x3b1: {  	v2 =	vld [tilespmem:s6+$0xC490];
	[tilespmem:s6+$0x14420] =	vst v1;
	v1 =	vmul.f32 $8.000000000e+00, v5  }
0x3b2: {  	v3 =	vmul.f32 $8.000000000e+00, v6;
	[tilespmem:s6+$0x14430] =	vst v0;
	v0 =	vld [tilespmem:s6+$0xC4A0]  }
0x3b3: {  	v4 =	vmul.f32 $8.000000000e+00, v7;
	[tilespmem:s6+$0x14440] =	vst v1;
	v1 =	vld [tilespmem:s6+$0xC4B0]  }
0x3b4: {  	v6 =	vmul.f32 $8.000000000e+00, v8;
	[tilespmem:s6+$0x14450] =	vst v3;
	v3 =	vld [tilespmem:s6+$0xC4C0]  }
0x3b5: {  	s15 =	simm.s32 $0x0;
	s16 =	simm.s32 $0x400;
	v5 =	vmul.f32 $8.000000000e+00, v9;
	[tilespmem:s6+$0x14460] =	vst v4;
	v4 =	vld [tilespmem:s6+$0xC4D0]  }
.LBB2_26:
0x3b6: {  	s14 =	sshra.s32 s16, $0x2;
	s15 =	sadd.s32 $0x2, s15;
	[tilespmem:s6+$0x14470] =	vst v6;
	v2 =	vmul.f32 $8.000000000e+00, v2;
	v6 =	vld [tilespmem:s6+$0xC4E0]  }
0x3b7: {  	v7 =	vld [tilespmem:s14+$0xC4F0];
	p0 =	slt.u32 s15, $0x3E;
	[tilespmem:s6+$0x14480] =	vst v5;
	v0 =	vmul.f32 $8.000000000e+00, v0  }
0x3b8: {  	v5 =	vld [tilespmem:s14+$0xC400];
	[tilespmem:s6+$0x14490] =	vst v2;
	v1 =	vmul.f32 $8.000000000e+00, v1  }
0x3b9: {  	v2 =	vld [tilespmem:s14+$0xC410];
	[tilespmem:s6+$0x144A0] =	vst v0;
	v0 =	vmul.f32 $8.000000000e+00, v3  }
0x3ba: {  	v3 =	vld [tilespmem:s14+$0xC420];
	[tilespmem:s6+$0x144B0] =	vst v1;
	v1 =	vmul.f32 $8.000000000e+00, v4  }
0x3bb: {  	v4 =	vld [tilespmem:s14+$0xC430];
	[tilespmem:s6+$0x144C0] =	vst v0;
	v0 =	vmul.f32 $8.000000000e+00, v6  }
0x3bc: {  	v6 =	vld [tilespmem:s14+$0xC440];
	v7 =	vmul.f32 $8.000000000e+00, v7;
	[tilespmem:s6+$0x144D0] =	vst v1  }
0x3bd: {  	v1 =	vmul.f32 $8.000000000e+00, v5;
	v5 =	vld [tilespmem:s14+$0xC450];
	[tilespmem:s6+$0x144E0] =	vst v0;
	s6 =	smov.u32 s14  }
0x3be: {  	v0 =	vmul.f32 $8.000000000e+00, v2;
	v8 =	vld [tilespmem:s6+$0xC460];
	[tilespmem:s6+$0x144F0] =	vst v7  }
0x3bf: {  	[tilespmem:s6+$0x14400] =	vst v1;
	v1 =	vmul.f32 $8.000000000e+00, v3;
	v3 =	vld [tilespmem:s6+$0xC470]  }
0x3c0: {  	[tilespmem:s6+$0x14410] =	vst v0;
	v0 =	vmul.f32 $8.000000000e+00, v4;
	v4 =	vld [tilespmem:s6+$0xC480]  }
.Ltmp12:
0x3c1: {  	[tilespmem:s6+$0x14420] =	vst v1;
	v1 =	vmul.f32 $8.000000000e+00, v6;
	v2 =	vld [tilespmem:s6+$0xC490];
	(pc) =	sbr.rel @p0 .LBB2_26-.Ltmp12, $4  }
0x3c2: {  	[tilespmem:s6+$0x14430] =	vst v0;
	v5 =	vmul.f32 $8.000000000e+00, v5;
	v0 =	vld [tilespmem:s6+$0xC4A0]  }
0x3c3: {  	[tilespmem:s6+$0x14440] =	vst v1;
	v7 =	vmul.f32 $8.000000000e+00, v8;
	v1 =	vld [tilespmem:s6+$0xC4B0]  }
0x3c4: {  	[tilespmem:s6+$0x14450] =	vst v5;
	v6 =	vmul.f32 $8.000000000e+00, v3;
	v3 =	vld [tilespmem:s6+$0xC4C0]  }
0x3c5: {  	s16 =	sadd.s32 $0x400, s16;
	[tilespmem:s6+$0x14460] =	vst v7;
	v5 =	vmul.f32 $8.000000000e+00, v4;
	v4 =	vld [tilespmem:s6+$0xC4D0]  }
0x3c6: {  	[tilespmem:s6+$0x14470] =	vst v6;
	v2 =	vmul.f32 $8.000000000e+00, v2;
	v60 =	vld [tilespmem:s6+$0xC4E0]  }
0x3c7: {  	[tilespmem:s6+$0x14480] =	vst v5;
	v0 =	vmul.f32 $8.000000000e+00, v0  }
0x3c8: {  	[tilespmem:s6+$0x14490] =	vst v2;
	v1 =	vmul.f32 $8.000000000e+00, v1  }
0x3c9: {  	[tilespmem:s6+$0x144A0] =	vst v0;
	v61 =	vmul.f32 $8.000000000e+00, v3  }
0x3ca: {  	[tilespmem:s6+$0x144B0] =	vst v1;
	v62 =	vmul.f32 $8.000000000e+00, v4  }
0x3cb: {  	[tilespmem:s6+$0x144C0] =	vst v61;
	v63 =	vmul.f32 $8.000000000e+00, v60  }
0x3cc: {  	[tilespmem:s6+$0x144D0] =	vst v62  }
0x3cd: {  	s18 =	rddreg [dreg:$0xc];
	[tilespmem:s6+$0x144E0] =	vst v63  }
0x3ce: {  	[hbm4b:s18+s3] =	stream.linear.scatter [tilespmem:s30], [sflag:$0x8], $0x2000, $0x38;
	[tilespmem:$0x16400] =	vst v63  }
0x3cf: {  	_ =	swait.ge [sflag:s5], $0x2000  }
0x3d0: {  	[sflag:s5] =	ssyncset.done $0x0  }
0x3d1: {  	[sflag:s5] =	ssyncadd.s32 $0xFFFFE000  }
0x3d2: {  	_ =	swait.ge [sflag:s8], $0x2000  }
0x3d3: {  	[sflag:s8] =	ssyncset.done $0x0  }
0x3d4: {  	[sflag:s8] =	ssyncadd.s32 $0xFFFFE000  }
0x3d5: {  	_ =	swait.ge [sflag:s9], $0x2000  }
0x3d6: {  	[sflag:s9] =	ssyncset.done $0x0  }
0x3d7: {  	[sflag:s9] =	ssyncadd.s32 $0xFFFFE000  }
0x3d8: {  	_ =	swait.ge [sflag:s10], $0x2000  }
0x3d9: {  	s14 =	rddreg [dreg:$0xe]  }
0x3da: {  	s19 =	rddreg [dreg:$0xd];
	s14 =	sadd.s32 $0x1, s14  }
0x3db: {  	p0 =	sne.s32 s14, s19  }
.Ltmp13:
0x3dc: {  	_ = 	snop;
	(pc) =	sbr.rel @p0 .LBB2_1-.Ltmp13, $3  }
0x3dd: {  	_ =	sdelay $0x1  }
0x3de: {  	[sflag:s10] =	ssyncset.done $0x0  }
0x3df: {  	[sflag:s10] =	ssyncadd.s32 $0xFFFFE000  }
0x3e0: {  	_ =	sfence.sel $0x180000  }
0x3e1: {  	[bflag:$0x0] =	sbarrier.arrive $0xFFFF  }
0x3e2: {  	_ =	strace $0x90000047  }
0x3e3: {  	s0 =	stileid.u32;
	[bflag:$0x2] =	sbarrier.arrive $0xFFFF  }
0x3e4: {  	p0 =	sne.s32 s0, $0x0;
	s0 =	rddreg [dreg:$0x3]  }
0x3e5: {  	s0 =	sadd.s32 @!p0 $0x100000, s0  }
0x3e6: {  	[sflag:s0] =	ssyncadd.tile.s32 @!p0 $0x1;
	_ =	shalt  }
.Lfunc_end2:
_tile_overlayer_lowered:
.L_overlay_start_2:
0x3e7: {  	(tag) =	ssettag $0x2  }
0x3e8: {  	s0 =	rddreg [dreg:$0x0];
	s2 =	stileid.u32  }
0x3e9: {  	s1 =	rddreg [dreg:$0x1];
	p0 =	sne.s32 s2, $0x0  }
0x3ea: {  	s3 =	rddreg [dreg:$0x2];
	[bflag:$0x3] =	sbarrier.arrive $0xFFFF;
	s2 =	simm.s32 @!p0 $0x1C09  }
0x3eb: {  	[timem:s3], [sflag:s2] =	dma.local @!p0 [hbm:s0], s1  }
0x3ec: {  	s0 =	simm.s32 @!p0 $0x9  }
0x3ed: {  	_ =	swait.ge @!p0 [sflag:s0], s1  }
0x3ee: {  	s1 =	ssub.s32 @!p0 $0x0, s1;
	[sflag:s0] =	ssyncset.done @!p0 $0x0  }
0x3ef: {  	[sflag:s0] =	ssyncadd.s32 @!p0 s1  }
0x3f0: {  	[bflag:$0x3] =	sbarrier.arrive $0xFFFF  }
0x3f1: {  	_ =	shalt  }

</sc_bundles>
